<compile_context>
chip_gen: v7x
topology: tpu7x:2x2x1
jax: 0.10.2.dev20260603
libtpu: 0.0.44.dev20260713+nightly
codegen_flags: <defaults>
</compile_context>

<pallas_src>
import jax
import jax.numpy as jnp
import numpy as np
from jax import lax
from jax.experimental import pallas as pl
from jax.experimental.pallas import tpu as pltpu
from jax.experimental.pallas import tpu_sc as plsc

N = 10000
E = 160000
T = 4
F = 64
HID = 256
EDGE_DIM = 16

_DEG_HIST = np.array([0,1,2,5,11,23,44,79,135,216,324,457,605,753,880,966,997,966,880,753,605,457,324,216,135,79,44,23,11,5,2,1,0], dtype=np.float64)
_bins_ = np.arange(_DEG_HIST.shape[0], dtype=np.float64)
_AVG_LOG = float((np.log(_bins_ + 1.0) * _DEG_HIST).sum() / float(_DEG_HIST.sum()))

NP = 10240
NB = 1024
EB2 = 1280
EB = 6400

_NC = 2
_NS = 16
_NW = _NC * _NS
EPW = E // _NW
IC = 1000
GC = 40
CPW = 2
ROUNDS = HID // (_NW * CPW)
BIG = 3.0e38



def _fold_kernel(edge_W_ref, edge_b_ref, pre_W1_ref, pre_b1_ref, cw_ref, cbias_ref):
    for t in range(T):
        w1c = pre_W1_ref[t, 128:192, :]
        cw_ref[:, t * F:(t + 1) * F] = jnp.dot(edge_W_ref[...], w1c,
                                               preferred_element_type=jnp.float32)
        cb = jnp.dot(edge_b_ref[...], w1c, preferred_element_type=jnp.float32)
        cbias_ref[0, t * F:(t + 1) * F] = cb + pre_b1_ref[t, :]


def _tables_kernel(x_ref, pre_W1_ref, a_ref, b_ref):
    for t in range(T):
        xt = x_ref[:, t * F:(t + 1) * F]
        a_ref[:, t * F:(t + 1) * F] = jnp.dot(xt, pre_W1_ref[t, 0:F, :],
                                              preferred_element_type=jnp.float32)
        b_ref[:, t * F:(t + 1) * F] = jnp.dot(xt, pre_W1_ref[t, F:2 * F, :],
                                              preferred_element_type=jnp.float32)



def _sc_gather_body(a_hbm, b_hbm, dst_hbm, src_hbm, ga_hbm, gb_hbm,
                    idx_d, idx_s, rows_a, rows_b, rows_a2, rows_b2,
                    sema, semb, sema2, semb2):
    wid = lax.axis_index("s") * _NC + lax.axis_index("c")
    base = wid * EPW

    def outer(jj, _):
        off = base + jj * IC
        pltpu.sync_copy(dst_hbm.at[pl.ds(off, IC)], idx_d)
        pltpu.sync_copy(src_hbm.at[pl.ds(off, IC)], idx_s)

        def gathers(c, ra, rb, s1, s2):
            ca = pltpu.async_copy(a_hbm.at[idx_d.at[pl.ds(c * GC, GC)]],
                                  ra, s1)
            cb = pltpu.async_copy(b_hbm.at[idx_s.at[pl.ds(c * GC, GC)]],
                                  rb, s2)
            return ca, cb

        def writes(c, ra, rb, s1, s2):
            wa = pltpu.async_copy(ra, ga_hbm.at[pl.ds(off + c * GC, GC)], s1)
            wb = pltpu.async_copy(rb, gb_hbm.at[pl.ds(off + c * GC, GC)], s2)
            return wa, wb

        def inner(j, _):
            c1 = 2 * j
            c2 = 2 * j + 1
            ca1, cb1 = gathers(c1, rows_a, rows_b, sema, semb)
            ca2, cb2 = gathers(c2, rows_a2, rows_b2, sema2, semb2)
            ca1.wait()
            cb1.wait()
            wa1, wb1 = writes(c1, rows_a, rows_b, sema, semb)
            ca2.wait()
            cb2.wait()
            wa2, wb2 = writes(c2, rows_a2, rows_b2, sema2, semb2)
            wa1.wait()
            wb1.wait()
            wa2.wait()
            wb2.wait()
            return 0

        npairs = (IC // GC) // 2
        lax.fori_loop(0, npairs, inner, 0)
        ct = IC // GC - 1
        ca, cb = gathers(ct, rows_a, rows_b, sema, semb)
        ca.wait()
        cb.wait()
        wa, wb = writes(ct, rows_a, rows_b, sema, semb)
        wa.wait()
        wb.wait()
        return 0

    lax.fori_loop(0, EPW // IC, outer, 0)



def _edge_kernel(ga_ref, gb_ref, ea_ref, cw_ref, cbias_ref, w2_ref, b2_ref, mT_ref):
    pre = (ga_ref[...] + gb_ref[...]
           + jnp.dot(ea_ref[...], cw_ref[...], preferred_element_type=jnp.float32)
           + cbias_ref[...])
    for t in range(T):
        mt = jnp.maximum(pre[:, t * F:(t + 1) * F], 0.0)
        mT_ref[t * F:(t + 1) * F, :] = (
            lax.dot_general(w2_ref[t], mt, (((0,), (1,)), ((), ())),
                            preferred_element_type=jnp.float32)
            + b2_ref[t, :][:, None])



def _vec_fill(ref, n, valvec):
    def body(p, _):
        ref[pl.ds(p * 16, 16)] = valvec
        return 0
    lax.fori_loop(0, n // 16, body, 0)


def _scatter_minmax(acc, idx, val, is_min):
    def cond(go):
        return go

    def body(_):
        old = plsc.load_gather(acc, [idx])
        need = (val < old) if is_min else (val > old)
        plsc.store_scatter(acc, [idx], val, mask=need)
        return jnp.any(need)

    lax.while_loop(cond, body, jnp.bool_(True))


def _sc_segment_body(mflat_hbm, dst_hbm, sflat_hbm, sqflat_hbm, mnflat_hbm,
                     mxflat_hbm, cnt_hbm,
                     acc_s, acc_q, acc_mn, acc_mx, acc_c, mbuf, dbuf, tmpi,
                     semc):
    wid = lax.axis_index("s") * _NC + lax.axis_index("c")
    zero16 = jnp.zeros((16,), jnp.float32)
    big16 = jnp.full((16,), BIG, jnp.float32)
    one16 = jnp.ones((16,), jnp.float32)

    for r in range(ROUNDS):
        c0 = r * (_NW * CPW) + wid * CPW
        _vec_fill(acc_s, CPW * NP, zero16)
        _vec_fill(acc_q, CPW * NP, zero16)
        _vec_fill(acc_mn, CPW * NP, big16)
        _vec_fill(acc_mx, CPW * NP, -big16)
        if r == 0:
            @pl.when(wid == 0)
            def _():
                def cbody(p, _):
                    acc_c[pl.ds(p * 16, 16)] = zero16
                    return 0
                lax.fori_loop(0, NP // 16, cbody, 0)

        def chunk(ch, _):
            off = ch * EB
            cds = [pltpu.async_copy(dst_hbm.at[pl.ds(off, EB)], dbuf, semc)]
            for k in range(CPW):
                cds.append(pltpu.async_copy(
                    mflat_hbm.at[pl.ds((c0 + k) * E + off, EB)],
                    mbuf.at[pl.ds(k * EB, EB)], semc))
            for cd in cds:
                cd.wait()

            lane = lax.iota(jnp.int32, 16)

            def one_vec(v):
                idx = dbuf[pl.ds(v * 16, 16)]
                plsc.store_scatter(tmpi, [idx], lane)
                back = plsc.load_gather(tmpi, [idx])
                nodup = jnp.all(back == lane)
                vals = [mbuf[pl.ds(k * EB + v * 16, 16)] for k in range(CPW)]
                idxs = [idx + jnp.int32(k * NP) for k in range(CPW)]
                for k in range(CPW):
                    plsc.addupdate_scatter(acc_s, [idxs[k]], vals[k])
                    plsc.addupdate_scatter(acc_q, [idxs[k]], vals[k] * vals[k])

                @pl.when(nodup)
                def _():
                    for k in range(CPW):
                        oldn = plsc.load_gather(acc_mn, [idxs[k]])
                        plsc.store_scatter(acc_mn, [idxs[k]],
                                           jnp.minimum(oldn, vals[k]))
                        oldx = plsc.load_gather(acc_mx, [idxs[k]])
                        plsc.store_scatter(acc_mx, [idxs[k]],
                                           jnp.maximum(oldx, vals[k]))

                @pl.when(jnp.logical_not(nodup))
                def _():
                    for k in range(CPW):
                        _scatter_minmax(acc_mn, idxs[k], vals[k], True)
                        _scatter_minmax(acc_mx, idxs[k], vals[k], False)
                if r == 0:
                    @pl.when(wid == 0)
                    def _():
                        plsc.addupdate_scatter(acc_c, [idx], one16)

            def vec(v, _):
                one_vec(2 * v)
                one_vec(2 * v + 1)
                return 0

            lax.fori_loop(0, EB // 32, vec, 0)
            return 0

        lax.fori_loop(0, E // EB, chunk, 0)

        for k in range(CPW):
            pltpu.sync_copy(acc_s.at[pl.ds(k * NP, NP)],
                            sflat_hbm.at[pl.ds((c0 + k) * NP, NP)])
            pltpu.sync_copy(acc_q.at[pl.ds(k * NP, NP)],
                            sqflat_hbm.at[pl.ds((c0 + k) * NP, NP)])
            pltpu.sync_copy(acc_mn.at[pl.ds(k * NP, NP)],
                            mnflat_hbm.at[pl.ds((c0 + k) * NP, NP)])
            pltpu.sync_copy(acc_mx.at[pl.ds(k * NP, NP)],
                            mxflat_hbm.at[pl.ds((c0 + k) * NP, NP)])
        if r == 0:
            @pl.when(wid == 0)
            def _():
                pltpu.sync_copy(acc_c, cnt_hbm)



def _post_kernel(x_ref, sT_ref, mnT_ref, mxT_ref, sqT_ref, cnt_ref,
                 pw1_ref, pb1_ref, pw2_ref, pb2_ref, lw_ref, lb_ref,
                 lg_ref, lbeta_ref, out_ref):
    cnt = cnt_ref[...]
    deg = jnp.maximum(cnt, 1.0)
    inv_deg = 1.0 / deg
    has = (cnt > 0.0).astype(jnp.float32)
    lg1d = jnp.log(deg + 1.0)
    amp = lg1d * (1.0 / _AVG_LOG)
    att = _AVG_LOG / lg1d

    s = sT_ref[...]
    mean = s * inv_deg
    mn = mnT_ref[...] * has
    mx = mxT_ref[...] * has
    msq = sqT_ref[...] * inv_deg
    var = jnp.maximum(msq - mean * mean, 0.0)
    std = jnp.sqrt(var + 1e-5)

    dn = (((0,), (0,)), ((), ()))
    o_parts = []
    for t in range(T):
        sl = slice(t * F, (t + 1) * F)
        aggT = jnp.concatenate([s[sl], mean[sl], mn[sl], mx[sl], std[sl]],
                               axis=0)
        w = pw1_ref[t]
        otT = lax.dot_general(w[0:F], x_ref[:, sl], (((0,), (1,)), ((), ())),
                              preferred_element_type=jnp.float32)
        otT = otT + lax.dot_general(w[F:F + 5 * F], aggT, dn,
                                    preferred_element_type=jnp.float32)
        otT = otT + amp * lax.dot_general(w[F + 5 * F:F + 10 * F], aggT, dn,
                                          preferred_element_type=jnp.float32)
        otT = otT + att * lax.dot_general(w[F + 10 * F:F + 15 * F], aggT, dn,
                                          preferred_element_type=jnp.float32)
        otT = jnp.maximum(otT + pb1_ref[t, :][:, None], 0.0)
        otT = (lax.dot_general(pw2_ref[t], otT, dn,
                               preferred_element_type=jnp.float32)
               + pb2_ref[t, :][:, None])
        o_parts.append(otT)
    oT = jnp.concatenate(o_parts, axis=0)

    o = lax.dot_general(oT, lw_ref[...], dn,
                        preferred_element_type=jnp.float32) + lb_ref[0, :][None, :]
    mu = jnp.mean(o, axis=1, keepdims=True)
    vv = jnp.mean((o - mu) ** 2, axis=1, keepdims=True)
    ln = (o - mu) * lax.rsqrt(vv + 1e-5) * lg_ref[0, :][None, :] + lbeta_ref[0, :][None, :]
    out_ref[...] = x_ref[...] + jnp.maximum(ln, 0.0)


def kernel(x, prot_edge_index, prot_edge_attr, edge_W, edge_b, pre_W1, pre_b1,
           pre_W2, pre_b2, post_W1, post_b1, post_W2, post_b2, lin_W, lin_b,
           ln_g, ln_b):
    src = prot_edge_index[0]
    dst = prot_edge_index[1]

    cw, cbias = pl.pallas_call(
        _fold_kernel,
        out_shape=[jax.ShapeDtypeStruct((EDGE_DIM, HID), jnp.float32),
                   jax.ShapeDtypeStruct((1, HID), jnp.float32)],
    )(edge_W, edge_b, pre_W1, pre_b1)

    a_tab, b_tab = pl.pallas_call(
        _tables_kernel,
        grid=(N // 1000,),
        in_specs=[pl.BlockSpec((1000, HID), lambda i: (i, 0)),
                  pl.BlockSpec((T, 3 * F, F), lambda i: (0, 0, 0))],
        out_specs=[pl.BlockSpec((1000, HID), lambda i: (i, 0)),
                   pl.BlockSpec((1000, HID), lambda i: (i, 0))],
        out_shape=[jax.ShapeDtypeStruct((N, HID), jnp.float32),
                   jax.ShapeDtypeStruct((N, HID), jnp.float32)],
    )(x, pre_W1)

    mesh = plsc.VectorSubcoreMesh(core_axis_name="c", subcore_axis_name="s")
    ga, gb = pl.kernel(
        _sc_gather_body,
        out_type=[jax.ShapeDtypeStruct((E, HID), jnp.float32),
                  jax.ShapeDtypeStruct((E, HID), jnp.float32)],
        mesh=mesh,
        scratch_types=[pltpu.VMEM((IC,), jnp.int32),
                       pltpu.VMEM((IC,), jnp.int32),
                       pltpu.VMEM((GC, HID), jnp.float32),
                       pltpu.VMEM((GC, HID), jnp.float32),
                       pltpu.VMEM((GC, HID), jnp.float32),
                       pltpu.VMEM((GC, HID), jnp.float32),
                       pltpu.SemaphoreType.DMA,
                       pltpu.SemaphoreType.DMA,
                       pltpu.SemaphoreType.DMA,
                       pltpu.SemaphoreType.DMA],
    )(a_tab, b_tab, dst, src)

    mT = pl.pallas_call(
        _edge_kernel,
        grid=(E // EB2,),
        in_specs=[pl.BlockSpec((EB2, HID), lambda i: (i, 0)),
                  pl.BlockSpec((EB2, HID), lambda i: (i, 0)),
                  pl.BlockSpec((EB2, EDGE_DIM), lambda i: (i, 0)),
                  pl.BlockSpec((EDGE_DIM, HID), lambda i: (0, 0)),
                  pl.BlockSpec((1, HID), lambda i: (0, 0)),
                  pl.BlockSpec((T, F, F), lambda i: (0, 0, 0)),
                  pl.BlockSpec((T, F), lambda i: (0, 0))],
        out_specs=pl.BlockSpec((HID, EB2), lambda i: (0, i)),
        out_shape=jax.ShapeDtypeStruct((HID, E), jnp.float32),
    )(ga, gb, prot_edge_attr, cw, cbias, pre_W2, pre_b2)

    sT, sqT, mnT, mxT, cnt = pl.kernel(
        _sc_segment_body,
        out_type=[jax.ShapeDtypeStruct((HID * NP,), jnp.float32),
                  jax.ShapeDtypeStruct((HID * NP,), jnp.float32),
                  jax.ShapeDtypeStruct((HID * NP,), jnp.float32),
                  jax.ShapeDtypeStruct((HID * NP,), jnp.float32),
                  jax.ShapeDtypeStruct((NP,), jnp.float32)],
        mesh=plsc.VectorSubcoreMesh(core_axis_name="c", subcore_axis_name="s"),
        scratch_types=[pltpu.VMEM((CPW * NP,), jnp.float32),
                       pltpu.VMEM((CPW * NP,), jnp.float32),
                       pltpu.VMEM((CPW * NP,), jnp.float32),
                       pltpu.VMEM((CPW * NP,), jnp.float32),
                       pltpu.VMEM((NP,), jnp.float32),
                       pltpu.VMEM((CPW * EB,), jnp.float32),
                       pltpu.VMEM((EB,), jnp.int32),
                       pltpu.VMEM((NP,), jnp.int32),
                       pltpu.SemaphoreType.DMA],
        compiler_params=pltpu.CompilerParams(needs_layout_passes=False),
    )(mT.reshape(HID * E), dst)
    sT = sT.reshape(HID, NP)
    sqT = sqT.reshape(HID, NP)
    mnT = mnT.reshape(HID, NP)
    mxT = mxT.reshape(HID, NP)

    xp = jnp.concatenate([x, jnp.zeros((NP - N, HID), jnp.float32)], axis=0)
    out = pl.pallas_call(
        _post_kernel,
        grid=(NP // NB,),
        in_specs=[pl.BlockSpec((NB, HID), lambda i: (i, 0)),
                  pl.BlockSpec((HID, NB), lambda i: (0, i)),
                  pl.BlockSpec((HID, NB), lambda i: (0, i)),
                  pl.BlockSpec((HID, NB), lambda i: (0, i)),
                  pl.BlockSpec((HID, NB), lambda i: (0, i)),
                  pl.BlockSpec((1, NB), lambda i: (0, i)),
                  pl.BlockSpec((T, 16 * F, F), lambda i: (0, 0, 0)),
                  pl.BlockSpec((T, F), lambda i: (0, 0)),
                  pl.BlockSpec((T, F, F), lambda i: (0, 0, 0)),
                  pl.BlockSpec((T, F), lambda i: (0, 0)),
                  pl.BlockSpec((HID, HID), lambda i: (0, 0)),
                  pl.BlockSpec((1, HID), lambda i: (0, 0)),
                  pl.BlockSpec((1, HID), lambda i: (0, 0)),
                  pl.BlockSpec((1, HID), lambda i: (0, 0))],
        out_specs=pl.BlockSpec((NB, HID), lambda i: (i, 0)),
        out_shape=jax.ShapeDtypeStruct((NP, HID), jnp.float32),
    )(xp, sT, mnT, mxT, sqT, cnt.reshape(1, NP), post_W1, post_b1, post_W2,
      post_b2, lin_W, lin_b.reshape(1, HID), ln_g.reshape(1, HID),
      ln_b.reshape(1, HID))
    return out[:N]

# --- scband reference (transcript-rebuilt; emitter-appended) ---
"""Pipeline reference for scband-protein-pnaconv-29137058136192 (READ-ONLY COPY).

The authoritative reference and input builder live on the scoring server;
editing this copy changes nothing except your own understanding.
"""

import jax, jax.numpy as jnp
import numpy as np

N = 10000
E = 160000
T = 4
F_IN = 64
HID = 256
EDGE_DIM = 16
POST_IN = (5 * 3 + 1) * F_IN

DEG_HIST = np.array([0,1,2,5,11,23,44,79,135,216,324,457,605,753,880,966,997,966,880,753,605,457,324,216,135,79,44,23,11,5,2,1,0], dtype=np.float64)
_bins = np.arange(DEG_HIST.shape[0], dtype=np.float64)
AVG_LOG = float((np.log(_bins + 1.0) * DEG_HIST).sum() / float(DEG_HIST.sum()))

def _glorot(key, shape, fan_in):
    return (jax.random.uniform(key, shape, jnp.float32, -1.0, 1.0) / np.sqrt(float(fan_in))).astype(jnp.float32)

def setup_inputs(seed: int = 0):
    key = jax.random.key(seed)
    ks = jax.random.split(key, 24)
    inp = {}
    inp['x'] = jax.random.normal(ks[0], (N, HID), jnp.float32)
    inp['prot_edge_index'] = jax.random.randint(ks[1], (2, E), 0, N, jnp.int32)
    inp['prot_edge_attr'] = jax.random.normal(ks[2], (E, EDGE_DIM), jnp.float32)
    inp['edge_W'] = _glorot(ks[3], (EDGE_DIM, F_IN), EDGE_DIM)
    inp['edge_b'] = jnp.zeros((F_IN,), jnp.float32)
    inp['pre_W1'] = _glorot(ks[4], (T, 3 * F_IN, F_IN), 3 * F_IN)
    inp['pre_b1'] = jnp.zeros((T, F_IN), jnp.float32)
    inp['pre_W2'] = _glorot(ks[5], (T, F_IN, F_IN), F_IN)
    inp['pre_b2'] = jnp.zeros((T, F_IN), jnp.float32)
    inp['post_W1'] = _glorot(ks[6], (T, POST_IN, F_IN), POST_IN)
    inp['post_b1'] = jnp.zeros((T, F_IN), jnp.float32)
    inp['post_W2'] = _glorot(ks[7], (T, F_IN, F_IN), F_IN)
    inp['post_b2'] = jnp.zeros((T, F_IN), jnp.float32)
    inp['lin_W'] = _glorot(ks[8], (HID, HID), HID)
    inp['lin_b'] = jnp.zeros((HID,), jnp.float32)
    inp['ln_g'] = jnp.ones((HID,), jnp.float32)
    inp['ln_b'] = jnp.zeros((HID,), jnp.float32)
    return inp

def _forward(x, src, dst, prot_edge_attr, edge_W, edge_b, pre_W1, pre_b1, pre_W2, pre_b2, post_W1, post_b1, post_W2, post_b2, lin_W, lin_b, ln_g, ln_b):
    xt = x.reshape(N, T, F_IN)
    x_i = xt[dst]
    x_j = xt[src]
    ea = prot_edge_attr @ edge_W + edge_b
    ea = jnp.broadcast_to(ea[:, None, :], (E, T, F_IN))
    h = jnp.concatenate([x_i, x_j, ea], axis=-1)
    m = jnp.einsum('etf,tfg->etg', h, pre_W1) + pre_b1[None, :, :]
    m = jax.nn.relu(m)
    m = jnp.einsum('etf,tfg->etg', m, pre_W2) + pre_b2[None, :, :]
    cnt = jax.ops.segment_sum(jnp.ones((E,), jnp.float32), dst, num_segments=N)
    deg = jnp.maximum(cnt, 1.0)
    s = jax.ops.segment_sum(m, dst, num_segments=N)
    mean = s / deg[:, None, None]
    mn = jax.ops.segment_min(m, dst, num_segments=N)
    mn = jnp.where(jnp.isfinite(mn), mn, 0.0)
    mx = jax.ops.segment_max(m, dst, num_segments=N)
    mx = jnp.where(jnp.isfinite(mx), mx, 0.0)
    msq = jax.ops.segment_sum(m * m, dst, num_segments=N) / deg[:, None, None]
    var = jax.nn.relu(msq - mean * mean)
    std = jnp.sqrt(var + 1e-5)
    agg = jnp.concatenate([s, mean, mn, mx, std], axis=-1)
    d = deg[:, None, None]
    amp = jnp.log(d + 1.0) / AVG_LOG
    att = AVG_LOG / jnp.log(d + 1.0)
    out = jnp.concatenate([agg, agg * amp, agg * att], axis=-1)
    out = jnp.concatenate([xt, out], axis=-1)
    o = jnp.einsum('ntf,tfg->ntg', out, post_W1) + post_b1[None, :, :]
    o = jax.nn.relu(o)
    o = jnp.einsum('ntf,tfg->ntg', o, post_W2) + post_b2[None, :, :]
    o = o.reshape(N, HID)
    o = o @ lin_W + lin_b
    mu = o.mean(axis=-1, keepdims=True)
    vv = ((o - mu) ** 2).mean(axis=-1, keepdims=True)
    ln = (o - mu) / jnp.sqrt(vv + 1e-5) * ln_g + ln_b
    return x + jax.nn.relu(ln)

def reference(x, prot_edge_index, prot_edge_attr, edge_W, edge_b, pre_W1, pre_b1, pre_W2, pre_b2, post_W1, post_b1, post_W2, post_b2, lin_W, lin_b, ln_g, ln_b):
    src = prot_edge_index[0]
    dst = prot_edge_index[1]
    return _forward(x, src, dst, prot_edge_attr, edge_W, edge_b, pre_W1, pre_b1, pre_W2, pre_b2, post_W1, post_b1, post_W2, post_b2, lin_W, lin_b, ln_g, ln_b)

if __name__ == "__main__":
    import jax
    _d = setup_inputs()
    print(jax.jit(kernel)(*tuple(_d.values())))

</pallas_src>

<mosaic_0001>
#map = affine_map<(d0, d1) -> (0, 0)>
#map1 = affine_map<(d0, d1) -> (0)>
module attributes {stable_mosaic.version = 14 : i64} {
  func.func @_sc_gather_body(%arg0: i32, %arg1: i32, %arg2: memref<10000x256xf32, #tpu.memory_space<hbm>>, %arg3: memref<10000x256xf32, #tpu.memory_space<hbm>>, %arg4: memref<160000xi32, #tpu.memory_space<hbm>>, %arg5: memref<160000xi32, #tpu.memory_space<hbm>>, %arg6: memref<160000x256xf32, #tpu.memory_space<hbm>>, %arg7: memref<160000x256xf32, #tpu.memory_space<hbm>>, %arg8: memref<1000xi32, #tpu.memory_space<vmem>>, %arg9: memref<1000xi32, #tpu.memory_space<vmem>>, %arg10: memref<40x256xf32, #tpu.memory_space<vmem>>, %arg11: memref<40x256xf32, #tpu.memory_space<vmem>>, %arg12: memref<40x256xf32, #tpu.memory_space<vmem>>, %arg13: memref<40x256xf32, #tpu.memory_space<vmem>>, %arg14: memref<!tpu.dma_semaphore, #tpu.memory_space<semaphore_mem>>, %arg15: memref<!tpu.dma_semaphore, #tpu.memory_space<semaphore_mem>>, %arg16: memref<!tpu.dma_semaphore, #tpu.memory_space<semaphore_mem>>, %arg17: memref<!tpu.dma_semaphore, #tpu.memory_space<semaphore_mem>>) attributes {dimension_semantics = [#tpu.dimension_semantics<core_parallel>, #tpu.dimension_semantics<subcore_parallel>], iteration_bounds = array<i64: 2, 16>, scalar_prefetch = 0 : i64, scratch_operands = 10 : i64, tpu.core_type = #tpu.core_type<sc_vector_subcore>, window_params = [{transform_indices = #map}, {transform_indices = #map}, {transform_indices = #map1}, {transform_indices = #map1}, {transform_indices = #map}, {transform_indices = #map}]} {
    %mul3A = arith.constant 2 : i32
    %mul3A_0 = arith.muli %arg1, %mul3A : i32
    %add3A = arith.addi %mul3A_0, %arg0 : i32
    %mul3A_1 = arith.constant 5000 : i32
    %mul3A_2 = arith.muli %add3A, %mul3A_1 : i32
    %scan3A = arith.constant 0 : i32
    %scan3A_3 = arith.constant 0 : i32
    %scan3A_4 = arith.constant 5 : i32
    %scan3A_5 = arith.addi %scan3A_3, %scan3A_4 : i32
    %scan3A_6 = arith.constant 1 : i32
    %scan3A_7 = scf.for %scan3A_9 = %scan3A_3 to %scan3A_5 step %scan3A_6 iter_args(%scan3A_10 = %scan3A) -> (i32)  : i32 {
      %mul3A_11 = arith.constant 1000 : i32
      %mul3A_12 = arith.muli %scan3A_9, %mul3A_11 : i32
      %add3A_13 = arith.addi %mul3A_2, %mul3A_12 : i32
      "tpu.region"() ({
        %run_scoped3A = tpu.sem_alloc : memref<!tpu.dma_semaphore, #tpu.memory_space<semaphore_mem>>
        %dma_start3A_60 = tpu.memref_slice %arg4[%add3A_13] : memref<160000xi32, #tpu.memory_space<hbm>> -> memref<1000xi32, #tpu.memory_space<hbm>>
        %dma_start3A_61 = tpu.memref_slice %arg4[%add3A_13] : memref<160000xi32, #tpu.memory_space<hbm>> -> memref<1000xi32, #tpu.memory_space<hbm>>
        tpu.enqueue_dma source(%dma_start3A_61 : memref<1000xi32, #tpu.memory_space<hbm>>) target(%arg8 : memref<1000xi32, #tpu.memory_space<vmem>>) target_semaphore(%run_scoped3A : memref<!tpu.dma_semaphore, #tpu.memory_space<semaphore_mem>>)
        %dma_wait3A_62 = tpu.memref_slice %arg4[%add3A_13] : memref<160000xi32, #tpu.memory_space<hbm>> -> memref<1000xi32, #tpu.memory_space<hbm>>
        %dma_wait3A_63 = tpu.memref_slice %arg4[%add3A_13] : memref<160000xi32, #tpu.memory_space<hbm>> -> memref<1000xi32, #tpu.memory_space<hbm>>
        tpu.wait_dma2 semaphore(%run_scoped3A : memref<!tpu.dma_semaphore, #tpu.memory_space<semaphore_mem>>) src(%dma_wait3A_63 : memref<1000xi32, #tpu.memory_space<hbm>>) dst(%arg8 : memref<1000xi32, #tpu.memory_space<vmem>>)
        tpu.yield
      }) : () -> ()
      "tpu.region"() ({
        %run_scoped3A = tpu.sem_alloc : memref<!tpu.dma_semaphore, #tpu.memory_space<semaphore_mem>>
        %dma_start3A_60 = tpu.memref_slice %arg5[%add3A_13] : memref<160000xi32, #tpu.memory_space<hbm>> -> memref<1000xi32, #tpu.memory_space<hbm>>
        %dma_start3A_61 = tpu.memref_slice %arg5[%add3A_13] : memref<160000xi32, #tpu.memory_space<hbm>> -> memref<1000xi32, #tpu.memory_space<hbm>>
        tpu.enqueue_dma source(%dma_start3A_61 : memref<1000xi32, #tpu.memory_space<hbm>>) target(%arg9 : memref<1000xi32, #tpu.memory_space<vmem>>) target_semaphore(%run_scoped3A : memref<!tpu.dma_semaphore, #tpu.memory_space<semaphore_mem>>)
        %dma_wait3A_62 = tpu.memref_slice %arg5[%add3A_13] : memref<160000xi32, #tpu.memory_space<hbm>> -> memref<1000xi32, #tpu.memory_space<hbm>>
        %dma_wait3A_63 = tpu.memref_slice %arg5[%add3A_13] : memref<160000xi32, #tpu.memory_space<hbm>> -> memref<1000xi32, #tpu.memory_space<hbm>>
        tpu.wait_dma2 semaphore(%run_scoped3A : memref<!tpu.dma_semaphore, #tpu.memory_space<semaphore_mem>>) src(%dma_wait3A_63 : memref<1000xi32, #tpu.memory_space<hbm>>) dst(%arg9 : memref<1000xi32, #tpu.memory_space<vmem>>)
        tpu.yield
      }) : () -> ()
      %scan3A_14 = arith.constant 0 : i32
      %scan3A_15 = arith.constant 0 : i32
      %scan3A_16 = arith.constant 12 : i32
      %scan3A_17 = arith.addi %scan3A_15, %scan3A_16 : i32
      %scan3A_18 = arith.constant 1 : i32
      %scan3A_19 = scf.for %scan3A_60 = %scan3A_15 to %scan3A_17 step %scan3A_18 iter_args(%scan3A_61 = %scan3A_14) -> (i32)  : i32 {
        %mul3A_62 = arith.constant 2 : i32
        %mul3A_63 = arith.muli %mul3A_62, %scan3A_60 : i32
        %mul3A_64 = arith.constant 2 : i32
        %mul3A_65 = arith.muli %mul3A_64, %scan3A_60 : i32
        %add3A_66 = arith.constant 1 : i32
        %add3A_67 = arith.addi %mul3A_65, %add3A_66 : i32
        %mul3A_68 = arith.constant 40 : i32
        %mul3A_69 = arith.muli %mul3A_63, %mul3A_68 : i32
        %dma_start3A_70 = tpu.memref_slice %arg8[%mul3A_69] : memref<1000xi32, #tpu.memory_space<vmem>> -> memref<40xi32, #tpu.memory_space<vmem>>
        %dma_start3A_71 = arith.constant 0 : i32
        %dma_start3A_72 = arith.constant 0 : i32
        %dma_start3A_73 = tpu.memref_slice %arg2[%dma_start3A_71, %dma_start3A_72] : memref<10000x256xf32, #tpu.memory_space<hbm>> -> memref<10000x256xf32, #tpu.memory_space<hbm>>
        tpu.enqueue_indirect_dma source(%dma_start3A_73 : memref<10000x256xf32, #tpu.memory_space<hbm>>) target(%arg10 : memref<40x256xf32, #tpu.memory_space<vmem>>) offsets(%dma_start3A_70 : memref<40xi32, #tpu.memory_space<vmem>>) semaphore(%arg14 : memref<!tpu.dma_semaphore, #tpu.memory_space<semaphore_mem>>)
        %mul3A_74 = arith.constant 40 : i32
        %mul3A_75 = arith.muli %mul3A_63, %mul3A_74 : i32
        %dma_start3A_76 = tpu.memref_slice %arg9[%mul3A_75] : memref<1000xi32, #tpu.memory_space<vmem>> -> memref<40xi32, #tpu.memory_space<vmem>>
        %dma_start3A_77 = arith.constant 0 : i32
        %dma_start3A_78 = arith.constant 0 : i32
        %dma_start3A_79 = tpu.memref_slice %arg3[%dma_start3A_77, %dma_start3A_78] : memref<10000x256xf32, #tpu.memory_space<hbm>> -> memref<10000x256xf32, #tpu.memory_space<hbm>>
        tpu.enqueue_indirect_dma source(%dma_start3A_79 : memref<10000x256xf32, #tpu.memory_space<hbm>>) target(%arg11 : memref<40x256xf32, #tpu.memory_space<vmem>>) offsets(%dma_start3A_76 : memref<40xi32, #tpu.memory_space<vmem>>) semaphore(%arg15 : memref<!tpu.dma_semaphore, #tpu.memory_space<semaphore_mem>>)
        %mul3A_80 = arith.constant 40 : i32
        %mul3A_81 = arith.muli %add3A_67, %mul3A_80 : i32
        %dma_start3A_82 = tpu.memref_slice %arg8[%mul3A_81] : memref<1000xi32, #tpu.memory_space<vmem>> -> memref<40xi32, #tpu.memory_space<vmem>>
        %dma_start3A_83 = arith.constant 0 : i32
        %dma_start3A_84 = arith.constant 0 : i32
        %dma_start3A_85 = tpu.memref_slice %arg2[%dma_start3A_83, %dma_start3A_84] : memref<10000x256xf32, #tpu.memory_space<hbm>> -> memref<10000x256xf32, #tpu.memory_space<hbm>>
        tpu.enqueue_indirect_dma source(%dma_start3A_85 : memref<10000x256xf32, #tpu.memory_space<hbm>>) target(%arg12 : memref<40x256xf32, #tpu.memory_space<vmem>>) offsets(%dma_start3A_82 : memref<40xi32, #tpu.memory_space<vmem>>) semaphore(%arg16 : memref<!tpu.dma_semaphore, #tpu.memory_space<semaphore_mem>>)
        %mul3A_86 = arith.constant 40 : i32
        %mul3A_87 = arith.muli %add3A_67, %mul3A_86 : i32
        %dma_start3A_88 = tpu.memref_slice %arg9[%mul3A_87] : memref<1000xi32, #tpu.memory_space<vmem>> -> memref<40xi32, #tpu.memory_space<vmem>>
        %dma_start3A_89 = arith.constant 0 : i32
        %dma_start3A_90 = arith.constant 0 : i32
        %dma_start3A_91 = tpu.memref_slice %arg3[%dma_start3A_89, %dma_start3A_90] : memref<10000x256xf32, #tpu.memory_space<hbm>> -> memref<10000x256xf32, #tpu.memory_space<hbm>>
        tpu.enqueue_indirect_dma source(%dma_start3A_91 : memref<10000x256xf32, #tpu.memory_space<hbm>>) target(%arg13 : memref<40x256xf32, #tpu.memory_space<vmem>>) offsets(%dma_start3A_88 : memref<40xi32, #tpu.memory_space<vmem>>) semaphore(%arg17 : memref<!tpu.dma_semaphore, #tpu.memory_space<semaphore_mem>>)
        %dma_wait3A_92 = tpu.memref_slice %arg8[%mul3A_69] : memref<1000xi32, #tpu.memory_space<vmem>> -> memref<40xi32, #tpu.memory_space<vmem>>
        %dma_wait3A_93 = arith.constant 0 : i32
        %dma_wait3A_94 = arith.constant 0 : i32
        %dma_wait3A_95 = tpu.memref_slice %arg2[%dma_wait3A_93, %dma_wait3A_94] : memref<10000x256xf32, #tpu.memory_space<hbm>> -> memref<10000x256xf32, #tpu.memory_space<hbm>>
        tpu.wait_indirect_dma semaphore(%arg14 : memref<!tpu.dma_semaphore, #tpu.memory_space<semaphore_mem>>) src(%dma_wait3A_95 : memref<10000x256xf32, #tpu.memory_space<hbm>>) dst(%arg10 : memref<40x256xf32, #tpu.memory_space<vmem>>)
        %dma_wait3A_96 = tpu.memref_slice %arg9[%mul3A_75] : memref<1000xi32, #tpu.memory_space<vmem>> -> memref<40xi32, #tpu.memory_space<vmem>>
        %dma_wait3A_97 = arith.constant 0 : i32
        %dma_wait3A_98 = arith.constant 0 : i32
        %dma_wait3A_99 = tpu.memref_slice %arg3[%dma_wait3A_97, %dma_wait3A_98] : memref<10000x256xf32, #tpu.memory_space<hbm>> -> memref<10000x256xf32, #tpu.memory_space<hbm>>
        tpu.wait_indirect_dma semaphore(%arg15 : memref<!tpu.dma_semaphore, #tpu.memory_space<semaphore_mem>>) src(%dma_wait3A_99 : memref<10000x256xf32, #tpu.memory_space<hbm>>) dst(%arg11 : memref<40x256xf32, #tpu.memory_space<vmem>>)
        %mul3A_100 = arith.constant 40 : i32
        %mul3A_101 = arith.muli %mul3A_63, %mul3A_100 : i32
        %add3A_102 = arith.addi %add3A_13, %mul3A_101 : i32
        %dma_start3A_103 = arith.constant 0 : i32
        %dma_start3A_104 = tpu.memref_slice %arg6[%add3A_102, %dma_start3A_103] : memref<160000x256xf32, #tpu.memory_space<hbm>> -> memref<40x256xf32, #tpu.memory_space<hbm>>
        %dma_start3A_105 = arith.constant 0 : i32
        %dma_start3A_106 = tpu.memref_slice %arg6[%add3A_102, %dma_start3A_105] : memref<160000x256xf32, #tpu.memory_space<hbm>> -> memref<40x256xf32, #tpu.memory_space<hbm>>
        tpu.enqueue_dma source(%arg10 : memref<40x256xf32, #tpu.memory_space<vmem>>) target(%dma_start3A_106 : memref<40x256xf32, #tpu.memory_space<hbm>>) target_semaphore(%arg14 : memref<!tpu.dma_semaphore, #tpu.memory_space<semaphore_mem>>)
        %mul3A_107 = arith.constant 40 : i32
        %mul3A_108 = arith.muli %mul3A_63, %mul3A_107 : i32
        %add3A_109 = arith.addi %add3A_13, %mul3A_108 : i32
        %dma_start3A_110 = arith.constant 0 : i32
        %dma_start3A_111 = tpu.memref_slice %arg7[%add3A_109, %dma_start3A_110] : memref<160000x256xf32, #tpu.memory_space<hbm>> -> memref<40x256xf32, #tpu.memory_space<hbm>>
        %dma_start3A_112 = arith.constant 0 : i32
        %dma_start3A_113 = tpu.memref_slice %arg7[%add3A_109, %dma_start3A_112] : memref<160000x256xf32, #tpu.memory_space<hbm>> -> memref<40x256xf32, #tpu.memory_space<hbm>>
        tpu.enqueue_dma source(%arg11 : memref<40x256xf32, #tpu.memory_space<vmem>>) target(%dma_start3A_113 : memref<40x256xf32, #tpu.memory_space<hbm>>) target_semaphore(%arg15 : memref<!tpu.dma_semaphore, #tpu.memory_space<semaphore_mem>>)
        %dma_wait3A_114 = tpu.memref_slice %arg8[%mul3A_81] : memref<1000xi32, #tpu.memory_space<vmem>> -> memref<40xi32, #tpu.memory_space<vmem>>
        %dma_wait3A_115 = arith.constant 0 : i32
        %dma_wait3A_116 = arith.constant 0 : i32
        %dma_wait3A_117 = tpu.memref_slice %arg2[%dma_wait3A_115, %dma_wait3A_116] : memref<10000x256xf32, #tpu.memory_space<hbm>> -> memref<10000x256xf32, #tpu.memory_space<hbm>>
        tpu.wait_indirect_dma semaphore(%arg16 : memref<!tpu.dma_semaphore, #tpu.memory_space<semaphore_mem>>) src(%dma_wait3A_117 : memref<10000x256xf32, #tpu.memory_space<hbm>>) dst(%arg12 : memref<40x256xf32, #tpu.memory_space<vmem>>)
        %dma_wait3A_118 = tpu.memref_slice %arg9[%mul3A_87] : memref<1000xi32, #tpu.memory_space<vmem>> -> memref<40xi32, #tpu.memory_space<vmem>>
        %dma_wait3A_119 = arith.constant 0 : i32
        %dma_wait3A_120 = arith.constant 0 : i32
        %dma_wait3A_121 = tpu.memref_slice %arg3[%dma_wait3A_119, %dma_wait3A_120] : memref<10000x256xf32, #tpu.memory_space<hbm>> -> memref<10000x256xf32, #tpu.memory_space<hbm>>
        tpu.wait_indirect_dma semaphore(%arg17 : memref<!tpu.dma_semaphore, #tpu.memory_space<semaphore_mem>>) src(%dma_wait3A_121 : memref<10000x256xf32, #tpu.memory_space<hbm>>) dst(%arg13 : memref<40x256xf32, #tpu.memory_space<vmem>>)
        %mul3A_122 = arith.constant 40 : i32
        %mul3A_123 = arith.muli %add3A_67, %mul3A_122 : i32
        %add3A_124 = arith.addi %add3A_13, %mul3A_123 : i32
        %dma_start3A_125 = arith.constant 0 : i32
        %dma_start3A_126 = tpu.memref_slice %arg6[%add3A_124, %dma_start3A_125] : memref<160000x256xf32, #tpu.memory_space<hbm>> -> memref<40x256xf32, #tpu.memory_space<hbm>>
        %dma_start3A_127 = arith.constant 0 : i32
        %dma_start3A_128 = tpu.memref_slice %arg6[%add3A_124, %dma_start3A_127] : memref<160000x256xf32, #tpu.memory_space<hbm>> -> memref<40x256xf32, #tpu.memory_space<hbm>>
        tpu.enqueue_dma source(%arg12 : memref<40x256xf32, #tpu.memory_space<vmem>>) target(%dma_start3A_128 : memref<40x256xf32, #tpu.memory_space<hbm>>) target_semaphore(%arg16 : memref<!tpu.dma_semaphore, #tpu.memory_space<semaphore_mem>>)
        %mul3A_129 = arith.constant 40 : i32
        %mul3A_130 = arith.muli %add3A_67, %mul3A_129 : i32
        %add3A_131 = arith.addi %add3A_13, %mul3A_130 : i32
        %dma_start3A_132 = arith.constant 0 : i32
        %dma_start3A_133 = tpu.memref_slice %arg7[%add3A_131, %dma_start3A_132] : memref<160000x256xf32, #tpu.memory_space<hbm>> -> memref<40x256xf32, #tpu.memory_space<hbm>>
        %dma_start3A_134 = arith.constant 0 : i32
        %dma_start3A_135 = tpu.memref_slice %arg7[%add3A_131, %dma_start3A_134] : memref<160000x256xf32, #tpu.memory_space<hbm>> -> memref<40x256xf32, #tpu.memory_space<hbm>>
        tpu.enqueue_dma source(%arg13 : memref<40x256xf32, #tpu.memory_space<vmem>>) target(%dma_start3A_135 : memref<40x256xf32, #tpu.memory_space<hbm>>) target_semaphore(%arg17 : memref<!tpu.dma_semaphore, #tpu.memory_space<semaphore_mem>>)
        %dma_wait3A_136 = arith.constant 0 : i32
        %dma_wait3A_137 = tpu.memref_slice %arg6[%add3A_102, %dma_wait3A_136] : memref<160000x256xf32, #tpu.memory_space<hbm>> -> memref<40x256xf32, #tpu.memory_space<hbm>>
        %dma_wait3A_138 = arith.constant 0 : i32
        %dma_wait3A_139 = tpu.memref_slice %arg6[%add3A_102, %dma_wait3A_138] : memref<160000x256xf32, #tpu.memory_space<hbm>> -> memref<40x256xf32, #tpu.memory_space<hbm>>
        tpu.wait_dma2 semaphore(%arg14 : memref<!tpu.dma_semaphore, #tpu.memory_space<semaphore_mem>>) src(%arg10 : memref<40x256xf32, #tpu.memory_space<vmem>>) dst(%dma_wait3A_139 : memref<40x256xf32, #tpu.memory_space<hbm>>)
        %dma_wait3A_140 = arith.constant 0 : i32
        %dma_wait3A_141 = tpu.memref_slice %arg7[%add3A_109, %dma_wait3A_140] : memref<160000x256xf32, #tpu.memory_space<hbm>> -> memref<40x256xf32, #tpu.memory_space<hbm>>
        %dma_wait3A_142 = arith.constant 0 : i32
        %dma_wait3A_143 = tpu.memref_slice %arg7[%add3A_109, %dma_wait3A_142] : memref<160000x256xf32, #tpu.memory_space<hbm>> -> memref<40x256xf32, #tpu.memory_space<hbm>>
        tpu.wait_dma2 semaphore(%arg15 : memref<!tpu.dma_semaphore, #tpu.memory_space<semaphore_mem>>) src(%arg11 : memref<40x256xf32, #tpu.memory_space<vmem>>) dst(%dma_wait3A_143 : memref<40x256xf32, #tpu.memory_space<hbm>>)
        %dma_wait3A_144 = arith.constant 0 : i32
        %dma_wait3A_145 = tpu.memref_slice %arg6[%add3A_124, %dma_wait3A_144] : memref<160000x256xf32, #tpu.memory_space<hbm>> -> memref<40x256xf32, #tpu.memory_space<hbm>>
        %dma_wait3A_146 = arith.constant 0 : i32
        %dma_wait3A_147 = tpu.memref_slice %arg6[%add3A_124, %dma_wait3A_146] : memref<160000x256xf32, #tpu.memory_space<hbm>> -> memref<40x256xf32, #tpu.memory_space<hbm>>
        tpu.wait_dma2 semaphore(%arg16 : memref<!tpu.dma_semaphore, #tpu.memory_space<semaphore_mem>>) src(%arg12 : memref<40x256xf32, #tpu.memory_space<vmem>>) dst(%dma_wait3A_147 : memref<40x256xf32, #tpu.memory_space<hbm>>)
        %dma_wait3A_148 = arith.constant 0 : i32
        %dma_wait3A_149 = tpu.memref_slice %arg7[%add3A_131, %dma_wait3A_148] : memref<160000x256xf32, #tpu.memory_space<hbm>> -> memref<40x256xf32, #tpu.memory_space<hbm>>
        %dma_wait3A_150 = arith.constant 0 : i32
        %dma_wait3A_151 = tpu.memref_slice %arg7[%add3A_131, %dma_wait3A_150] : memref<160000x256xf32, #tpu.memory_space<hbm>> -> memref<40x256xf32, #tpu.memory_space<hbm>>
        tpu.wait_dma2 semaphore(%arg17 : memref<!tpu.dma_semaphore, #tpu.memory_space<semaphore_mem>>) src(%arg13 : memref<40x256xf32, #tpu.memory_space<vmem>>) dst(%dma_wait3A_151 : memref<40x256xf32, #tpu.memory_space<hbm>>)
        %scan3A_152 = arith.constant 0 : i32
        scf.yield %scan3A_152 : i32
      }
      %scan3A_20 = arith.constant 12 : i32
      %dma_start3A = arith.constant 960 : i32
      %dma_start3A_21 = tpu.memref_slice %arg8[%dma_start3A] : memref<1000xi32, #tpu.memory_space<vmem>> -> memref<40xi32, #tpu.memory_space<vmem>>
      %dma_start3A_22 = arith.constant 0 : i32
      %dma_start3A_23 = arith.constant 0 : i32
      %dma_start3A_24 = tpu.memref_slice %arg2[%dma_start3A_22, %dma_start3A_23] : memref<10000x256xf32, #tpu.memory_space<hbm>> -> memref<10000x256xf32, #tpu.memory_space<hbm>>
      tpu.enqueue_indirect_dma source(%dma_start3A_24 : memref<10000x256xf32, #tpu.memory_space<hbm>>) target(%arg10 : memref<40x256xf32, #tpu.memory_space<vmem>>) offsets(%dma_start3A_21 : memref<40xi32, #tpu.memory_space<vmem>>) semaphore(%arg14 : memref<!tpu.dma_semaphore, #tpu.memory_space<semaphore_mem>>)
      %dma_start3A_25 = arith.constant 960 : i32
      %dma_start3A_26 = tpu.memref_slice %arg9[%dma_start3A_25] : memref<1000xi32, #tpu.memory_space<vmem>> -> memref<40xi32, #tpu.memory_space<vmem>>
      %dma_start3A_27 = arith.constant 0 : i32
      %dma_start3A_28 = arith.constant 0 : i32
      %dma_start3A_29 = tpu.memref_slice %arg3[%dma_start3A_27, %dma_start3A_28] : memref<10000x256xf32, #tpu.memory_space<hbm>> -> memref<10000x256xf32, #tpu.memory_space<hbm>>
      tpu.enqueue_indirect_dma source(%dma_start3A_29 : memref<10000x256xf32, #tpu.memory_space<hbm>>) target(%arg11 : memref<40x256xf32, #tpu.memory_space<vmem>>) offsets(%dma_start3A_26 : memref<40xi32, #tpu.memory_space<vmem>>) semaphore(%arg15 : memref<!tpu.dma_semaphore, #tpu.memory_space<semaphore_mem>>)
      %dma_wait3A = arith.constant 960 : i32
      %dma_wait3A_30 = tpu.memref_slice %arg8[%dma_wait3A] : memref<1000xi32, #tpu.memory_space<vmem>> -> memref<40xi32, #tpu.memory_space<vmem>>
      %dma_wait3A_31 = arith.constant 0 : i32
      %dma_wait3A_32 = arith.constant 0 : i32
      %dma_wait3A_33 = tpu.memref_slice %arg2[%dma_wait3A_31, %dma_wait3A_32] : memref<10000x256xf32, #tpu.memory_space<hbm>> -> memref<10000x256xf32, #tpu.memory_space<hbm>>
      tpu.wait_indirect_dma semaphore(%arg14 : memref<!tpu.dma_semaphore, #tpu.memory_space<semaphore_mem>>) src(%dma_wait3A_33 : memref<10000x256xf32, #tpu.memory_space<hbm>>) dst(%arg10 : memref<40x256xf32, #tpu.memory_space<vmem>>)
      %dma_wait3A_34 = arith.constant 960 : i32
      %dma_wait3A_35 = tpu.memref_slice %arg9[%dma_wait3A_34] : memref<1000xi32, #tpu.memory_space<vmem>> -> memref<40xi32, #tpu.memory_space<vmem>>
      %dma_wait3A_36 = arith.constant 0 : i32
      %dma_wait3A_37 = arith.constant 0 : i32
      %dma_wait3A_38 = tpu.memref_slice %arg3[%dma_wait3A_36, %dma_wait3A_37] : memref<10000x256xf32, #tpu.memory_space<hbm>> -> memref<10000x256xf32, #tpu.memory_space<hbm>>
      tpu.wait_indirect_dma semaphore(%arg15 : memref<!tpu.dma_semaphore, #tpu.memory_space<semaphore_mem>>) src(%dma_wait3A_38 : memref<10000x256xf32, #tpu.memory_space<hbm>>) dst(%arg11 : memref<40x256xf32, #tpu.memory_space<vmem>>)
      %add3A_39 = arith.constant 960 : i32
      %add3A_40 = arith.addi %add3A_13, %add3A_39 : i32
      %dma_start3A_41 = arith.constant 0 : i32
      %dma_start3A_42 = tpu.memref_slice %arg6[%add3A_40, %dma_start3A_41] : memref<160000x256xf32, #tpu.memory_space<hbm>> -> memref<40x256xf32, #tpu.memory_space<hbm>>
      %dma_start3A_43 = arith.constant 0 : i32
      %dma_start3A_44 = tpu.memref_slice %arg6[%add3A_40, %dma_start3A_43] : memref<160000x256xf32, #tpu.memory_space<hbm>> -> memref<40x256xf32, #tpu.memory_space<hbm>>
      tpu.enqueue_dma source(%arg10 : memref<40x256xf32, #tpu.memory_space<vmem>>) target(%dma_start3A_44 : memref<40x256xf32, #tpu.memory_space<hbm>>) target_semaphore(%arg14 : memref<!tpu.dma_semaphore, #tpu.memory_space<semaphore_mem>>)
      %add3A_45 = arith.constant 960 : i32
      %add3A_46 = arith.addi %add3A_13, %add3A_45 : i32
      %dma_start3A_47 = arith.constant 0 : i32
      %dma_start3A_48 = tpu.memref_slice %arg7[%add3A_46, %dma_start3A_47] : memref<160000x256xf32, #tpu.memory_space<hbm>> -> memref<40x256xf32, #tpu.memory_space<hbm>>
      %dma_start3A_49 = arith.constant 0 : i32
      %dma_start3A_50 = tpu.memref_slice %arg7[%add3A_46, %dma_start3A_49] : memref<160000x256xf32, #tpu.memory_space<hbm>> -> memref<40x256xf32, #tpu.memory_space<hbm>>
      tpu.enqueue_dma source(%arg11 : memref<40x256xf32, #tpu.memory_space<vmem>>) target(%dma_start3A_50 : memref<40x256xf32, #tpu.memory_space<hbm>>) target_semaphore(%arg15 : memref<!tpu.dma_semaphore, #tpu.memory_space<semaphore_mem>>)
      %dma_wait3A_51 = arith.constant 0 : i32
      %dma_wait3A_52 = tpu.memref_slice %arg6[%add3A_40, %dma_wait3A_51] : memref<160000x256xf32, #tpu.memory_space<hbm>> -> memref<40x256xf32, #tpu.memory_space<hbm>>
      %dma_wait3A_53 = arith.constant 0 : i32
      %dma_wait3A_54 = tpu.memref_slice %arg6[%add3A_40, %dma_wait3A_53] : memref<160000x256xf32, #tpu.memory_space<hbm>> -> memref<40x256xf32, #tpu.memory_space<hbm>>
      tpu.wait_dma2 semaphore(%arg14 : memref<!tpu.dma_semaphore, #tpu.memory_space<semaphore_mem>>) src(%arg10 : memref<40x256xf32, #tpu.memory_space<vmem>>) dst(%dma_wait3A_54 : memref<40x256xf32, #tpu.memory_space<hbm>>)
      %dma_wait3A_55 = arith.constant 0 : i32
      %dma_wait3A_56 = tpu.memref_slice %arg7[%add3A_46, %dma_wait3A_55] : memref<160000x256xf32, #tpu.memory_space<hbm>> -> memref<40x256xf32, #tpu.memory_space<hbm>>
      %dma_wait3A_57 = arith.constant 0 : i32
      %dma_wait3A_58 = tpu.memref_slice %arg7[%add3A_46, %dma_wait3A_57] : memref<160000x256xf32, #tpu.memory_space<hbm>> -> memref<40x256xf32, #tpu.memory_space<hbm>>
      tpu.wait_dma2 semaphore(%arg15 : memref<!tpu.dma_semaphore, #tpu.memory_space<semaphore_mem>>) src(%arg11 : memref<40x256xf32, #tpu.memory_space<vmem>>) dst(%dma_wait3A_58 : memref<40x256xf32, #tpu.memory_space<hbm>>)
      %scan3A_59 = arith.constant 0 : i32
      scf.yield %scan3A_59 : i32
    }
    %scan3A_8 = arith.constant 5 : i32
    return
  }
}

#map = affine_map<(d0, d1) -> (0)>
module attributes {stable_mosaic.version = 14 : i64} {
  func.func @_sc_segment_body(%arg0: i32, %arg1: i32, %arg2: memref<40960000xf32, #tpu.memory_space<hbm>>, %arg3: memref<160000xi32, #tpu.memory_space<hbm>>, %arg4: memref<2621440xf32, #tpu.memory_space<hbm>>, %arg5: memref<2621440xf32, #tpu.memory_space<hbm>>, %arg6: memref<2621440xf32, #tpu.memory_space<hbm>>, %arg7: memref<2621440xf32, #tpu.memory_space<hbm>>, %arg8: memref<10240xf32, #tpu.memory_space<hbm>>, %arg9: memref<20480xf32, #tpu.memory_space<vmem>>, %arg10: memref<20480xf32, #tpu.memory_space<vmem>>, %arg11: memref<20480xf32, #tpu.memory_space<vmem>>, %arg12: memref<20480xf32, #tpu.memory_space<vmem>>, %arg13: memref<10240xf32, #tpu.memory_space<vmem>>, %arg14: memref<12800xf32, #tpu.memory_space<vmem>>, %arg15: memref<6400xi32, #tpu.memory_space<vmem>>, %arg16: memref<10240xi32, #tpu.memory_space<vmem>>, %arg17: memref<!tpu.dma_semaphore, #tpu.memory_space<semaphore_mem>>) attributes {dimension_semantics = [#tpu.dimension_semantics<core_parallel>, #tpu.dimension_semantics<subcore_parallel>], iteration_bounds = array<i64: 2, 16>, scalar_prefetch = 0 : i64, scratch_operands = 9 : i64, tpu.core_type = #tpu.core_type<sc_vector_subcore>, window_params = [{transform_indices = #map}, {transform_indices = #map}, {transform_indices = #map}, {transform_indices = #map}, {transform_indices = #map}, {transform_indices = #map}, {transform_indices = #map}]} {
    %mul3A = arith.constant 2 : i32
    %mul3A_0 = arith.muli %arg1, %mul3A : i32
    %add3A = arith.addi %mul3A_0, %arg0 : i32
    %broadcast_in_dim3A = arith.constant 0.000000e+00 : f32
    %broadcast_in_dim3A_1 = vector.broadcast %broadcast_in_dim3A : f32 to vector<16xf32>
    %broadcast_in_dim3A_2 = arith.constant 3.000000e+38 : f32
    %broadcast_in_dim3A_3 = vector.broadcast %broadcast_in_dim3A_2 : f32 to vector<16xf32>
    %broadcast_in_dim3A_4 = arith.constant 1.000000e+00 : f32
    %broadcast_in_dim3A_5 = vector.broadcast %broadcast_in_dim3A_4 : f32 to vector<16xf32>
    %mul3A_6 = arith.constant 2 : i32
    %mul3A_7 = arith.muli %add3A, %mul3A_6 : i32
    %add3A_8 = arith.constant 0 : i32
    %add3A_9 = arith.addi %add3A_8, %mul3A_7 : i32
    %scan3A = arith.constant 0 : i32
    %scan3A_10 = arith.constant 0 : i32
    %scan3A_11 = arith.constant 1280 : i32
    %scan3A_12 = arith.addi %scan3A_10, %scan3A_11 : i32
    %scan3A_13 = arith.constant 1 : i32
    %scan3A_14 = scf.for %scan3A_307 = %scan3A_10 to %scan3A_12 step %scan3A_13 iter_args(%scan3A_308 = %scan3A) -> (i32)  : i32 {
      %mul3A_309 = arith.constant 16 : i32
      %mul3A_310 = arith.muli %scan3A_307, %mul3A_309 : i32
      %swap3A = arith.index_cast %mul3A_310 : i32 to index
      %swap3A_311 = tpu.vector_load %arg9[%swap3A] {strides = array<i32>} : memref<20480xf32, #tpu.memory_space<vmem>>, vector<16xf32>,
      tpu.vector_store %arg9[%swap3A], %broadcast_in_dim3A_1 {strides = array<i32>} : memref<20480xf32, #tpu.memory_space<vmem>>, vector<16xf32>,
      %scan3A_312 = arith.constant 0 : i32
      scf.yield %scan3A_312 : i32
    }
    %scan3A_15 = arith.constant 1280 : i32
    %scan3A_16 = arith.constant 0 : i32
    %scan3A_17 = arith.constant 0 : i32
    %scan3A_18 = arith.constant 1280 : i32
    %scan3A_19 = arith.addi %scan3A_17, %scan3A_18 : i32
    %scan3A_20 = arith.constant 1 : i32
    %scan3A_21 = scf.for %scan3A_307 = %scan3A_17 to %scan3A_19 step %scan3A_20 iter_args(%scan3A_308 = %scan3A_16) -> (i32)  : i32 {
      %mul3A_309 = arith.constant 16 : i32
      %mul3A_310 = arith.muli %scan3A_307, %mul3A_309 : i32
      %swap3A = arith.index_cast %mul3A_310 : i32 to index
      %swap3A_311 = tpu.vector_load %arg10[%swap3A] {strides = array<i32>} : memref<20480xf32, #tpu.memory_space<vmem>>, vector<16xf32>,
      tpu.vector_store %arg10[%swap3A], %broadcast_in_dim3A_1 {strides = array<i32>} : memref<20480xf32, #tpu.memory_space<vmem>>, vector<16xf32>,
      %scan3A_312 = arith.constant 0 : i32
      scf.yield %scan3A_312 : i32
    }
    %scan3A_22 = arith.constant 1280 : i32
    %scan3A_23 = arith.constant 0 : i32
    %scan3A_24 = arith.constant 0 : i32
    %scan3A_25 = arith.constant 1280 : i32
    %scan3A_26 = arith.addi %scan3A_24, %scan3A_25 : i32
    %scan3A_27 = arith.constant 1 : i32
    %scan3A_28 = scf.for %scan3A_307 = %scan3A_24 to %scan3A_26 step %scan3A_27 iter_args(%scan3A_308 = %scan3A_23) -> (i32)  : i32 {
      %mul3A_309 = arith.constant 16 : i32
      %mul3A_310 = arith.muli %scan3A_307, %mul3A_309 : i32
      %swap3A = arith.index_cast %mul3A_310 : i32 to index
      %swap3A_311 = tpu.vector_load %arg11[%swap3A] {strides = array<i32>} : memref<20480xf32, #tpu.memory_space<vmem>>, vector<16xf32>,
      tpu.vector_store %arg11[%swap3A], %broadcast_in_dim3A_3 {strides = array<i32>} : memref<20480xf32, #tpu.memory_space<vmem>>, vector<16xf32>,
      %scan3A_312 = arith.constant 0 : i32
      scf.yield %scan3A_312 : i32
    }
    %scan3A_29 = arith.constant 1280 : i32
    %neg3A = arith.constant 0.000000e+00 : f32
    %neg3A_30 = vector.broadcast %neg3A : f32 to vector<16xf32>
    %neg3A_31 = arith.subf %neg3A_30, %broadcast_in_dim3A_3 : vector<16xf32>
    %scan3A_32 = arith.constant 0 : i32
    %scan3A_33 = arith.constant 0 : i32
    %scan3A_34 = arith.constant 1280 : i32
    %scan3A_35 = arith.addi %scan3A_33, %scan3A_34 : i32
    %scan3A_36 = arith.constant 1 : i32
    %scan3A_37 = scf.for %scan3A_307 = %scan3A_33 to %scan3A_35 step %scan3A_36 iter_args(%scan3A_308 = %scan3A_32) -> (i32)  : i32 {
      %mul3A_309 = arith.constant 16 : i32
      %mul3A_310 = arith.muli %scan3A_307, %mul3A_309 : i32
      %swap3A = arith.index_cast %mul3A_310 : i32 to index
      %swap3A_311 = tpu.vector_load %arg12[%swap3A] {strides = array<i32>} : memref<20480xf32, #tpu.memory_space<vmem>>, vector<16xf32>,
      tpu.vector_store %arg12[%swap3A], %neg3A_31 {strides = array<i32>} : memref<20480xf32, #tpu.memory_space<vmem>>, vector<16xf32>,
      %scan3A_312 = arith.constant 0 : i32
      scf.yield %scan3A_312 : i32
    }
    %scan3A_38 = arith.constant 1280 : i32
    %eq3A = arith.constant 0 : i32
    %eq3A_39 = arith.cmpi eq, %add3A, %eq3A : i32
    %convert_element_type3A = arith.extui %eq3A_39 : i1 to i32
    %cond3A = arith.constant 0 : i32
    %cond3A_40 = arith.cmpi ne, %convert_element_type3A, %cond3A : i32
    scf.if %cond3A_40 {
      %scan3A_307 = arith.constant 0 : i32
      %scan3A_308 = arith.constant 0 : i32
      %scan3A_309 = arith.constant 640 : i32
      %scan3A_310 = arith.addi %scan3A_308, %scan3A_309 : i32
      %scan3A_311 = arith.constant 1 : i32
      %scan3A_312 = scf.for %scan3A_314 = %scan3A_308 to %scan3A_310 step %scan3A_311 iter_args(%scan3A_315 = %scan3A_307) -> (i32)  : i32 {
        %mul3A_316 = arith.constant 16 : i32
        %mul3A_317 = arith.muli %scan3A_314, %mul3A_316 : i32
        %swap3A = arith.index_cast %mul3A_317 : i32 to index
        %swap3A_318 = tpu.vector_load %arg13[%swap3A] {strides = array<i32>} : memref<10240xf32, #tpu.memory_space<vmem>>, vector<16xf32>,
        tpu.vector_store %arg13[%swap3A], %broadcast_in_dim3A_1 {strides = array<i32>} : memref<10240xf32, #tpu.memory_space<vmem>>, vector<16xf32>,
        %scan3A_319 = arith.constant 0 : i32
        scf.yield %scan3A_319 : i32
      }
      %scan3A_313 = arith.constant 640 : i32
    } else {
    }
    %scan3A_41 = arith.constant 0 : i32
    %scan3A_42 = arith.constant 0 : i32
    %scan3A_43 = arith.constant 25 : i32
    %scan3A_44 = arith.addi %scan3A_42, %scan3A_43 : i32
    %scan3A_45 = arith.constant 1 : i32
    %scan3A_46 = scf.for %scan3A_307 = %scan3A_42 to %scan3A_44 step %scan3A_45 iter_args(%scan3A_308 = %scan3A_41) -> (i32)  : i32 {
      %mul3A_309 = arith.constant 6400 : i32
      %mul3A_310 = arith.muli %scan3A_307, %mul3A_309 : i32
      %dma_start3A = tpu.memref_slice %arg3[%mul3A_310] : memref<160000xi32, #tpu.memory_space<hbm>> -> memref<6400xi32, #tpu.memory_space<hbm>>
      %dma_start3A_311 = tpu.memref_slice %arg3[%mul3A_310] : memref<160000xi32, #tpu.memory_space<hbm>> -> memref<6400xi32, #tpu.memory_space<hbm>>
      tpu.enqueue_dma source(%dma_start3A_311 : memref<6400xi32, #tpu.memory_space<hbm>>) target(%arg15 : memref<6400xi32, #tpu.memory_space<vmem>>) target_semaphore(%arg17 : memref<!tpu.dma_semaphore, #tpu.memory_space<semaphore_mem>>)
      %add3A_312 = arith.constant 0 : i32
      %add3A_313 = arith.addi %add3A_9, %add3A_312 : i32
      %mul3A_314 = arith.constant 160000 : i32
      %mul3A_315 = arith.muli %add3A_313, %mul3A_314 : i32
      %add3A_316 = arith.addi %mul3A_315, %mul3A_310 : i32
      %dma_start3A_317 = arith.constant 0 : i32
      %dma_start3A_318 = tpu.memref_slice %arg14[%dma_start3A_317] : memref<12800xf32, #tpu.memory_space<vmem>> -> memref<6400xf32, #tpu.memory_space<vmem>>
      %dma_start3A_319 = tpu.memref_slice %arg2[%add3A_316] : memref<40960000xf32, #tpu.memory_space<hbm>> -> memref<6400xf32, #tpu.memory_space<hbm>>
      %dma_start3A_320 = arith.constant 0 : i32
      %dma_start3A_321 = tpu.memref_slice %arg14[%dma_start3A_320] : memref<12800xf32, #tpu.memory_space<vmem>> -> memref<6400xf32, #tpu.memory_space<vmem>>
      %dma_start3A_322 = tpu.memref_slice %arg2[%add3A_316] : memref<40960000xf32, #tpu.memory_space<hbm>> -> memref<6400xf32, #tpu.memory_space<hbm>>
      tpu.enqueue_dma source(%dma_start3A_322 : memref<6400xf32, #tpu.memory_space<hbm>>) target(%dma_start3A_321 : memref<6400xf32, #tpu.memory_space<vmem>>) target_semaphore(%arg17 : memref<!tpu.dma_semaphore, #tpu.memory_space<semaphore_mem>>)
      %add3A_323 = arith.constant 1 : i32
      %add3A_324 = arith.addi %add3A_9, %add3A_323 : i32
      %mul3A_325 = arith.constant 160000 : i32
      %mul3A_326 = arith.muli %add3A_324, %mul3A_325 : i32
      %add3A_327 = arith.addi %mul3A_326, %mul3A_310 : i32
      %dma_start3A_328 = arith.constant 6400 : i32
      %dma_start3A_329 = tpu.memref_slice %arg14[%dma_start3A_328] : memref<12800xf32, #tpu.memory_space<vmem>> -> memref<6400xf32, #tpu.memory_space<vmem>>
      %dma_start3A_330 = tpu.memref_slice %arg2[%add3A_327] : memref<40960000xf32, #tpu.memory_space<hbm>> -> memref<6400xf32, #tpu.memory_space<hbm>>
      %dma_start3A_331 = arith.constant 6400 : i32
      %dma_start3A_332 = tpu.memref_slice %arg14[%dma_start3A_331] : memref<12800xf32, #tpu.memory_space<vmem>> -> memref<6400xf32, #tpu.memory_space<vmem>>
      %dma_start3A_333 = tpu.memref_slice %arg2[%add3A_327] : memref<40960000xf32, #tpu.memory_space<hbm>> -> memref<6400xf32, #tpu.memory_space<hbm>>
      tpu.enqueue_dma source(%dma_start3A_333 : memref<6400xf32, #tpu.memory_space<hbm>>) target(%dma_start3A_332 : memref<6400xf32, #tpu.memory_space<vmem>>) target_semaphore(%arg17 : memref<!tpu.dma_semaphore, #tpu.memory_space<semaphore_mem>>)
      %dma_wait3A = tpu.memref_slice %arg3[%mul3A_310] : memref<160000xi32, #tpu.memory_space<hbm>> -> memref<6400xi32, #tpu.memory_space<hbm>>
      %dma_wait3A_334 = tpu.memref_slice %arg3[%mul3A_310] : memref<160000xi32, #tpu.memory_space<hbm>> -> memref<6400xi32, #tpu.memory_space<hbm>>
      tpu.wait_dma2 semaphore(%arg17 : memref<!tpu.dma_semaphore, #tpu.memory_space<semaphore_mem>>) src(%dma_wait3A_334 : memref<6400xi32, #tpu.memory_space<hbm>>) dst(%arg15 : memref<6400xi32, #tpu.memory_space<vmem>>)
      %dma_wait3A_335 = arith.constant 0 : i32
      %dma_wait3A_336 = tpu.memref_slice %arg14[%dma_wait3A_335] : memref<12800xf32, #tpu.memory_space<vmem>> -> memref<6400xf32, #tpu.memory_space<vmem>>
      %dma_wait3A_337 = tpu.memref_slice %arg2[%add3A_316] : memref<40960000xf32, #tpu.memory_space<hbm>> -> memref<6400xf32, #tpu.memory_space<hbm>>
      %dma_wait3A_338 = arith.constant 0 : i32
      %dma_wait3A_339 = tpu.memref_slice %arg14[%dma_wait3A_338] : memref<12800xf32, #tpu.memory_space<vmem>> -> memref<6400xf32, #tpu.memory_space<vmem>>
      %dma_wait3A_340 = tpu.memref_slice %arg2[%add3A_316] : memref<40960000xf32, #tpu.memory_space<hbm>> -> memref<6400xf32, #tpu.memory_space<hbm>>
      tpu.wait_dma2 semaphore(%arg17 : memref<!tpu.dma_semaphore, #tpu.memory_space<semaphore_mem>>) src(%dma_wait3A_340 : memref<6400xf32, #tpu.memory_space<hbm>>) dst(%dma_wait3A_339 : memref<6400xf32, #tpu.memory_space<vmem>>)
      %dma_wait3A_341 = arith.constant 6400 : i32
      %dma_wait3A_342 = tpu.memref_slice %arg14[%dma_wait3A_341] : memref<12800xf32, #tpu.memory_space<vmem>> -> memref<6400xf32, #tpu.memory_space<vmem>>
      %dma_wait3A_343 = tpu.memref_slice %arg2[%add3A_327] : memref<40960000xf32, #tpu.memory_space<hbm>> -> memref<6400xf32, #tpu.memory_space<hbm>>
      %dma_wait3A_344 = arith.constant 6400 : i32
      %dma_wait3A_345 = tpu.memref_slice %arg14[%dma_wait3A_344] : memref<12800xf32, #tpu.memory_space<vmem>> -> memref<6400xf32, #tpu.memory_space<vmem>>
      %dma_wait3A_346 = tpu.memref_slice %arg2[%add3A_327] : memref<40960000xf32, #tpu.memory_space<hbm>> -> memref<6400xf32, #tpu.memory_space<hbm>>
      tpu.wait_dma2 semaphore(%arg17 : memref<!tpu.dma_semaphore, #tpu.memory_space<semaphore_mem>>) src(%dma_wait3A_346 : memref<6400xf32, #tpu.memory_space<hbm>>) dst(%dma_wait3A_345 : memref<6400xf32, #tpu.memory_space<vmem>>)
      %iota3A = tpu.iota {dimensions = array<i32: 0>} : vector<16xi32>
      %scan3A_347 = arith.constant 0 : i32
      %scan3A_348 = arith.constant 0 : i32
      %scan3A_349 = arith.constant 200 : i32
      %scan3A_350 = arith.addi %scan3A_348, %scan3A_349 : i32
      %scan3A_351 = arith.constant 1 : i32
      %scan3A_352 = scf.for %scan3A_355 = %scan3A_348 to %scan3A_350 step %scan3A_351 iter_args(%scan3A_356 = %scan3A_347) -> (i32)  : i32 {
        %mul3A_357 = arith.constant 2 : i32
        %mul3A_358 = arith.muli %mul3A_357, %scan3A_355 : i32
        %mul3A_359 = arith.constant 16 : i32
        %mul3A_360 = arith.muli %mul3A_358, %mul3A_359 : i32
        %get3A = arith.index_cast %mul3A_360 : i32 to index
        %get3A_361 = tpu.vector_load %arg15[%get3A] {strides = array<i32>} : memref<6400xi32, #tpu.memory_space<vmem>>, vector<16xi32>,
        tpu.vector_store_idx %arg16[%get3A_361], %iota3A : memref<10240xi32, #tpu.memory_space<vmem>>[vector<16xi32>], vector<16xi32>,
        %gather3A = tpu.vector_load_idx %arg16[%get3A_361] : memref<10240xi32, #tpu.memory_space<vmem>>[vector<16xi32>], vector<16xi32>,
        %eq3A_362 = arith.cmpi eq, %gather3A, %iota3A : vector<16xi32>
        %reduce_and3A = arith.constant 1.000000e+00 : f32
        %reduce_and3A_363 = arith.constant 0.000000e+00 : f32
        %reduce_and3A_364 = vector.broadcast %reduce_and3A : f32 to vector<16xf32>
        %reduce_and3A_365 = vector.broadcast %reduce_and3A_363 : f32 to vector<16xf32>
        %reduce_and3A_366 = arith.select %eq3A_362, %reduce_and3A_364, %reduce_and3A_365 : vector<16xi1>, vector<16xf32>
        %reduce_and3A_367 = arith.constant true
        %reduce_and3A_368 = vector.broadcast %reduce_and3A_367 : i1 to vector<16xi1>
        %reduce_and3A_369 = tpu.scan <min>, %reduce_and3A_366 masked %reduce_and3A_368 : vector<16xf32>, vector<16xi1> -> vector<16xf32>
        %reduce_and3A_370 = vector.extract %reduce_and3A_369[15] : f32 from vector<16xf32>
        %reduce_and3A_371 = arith.constant 0.000000e+00 : f32
        %reduce_and3A_372 = arith.cmpf ogt, %reduce_and3A_370, %reduce_and3A_371 : f32
        %mul3A_373 = arith.constant 16 : i32
        %mul3A_374 = arith.muli %mul3A_358, %mul3A_373 : i32
        %add3A_375 = arith.constant 0 : i32
        %add3A_376 = arith.addi %add3A_375, %mul3A_374 : i32
        %get3A_377 = arith.index_cast %add3A_376 : i32 to index
        %get3A_378 = tpu.vector_load %arg14[%get3A_377] {strides = array<i32>} : memref<12800xf32, #tpu.memory_space<vmem>>, vector<16xf32>,
        %mul3A_379 = arith.constant 16 : i32
        %mul3A_380 = arith.muli %mul3A_358, %mul3A_379 : i32
        %add3A_381 = arith.constant 6400 : i32
        %add3A_382 = arith.addi %add3A_381, %mul3A_380 : i32
        %get3A_383 = arith.index_cast %add3A_382 : i32 to index
        %get3A_384 = tpu.vector_load %arg14[%get3A_383] {strides = array<i32>} : memref<12800xf32, #tpu.memory_space<vmem>>, vector<16xf32>,
        %add3A_385 = arith.constant 0 : i32
        %add3A_386 = vector.broadcast %add3A_385 : i32 to vector<16xi32>
        %add3A_387 = arith.addi %get3A_361, %add3A_386 : vector<16xi32>
        %add3A_388 = arith.constant 10240 : i32
        %add3A_389 = vector.broadcast %add3A_388 : i32 to vector<16xi32>
        %add3A_390 = arith.addi %get3A_361, %add3A_389 : vector<16xi32>
        tpu.vector_store_idx %arg9[%add3A_387], %get3A_378 {add = true} : memref<20480xf32, #tpu.memory_space<vmem>>[vector<16xi32>], vector<16xf32>,
        %mul3A_391 = arith.mulf %get3A_378, %get3A_378 : vector<16xf32>
        tpu.vector_store_idx %arg10[%add3A_387], %mul3A_391 {add = true} : memref<20480xf32, #tpu.memory_space<vmem>>[vector<16xi32>], vector<16xf32>,
        tpu.vector_store_idx %arg9[%add3A_390], %get3A_384 {add = true} : memref<20480xf32, #tpu.memory_space<vmem>>[vector<16xi32>], vector<16xf32>,
        %mul3A_392 = arith.mulf %get3A_384, %get3A_384 : vector<16xf32>
        tpu.vector_store_idx %arg10[%add3A_390], %mul3A_392 {add = true} : memref<20480xf32, #tpu.memory_space<vmem>>[vector<16xi32>], vector<16xf32>,
        %convert_element_type3A_393 = arith.extui %reduce_and3A_372 : i1 to i32
        %cond3A_394 = arith.constant 0 : i32
        %cond3A_395 = arith.cmpi ne, %convert_element_type3A_393, %cond3A_394 : i32
        scf.if %cond3A_395 {
          %gather3A_460 = tpu.vector_load_idx %arg11[%add3A_387] : memref<20480xf32, #tpu.memory_space<vmem>>[vector<16xi32>], vector<16xf32>,
          %min3A = arith.minimumf %gather3A_460, %get3A_378 : vector<16xf32>
          tpu.vector_store_idx %arg11[%add3A_387], %min3A : memref<20480xf32, #tpu.memory_space<vmem>>[vector<16xi32>], vector<16xf32>,
          %gather3A_461 = tpu.vector_load_idx %arg12[%add3A_387] : memref<20480xf32, #tpu.memory_space<vmem>>[vector<16xi32>], vector<16xf32>,
          %max3A = arith.maximumf %gather3A_461, %get3A_378 : vector<16xf32>
          tpu.vector_store_idx %arg12[%add3A_387], %max3A : memref<20480xf32, #tpu.memory_space<vmem>>[vector<16xi32>], vector<16xf32>,
          %gather3A_462 = tpu.vector_load_idx %arg11[%add3A_390] : memref<20480xf32, #tpu.memory_space<vmem>>[vector<16xi32>], vector<16xf32>,
          %min3A_463 = arith.minimumf %gather3A_462, %get3A_384 : vector<16xf32>
          tpu.vector_store_idx %arg11[%add3A_390], %min3A_463 : memref<20480xf32, #tpu.memory_space<vmem>>[vector<16xi32>], vector<16xf32>,
          %gather3A_464 = tpu.vector_load_idx %arg12[%add3A_390] : memref<20480xf32, #tpu.memory_space<vmem>>[vector<16xi32>], vector<16xf32>,
          %max3A_465 = arith.maximumf %gather3A_464, %get3A_384 : vector<16xf32>
          tpu.vector_store_idx %arg12[%add3A_390], %max3A_465 : memref<20480xf32, #tpu.memory_space<vmem>>[vector<16xi32>], vector<16xf32>,
        } else {
        }
        %not3A = arith.constant true
        %not3A_396 = arith.xori %reduce_and3A_372, %not3A : i1
        %convert_element_type3A_397 = arith.extui %not3A_396 : i1 to i32
        %cond3A_398 = arith.constant 0 : i32
        %cond3A_399 = arith.cmpi ne, %convert_element_type3A_397, %cond3A_398 : i32
        scf.if %cond3A_399 {
          %while3A = arith.constant true
          %while3A_460 = scf.while (%while3A_467 = %while3A) : (i1) -> i1 {
            scf.condition(%while3A_467) %while3A_467 : i1
          } do {
          ^bb0(%while3A_467: i1):
            %gather3A_468 = tpu.vector_load_idx %arg11[%add3A_387] : memref<20480xf32, #tpu.memory_space<vmem>>[vector<16xi32>], vector<16xf32>,
            %lt3A = arith.cmpf olt, %get3A_378, %gather3A_468 : vector<16xf32>
            tpu.vector_store_idx %arg11[%add3A_387], %get3A_378 masked %lt3A : memref<20480xf32, #tpu.memory_space<vmem>>[vector<16xi32>], vector<16xf32>, vector<16xi1>
            %reduce_or3A = arith.constant 1.000000e+00 : f32
            %reduce_or3A_469 = arith.constant 0.000000e+00 : f32
            %reduce_or3A_470 = vector.broadcast %reduce_or3A : f32 to vector<16xf32>
            %reduce_or3A_471 = vector.broadcast %reduce_or3A_469 : f32 to vector<16xf32>
            %reduce_or3A_472 = arith.select %lt3A, %reduce_or3A_470, %reduce_or3A_471 : vector<16xi1>, vector<16xf32>
            %reduce_or3A_473 = arith.constant true
            %reduce_or3A_474 = vector.broadcast %reduce_or3A_473 : i1 to vector<16xi1>
            %reduce_or3A_475 = tpu.scan <max>, %reduce_or3A_472 masked %reduce_or3A_474 : vector<16xf32>, vector<16xi1> -> vector<16xf32>
            %reduce_or3A_476 = vector.extract %reduce_or3A_475[15] : f32 from vector<16xf32>
            %reduce_or3A_477 = arith.constant 0.000000e+00 : f32
            %reduce_or3A_478 = arith.cmpf ogt, %reduce_or3A_476, %reduce_or3A_477 : f32
            scf.yield %reduce_or3A_478 : i1
          }
          %while3A_461 = arith.constant true
          %while3A_462 = scf.while (%while3A_467 = %while3A_461) : (i1) -> i1 {
            scf.condition(%while3A_467) %while3A_467 : i1
          } do {
          ^bb0(%while3A_467: i1):
            %gather3A_468 = tpu.vector_load_idx %arg12[%add3A_387] : memref<20480xf32, #tpu.memory_space<vmem>>[vector<16xi32>], vector<16xf32>,
            %gt3A = arith.cmpf ogt, %get3A_378, %gather3A_468 : vector<16xf32>
            tpu.vector_store_idx %arg12[%add3A_387], %get3A_378 masked %gt3A : memref<20480xf32, #tpu.memory_space<vmem>>[vector<16xi32>], vector<16xf32>, vector<16xi1>
            %reduce_or3A = arith.constant 1.000000e+00 : f32
            %reduce_or3A_469 = arith.constant 0.000000e+00 : f32
            %reduce_or3A_470 = vector.broadcast %reduce_or3A : f32 to vector<16xf32>
            %reduce_or3A_471 = vector.broadcast %reduce_or3A_469 : f32 to vector<16xf32>
            %reduce_or3A_472 = arith.select %gt3A, %reduce_or3A_470, %reduce_or3A_471 : vector<16xi1>, vector<16xf32>
            %reduce_or3A_473 = arith.constant true
            %reduce_or3A_474 = vector.broadcast %reduce_or3A_473 : i1 to vector<16xi1>
            %reduce_or3A_475 = tpu.scan <max>, %reduce_or3A_472 masked %reduce_or3A_474 : vector<16xf32>, vector<16xi1> -> vector<16xf32>
            %reduce_or3A_476 = vector.extract %reduce_or3A_475[15] : f32 from vector<16xf32>
            %reduce_or3A_477 = arith.constant 0.000000e+00 : f32
            %reduce_or3A_478 = arith.cmpf ogt, %reduce_or3A_476, %reduce_or3A_477 : f32
            scf.yield %reduce_or3A_478 : i1
          }
          %while3A_463 = arith.constant true
          %while3A_464 = scf.while (%while3A_467 = %while3A_463) : (i1) -> i1 {
            scf.condition(%while3A_467) %while3A_467 : i1
          } do {
          ^bb0(%while3A_467: i1):
            %gather3A_468 = tpu.vector_load_idx %arg11[%add3A_390] : memref<20480xf32, #tpu.memory_space<vmem>>[vector<16xi32>], vector<16xf32>,
            %lt3A = arith.cmpf olt, %get3A_384, %gather3A_468 : vector<16xf32>
            tpu.vector_store_idx %arg11[%add3A_390], %get3A_384 masked %lt3A : memref<20480xf32, #tpu.memory_space<vmem>>[vector<16xi32>], vector<16xf32>, vector<16xi1>
            %reduce_or3A = arith.constant 1.000000e+00 : f32
            %reduce_or3A_469 = arith.constant 0.000000e+00 : f32
            %reduce_or3A_470 = vector.broadcast %reduce_or3A : f32 to vector<16xf32>
            %reduce_or3A_471 = vector.broadcast %reduce_or3A_469 : f32 to vector<16xf32>
            %reduce_or3A_472 = arith.select %lt3A, %reduce_or3A_470, %reduce_or3A_471 : vector<16xi1>, vector<16xf32>
            %reduce_or3A_473 = arith.constant true
            %reduce_or3A_474 = vector.broadcast %reduce_or3A_473 : i1 to vector<16xi1>
            %reduce_or3A_475 = tpu.scan <max>, %reduce_or3A_472 masked %reduce_or3A_474 : vector<16xf32>, vector<16xi1> -> vector<16xf32>
            %reduce_or3A_476 = vector.extract %reduce_or3A_475[15] : f32 from vector<16xf32>
            %reduce_or3A_477 = arith.constant 0.000000e+00 : f32
            %reduce_or3A_478 = arith.cmpf ogt, %reduce_or3A_476, %reduce_or3A_477 : f32
            scf.yield %reduce_or3A_478 : i1
          }
          %while3A_465 = arith.constant true
          %while3A_466 = scf.while (%while3A_467 = %while3A_465) : (i1) -> i1 {
            scf.condition(%while3A_467) %while3A_467 : i1
          } do {
          ^bb0(%while3A_467: i1):
            %gather3A_468 = tpu.vector_load_idx %arg12[%add3A_390] : memref<20480xf32, #tpu.memory_space<vmem>>[vector<16xi32>], vector<16xf32>,
            %gt3A = arith.cmpf ogt, %get3A_384, %gather3A_468 : vector<16xf32>
            tpu.vector_store_idx %arg12[%add3A_390], %get3A_384 masked %gt3A : memref<20480xf32, #tpu.memory_space<vmem>>[vector<16xi32>], vector<16xf32>, vector<16xi1>
            %reduce_or3A = arith.constant 1.000000e+00 : f32
            %reduce_or3A_469 = arith.constant 0.000000e+00 : f32
            %reduce_or3A_470 = vector.broadcast %reduce_or3A : f32 to vector<16xf32>
            %reduce_or3A_471 = vector.broadcast %reduce_or3A_469 : f32 to vector<16xf32>
            %reduce_or3A_472 = arith.select %gt3A, %reduce_or3A_470, %reduce_or3A_471 : vector<16xi1>, vector<16xf32>
            %reduce_or3A_473 = arith.constant true
            %reduce_or3A_474 = vector.broadcast %reduce_or3A_473 : i1 to vector<16xi1>
            %reduce_or3A_475 = tpu.scan <max>, %reduce_or3A_472 masked %reduce_or3A_474 : vector<16xf32>, vector<16xi1> -> vector<16xf32>
            %reduce_or3A_476 = vector.extract %reduce_or3A_475[15] : f32 from vector<16xf32>
            %reduce_or3A_477 = arith.constant 0.000000e+00 : f32
            %reduce_or3A_478 = arith.cmpf ogt, %reduce_or3A_476, %reduce_or3A_477 : f32
            scf.yield %reduce_or3A_478 : i1
          }
        } else {
        }
        %eq3A_400 = arith.constant 0 : i32
        %eq3A_401 = arith.cmpi eq, %add3A, %eq3A_400 : i32
        %convert_element_type3A_402 = arith.extui %eq3A_401 : i1 to i32
        %cond3A_403 = arith.constant 0 : i32
        %cond3A_404 = arith.cmpi ne, %convert_element_type3A_402, %cond3A_403 : i32
        scf.if %cond3A_404 {
          tpu.vector_store_idx %arg13[%get3A_361], %broadcast_in_dim3A_5 {add = true} : memref<10240xf32, #tpu.memory_space<vmem>>[vector<16xi32>], vector<16xf32>,
        } else {
        }
        %mul3A_405 = arith.constant 2 : i32
        %mul3A_406 = arith.muli %mul3A_405, %scan3A_355 : i32
        %add3A_407 = arith.constant 1 : i32
        %add3A_408 = arith.addi %mul3A_406, %add3A_407 : i32
        %mul3A_409 = arith.constant 16 : i32
        %mul3A_410 = arith.muli %add3A_408, %mul3A_409 : i32
        %get3A_411 = arith.index_cast %mul3A_410 : i32 to index
        %get3A_412 = tpu.vector_load %arg15[%get3A_411] {strides = array<i32>} : memref<6400xi32, #tpu.memory_space<vmem>>, vector<16xi32>,
        tpu.vector_store_idx %arg16[%get3A_412], %iota3A : memref<10240xi32, #tpu.memory_space<vmem>>[vector<16xi32>], vector<16xi32>,
        %gather3A_413 = tpu.vector_load_idx %arg16[%get3A_412] : memref<10240xi32, #tpu.memory_space<vmem>>[vector<16xi32>], vector<16xi32>,
        %eq3A_414 = arith.cmpi eq, %gather3A_413, %iota3A : vector<16xi32>
        %reduce_and3A_415 = arith.constant 1.000000e+00 : f32
        %reduce_and3A_416 = arith.constant 0.000000e+00 : f32
        %reduce_and3A_417 = vector.broadcast %reduce_and3A_415 : f32 to vector<16xf32>
        %reduce_and3A_418 = vector.broadcast %reduce_and3A_416 : f32 to vector<16xf32>
        %reduce_and3A_419 = arith.select %eq3A_414, %reduce_and3A_417, %reduce_and3A_418 : vector<16xi1>, vector<16xf32>
        %reduce_and3A_420 = arith.constant true
        %reduce_and3A_421 = vector.broadcast %reduce_and3A_420 : i1 to vector<16xi1>
        %reduce_and3A_422 = tpu.scan <min>, %reduce_and3A_419 masked %reduce_and3A_421 : vector<16xf32>, vector<16xi1> -> vector<16xf32>
        %reduce_and3A_423 = vector.extract %reduce_and3A_422[15] : f32 from vector<16xf32>
        %reduce_and3A_424 = arith.constant 0.000000e+00 : f32
        %reduce_and3A_425 = arith.cmpf ogt, %reduce_and3A_423, %reduce_and3A_424 : f32
        %mul3A_426 = arith.constant 16 : i32
        %mul3A_427 = arith.muli %add3A_408, %mul3A_426 : i32
        %add3A_428 = arith.constant 0 : i32
        %add3A_429 = arith.addi %add3A_428, %mul3A_427 : i32
        %get3A_430 = arith.index_cast %add3A_429 : i32 to index
        %get3A_431 = tpu.vector_load %arg14[%get3A_430] {strides = array<i32>} : memref<12800xf32, #tpu.memory_space<vmem>>, vector<16xf32>,
        %mul3A_432 = arith.constant 16 : i32
        %mul3A_433 = arith.muli %add3A_408, %mul3A_432 : i32
        %add3A_434 = arith.constant 6400 : i32
        %add3A_435 = arith.addi %add3A_434, %mul3A_433 : i32
        %get3A_436 = arith.index_cast %add3A_435 : i32 to index
        %get3A_437 = tpu.vector_load %arg14[%get3A_436] {strides = array<i32>} : memref<12800xf32, #tpu.memory_space<vmem>>, vector<16xf32>,
        %add3A_438 = arith.constant 0 : i32
        %add3A_439 = vector.broadcast %add3A_438 : i32 to vector<16xi32>
        %add3A_440 = arith.addi %get3A_412, %add3A_439 : vector<16xi32>
        %add3A_441 = arith.constant 10240 : i32
        %add3A_442 = vector.broadcast %add3A_441 : i32 to vector<16xi32>
        %add3A_443 = arith.addi %get3A_412, %add3A_442 : vector<16xi32>
        tpu.vector_store_idx %arg9[%add3A_440], %get3A_431 {add = true} : memref<20480xf32, #tpu.memory_space<vmem>>[vector<16xi32>], vector<16xf32>,
        %mul3A_444 = arith.mulf %get3A_431, %get3A_431 : vector<16xf32>
        tpu.vector_store_idx %arg10[%add3A_440], %mul3A_444 {add = true} : memref<20480xf32, #tpu.memory_space<vmem>>[vector<16xi32>], vector<16xf32>,
        tpu.vector_store_idx %arg9[%add3A_443], %get3A_437 {add = true} : memref<20480xf32, #tpu.memory_space<vmem>>[vector<16xi32>], vector<16xf32>,
        %mul3A_445 = arith.mulf %get3A_437, %get3A_437 : vector<16xf32>
        tpu.vector_store_idx %arg10[%add3A_443], %mul3A_445 {add = true} : memref<20480xf32, #tpu.memory_space<vmem>>[vector<16xi32>], vector<16xf32>,
        %convert_element_type3A_446 = arith.extui %reduce_and3A_425 : i1 to i32
        %cond3A_447 = arith.constant 0 : i32
        %cond3A_448 = arith.cmpi ne, %convert_element_type3A_446, %cond3A_447 : i32
        scf.if %cond3A_448 {
          %gather3A_460 = tpu.vector_load_idx %arg11[%add3A_440] : memref<20480xf32, #tpu.memory_space<vmem>>[vector<16xi32>], vector<16xf32>,
          %min3A = arith.minimumf %gather3A_460, %get3A_431 : vector<16xf32>
          tpu.vector_store_idx %arg11[%add3A_440], %min3A : memref<20480xf32, #tpu.memory_space<vmem>>[vector<16xi32>], vector<16xf32>,
          %gather3A_461 = tpu.vector_load_idx %arg12[%add3A_440] : memref<20480xf32, #tpu.memory_space<vmem>>[vector<16xi32>], vector<16xf32>,
          %max3A = arith.maximumf %gather3A_461, %get3A_431 : vector<16xf32>
          tpu.vector_store_idx %arg12[%add3A_440], %max3A : memref<20480xf32, #tpu.memory_space<vmem>>[vector<16xi32>], vector<16xf32>,
          %gather3A_462 = tpu.vector_load_idx %arg11[%add3A_443] : memref<20480xf32, #tpu.memory_space<vmem>>[vector<16xi32>], vector<16xf32>,
          %min3A_463 = arith.minimumf %gather3A_462, %get3A_437 : vector<16xf32>
          tpu.vector_store_idx %arg11[%add3A_443], %min3A_463 : memref<20480xf32, #tpu.memory_space<vmem>>[vector<16xi32>], vector<16xf32>,
          %gather3A_464 = tpu.vector_load_idx %arg12[%add3A_443] : memref<20480xf32, #tpu.memory_space<vmem>>[vector<16xi32>], vector<16xf32>,
          %max3A_465 = arith.maximumf %gather3A_464, %get3A_437 : vector<16xf32>
          tpu.vector_store_idx %arg12[%add3A_443], %max3A_465 : memref<20480xf32, #tpu.memory_space<vmem>>[vector<16xi32>], vector<16xf32>,
        } else {
        }
        %not3A_449 = arith.constant true
        %not3A_450 = arith.xori %reduce_and3A_425, %not3A_449 : i1
        %convert_element_type3A_451 = arith.extui %not3A_450 : i1 to i32
        %cond3A_452 = arith.constant 0 : i32
        %cond3A_453 = arith.cmpi ne, %convert_element_type3A_451, %cond3A_452 : i32
        scf.if %cond3A_453 {
          %while3A = arith.constant true
          %while3A_460 = scf.while (%while3A_467 = %while3A) : (i1) -> i1 {
            scf.condition(%while3A_467) %while3A_467 : i1
          } do {
          ^bb0(%while3A_467: i1):
            %gather3A_468 = tpu.vector_load_idx %arg11[%add3A_440] : memref<20480xf32, #tpu.memory_space<vmem>>[vector<16xi32>], vector<16xf32>,
            %lt3A = arith.cmpf olt, %get3A_431, %gather3A_468 : vector<16xf32>
            tpu.vector_store_idx %arg11[%add3A_440], %get3A_431 masked %lt3A : memref<20480xf32, #tpu.memory_space<vmem>>[vector<16xi32>], vector<16xf32>, vector<16xi1>
            %reduce_or3A = arith.constant 1.000000e+00 : f32
            %reduce_or3A_469 = arith.constant 0.000000e+00 : f32
            %reduce_or3A_470 = vector.broadcast %reduce_or3A : f32 to vector<16xf32>
            %reduce_or3A_471 = vector.broadcast %reduce_or3A_469 : f32 to vector<16xf32>
            %reduce_or3A_472 = arith.select %lt3A, %reduce_or3A_470, %reduce_or3A_471 : vector<16xi1>, vector<16xf32>
            %reduce_or3A_473 = arith.constant true
            %reduce_or3A_474 = vector.broadcast %reduce_or3A_473 : i1 to vector<16xi1>
            %reduce_or3A_475 = tpu.scan <max>, %reduce_or3A_472 masked %reduce_or3A_474 : vector<16xf32>, vector<16xi1> -> vector<16xf32>
            %reduce_or3A_476 = vector.extract %reduce_or3A_475[15] : f32 from vector<16xf32>
            %reduce_or3A_477 = arith.constant 0.000000e+00 : f32
            %reduce_or3A_478 = arith.cmpf ogt, %reduce_or3A_476, %reduce_or3A_477 : f32
            scf.yield %reduce_or3A_478 : i1
          }
          %while3A_461 = arith.constant true
          %while3A_462 = scf.while (%while3A_467 = %while3A_461) : (i1) -> i1 {
            scf.condition(%while3A_467) %while3A_467 : i1
          } do {
          ^bb0(%while3A_467: i1):
            %gather3A_468 = tpu.vector_load_idx %arg12[%add3A_440] : memref<20480xf32, #tpu.memory_space<vmem>>[vector<16xi32>], vector<16xf32>,
            %gt3A = arith.cmpf ogt, %get3A_431, %gather3A_468 : vector<16xf32>
            tpu.vector_store_idx %arg12[%add3A_440], %get3A_431 masked %gt3A : memref<20480xf32, #tpu.memory_space<vmem>>[vector<16xi32>], vector<16xf32>, vector<16xi1>
            %reduce_or3A = arith.constant 1.000000e+00 : f32
            %reduce_or3A_469 = arith.constant 0.000000e+00 : f32
            %reduce_or3A_470 = vector.broadcast %reduce_or3A : f32 to vector<16xf32>
            %reduce_or3A_471 = vector.broadcast %reduce_or3A_469 : f32 to vector<16xf32>
            %reduce_or3A_472 = arith.select %gt3A, %reduce_or3A_470, %reduce_or3A_471 : vector<16xi1>, vector<16xf32>
            %reduce_or3A_473 = arith.constant true
            %reduce_or3A_474 = vector.broadcast %reduce_or3A_473 : i1 to vector<16xi1>
            %reduce_or3A_475 = tpu.scan <max>, %reduce_or3A_472 masked %reduce_or3A_474 : vector<16xf32>, vector<16xi1> -> vector<16xf32>
            %reduce_or3A_476 = vector.extract %reduce_or3A_475[15] : f32 from vector<16xf32>
            %reduce_or3A_477 = arith.constant 0.000000e+00 : f32
            %reduce_or3A_478 = arith.cmpf ogt, %reduce_or3A_476, %reduce_or3A_477 : f32
            scf.yield %reduce_or3A_478 : i1
          }
          %while3A_463 = arith.constant true
          %while3A_464 = scf.while (%while3A_467 = %while3A_463) : (i1) -> i1 {
            scf.condition(%while3A_467) %while3A_467 : i1
          } do {
          ^bb0(%while3A_467: i1):
            %gather3A_468 = tpu.vector_load_idx %arg11[%add3A_443] : memref<20480xf32, #tpu.memory_space<vmem>>[vector<16xi32>], vector<16xf32>,
            %lt3A = arith.cmpf olt, %get3A_437, %gather3A_468 : vector<16xf32>
            tpu.vector_store_idx %arg11[%add3A_443], %get3A_437 masked %lt3A : memref<20480xf32, #tpu.memory_space<vmem>>[vector<16xi32>], vector<16xf32>, vector<16xi1>
            %reduce_or3A = arith.constant 1.000000e+00 : f32
            %reduce_or3A_469 = arith.constant 0.000000e+00 : f32
            %reduce_or3A_470 = vector.broadcast %reduce_or3A : f32 to vector<16xf32>
            %reduce_or3A_471 = vector.broadcast %reduce_or3A_469 : f32 to vector<16xf32>
            %reduce_or3A_472 = arith.select %lt3A, %reduce_or3A_470, %reduce_or3A_471 : vector<16xi1>, vector<16xf32>
            %reduce_or3A_473 = arith.constant true
            %reduce_or3A_474 = vector.broadcast %reduce_or3A_473 : i1 to vector<16xi1>
            %reduce_or3A_475 = tpu.scan <max>, %reduce_or3A_472 masked %reduce_or3A_474 : vector<16xf32>, vector<16xi1> -> vector<16xf32>
            %reduce_or3A_476 = vector.extract %reduce_or3A_475[15] : f32 from vector<16xf32>
            %reduce_or3A_477 = arith.constant 0.000000e+00 : f32
            %reduce_or3A_478 = arith.cmpf ogt, %reduce_or3A_476, %reduce_or3A_477 : f32
            scf.yield %reduce_or3A_478 : i1
          }
          %while3A_465 = arith.constant true
          %while3A_466 = scf.while (%while3A_467 = %while3A_465) : (i1) -> i1 {
            scf.condition(%while3A_467) %while3A_467 : i1
          } do {
          ^bb0(%while3A_467: i1):
            %gather3A_468 = tpu.vector_load_idx %arg12[%add3A_443] : memref<20480xf32, #tpu.memory_space<vmem>>[vector<16xi32>], vector<16xf32>,
            %gt3A = arith.cmpf ogt, %get3A_437, %gather3A_468 : vector<16xf32>
            tpu.vector_store_idx %arg12[%add3A_443], %get3A_437 masked %gt3A : memref<20480xf32, #tpu.memory_space<vmem>>[vector<16xi32>], vector<16xf32>, vector<16xi1>
            %reduce_or3A = arith.constant 1.000000e+00 : f32
            %reduce_or3A_469 = arith.constant 0.000000e+00 : f32
            %reduce_or3A_470 = vector.broadcast %reduce_or3A : f32 to vector<16xf32>
            %reduce_or3A_471 = vector.broadcast %reduce_or3A_469 : f32 to vector<16xf32>
            %reduce_or3A_472 = arith.select %gt3A, %reduce_or3A_470, %reduce_or3A_471 : vector<16xi1>, vector<16xf32>
            %reduce_or3A_473 = arith.constant true
            %reduce_or3A_474 = vector.broadcast %reduce_or3A_473 : i1 to vector<16xi1>
            %reduce_or3A_475 = tpu.scan <max>, %reduce_or3A_472 masked %reduce_or3A_474 : vector<16xf32>, vector<16xi1> -> vector<16xf32>
            %reduce_or3A_476 = vector.extract %reduce_or3A_475[15] : f32 from vector<16xf32>
            %reduce_or3A_477 = arith.constant 0.000000e+00 : f32
            %reduce_or3A_478 = arith.cmpf ogt, %reduce_or3A_476, %reduce_or3A_477 : f32
            scf.yield %reduce_or3A_478 : i1
          }
        } else {
        }
        %eq3A_454 = arith.constant 0 : i32
        %eq3A_455 = arith.cmpi eq, %add3A, %eq3A_454 : i32
        %convert_element_type3A_456 = arith.extui %eq3A_455 : i1 to i32
        %cond3A_457 = arith.constant 0 : i32
        %cond3A_458 = arith.cmpi ne, %convert_element_type3A_456, %cond3A_457 : i32
        scf.if %cond3A_458 {
          tpu.vector_store_idx %arg13[%get3A_412], %broadcast_in_dim3A_5 {add = true} : memref<10240xf32, #tpu.memory_space<vmem>>[vector<16xi32>], vector<16xf32>,
        } else {
        }
        %scan3A_459 = arith.constant 0 : i32
        scf.yield %scan3A_459 : i32
      }
      %scan3A_353 = arith.constant 200 : i32
      %scan3A_354 = arith.constant 0 : i32
      scf.yield %scan3A_354 : i32
    }
    %scan3A_47 = arith.constant 25 : i32
    %add3A_48 = arith.constant 0 : i32
    %add3A_49 = arith.addi %add3A_9, %add3A_48 : i32
    %mul3A_50 = arith.constant 10240 : i32
    %mul3A_51 = arith.muli %add3A_49, %mul3A_50 : i32
    "tpu.region"() ({
      %run_scoped3A = tpu.sem_alloc : memref<!tpu.dma_semaphore, #tpu.memory_space<semaphore_mem>>
      %dma_start3A = arith.constant 0 : i32
      %dma_start3A_307 = tpu.memref_slice %arg9[%dma_start3A] : memref<20480xf32, #tpu.memory_space<vmem>> -> memref<10240xf32, #tpu.memory_space<vmem>>
      %dma_start3A_308 = tpu.memref_slice %arg4[%mul3A_51] : memref<2621440xf32, #tpu.memory_space<hbm>> -> memref<10240xf32, #tpu.memory_space<hbm>>
      %dma_start3A_309 = tpu.memref_slice %arg4[%mul3A_51] : memref<2621440xf32, #tpu.memory_space<hbm>> -> memref<10240xf32, #tpu.memory_space<hbm>>
      %dma_start3A_310 = arith.constant 0 : i32
      %dma_start3A_311 = tpu.memref_slice %arg9[%dma_start3A_310] : memref<20480xf32, #tpu.memory_space<vmem>> -> memref<10240xf32, #tpu.memory_space<vmem>>
      tpu.enqueue_dma source(%dma_start3A_311 : memref<10240xf32, #tpu.memory_space<vmem>>) target(%dma_start3A_309 : memref<10240xf32, #tpu.memory_space<hbm>>) target_semaphore(%run_scoped3A : memref<!tpu.dma_semaphore, #tpu.memory_space<semaphore_mem>>)
      %dma_wait3A = arith.constant 0 : i32
      %dma_wait3A_312 = tpu.memref_slice %arg9[%dma_wait3A] : memref<20480xf32, #tpu.memory_space<vmem>> -> memref<10240xf32, #tpu.memory_space<vmem>>
      %dma_wait3A_313 = tpu.memref_slice %arg4[%mul3A_51] : memref<2621440xf32, #tpu.memory_space<hbm>> -> memref<10240xf32, #tpu.memory_space<hbm>>
      %dma_wait3A_314 = tpu.memref_slice %arg4[%mul3A_51] : memref<2621440xf32, #tpu.memory_space<hbm>> -> memref<10240xf32, #tpu.memory_space<hbm>>
      %dma_wait3A_315 = arith.constant 0 : i32
      %dma_wait3A_316 = tpu.memref_slice %arg9[%dma_wait3A_315] : memref<20480xf32, #tpu.memory_space<vmem>> -> memref<10240xf32, #tpu.memory_space<vmem>>
      tpu.wait_dma2 semaphore(%run_scoped3A : memref<!tpu.dma_semaphore, #tpu.memory_space<semaphore_mem>>) src(%dma_wait3A_316 : memref<10240xf32, #tpu.memory_space<vmem>>) dst(%dma_wait3A_314 : memref<10240xf32, #tpu.memory_space<hbm>>)
      tpu.yield
    }) : () -> ()
    %add3A_52 = arith.constant 0 : i32
    %add3A_53 = arith.addi %add3A_9, %add3A_52 : i32
    %mul3A_54 = arith.constant 10240 : i32
    %mul3A_55 = arith.muli %add3A_53, %mul3A_54 : i32
    "tpu.region"() ({
      %run_scoped3A = tpu.sem_alloc : memref<!tpu.dma_semaphore, #tpu.memory_space<semaphore_mem>>
      %dma_start3A = arith.constant 0 : i32
      %dma_start3A_307 = tpu.memref_slice %arg10[%dma_start3A] : memref<20480xf32, #tpu.memory_space<vmem>> -> memref<10240xf32, #tpu.memory_space<vmem>>
      %dma_start3A_308 = tpu.memref_slice %arg5[%mul3A_55] : memref<2621440xf32, #tpu.memory_space<hbm>> -> memref<10240xf32, #tpu.memory_space<hbm>>
      %dma_start3A_309 = tpu.memref_slice %arg5[%mul3A_55] : memref<2621440xf32, #tpu.memory_space<hbm>> -> memref<10240xf32, #tpu.memory_space<hbm>>
      %dma_start3A_310 = arith.constant 0 : i32
      %dma_start3A_311 = tpu.memref_slice %arg10[%dma_start3A_310] : memref<20480xf32, #tpu.memory_space<vmem>> -> memref<10240xf32, #tpu.memory_space<vmem>>
      tpu.enqueue_dma source(%dma_start3A_311 : memref<10240xf32, #tpu.memory_space<vmem>>) target(%dma_start3A_309 : memref<10240xf32, #tpu.memory_space<hbm>>) target_semaphore(%run_scoped3A : memref<!tpu.dma_semaphore, #tpu.memory_space<semaphore_mem>>)
      %dma_wait3A = arith.constant 0 : i32
      %dma_wait3A_312 = tpu.memref_slice %arg10[%dma_wait3A] : memref<20480xf32, #tpu.memory_space<vmem>> -> memref<10240xf32, #tpu.memory_space<vmem>>
      %dma_wait3A_313 = tpu.memref_slice %arg5[%mul3A_55] : memref<2621440xf32, #tpu.memory_space<hbm>> -> memref<10240xf32, #tpu.memory_space<hbm>>
      %dma_wait3A_314 = tpu.memref_slice %arg5[%mul3A_55] : memref<2621440xf32, #tpu.memory_space<hbm>> -> memref<10240xf32, #tpu.memory_space<hbm>>
      %dma_wait3A_315 = arith.constant 0 : i32
      %dma_wait3A_316 = tpu.memref_slice %arg10[%dma_wait3A_315] : memref<20480xf32, #tpu.memory_space<vmem>> -> memref<10240xf32, #tpu.memory_space<vmem>>
      tpu.wait_dma2 semaphore(%run_scoped3A : memref<!tpu.dma_semaphore, #tpu.memory_space<semaphore_mem>>) src(%dma_wait3A_316 : memref<10240xf32, #tpu.memory_space<vmem>>) dst(%dma_wait3A_314 : memref<10240xf32, #tpu.memory_space<hbm>>)
      tpu.yield
    }) : () -> ()
    %add3A_56 = arith.constant 0 : i32
    %add3A_57 = arith.addi %add3A_9, %add3A_56 : i32
    %mul3A_58 = arith.constant 10240 : i32
    %mul3A_59 = arith.muli %add3A_57, %mul3A_58 : i32
    "tpu.region"() ({
      %run_scoped3A = tpu.sem_alloc : memref<!tpu.dma_semaphore, #tpu.memory_space<semaphore_mem>>
      %dma_start3A = arith.constant 0 : i32
      %dma_start3A_307 = tpu.memref_slice %arg11[%dma_start3A] : memref<20480xf32, #tpu.memory_space<vmem>> -> memref<10240xf32, #tpu.memory_space<vmem>>
      %dma_start3A_308 = tpu.memref_slice %arg6[%mul3A_59] : memref<2621440xf32, #tpu.memory_space<hbm>> -> memref<10240xf32, #tpu.memory_space<hbm>>
      %dma_start3A_309 = tpu.memref_slice %arg6[%mul3A_59] : memref<2621440xf32, #tpu.memory_space<hbm>> -> memref<10240xf32, #tpu.memory_space<hbm>>
      %dma_start3A_310 = arith.constant 0 : i32
      %dma_start3A_311 = tpu.memref_slice %arg11[%dma_start3A_310] : memref<20480xf32, #tpu.memory_space<vmem>> -> memref<10240xf32, #tpu.memory_space<vmem>>
      tpu.enqueue_dma source(%dma_start3A_311 : memref<10240xf32, #tpu.memory_space<vmem>>) target(%dma_start3A_309 : memref<10240xf32, #tpu.memory_space<hbm>>) target_semaphore(%run_scoped3A : memref<!tpu.dma_semaphore, #tpu.memory_space<semaphore_mem>>)
      %dma_wait3A = arith.constant 0 : i32
      %dma_wait3A_312 = tpu.memref_slice %arg11[%dma_wait3A] : memref<20480xf32, #tpu.memory_space<vmem>> -> memref<10240xf32, #tpu.memory_space<vmem>>
      %dma_wait3A_313 = tpu.memref_slice %arg6[%mul3A_59] : memref<2621440xf32, #tpu.memory_space<hbm>> -> memref<10240xf32, #tpu.memory_space<hbm>>
      %dma_wait3A_314 = tpu.memref_slice %arg6[%mul3A_59] : memref<2621440xf32, #tpu.memory_space<hbm>> -> memref<10240xf32, #tpu.memory_space<hbm>>
      %dma_wait3A_315 = arith.constant 0 : i32
      %dma_wait3A_316 = tpu.memref_slice %arg11[%dma_wait3A_315] : memref<20480xf32, #tpu.memory_space<vmem>> -> memref<10240xf32, #tpu.memory_space<vmem>>
      tpu.wait_dma2 semaphore(%run_scoped3A : memref<!tpu.dma_semaphore, #tpu.memory_space<semaphore_mem>>) src(%dma_wait3A_316 : memref<10240xf32, #tpu.memory_space<vmem>>) dst(%dma_wait3A_314 : memref<10240xf32, #tpu.memory_space<hbm>>)
      tpu.yield
    }) : () -> ()
    %add3A_60 = arith.constant 0 : i32
    %add3A_61 = arith.addi %add3A_9, %add3A_60 : i32
    %mul3A_62 = arith.constant 10240 : i32
    %mul3A_63 = arith.muli %add3A_61, %mul3A_62 : i32
    "tpu.region"() ({
      %run_scoped3A = tpu.sem_alloc : memref<!tpu.dma_semaphore, #tpu.memory_space<semaphore_mem>>
      %dma_start3A = arith.constant 0 : i32
      %dma_start3A_307 = tpu.memref_slice %arg12[%dma_start3A] : memref<20480xf32, #tpu.memory_space<vmem>> -> memref<10240xf32, #tpu.memory_space<vmem>>
      %dma_start3A_308 = tpu.memref_slice %arg7[%mul3A_63] : memref<2621440xf32, #tpu.memory_space<hbm>> -> memref<10240xf32, #tpu.memory_space<hbm>>
      %dma_start3A_309 = tpu.memref_slice %arg7[%mul3A_63] : memref<2621440xf32, #tpu.memory_space<hbm>> -> memref<10240xf32, #tpu.memory_space<hbm>>
      %dma_start3A_310 = arith.constant 0 : i32
      %dma_start3A_311 = tpu.memref_slice %arg12[%dma_start3A_310] : memref<20480xf32, #tpu.memory_space<vmem>> -> memref<10240xf32, #tpu.memory_space<vmem>>
      tpu.enqueue_dma source(%dma_start3A_311 : memref<10240xf32, #tpu.memory_space<vmem>>) target(%dma_start3A_309 : memref<10240xf32, #tpu.memory_space<hbm>>) target_semaphore(%run_scoped3A : memref<!tpu.dma_semaphore, #tpu.memory_space<semaphore_mem>>)
      %dma_wait3A = arith.constant 0 : i32
      %dma_wait3A_312 = tpu.memref_slice %arg12[%dma_wait3A] : memref<20480xf32, #tpu.memory_space<vmem>> -> memref<10240xf32, #tpu.memory_space<vmem>>
      %dma_wait3A_313 = tpu.memref_slice %arg7[%mul3A_63] : memref<2621440xf32, #tpu.memory_space<hbm>> -> memref<10240xf32, #tpu.memory_space<hbm>>
      %dma_wait3A_314 = tpu.memref_slice %arg7[%mul3A_63] : memref<2621440xf32, #tpu.memory_space<hbm>> -> memref<10240xf32, #tpu.memory_space<hbm>>
      %dma_wait3A_315 = arith.constant 0 : i32
      %dma_wait3A_316 = tpu.memref_slice %arg12[%dma_wait3A_315] : memref<20480xf32, #tpu.memory_space<vmem>> -> memref<10240xf32, #tpu.memory_space<vmem>>
      tpu.wait_dma2 semaphore(%run_scoped3A : memref<!tpu.dma_semaphore, #tpu.memory_space<semaphore_mem>>) src(%dma_wait3A_316 : memref<10240xf32, #tpu.memory_space<vmem>>) dst(%dma_wait3A_314 : memref<10240xf32, #tpu.memory_space<hbm>>)
      tpu.yield
    }) : () -> ()
    %add3A_64 = arith.constant 1 : i32
    %add3A_65 = arith.addi %add3A_9, %add3A_64 : i32
    %mul3A_66 = arith.constant 10240 : i32
    %mul3A_67 = arith.muli %add3A_65, %mul3A_66 : i32
    "tpu.region"() ({
      %run_scoped3A = tpu.sem_alloc : memref<!tpu.dma_semaphore, #tpu.memory_space<semaphore_mem>>
      %dma_start3A = arith.constant 10240 : i32
      %dma_start3A_307 = tpu.memref_slice %arg9[%dma_start3A] : memref<20480xf32, #tpu.memory_space<vmem>> -> memref<10240xf32, #tpu.memory_space<vmem>>
      %dma_start3A_308 = tpu.memref_slice %arg4[%mul3A_67] : memref<2621440xf32, #tpu.memory_space<hbm>> -> memref<10240xf32, #tpu.memory_space<hbm>>
      %dma_start3A_309 = tpu.memref_slice %arg4[%mul3A_67] : memref<2621440xf32, #tpu.memory_space<hbm>> -> memref<10240xf32, #tpu.memory_space<hbm>>
      %dma_start3A_310 = arith.constant 10240 : i32
      %dma_start3A_311 = tpu.memref_slice %arg9[%dma_start3A_310] : memref<20480xf32, #tpu.memory_space<vmem>> -> memref<10240xf32, #tpu.memory_space<vmem>>
      tpu.enqueue_dma source(%dma_start3A_311 : memref<10240xf32, #tpu.memory_space<vmem>>) target(%dma_start3A_309 : memref<10240xf32, #tpu.memory_space<hbm>>) target_semaphore(%run_scoped3A : memref<!tpu.dma_semaphore, #tpu.memory_space<semaphore_mem>>)
      %dma_wait3A = arith.constant 10240 : i32
      %dma_wait3A_312 = tpu.memref_slice %arg9[%dma_wait3A] : memref<20480xf32, #tpu.memory_space<vmem>> -> memref<10240xf32, #tpu.memory_space<vmem>>
      %dma_wait3A_313 = tpu.memref_slice %arg4[%mul3A_67] : memref<2621440xf32, #tpu.memory_space<hbm>> -> memref<10240xf32, #tpu.memory_space<hbm>>
      %dma_wait3A_314 = tpu.memref_slice %arg4[%mul3A_67] : memref<2621440xf32, #tpu.memory_space<hbm>> -> memref<10240xf32, #tpu.memory_space<hbm>>
      %dma_wait3A_315 = arith.constant 10240 : i32
      %dma_wait3A_316 = tpu.memref_slice %arg9[%dma_wait3A_315] : memref<20480xf32, #tpu.memory_space<vmem>> -> memref<10240xf32, #tpu.memory_space<vmem>>
      tpu.wait_dma2 semaphore(%run_scoped3A : memref<!tpu.dma_semaphore, #tpu.memory_space<semaphore_mem>>) src(%dma_wait3A_316 : memref<10240xf32, #tpu.memory_space<vmem>>) dst(%dma_wait3A_314 : memref<10240xf32, #tpu.memory_space<hbm>>)
      tpu.yield
    }) : () -> ()
    %add3A_68 = arith.constant 1 : i32
    %add3A_69 = arith.addi %add3A_9, %add3A_68 : i32
    %mul3A_70 = arith.constant 10240 : i32
    %mul3A_71 = arith.muli %add3A_69, %mul3A_70 : i32
    "tpu.region"() ({
      %run_scoped3A = tpu.sem_alloc : memref<!tpu.dma_semaphore, #tpu.memory_space<semaphore_mem>>
      %dma_start3A = arith.constant 10240 : i32
      %dma_start3A_307 = tpu.memref_slice %arg10[%dma_start3A] : memref<20480xf32, #tpu.memory_space<vmem>> -> memref<10240xf32, #tpu.memory_space<vmem>>
      %dma_start3A_308 = tpu.memref_slice %arg5[%mul3A_71] : memref<2621440xf32, #tpu.memory_space<hbm>> -> memref<10240xf32, #tpu.memory_space<hbm>>
      %dma_start3A_309 = tpu.memref_slice %arg5[%mul3A_71] : memref<2621440xf32, #tpu.memory_space<hbm>> -> memref<10240xf32, #tpu.memory_space<hbm>>
      %dma_start3A_310 = arith.constant 10240 : i32
      %dma_start3A_311 = tpu.memref_slice %arg10[%dma_start3A_310] : memref<20480xf32, #tpu.memory_space<vmem>> -> memref<10240xf32, #tpu.memory_space<vmem>>
      tpu.enqueue_dma source(%dma_start3A_311 : memref<10240xf32, #tpu.memory_space<vmem>>) target(%dma_start3A_309 : memref<10240xf32, #tpu.memory_space<hbm>>) target_semaphore(%run_scoped3A : memref<!tpu.dma_semaphore, #tpu.memory_space<semaphore_mem>>)
      %dma_wait3A = arith.constant 10240 : i32
      %dma_wait3A_312 = tpu.memref_slice %arg10[%dma_wait3A] : memref<20480xf32, #tpu.memory_space<vmem>> -> memref<10240xf32, #tpu.memory_space<vmem>>
      %dma_wait3A_313 = tpu.memref_slice %arg5[%mul3A_71] : memref<2621440xf32, #tpu.memory_space<hbm>> -> memref<10240xf32, #tpu.memory_space<hbm>>
      %dma_wait3A_314 = tpu.memref_slice %arg5[%mul3A_71] : memref<2621440xf32, #tpu.memory_space<hbm>> -> memref<10240xf32, #tpu.memory_space<hbm>>
      %dma_wait3A_315 = arith.constant 10240 : i32
      %dma_wait3A_316 = tpu.memref_slice %arg10[%dma_wait3A_315] : memref<20480xf32, #tpu.memory_space<vmem>> -> memref<10240xf32, #tpu.memory_space<vmem>>
      tpu.wait_dma2 semaphore(%run_scoped3A : memref<!tpu.dma_semaphore, #tpu.memory_space<semaphore_mem>>) src(%dma_wait3A_316 : memref<10240xf32, #tpu.memory_space<vmem>>) dst(%dma_wait3A_314 : memref<10240xf32, #tpu.memory_space<hbm>>)
      tpu.yield
    }) : () -> ()
    %add3A_72 = arith.constant 1 : i32
    %add3A_73 = arith.addi %add3A_9, %add3A_72 : i32
    %mul3A_74 = arith.constant 10240 : i32
    %mul3A_75 = arith.muli %add3A_73, %mul3A_74 : i32
    "tpu.region"() ({
      %run_scoped3A = tpu.sem_alloc : memref<!tpu.dma_semaphore, #tpu.memory_space<semaphore_mem>>
      %dma_start3A = arith.constant 10240 : i32
      %dma_start3A_307 = tpu.memref_slice %arg11[%dma_start3A] : memref<20480xf32, #tpu.memory_space<vmem>> -> memref<10240xf32, #tpu.memory_space<vmem>>
      %dma_start3A_308 = tpu.memref_slice %arg6[%mul3A_75] : memref<2621440xf32, #tpu.memory_space<hbm>> -> memref<10240xf32, #tpu.memory_space<hbm>>
      %dma_start3A_309 = tpu.memref_slice %arg6[%mul3A_75] : memref<2621440xf32, #tpu.memory_space<hbm>> -> memref<10240xf32, #tpu.memory_space<hbm>>
      %dma_start3A_310 = arith.constant 10240 : i32
      %dma_start3A_311 = tpu.memref_slice %arg11[%dma_start3A_310] : memref<20480xf32, #tpu.memory_space<vmem>> -> memref<10240xf32, #tpu.memory_space<vmem>>
      tpu.enqueue_dma source(%dma_start3A_311 : memref<10240xf32, #tpu.memory_space<vmem>>) target(%dma_start3A_309 : memref<10240xf32, #tpu.memory_space<hbm>>) target_semaphore(%run_scoped3A : memref<!tpu.dma_semaphore, #tpu.memory_space<semaphore_mem>>)
      %dma_wait3A = arith.constant 10240 : i32
      %dma_wait3A_312 = tpu.memref_slice %arg11[%dma_wait3A] : memref<20480xf32, #tpu.memory_space<vmem>> -> memref<10240xf32, #tpu.memory_space<vmem>>
      %dma_wait3A_313 = tpu.memref_slice %arg6[%mul3A_75] : memref<2621440xf32, #tpu.memory_space<hbm>> -> memref<10240xf32, #tpu.memory_space<hbm>>
      %dma_wait3A_314 = tpu.memref_slice %arg6[%mul3A_75] : memref<2621440xf32, #tpu.memory_space<hbm>> -> memref<10240xf32, #tpu.memory_space<hbm>>
      %dma_wait3A_315 = arith.constant 10240 : i32
      %dma_wait3A_316 = tpu.memref_slice %arg11[%dma_wait3A_315] : memref<20480xf32, #tpu.memory_space<vmem>> -> memref<10240xf32, #tpu.memory_space<vmem>>
      tpu.wait_dma2 semaphore(%run_scoped3A : memref<!tpu.dma_semaphore, #tpu.memory_space<semaphore_mem>>) src(%dma_wait3A_316 : memref<10240xf32, #tpu.memory_space<vmem>>) dst(%dma_wait3A_314 : memref<10240xf32, #tpu.memory_space<hbm>>)
      tpu.yield
    }) : () -> ()
    %add3A_76 = arith.constant 1 : i32
    %add3A_77 = arith.addi %add3A_9, %add3A_76 : i32
    %mul3A_78 = arith.constant 10240 : i32
    %mul3A_79 = arith.muli %add3A_77, %mul3A_78 : i32
    "tpu.region"() ({
      %run_scoped3A = tpu.sem_alloc : memref<!tpu.dma_semaphore, #tpu.memory_space<semaphore_mem>>
      %dma_start3A = arith.constant 10240 : i32
      %dma_start3A_307 = tpu.memref_slice %arg12[%dma_start3A] : memref<20480xf32, #tpu.memory_space<vmem>> -> memref<10240xf32, #tpu.memory_space<vmem>>
      %dma_start3A_308 = tpu.memref_slice %arg7[%mul3A_79] : memref<2621440xf32, #tpu.memory_space<hbm>> -> memref<10240xf32, #tpu.memory_space<hbm>>
      %dma_start3A_309 = tpu.memref_slice %arg7[%mul3A_79] : memref<2621440xf32, #tpu.memory_space<hbm>> -> memref<10240xf32, #tpu.memory_space<hbm>>
      %dma_start3A_310 = arith.constant 10240 : i32
      %dma_start3A_311 = tpu.memref_slice %arg12[%dma_start3A_310] : memref<20480xf32, #tpu.memory_space<vmem>> -> memref<10240xf32, #tpu.memory_space<vmem>>
      tpu.enqueue_dma source(%dma_start3A_311 : memref<10240xf32, #tpu.memory_space<vmem>>) target(%dma_start3A_309 : memref<10240xf32, #tpu.memory_space<hbm>>) target_semaphore(%run_scoped3A : memref<!tpu.dma_semaphore, #tpu.memory_space<semaphore_mem>>)
      %dma_wait3A = arith.constant 10240 : i32
      %dma_wait3A_312 = tpu.memref_slice %arg12[%dma_wait3A] : memref<20480xf32, #tpu.memory_space<vmem>> -> memref<10240xf32, #tpu.memory_space<vmem>>
      %dma_wait3A_313 = tpu.memref_slice %arg7[%mul3A_79] : memref<2621440xf32, #tpu.memory_space<hbm>> -> memref<10240xf32, #tpu.memory_space<hbm>>
      %dma_wait3A_314 = tpu.memref_slice %arg7[%mul3A_79] : memref<2621440xf32, #tpu.memory_space<hbm>> -> memref<10240xf32, #tpu.memory_space<hbm>>
      %dma_wait3A_315 = arith.constant 10240 : i32
      %dma_wait3A_316 = tpu.memref_slice %arg12[%dma_wait3A_315] : memref<20480xf32, #tpu.memory_space<vmem>> -> memref<10240xf32, #tpu.memory_space<vmem>>
      tpu.wait_dma2 semaphore(%run_scoped3A : memref<!tpu.dma_semaphore, #tpu.memory_space<semaphore_mem>>) src(%dma_wait3A_316 : memref<10240xf32, #tpu.memory_space<vmem>>) dst(%dma_wait3A_314 : memref<10240xf32, #tpu.memory_space<hbm>>)
      tpu.yield
    }) : () -> ()
    %eq3A_80 = arith.constant 0 : i32
    %eq3A_81 = arith.cmpi eq, %add3A, %eq3A_80 : i32
    %convert_element_type3A_82 = arith.extui %eq3A_81 : i1 to i32
    %cond3A_83 = arith.constant 0 : i32
    %cond3A_84 = arith.cmpi ne, %convert_element_type3A_82, %cond3A_83 : i32
    scf.if %cond3A_84 {
      "tpu.region"() ({
        %run_scoped3A = tpu.sem_alloc : memref<!tpu.dma_semaphore, #tpu.memory_space<semaphore_mem>>
        tpu.enqueue_dma source(%arg13 : memref<10240xf32, #tpu.memory_space<vmem>>) target(%arg8 : memref<10240xf32, #tpu.memory_space<hbm>>) target_semaphore(%run_scoped3A : memref<!tpu.dma_semaphore, #tpu.memory_space<semaphore_mem>>)
        tpu.wait_dma2 semaphore(%run_scoped3A : memref<!tpu.dma_semaphore, #tpu.memory_space<semaphore_mem>>) src(%arg13 : memref<10240xf32, #tpu.memory_space<vmem>>) dst(%arg8 : memref<10240xf32, #tpu.memory_space<hbm>>)
        tpu.yield
      }) : () -> ()
    } else {
    }
    %mul3A_85 = arith.constant 2 : i32
    %mul3A_86 = arith.muli %add3A, %mul3A_85 : i32
    %add3A_87 = arith.constant 64 : i32
    %add3A_88 = arith.addi %add3A_87, %mul3A_86 : i32
    %scan3A_89 = arith.constant 0 : i32
    %scan3A_90 = arith.constant 0 : i32
    %scan3A_91 = arith.constant 1280 : i32
    %scan3A_92 = arith.addi %scan3A_90, %scan3A_91 : i32
    %scan3A_93 = arith.constant 1 : i32
    %scan3A_94 = scf.for %scan3A_307 = %scan3A_90 to %scan3A_92 step %scan3A_93 iter_args(%scan3A_308 = %scan3A_89) -> (i32)  : i32 {
      %mul3A_309 = arith.constant 16 : i32
      %mul3A_310 = arith.muli %scan3A_307, %mul3A_309 : i32
      %swap3A = arith.index_cast %mul3A_310 : i32 to index
      %swap3A_311 = tpu.vector_load %arg9[%swap3A] {strides = array<i32>} : memref<20480xf32, #tpu.memory_space<vmem>>, vector<16xf32>,
      tpu.vector_store %arg9[%swap3A], %broadcast_in_dim3A_1 {strides = array<i32>} : memref<20480xf32, #tpu.memory_space<vmem>>, vector<16xf32>,
      %scan3A_312 = arith.constant 0 : i32
      scf.yield %scan3A_312 : i32
    }
    %scan3A_95 = arith.constant 1280 : i32
    %scan3A_96 = arith.constant 0 : i32
    %scan3A_97 = arith.constant 0 : i32
    %scan3A_98 = arith.constant 1280 : i32
    %scan3A_99 = arith.addi %scan3A_97, %scan3A_98 : i32
    %scan3A_100 = arith.constant 1 : i32
    %scan3A_101 = scf.for %scan3A_307 = %scan3A_97 to %scan3A_99 step %scan3A_100 iter_args(%scan3A_308 = %scan3A_96) -> (i32)  : i32 {
      %mul3A_309 = arith.constant 16 : i32
      %mul3A_310 = arith.muli %scan3A_307, %mul3A_309 : i32
      %swap3A = arith.index_cast %mul3A_310 : i32 to index
      %swap3A_311 = tpu.vector_load %arg10[%swap3A] {strides = array<i32>} : memref<20480xf32, #tpu.memory_space<vmem>>, vector<16xf32>,
      tpu.vector_store %arg10[%swap3A], %broadcast_in_dim3A_1 {strides = array<i32>} : memref<20480xf32, #tpu.memory_space<vmem>>, vector<16xf32>,
      %scan3A_312 = arith.constant 0 : i32
      scf.yield %scan3A_312 : i32
    }
    %scan3A_102 = arith.constant 1280 : i32
    %scan3A_103 = arith.constant 0 : i32
    %scan3A_104 = arith.constant 0 : i32
    %scan3A_105 = arith.constant 1280 : i32
    %scan3A_106 = arith.addi %scan3A_104, %scan3A_105 : i32
    %scan3A_107 = arith.constant 1 : i32
    %scan3A_108 = scf.for %scan3A_307 = %scan3A_104 to %scan3A_106 step %scan3A_107 iter_args(%scan3A_308 = %scan3A_103) -> (i32)  : i32 {
      %mul3A_309 = arith.constant 16 : i32
      %mul3A_310 = arith.muli %scan3A_307, %mul3A_309 : i32
      %swap3A = arith.index_cast %mul3A_310 : i32 to index
      %swap3A_311 = tpu.vector_load %arg11[%swap3A] {strides = array<i32>} : memref<20480xf32, #tpu.memory_space<vmem>>, vector<16xf32>,
      tpu.vector_store %arg11[%swap3A], %broadcast_in_dim3A_3 {strides = array<i32>} : memref<20480xf32, #tpu.memory_space<vmem>>, vector<16xf32>,
      %scan3A_312 = arith.constant 0 : i32
      scf.yield %scan3A_312 : i32
    }
    %scan3A_109 = arith.constant 1280 : i32
    %neg3A_110 = arith.constant 0.000000e+00 : f32
    %neg3A_111 = vector.broadcast %neg3A_110 : f32 to vector<16xf32>
    %neg3A_112 = arith.subf %neg3A_111, %broadcast_in_dim3A_3 : vector<16xf32>
    %scan3A_113 = arith.constant 0 : i32
    %scan3A_114 = arith.constant 0 : i32
    %scan3A_115 = arith.constant 1280 : i32
    %scan3A_116 = arith.addi %scan3A_114, %scan3A_115 : i32
    %scan3A_117 = arith.constant 1 : i32
    %scan3A_118 = scf.for %scan3A_307 = %scan3A_114 to %scan3A_116 step %scan3A_117 iter_args(%scan3A_308 = %scan3A_113) -> (i32)  : i32 {
      %mul3A_309 = arith.constant 16 : i32
      %mul3A_310 = arith.muli %scan3A_307, %mul3A_309 : i32
      %swap3A = arith.index_cast %mul3A_310 : i32 to index
      %swap3A_311 = tpu.vector_load %arg12[%swap3A] {strides = array<i32>} : memref<20480xf32, #tpu.memory_space<vmem>>, vector<16xf32>,
      tpu.vector_store %arg12[%swap3A], %neg3A_112 {strides = array<i32>} : memref<20480xf32, #tpu.memory_space<vmem>>, vector<16xf32>,
      %scan3A_312 = arith.constant 0 : i32
      scf.yield %scan3A_312 : i32
    }
    %scan3A_119 = arith.constant 1280 : i32
    %scan3A_120 = arith.constant 0 : i32
    %scan3A_121 = arith.constant 0 : i32
    %scan3A_122 = arith.constant 25 : i32
    %scan3A_123 = arith.addi %scan3A_121, %scan3A_122 : i32
    %scan3A_124 = arith.constant 1 : i32
    %scan3A_125 = scf.for %scan3A_307 = %scan3A_121 to %scan3A_123 step %scan3A_124 iter_args(%scan3A_308 = %scan3A_120) -> (i32)  : i32 {
      %mul3A_309 = arith.constant 6400 : i32
      %mul3A_310 = arith.muli %scan3A_307, %mul3A_309 : i32
      %dma_start3A = tpu.memref_slice %arg3[%mul3A_310] : memref<160000xi32, #tpu.memory_space<hbm>> -> memref<6400xi32, #tpu.memory_space<hbm>>
      %dma_start3A_311 = tpu.memref_slice %arg3[%mul3A_310] : memref<160000xi32, #tpu.memory_space<hbm>> -> memref<6400xi32, #tpu.memory_space<hbm>>
      tpu.enqueue_dma source(%dma_start3A_311 : memref<6400xi32, #tpu.memory_space<hbm>>) target(%arg15 : memref<6400xi32, #tpu.memory_space<vmem>>) target_semaphore(%arg17 : memref<!tpu.dma_semaphore, #tpu.memory_space<semaphore_mem>>)
      %add3A_312 = arith.constant 0 : i32
      %add3A_313 = arith.addi %add3A_88, %add3A_312 : i32
      %mul3A_314 = arith.constant 160000 : i32
      %mul3A_315 = arith.muli %add3A_313, %mul3A_314 : i32
      %add3A_316 = arith.addi %mul3A_315, %mul3A_310 : i32
      %dma_start3A_317 = arith.constant 0 : i32
      %dma_start3A_318 = tpu.memref_slice %arg14[%dma_start3A_317] : memref<12800xf32, #tpu.memory_space<vmem>> -> memref<6400xf32, #tpu.memory_space<vmem>>
      %dma_start3A_319 = tpu.memref_slice %arg2[%add3A_316] : memref<40960000xf32, #tpu.memory_space<hbm>> -> memref<6400xf32, #tpu.memory_space<hbm>>
      %dma_start3A_320 = arith.constant 0 : i32
      %dma_start3A_321 = tpu.memref_slice %arg14[%dma_start3A_320] : memref<12800xf32, #tpu.memory_space<vmem>> -> memref<6400xf32, #tpu.memory_space<vmem>>
      %dma_start3A_322 = tpu.memref_slice %arg2[%add3A_316] : memref<40960000xf32, #tpu.memory_space<hbm>> -> memref<6400xf32, #tpu.memory_space<hbm>>
      tpu.enqueue_dma source(%dma_start3A_322 : memref<6400xf32, #tpu.memory_space<hbm>>) target(%dma_start3A_321 : memref<6400xf32, #tpu.memory_space<vmem>>) target_semaphore(%arg17 : memref<!tpu.dma_semaphore, #tpu.memory_space<semaphore_mem>>)
      %add3A_323 = arith.constant 1 : i32
      %add3A_324 = arith.addi %add3A_88, %add3A_323 : i32
      %mul3A_325 = arith.constant 160000 : i32
      %mul3A_326 = arith.muli %add3A_324, %mul3A_325 : i32
      %add3A_327 = arith.addi %mul3A_326, %mul3A_310 : i32
      %dma_start3A_328 = arith.constant 6400 : i32
      %dma_start3A_329 = tpu.memref_slice %arg14[%dma_start3A_328] : memref<12800xf32, #tpu.memory_space<vmem>> -> memref<6400xf32, #tpu.memory_space<vmem>>
      %dma_start3A_330 = tpu.memref_slice %arg2[%add3A_327] : memref<40960000xf32, #tpu.memory_space<hbm>> -> memref<6400xf32, #tpu.memory_space<hbm>>
      %dma_start3A_331 = arith.constant 6400 : i32
      %dma_start3A_332 = tpu.memref_slice %arg14[%dma_start3A_331] : memref<12800xf32, #tpu.memory_space<vmem>> -> memref<6400xf32, #tpu.memory_space<vmem>>
      %dma_start3A_333 = tpu.memref_slice %arg2[%add3A_327] : memref<40960000xf32, #tpu.memory_space<hbm>> -> memref<6400xf32, #tpu.memory_space<hbm>>
      tpu.enqueue_dma source(%dma_start3A_333 : memref<6400xf32, #tpu.memory_space<hbm>>) target(%dma_start3A_332 : memref<6400xf32, #tpu.memory_space<vmem>>) target_semaphore(%arg17 : memref<!tpu.dma_semaphore, #tpu.memory_space<semaphore_mem>>)
      %dma_wait3A = tpu.memref_slice %arg3[%mul3A_310] : memref<160000xi32, #tpu.memory_space<hbm>> -> memref<6400xi32, #tpu.memory_space<hbm>>
      %dma_wait3A_334 = tpu.memref_slice %arg3[%mul3A_310] : memref<160000xi32, #tpu.memory_space<hbm>> -> memref<6400xi32, #tpu.memory_space<hbm>>
      tpu.wait_dma2 semaphore(%arg17 : memref<!tpu.dma_semaphore, #tpu.memory_space<semaphore_mem>>) src(%dma_wait3A_334 : memref<6400xi32, #tpu.memory_space<hbm>>) dst(%arg15 : memref<6400xi32, #tpu.memory_space<vmem>>)
      %dma_wait3A_335 = arith.constant 0 : i32
      %dma_wait3A_336 = tpu.memref_slice %arg14[%dma_wait3A_335] : memref<12800xf32, #tpu.memory_space<vmem>> -> memref<6400xf32, #tpu.memory_space<vmem>>
      %dma_wait3A_337 = tpu.memref_slice %arg2[%add3A_316] : memref<40960000xf32, #tpu.memory_space<hbm>> -> memref<6400xf32, #tpu.memory_space<hbm>>
      %dma_wait3A_338 = arith.constant 0 : i32
      %dma_wait3A_339 = tpu.memref_slice %arg14[%dma_wait3A_338] : memref<12800xf32, #tpu.memory_space<vmem>> -> memref<6400xf32, #tpu.memory_space<vmem>>
      %dma_wait3A_340 = tpu.memref_slice %arg2[%add3A_316] : memref<40960000xf32, #tpu.memory_space<hbm>> -> memref<6400xf32, #tpu.memory_space<hbm>>
      tpu.wait_dma2 semaphore(%arg17 : memref<!tpu.dma_semaphore, #tpu.memory_space<semaphore_mem>>) src(%dma_wait3A_340 : memref<6400xf32, #tpu.memory_space<hbm>>) dst(%dma_wait3A_339 : memref<6400xf32, #tpu.memory_space<vmem>>)
      %dma_wait3A_341 = arith.constant 6400 : i32
      %dma_wait3A_342 = tpu.memref_slice %arg14[%dma_wait3A_341] : memref<12800xf32, #tpu.memory_space<vmem>> -> memref<6400xf32, #tpu.memory_space<vmem>>
      %dma_wait3A_343 = tpu.memref_slice %arg2[%add3A_327] : memref<40960000xf32, #tpu.memory_space<hbm>> -> memref<6400xf32, #tpu.memory_space<hbm>>
      %dma_wait3A_344 = arith.constant 6400 : i32
      %dma_wait3A_345 = tpu.memref_slice %arg14[%dma_wait3A_344] : memref<12800xf32, #tpu.memory_space<vmem>> -> memref<6400xf32, #tpu.memory_space<vmem>>
      %dma_wait3A_346 = tpu.memref_slice %arg2[%add3A_327] : memref<40960000xf32, #tpu.memory_space<hbm>> -> memref<6400xf32, #tpu.memory_space<hbm>>
      tpu.wait_dma2 semaphore(%arg17 : memref<!tpu.dma_semaphore, #tpu.memory_space<semaphore_mem>>) src(%dma_wait3A_346 : memref<6400xf32, #tpu.memory_space<hbm>>) dst(%dma_wait3A_345 : memref<6400xf32, #tpu.memory_space<vmem>>)
      %iota3A = tpu.iota {dimensions = array<i32: 0>} : vector<16xi32>
      %scan3A_347 = arith.constant 0 : i32
      %scan3A_348 = arith.constant 0 : i32
      %scan3A_349 = arith.constant 200 : i32
      %scan3A_350 = arith.addi %scan3A_348, %scan3A_349 : i32
      %scan3A_351 = arith.constant 1 : i32
      %scan3A_352 = scf.for %scan3A_355 = %scan3A_348 to %scan3A_350 step %scan3A_351 iter_args(%scan3A_356 = %scan3A_347) -> (i32)  : i32 {
        %mul3A_357 = arith.constant 2 : i32
        %mul3A_358 = arith.muli %mul3A_357, %scan3A_355 : i32
        %mul3A_359 = arith.constant 16 : i32
        %mul3A_360 = arith.muli %mul3A_358, %mul3A_359 : i32
        %get3A = arith.index_cast %mul3A_360 : i32 to index
        %get3A_361 = tpu.vector_load %arg15[%get3A] {strides = array<i32>} : memref<6400xi32, #tpu.memory_space<vmem>>, vector<16xi32>,
        tpu.vector_store_idx %arg16[%get3A_361], %iota3A : memref<10240xi32, #tpu.memory_space<vmem>>[vector<16xi32>], vector<16xi32>,
        %gather3A = tpu.vector_load_idx %arg16[%get3A_361] : memref<10240xi32, #tpu.memory_space<vmem>>[vector<16xi32>], vector<16xi32>,
        %eq3A_362 = arith.cmpi eq, %gather3A, %iota3A : vector<16xi32>
        %reduce_and3A = arith.constant 1.000000e+00 : f32
        %reduce_and3A_363 = arith.constant 0.000000e+00 : f32
        %reduce_and3A_364 = vector.broadcast %reduce_and3A : f32 to vector<16xf32>
        %reduce_and3A_365 = vector.broadcast %reduce_and3A_363 : f32 to vector<16xf32>
        %reduce_and3A_366 = arith.select %eq3A_362, %reduce_and3A_364, %reduce_and3A_365 : vector<16xi1>, vector<16xf32>
        %reduce_and3A_367 = arith.constant true
        %reduce_and3A_368 = vector.broadcast %reduce_and3A_367 : i1 to vector<16xi1>
        %reduce_and3A_369 = tpu.scan <min>, %reduce_and3A_366 masked %reduce_and3A_368 : vector<16xf32>, vector<16xi1> -> vector<16xf32>
        %reduce_and3A_370 = vector.extract %reduce_and3A_369[15] : f32 from vector<16xf32>
        %reduce_and3A_371 = arith.constant 0.000000e+00 : f32
        %reduce_and3A_372 = arith.cmpf ogt, %reduce_and3A_370, %reduce_and3A_371 : f32
        %mul3A_373 = arith.constant 16 : i32
        %mul3A_374 = arith.muli %mul3A_358, %mul3A_373 : i32
        %add3A_375 = arith.constant 0 : i32
        %add3A_376 = arith.addi %add3A_375, %mul3A_374 : i32
        %get3A_377 = arith.index_cast %add3A_376 : i32 to index
        %get3A_378 = tpu.vector_load %arg14[%get3A_377] {strides = array<i32>} : memref<12800xf32, #tpu.memory_space<vmem>>, vector<16xf32>,
        %mul3A_379 = arith.constant 16 : i32
        %mul3A_380 = arith.muli %mul3A_358, %mul3A_379 : i32
        %add3A_381 = arith.constant 6400 : i32
        %add3A_382 = arith.addi %add3A_381, %mul3A_380 : i32
        %get3A_383 = arith.index_cast %add3A_382 : i32 to index
        %get3A_384 = tpu.vector_load %arg14[%get3A_383] {strides = array<i32>} : memref<12800xf32, #tpu.memory_space<vmem>>, vector<16xf32>,
        %add3A_385 = arith.constant 0 : i32
        %add3A_386 = vector.broadcast %add3A_385 : i32 to vector<16xi32>
        %add3A_387 = arith.addi %get3A_361, %add3A_386 : vector<16xi32>
        %add3A_388 = arith.constant 10240 : i32
        %add3A_389 = vector.broadcast %add3A_388 : i32 to vector<16xi32>
        %add3A_390 = arith.addi %get3A_361, %add3A_389 : vector<16xi32>
        tpu.vector_store_idx %arg9[%add3A_387], %get3A_378 {add = true} : memref<20480xf32, #tpu.memory_space<vmem>>[vector<16xi32>], vector<16xf32>,
        %mul3A_391 = arith.mulf %get3A_378, %get3A_378 : vector<16xf32>
        tpu.vector_store_idx %arg10[%add3A_387], %mul3A_391 {add = true} : memref<20480xf32, #tpu.memory_space<vmem>>[vector<16xi32>], vector<16xf32>,
        tpu.vector_store_idx %arg9[%add3A_390], %get3A_384 {add = true} : memref<20480xf32, #tpu.memory_space<vmem>>[vector<16xi32>], vector<16xf32>,
        %mul3A_392 = arith.mulf %get3A_384, %get3A_384 : vector<16xf32>
        tpu.vector_store_idx %arg10[%add3A_390], %mul3A_392 {add = true} : memref<20480xf32, #tpu.memory_space<vmem>>[vector<16xi32>], vector<16xf32>,
        %convert_element_type3A_393 = arith.extui %reduce_and3A_372 : i1 to i32
        %cond3A_394 = arith.constant 0 : i32
        %cond3A_395 = arith.cmpi ne, %convert_element_type3A_393, %cond3A_394 : i32
        scf.if %cond3A_395 {
          %gather3A_450 = tpu.vector_load_idx %arg11[%add3A_387] : memref<20480xf32, #tpu.memory_space<vmem>>[vector<16xi32>], vector<16xf32>,
          %min3A = arith.minimumf %gather3A_450, %get3A_378 : vector<16xf32>
          tpu.vector_store_idx %arg11[%add3A_387], %min3A : memref<20480xf32, #tpu.memory_space<vmem>>[vector<16xi32>], vector<16xf32>,
          %gather3A_451 = tpu.vector_load_idx %arg12[%add3A_387] : memref<20480xf32, #tpu.memory_space<vmem>>[vector<16xi32>], vector<16xf32>,
          %max3A = arith.maximumf %gather3A_451, %get3A_378 : vector<16xf32>
          tpu.vector_store_idx %arg12[%add3A_387], %max3A : memref<20480xf32, #tpu.memory_space<vmem>>[vector<16xi32>], vector<16xf32>,
          %gather3A_452 = tpu.vector_load_idx %arg11[%add3A_390] : memref<20480xf32, #tpu.memory_space<vmem>>[vector<16xi32>], vector<16xf32>,
          %min3A_453 = arith.minimumf %gather3A_452, %get3A_384 : vector<16xf32>
          tpu.vector_store_idx %arg11[%add3A_390], %min3A_453 : memref<20480xf32, #tpu.memory_space<vmem>>[vector<16xi32>], vector<16xf32>,
          %gather3A_454 = tpu.vector_load_idx %arg12[%add3A_390] : memref<20480xf32, #tpu.memory_space<vmem>>[vector<16xi32>], vector<16xf32>,
          %max3A_455 = arith.maximumf %gather3A_454, %get3A_384 : vector<16xf32>
          tpu.vector_store_idx %arg12[%add3A_390], %max3A_455 : memref<20480xf32, #tpu.memory_space<vmem>>[vector<16xi32>], vector<16xf32>,
        } else {
        }
        %not3A = arith.constant true
        %not3A_396 = arith.xori %reduce_and3A_372, %not3A : i1
        %convert_element_type3A_397 = arith.extui %not3A_396 : i1 to i32
        %cond3A_398 = arith.constant 0 : i32
        %cond3A_399 = arith.cmpi ne, %convert_element_type3A_397, %cond3A_398 : i32
        scf.if %cond3A_399 {
          %while3A = arith.constant true
          %while3A_450 = scf.while (%while3A_457 = %while3A) : (i1) -> i1 {
            scf.condition(%while3A_457) %while3A_457 : i1
          } do {
          ^bb0(%while3A_457: i1):
            %gather3A_458 = tpu.vector_load_idx %arg11[%add3A_387] : memref<20480xf32, #tpu.memory_space<vmem>>[vector<16xi32>], vector<16xf32>,
            %lt3A = arith.cmpf olt, %get3A_378, %gather3A_458 : vector<16xf32>
            tpu.vector_store_idx %arg11[%add3A_387], %get3A_378 masked %lt3A : memref<20480xf32, #tpu.memory_space<vmem>>[vector<16xi32>], vector<16xf32>, vector<16xi1>
            %reduce_or3A = arith.constant 1.000000e+00 : f32
            %reduce_or3A_459 = arith.constant 0.000000e+00 : f32
            %reduce_or3A_460 = vector.broadcast %reduce_or3A : f32 to vector<16xf32>
            %reduce_or3A_461 = vector.broadcast %reduce_or3A_459 : f32 to vector<16xf32>
            %reduce_or3A_462 = arith.select %lt3A, %reduce_or3A_460, %reduce_or3A_461 : vector<16xi1>, vector<16xf32>
            %reduce_or3A_463 = arith.constant true
            %reduce_or3A_464 = vector.broadcast %reduce_or3A_463 : i1 to vector<16xi1>
            %reduce_or3A_465 = tpu.scan <max>, %reduce_or3A_462 masked %reduce_or3A_464 : vector<16xf32>, vector<16xi1> -> vector<16xf32>
            %reduce_or3A_466 = vector.extract %reduce_or3A_465[15] : f32 from vector<16xf32>
            %reduce_or3A_467 = arith.constant 0.000000e+00 : f32
            %reduce_or3A_468 = arith.cmpf ogt, %reduce_or3A_466, %reduce_or3A_467 : f32
            scf.yield %reduce_or3A_468 : i1
          }
          %while3A_451 = arith.constant true
          %while3A_452 = scf.while (%while3A_457 = %while3A_451) : (i1) -> i1 {
            scf.condition(%while3A_457) %while3A_457 : i1
          } do {
          ^bb0(%while3A_457: i1):
            %gather3A_458 = tpu.vector_load_idx %arg12[%add3A_387] : memref<20480xf32, #tpu.memory_space<vmem>>[vector<16xi32>], vector<16xf32>,
            %gt3A = arith.cmpf ogt, %get3A_378, %gather3A_458 : vector<16xf32>
            tpu.vector_store_idx %arg12[%add3A_387], %get3A_378 masked %gt3A : memref<20480xf32, #tpu.memory_space<vmem>>[vector<16xi32>], vector<16xf32>, vector<16xi1>
            %reduce_or3A = arith.constant 1.000000e+00 : f32
            %reduce_or3A_459 = arith.constant 0.000000e+00 : f32
            %reduce_or3A_460 = vector.broadcast %reduce_or3A : f32 to vector<16xf32>
            %reduce_or3A_461 = vector.broadcast %reduce_or3A_459 : f32 to vector<16xf32>
            %reduce_or3A_462 = arith.select %gt3A, %reduce_or3A_460, %reduce_or3A_461 : vector<16xi1>, vector<16xf32>
            %reduce_or3A_463 = arith.constant true
            %reduce_or3A_464 = vector.broadcast %reduce_or3A_463 : i1 to vector<16xi1>
            %reduce_or3A_465 = tpu.scan <max>, %reduce_or3A_462 masked %reduce_or3A_464 : vector<16xf32>, vector<16xi1> -> vector<16xf32>
            %reduce_or3A_466 = vector.extract %reduce_or3A_465[15] : f32 from vector<16xf32>
            %reduce_or3A_467 = arith.constant 0.000000e+00 : f32
            %reduce_or3A_468 = arith.cmpf ogt, %reduce_or3A_466, %reduce_or3A_467 : f32
            scf.yield %reduce_or3A_468 : i1
          }
          %while3A_453 = arith.constant true
          %while3A_454 = scf.while (%while3A_457 = %while3A_453) : (i1) -> i1 {
            scf.condition(%while3A_457) %while3A_457 : i1
          } do {
          ^bb0(%while3A_457: i1):
            %gather3A_458 = tpu.vector_load_idx %arg11[%add3A_390] : memref<20480xf32, #tpu.memory_space<vmem>>[vector<16xi32>], vector<16xf32>,
            %lt3A = arith.cmpf olt, %get3A_384, %gather3A_458 : vector<16xf32>
            tpu.vector_store_idx %arg11[%add3A_390], %get3A_384 masked %lt3A : memref<20480xf32, #tpu.memory_space<vmem>>[vector<16xi32>], vector<16xf32>, vector<16xi1>
            %reduce_or3A = arith.constant 1.000000e+00 : f32
            %reduce_or3A_459 = arith.constant 0.000000e+00 : f32
            %reduce_or3A_460 = vector.broadcast %reduce_or3A : f32 to vector<16xf32>
            %reduce_or3A_461 = vector.broadcast %reduce_or3A_459 : f32 to vector<16xf32>
            %reduce_or3A_462 = arith.select %lt3A, %reduce_or3A_460, %reduce_or3A_461 : vector<16xi1>, vector<16xf32>
            %reduce_or3A_463 = arith.constant true
            %reduce_or3A_464 = vector.broadcast %reduce_or3A_463 : i1 to vector<16xi1>
            %reduce_or3A_465 = tpu.scan <max>, %reduce_or3A_462 masked %reduce_or3A_464 : vector<16xf32>, vector<16xi1> -> vector<16xf32>
            %reduce_or3A_466 = vector.extract %reduce_or3A_465[15] : f32 from vector<16xf32>
            %reduce_or3A_467 = arith.constant 0.000000e+00 : f32
            %reduce_or3A_468 = arith.cmpf ogt, %reduce_or3A_466, %reduce_or3A_467 : f32
            scf.yield %reduce_or3A_468 : i1
          }
          %while3A_455 = arith.constant true
          %while3A_456 = scf.while (%while3A_457 = %while3A_455) : (i1) -> i1 {
            scf.condition(%while3A_457) %while3A_457 : i1
          } do {
          ^bb0(%while3A_457: i1):
            %gather3A_458 = tpu.vector_load_idx %arg12[%add3A_390] : memref<20480xf32, #tpu.memory_space<vmem>>[vector<16xi32>], vector<16xf32>,
            %gt3A = arith.cmpf ogt, %get3A_384, %gather3A_458 : vector<16xf32>
            tpu.vector_store_idx %arg12[%add3A_390], %get3A_384 masked %gt3A : memref<20480xf32, #tpu.memory_space<vmem>>[vector<16xi32>], vector<16xf32>, vector<16xi1>
            %reduce_or3A = arith.constant 1.000000e+00 : f32
            %reduce_or3A_459 = arith.constant 0.000000e+00 : f32
            %reduce_or3A_460 = vector.broadcast %reduce_or3A : f32 to vector<16xf32>
            %reduce_or3A_461 = vector.broadcast %reduce_or3A_459 : f32 to vector<16xf32>
            %reduce_or3A_462 = arith.select %gt3A, %reduce_or3A_460, %reduce_or3A_461 : vector<16xi1>, vector<16xf32>
            %reduce_or3A_463 = arith.constant true
            %reduce_or3A_464 = vector.broadcast %reduce_or3A_463 : i1 to vector<16xi1>
            %reduce_or3A_465 = tpu.scan <max>, %reduce_or3A_462 masked %reduce_or3A_464 : vector<16xf32>, vector<16xi1> -> vector<16xf32>
            %reduce_or3A_466 = vector.extract %reduce_or3A_465[15] : f32 from vector<16xf32>
            %reduce_or3A_467 = arith.constant 0.000000e+00 : f32
            %reduce_or3A_468 = arith.cmpf ogt, %reduce_or3A_466, %reduce_or3A_467 : f32
            scf.yield %reduce_or3A_468 : i1
          }
        } else {
        }
        %mul3A_400 = arith.constant 2 : i32
        %mul3A_401 = arith.muli %mul3A_400, %scan3A_355 : i32
        %add3A_402 = arith.constant 1 : i32
        %add3A_403 = arith.addi %mul3A_401, %add3A_402 : i32
        %mul3A_404 = arith.constant 16 : i32
        %mul3A_405 = arith.muli %add3A_403, %mul3A_404 : i32
        %get3A_406 = arith.index_cast %mul3A_405 : i32 to index
        %get3A_407 = tpu.vector_load %arg15[%get3A_406] {strides = array<i32>} : memref<6400xi32, #tpu.memory_space<vmem>>, vector<16xi32>,
        tpu.vector_store_idx %arg16[%get3A_407], %iota3A : memref<10240xi32, #tpu.memory_space<vmem>>[vector<16xi32>], vector<16xi32>,
        %gather3A_408 = tpu.vector_load_idx %arg16[%get3A_407] : memref<10240xi32, #tpu.memory_space<vmem>>[vector<16xi32>], vector<16xi32>,
        %eq3A_409 = arith.cmpi eq, %gather3A_408, %iota3A : vector<16xi32>
        %reduce_and3A_410 = arith.constant 1.000000e+00 : f32
        %reduce_and3A_411 = arith.constant 0.000000e+00 : f32
        %reduce_and3A_412 = vector.broadcast %reduce_and3A_410 : f32 to vector<16xf32>
        %reduce_and3A_413 = vector.broadcast %reduce_and3A_411 : f32 to vector<16xf32>
        %reduce_and3A_414 = arith.select %eq3A_409, %reduce_and3A_412, %reduce_and3A_413 : vector<16xi1>, vector<16xf32>
        %reduce_and3A_415 = arith.constant true
        %reduce_and3A_416 = vector.broadcast %reduce_and3A_415 : i1 to vector<16xi1>
        %reduce_and3A_417 = tpu.scan <min>, %reduce_and3A_414 masked %reduce_and3A_416 : vector<16xf32>, vector<16xi1> -> vector<16xf32>
        %reduce_and3A_418 = vector.extract %reduce_and3A_417[15] : f32 from vector<16xf32>
        %reduce_and3A_419 = arith.constant 0.000000e+00 : f32
        %reduce_and3A_420 = arith.cmpf ogt, %reduce_and3A_418, %reduce_and3A_419 : f32
        %mul3A_421 = arith.constant 16 : i32
        %mul3A_422 = arith.muli %add3A_403, %mul3A_421 : i32
        %add3A_423 = arith.constant 0 : i32
        %add3A_424 = arith.addi %add3A_423, %mul3A_422 : i32
        %get3A_425 = arith.index_cast %add3A_424 : i32 to index
        %get3A_426 = tpu.vector_load %arg14[%get3A_425] {strides = array<i32>} : memref<12800xf32, #tpu.memory_space<vmem>>, vector<16xf32>,
        %mul3A_427 = arith.constant 16 : i32
        %mul3A_428 = arith.muli %add3A_403, %mul3A_427 : i32
        %add3A_429 = arith.constant 6400 : i32
        %add3A_430 = arith.addi %add3A_429, %mul3A_428 : i32
        %get3A_431 = arith.index_cast %add3A_430 : i32 to index
        %get3A_432 = tpu.vector_load %arg14[%get3A_431] {strides = array<i32>} : memref<12800xf32, #tpu.memory_space<vmem>>, vector<16xf32>,
        %add3A_433 = arith.constant 0 : i32
        %add3A_434 = vector.broadcast %add3A_433 : i32 to vector<16xi32>
        %add3A_435 = arith.addi %get3A_407, %add3A_434 : vector<16xi32>
        %add3A_436 = arith.constant 10240 : i32
        %add3A_437 = vector.broadcast %add3A_436 : i32 to vector<16xi32>
        %add3A_438 = arith.addi %get3A_407, %add3A_437 : vector<16xi32>
        tpu.vector_store_idx %arg9[%add3A_435], %get3A_426 {add = true} : memref<20480xf32, #tpu.memory_space<vmem>>[vector<16xi32>], vector<16xf32>,
        %mul3A_439 = arith.mulf %get3A_426, %get3A_426 : vector<16xf32>
        tpu.vector_store_idx %arg10[%add3A_435], %mul3A_439 {add = true} : memref<20480xf32, #tpu.memory_space<vmem>>[vector<16xi32>], vector<16xf32>,
        tpu.vector_store_idx %arg9[%add3A_438], %get3A_432 {add = true} : memref<20480xf32, #tpu.memory_space<vmem>>[vector<16xi32>], vector<16xf32>,
        %mul3A_440 = arith.mulf %get3A_432, %get3A_432 : vector<16xf32>
        tpu.vector_store_idx %arg10[%add3A_438], %mul3A_440 {add = true} : memref<20480xf32, #tpu.memory_space<vmem>>[vector<16xi32>], vector<16xf32>,
        %convert_element_type3A_441 = arith.extui %reduce_and3A_420 : i1 to i32
        %cond3A_442 = arith.constant 0 : i32
        %cond3A_443 = arith.cmpi ne, %convert_element_type3A_441, %cond3A_442 : i32
        scf.if %cond3A_443 {
          %gather3A_450 = tpu.vector_load_idx %arg11[%add3A_435] : memref<20480xf32, #tpu.memory_space<vmem>>[vector<16xi32>], vector<16xf32>,
          %min3A = arith.minimumf %gather3A_450, %get3A_426 : vector<16xf32>
          tpu.vector_store_idx %arg11[%add3A_435], %min3A : memref<20480xf32, #tpu.memory_space<vmem>>[vector<16xi32>], vector<16xf32>,
          %gather3A_451 = tpu.vector_load_idx %arg12[%add3A_435] : memref<20480xf32, #tpu.memory_space<vmem>>[vector<16xi32>], vector<16xf32>,
          %max3A = arith.maximumf %gather3A_451, %get3A_426 : vector<16xf32>
          tpu.vector_store_idx %arg12[%add3A_435], %max3A : memref<20480xf32, #tpu.memory_space<vmem>>[vector<16xi32>], vector<16xf32>,
          %gather3A_452 = tpu.vector_load_idx %arg11[%add3A_438] : memref<20480xf32, #tpu.memory_space<vmem>>[vector<16xi32>], vector<16xf32>,
          %min3A_453 = arith.minimumf %gather3A_452, %get3A_432 : vector<16xf32>
          tpu.vector_store_idx %arg11[%add3A_438], %min3A_453 : memref<20480xf32, #tpu.memory_space<vmem>>[vector<16xi32>], vector<16xf32>,
          %gather3A_454 = tpu.vector_load_idx %arg12[%add3A_438] : memref<20480xf32, #tpu.memory_space<vmem>>[vector<16xi32>], vector<16xf32>,
          %max3A_455 = arith.maximumf %gather3A_454, %get3A_432 : vector<16xf32>
          tpu.vector_store_idx %arg12[%add3A_438], %max3A_455 : memref<20480xf32, #tpu.memory_space<vmem>>[vector<16xi32>], vector<16xf32>,
        } else {
        }
        %not3A_444 = arith.constant true
        %not3A_445 = arith.xori %reduce_and3A_420, %not3A_444 : i1
        %convert_element_type3A_446 = arith.extui %not3A_445 : i1 to i32
        %cond3A_447 = arith.constant 0 : i32
        %cond3A_448 = arith.cmpi ne, %convert_element_type3A_446, %cond3A_447 : i32
        scf.if %cond3A_448 {
          %while3A = arith.constant true
          %while3A_450 = scf.while (%while3A_457 = %while3A) : (i1) -> i1 {
            scf.condition(%while3A_457) %while3A_457 : i1
          } do {
          ^bb0(%while3A_457: i1):
            %gather3A_458 = tpu.vector_load_idx %arg11[%add3A_435] : memref<20480xf32, #tpu.memory_space<vmem>>[vector<16xi32>], vector<16xf32>,
            %lt3A = arith.cmpf olt, %get3A_426, %gather3A_458 : vector<16xf32>
            tpu.vector_store_idx %arg11[%add3A_435], %get3A_426 masked %lt3A : memref<20480xf32, #tpu.memory_space<vmem>>[vector<16xi32>], vector<16xf32>, vector<16xi1>
            %reduce_or3A = arith.constant 1.000000e+00 : f32
            %reduce_or3A_459 = arith.constant 0.000000e+00 : f32
            %reduce_or3A_460 = vector.broadcast %reduce_or3A : f32 to vector<16xf32>
            %reduce_or3A_461 = vector.broadcast %reduce_or3A_459 : f32 to vector<16xf32>
            %reduce_or3A_462 = arith.select %lt3A, %reduce_or3A_460, %reduce_or3A_461 : vector<16xi1>, vector<16xf32>
            %reduce_or3A_463 = arith.constant true
            %reduce_or3A_464 = vector.broadcast %reduce_or3A_463 : i1 to vector<16xi1>
            %reduce_or3A_465 = tpu.scan <max>, %reduce_or3A_462 masked %reduce_or3A_464 : vector<16xf32>, vector<16xi1> -> vector<16xf32>
            %reduce_or3A_466 = vector.extract %reduce_or3A_465[15] : f32 from vector<16xf32>
            %reduce_or3A_467 = arith.constant 0.000000e+00 : f32
            %reduce_or3A_468 = arith.cmpf ogt, %reduce_or3A_466, %reduce_or3A_467 : f32
            scf.yield %reduce_or3A_468 : i1
          }
          %while3A_451 = arith.constant true
          %while3A_452 = scf.while (%while3A_457 = %while3A_451) : (i1) -> i1 {
            scf.condition(%while3A_457) %while3A_457 : i1
          } do {
          ^bb0(%while3A_457: i1):
            %gather3A_458 = tpu.vector_load_idx %arg12[%add3A_435] : memref<20480xf32, #tpu.memory_space<vmem>>[vector<16xi32>], vector<16xf32>,
            %gt3A = arith.cmpf ogt, %get3A_426, %gather3A_458 : vector<16xf32>
            tpu.vector_store_idx %arg12[%add3A_435], %get3A_426 masked %gt3A : memref<20480xf32, #tpu.memory_space<vmem>>[vector<16xi32>], vector<16xf32>, vector<16xi1>
            %reduce_or3A = arith.constant 1.000000e+00 : f32
            %reduce_or3A_459 = arith.constant 0.000000e+00 : f32
            %reduce_or3A_460 = vector.broadcast %reduce_or3A : f32 to vector<16xf32>
            %reduce_or3A_461 = vector.broadcast %reduce_or3A_459 : f32 to vector<16xf32>
            %reduce_or3A_462 = arith.select %gt3A, %reduce_or3A_460, %reduce_or3A_461 : vector<16xi1>, vector<16xf32>
            %reduce_or3A_463 = arith.constant true
            %reduce_or3A_464 = vector.broadcast %reduce_or3A_463 : i1 to vector<16xi1>
            %reduce_or3A_465 = tpu.scan <max>, %reduce_or3A_462 masked %reduce_or3A_464 : vector<16xf32>, vector<16xi1> -> vector<16xf32>
            %reduce_or3A_466 = vector.extract %reduce_or3A_465[15] : f32 from vector<16xf32>
            %reduce_or3A_467 = arith.constant 0.000000e+00 : f32
            %reduce_or3A_468 = arith.cmpf ogt, %reduce_or3A_466, %reduce_or3A_467 : f32
            scf.yield %reduce_or3A_468 : i1
          }
          %while3A_453 = arith.constant true
          %while3A_454 = scf.while (%while3A_457 = %while3A_453) : (i1) -> i1 {
            scf.condition(%while3A_457) %while3A_457 : i1
          } do {
          ^bb0(%while3A_457: i1):
            %gather3A_458 = tpu.vector_load_idx %arg11[%add3A_438] : memref<20480xf32, #tpu.memory_space<vmem>>[vector<16xi32>], vector<16xf32>,
            %lt3A = arith.cmpf olt, %get3A_432, %gather3A_458 : vector<16xf32>
            tpu.vector_store_idx %arg11[%add3A_438], %get3A_432 masked %lt3A : memref<20480xf32, #tpu.memory_space<vmem>>[vector<16xi32>], vector<16xf32>, vector<16xi1>
            %reduce_or3A = arith.constant 1.000000e+00 : f32
            %reduce_or3A_459 = arith.constant 0.000000e+00 : f32
            %reduce_or3A_460 = vector.broadcast %reduce_or3A : f32 to vector<16xf32>
            %reduce_or3A_461 = vector.broadcast %reduce_or3A_459 : f32 to vector<16xf32>
            %reduce_or3A_462 = arith.select %lt3A, %reduce_or3A_460, %reduce_or3A_461 : vector<16xi1>, vector<16xf32>
            %reduce_or3A_463 = arith.constant true
            %reduce_or3A_464 = vector.broadcast %reduce_or3A_463 : i1 to vector<16xi1>
            %reduce_or3A_465 = tpu.scan <max>, %reduce_or3A_462 masked %reduce_or3A_464 : vector<16xf32>, vector<16xi1> -> vector<16xf32>
            %reduce_or3A_466 = vector.extract %reduce_or3A_465[15] : f32 from vector<16xf32>
            %reduce_or3A_467 = arith.constant 0.000000e+00 : f32
            %reduce_or3A_468 = arith.cmpf ogt, %reduce_or3A_466, %reduce_or3A_467 : f32
            scf.yield %reduce_or3A_468 : i1
          }
          %while3A_455 = arith.constant true
          %while3A_456 = scf.while (%while3A_457 = %while3A_455) : (i1) -> i1 {
            scf.condition(%while3A_457) %while3A_457 : i1
          } do {
          ^bb0(%while3A_457: i1):
            %gather3A_458 = tpu.vector_load_idx %arg12[%add3A_438] : memref<20480xf32, #tpu.memory_space<vmem>>[vector<16xi32>], vector<16xf32>,
            %gt3A = arith.cmpf ogt, %get3A_432, %gather3A_458 : vector<16xf32>
            tpu.vector_store_idx %arg12[%add3A_438], %get3A_432 masked %gt3A : memref<20480xf32, #tpu.memory_space<vmem>>[vector<16xi32>], vector<16xf32>, vector<16xi1>
            %reduce_or3A = arith.constant 1.000000e+00 : f32
            %reduce_or3A_459 = arith.constant 0.000000e+00 : f32
            %reduce_or3A_460 = vector.broadcast %reduce_or3A : f32 to vector<16xf32>
            %reduce_or3A_461 = vector.broadcast %reduce_or3A_459 : f32 to vector<16xf32>
            %reduce_or3A_462 = arith.select %gt3A, %reduce_or3A_460, %reduce_or3A_461 : vector<16xi1>, vector<16xf32>
            %reduce_or3A_463 = arith.constant true
            %reduce_or3A_464 = vector.broadcast %reduce_or3A_463 : i1 to vector<16xi1>
            %reduce_or3A_465 = tpu.scan <max>, %reduce_or3A_462 masked %reduce_or3A_464 : vector<16xf32>, vector<16xi1> -> vector<16xf32>
            %reduce_or3A_466 = vector.extract %reduce_or3A_465[15] : f32 from vector<16xf32>
            %reduce_or3A_467 = arith.constant 0.000000e+00 : f32
            %reduce_or3A_468 = arith.cmpf ogt, %reduce_or3A_466, %reduce_or3A_467 : f32
            scf.yield %reduce_or3A_468 : i1
          }
        } else {
        }
        %scan3A_449 = arith.constant 0 : i32
        scf.yield %scan3A_449 : i32
      }
      %scan3A_353 = arith.constant 200 : i32
      %scan3A_354 = arith.constant 0 : i32
      scf.yield %scan3A_354 : i32
    }
    %scan3A_126 = arith.constant 25 : i32
    %add3A_127 = arith.constant 0 : i32
    %add3A_128 = arith.addi %add3A_88, %add3A_127 : i32
    %mul3A_129 = arith.constant 10240 : i32
    %mul3A_130 = arith.muli %add3A_128, %mul3A_129 : i32
    "tpu.region"() ({
      %run_scoped3A = tpu.sem_alloc : memref<!tpu.dma_semaphore, #tpu.memory_space<semaphore_mem>>
      %dma_start3A = arith.constant 0 : i32
      %dma_start3A_307 = tpu.memref_slice %arg9[%dma_start3A] : memref<20480xf32, #tpu.memory_space<vmem>> -> memref<10240xf32, #tpu.memory_space<vmem>>
      %dma_start3A_308 = tpu.memref_slice %arg4[%mul3A_130] : memref<2621440xf32, #tpu.memory_space<hbm>> -> memref<10240xf32, #tpu.memory_space<hbm>>
      %dma_start3A_309 = tpu.memref_slice %arg4[%mul3A_130] : memref<2621440xf32, #tpu.memory_space<hbm>> -> memref<10240xf32, #tpu.memory_space<hbm>>
      %dma_start3A_310 = arith.constant 0 : i32
      %dma_start3A_311 = tpu.memref_slice %arg9[%dma_start3A_310] : memref<20480xf32, #tpu.memory_space<vmem>> -> memref<10240xf32, #tpu.memory_space<vmem>>
      tpu.enqueue_dma source(%dma_start3A_311 : memref<10240xf32, #tpu.memory_space<vmem>>) target(%dma_start3A_309 : memref<10240xf32, #tpu.memory_space<hbm>>) target_semaphore(%run_scoped3A : memref<!tpu.dma_semaphore, #tpu.memory_space<semaphore_mem>>)
      %dma_wait3A = arith.constant 0 : i32
      %dma_wait3A_312 = tpu.memref_slice %arg9[%dma_wait3A] : memref<20480xf32, #tpu.memory_space<vmem>> -> memref<10240xf32, #tpu.memory_space<vmem>>
      %dma_wait3A_313 = tpu.memref_slice %arg4[%mul3A_130] : memref<2621440xf32, #tpu.memory_space<hbm>> -> memref<10240xf32, #tpu.memory_space<hbm>>
      %dma_wait3A_314 = tpu.memref_slice %arg4[%mul3A_130] : memref<2621440xf32, #tpu.memory_space<hbm>> -> memref<10240xf32, #tpu.memory_space<hbm>>
      %dma_wait3A_315 = arith.constant 0 : i32
      %dma_wait3A_316 = tpu.memref_slice %arg9[%dma_wait3A_315] : memref<20480xf32, #tpu.memory_space<vmem>> -> memref<10240xf32, #tpu.memory_space<vmem>>
      tpu.wait_dma2 semaphore(%run_scoped3A : memref<!tpu.dma_semaphore, #tpu.memory_space<semaphore_mem>>) src(%dma_wait3A_316 : memref<10240xf32, #tpu.memory_space<vmem>>) dst(%dma_wait3A_314 : memref<10240xf32, #tpu.memory_space<hbm>>)
      tpu.yield
    }) : () -> ()
    %add3A_131 = arith.constant 0 : i32
    %add3A_132 = arith.addi %add3A_88, %add3A_131 : i32
    %mul3A_133 = arith.constant 10240 : i32
    %mul3A_134 = arith.muli %add3A_132, %mul3A_133 : i32
    "tpu.region"() ({
      %run_scoped3A = tpu.sem_alloc : memref<!tpu.dma_semaphore, #tpu.memory_space<semaphore_mem>>
      %dma_start3A = arith.constant 0 : i32
      %dma_start3A_307 = tpu.memref_slice %arg10[%dma_start3A] : memref<20480xf32, #tpu.memory_space<vmem>> -> memref<10240xf32, #tpu.memory_space<vmem>>
      %dma_start3A_308 = tpu.memref_slice %arg5[%mul3A_134] : memref<2621440xf32, #tpu.memory_space<hbm>> -> memref<10240xf32, #tpu.memory_space<hbm>>
      %dma_start3A_309 = tpu.memref_slice %arg5[%mul3A_134] : memref<2621440xf32, #tpu.memory_space<hbm>> -> memref<10240xf32, #tpu.memory_space<hbm>>
      %dma_start3A_310 = arith.constant 0 : i32
      %dma_start3A_311 = tpu.memref_slice %arg10[%dma_start3A_310] : memref<20480xf32, #tpu.memory_space<vmem>> -> memref<10240xf32, #tpu.memory_space<vmem>>
      tpu.enqueue_dma source(%dma_start3A_311 : memref<10240xf32, #tpu.memory_space<vmem>>) target(%dma_start3A_309 : memref<10240xf32, #tpu.memory_space<hbm>>) target_semaphore(%run_scoped3A : memref<!tpu.dma_semaphore, #tpu.memory_space<semaphore_mem>>)
      %dma_wait3A = arith.constant 0 : i32
      %dma_wait3A_312 = tpu.memref_slice %arg10[%dma_wait3A] : memref<20480xf32, #tpu.memory_space<vmem>> -> memref<10240xf32, #tpu.memory_space<vmem>>
      %dma_wait3A_313 = tpu.memref_slice %arg5[%mul3A_134] : memref<2621440xf32, #tpu.memory_space<hbm>> -> memref<10240xf32, #tpu.memory_space<hbm>>
      %dma_wait3A_314 = tpu.memref_slice %arg5[%mul3A_134] : memref<2621440xf32, #tpu.memory_space<hbm>> -> memref<10240xf32, #tpu.memory_space<hbm>>
      %dma_wait3A_315 = arith.constant 0 : i32
      %dma_wait3A_316 = tpu.memref_slice %arg10[%dma_wait3A_315] : memref<20480xf32, #tpu.memory_space<vmem>> -> memref<10240xf32, #tpu.memory_space<vmem>>
      tpu.wait_dma2 semaphore(%run_scoped3A : memref<!tpu.dma_semaphore, #tpu.memory_space<semaphore_mem>>) src(%dma_wait3A_316 : memref<10240xf32, #tpu.memory_space<vmem>>) dst(%dma_wait3A_314 : memref<10240xf32, #tpu.memory_space<hbm>>)
      tpu.yield
    }) : () -> ()
    %add3A_135 = arith.constant 0 : i32
    %add3A_136 = arith.addi %add3A_88, %add3A_135 : i32
    %mul3A_137 = arith.constant 10240 : i32
    %mul3A_138 = arith.muli %add3A_136, %mul3A_137 : i32
    "tpu.region"() ({
      %run_scoped3A = tpu.sem_alloc : memref<!tpu.dma_semaphore, #tpu.memory_space<semaphore_mem>>
      %dma_start3A = arith.constant 0 : i32
      %dma_start3A_307 = tpu.memref_slice %arg11[%dma_start3A] : memref<20480xf32, #tpu.memory_space<vmem>> -> memref<10240xf32, #tpu.memory_space<vmem>>
      %dma_start3A_308 = tpu.memref_slice %arg6[%mul3A_138] : memref<2621440xf32, #tpu.memory_space<hbm>> -> memref<10240xf32, #tpu.memory_space<hbm>>
      %dma_start3A_309 = tpu.memref_slice %arg6[%mul3A_138] : memref<2621440xf32, #tpu.memory_space<hbm>> -> memref<10240xf32, #tpu.memory_space<hbm>>
      %dma_start3A_310 = arith.constant 0 : i32
      %dma_start3A_311 = tpu.memref_slice %arg11[%dma_start3A_310] : memref<20480xf32, #tpu.memory_space<vmem>> -> memref<10240xf32, #tpu.memory_space<vmem>>
      tpu.enqueue_dma source(%dma_start3A_311 : memref<10240xf32, #tpu.memory_space<vmem>>) target(%dma_start3A_309 : memref<10240xf32, #tpu.memory_space<hbm>>) target_semaphore(%run_scoped3A : memref<!tpu.dma_semaphore, #tpu.memory_space<semaphore_mem>>)
      %dma_wait3A = arith.constant 0 : i32
      %dma_wait3A_312 = tpu.memref_slice %arg11[%dma_wait3A] : memref<20480xf32, #tpu.memory_space<vmem>> -> memref<10240xf32, #tpu.memory_space<vmem>>
      %dma_wait3A_313 = tpu.memref_slice %arg6[%mul3A_138] : memref<2621440xf32, #tpu.memory_space<hbm>> -> memref<10240xf32, #tpu.memory_space<hbm>>
      %dma_wait3A_314 = tpu.memref_slice %arg6[%mul3A_138] : memref<2621440xf32, #tpu.memory_space<hbm>> -> memref<10240xf32, #tpu.memory_space<hbm>>
      %dma_wait3A_315 = arith.constant 0 : i32
      %dma_wait3A_316 = tpu.memref_slice %arg11[%dma_wait3A_315] : memref<20480xf32, #tpu.memory_space<vmem>> -> memref<10240xf32, #tpu.memory_space<vmem>>
      tpu.wait_dma2 semaphore(%run_scoped3A : memref<!tpu.dma_semaphore, #tpu.memory_space<semaphore_mem>>) src(%dma_wait3A_316 : memref<10240xf32, #tpu.memory_space<vmem>>) dst(%dma_wait3A_314 : memref<10240xf32, #tpu.memory_space<hbm>>)
      tpu.yield
    }) : () -> ()
    %add3A_139 = arith.constant 0 : i32
    %add3A_140 = arith.addi %add3A_88, %add3A_139 : i32
    %mul3A_141 = arith.constant 10240 : i32
    %mul3A_142 = arith.muli %add3A_140, %mul3A_141 : i32
    "tpu.region"() ({
      %run_scoped3A = tpu.sem_alloc : memref<!tpu.dma_semaphore, #tpu.memory_space<semaphore_mem>>
      %dma_start3A = arith.constant 0 : i32
      %dma_start3A_307 = tpu.memref_slice %arg12[%dma_start3A] : memref<20480xf32, #tpu.memory_space<vmem>> -> memref<10240xf32, #tpu.memory_space<vmem>>
      %dma_start3A_308 = tpu.memref_slice %arg7[%mul3A_142] : memref<2621440xf32, #tpu.memory_space<hbm>> -> memref<10240xf32, #tpu.memory_space<hbm>>
      %dma_start3A_309 = tpu.memref_slice %arg7[%mul3A_142] : memref<2621440xf32, #tpu.memory_space<hbm>> -> memref<10240xf32, #tpu.memory_space<hbm>>
      %dma_start3A_310 = arith.constant 0 : i32
      %dma_start3A_311 = tpu.memref_slice %arg12[%dma_start3A_310] : memref<20480xf32, #tpu.memory_space<vmem>> -> memref<10240xf32, #tpu.memory_space<vmem>>
      tpu.enqueue_dma source(%dma_start3A_311 : memref<10240xf32, #tpu.memory_space<vmem>>) target(%dma_start3A_309 : memref<10240xf32, #tpu.memory_space<hbm>>) target_semaphore(%run_scoped3A : memref<!tpu.dma_semaphore, #tpu.memory_space<semaphore_mem>>)
      %dma_wait3A = arith.constant 0 : i32
      %dma_wait3A_312 = tpu.memref_slice %arg12[%dma_wait3A] : memref<20480xf32, #tpu.memory_space<vmem>> -> memref<10240xf32, #tpu.memory_space<vmem>>
      %dma_wait3A_313 = tpu.memref_slice %arg7[%mul3A_142] : memref<2621440xf32, #tpu.memory_space<hbm>> -> memref<10240xf32, #tpu.memory_space<hbm>>
      %dma_wait3A_314 = tpu.memref_slice %arg7[%mul3A_142] : memref<2621440xf32, #tpu.memory_space<hbm>> -> memref<10240xf32, #tpu.memory_space<hbm>>
      %dma_wait3A_315 = arith.constant 0 : i32
      %dma_wait3A_316 = tpu.memref_slice %arg12[%dma_wait3A_315] : memref<20480xf32, #tpu.memory_space<vmem>> -> memref<10240xf32, #tpu.memory_space<vmem>>
      tpu.wait_dma2 semaphore(%run_scoped3A : memref<!tpu.dma_semaphore, #tpu.memory_space<semaphore_mem>>) src(%dma_wait3A_316 : memref<10240xf32, #tpu.memory_space<vmem>>) dst(%dma_wait3A_314 : memref<10240xf32, #tpu.memory_space<hbm>>)
      tpu.yield
    }) : () -> ()
    %add3A_143 = arith.constant 1 : i32
    %add3A_144 = arith.addi %add3A_88, %add3A_143 : i32
    %mul3A_145 = arith.constant 10240 : i32
    %mul3A_146 = arith.muli %add3A_144, %mul3A_145 : i32
    "tpu.region"() ({
      %run_scoped3A = tpu.sem_alloc : memref<!tpu.dma_semaphore, #tpu.memory_space<semaphore_mem>>
      %dma_start3A = arith.constant 10240 : i32
      %dma_start3A_307 = tpu.memref_slice %arg9[%dma_start3A] : memref<20480xf32, #tpu.memory_space<vmem>> -> memref<10240xf32, #tpu.memory_space<vmem>>
      %dma_start3A_308 = tpu.memref_slice %arg4[%mul3A_146] : memref<2621440xf32, #tpu.memory_space<hbm>> -> memref<10240xf32, #tpu.memory_space<hbm>>
      %dma_start3A_309 = tpu.memref_slice %arg4[%mul3A_146] : memref<2621440xf32, #tpu.memory_space<hbm>> -> memref<10240xf32, #tpu.memory_space<hbm>>
      %dma_start3A_310 = arith.constant 10240 : i32
      %dma_start3A_311 = tpu.memref_slice %arg9[%dma_start3A_310] : memref<20480xf32, #tpu.memory_space<vmem>> -> memref<10240xf32, #tpu.memory_space<vmem>>
      tpu.enqueue_dma source(%dma_start3A_311 : memref<10240xf32, #tpu.memory_space<vmem>>) target(%dma_start3A_309 : memref<10240xf32, #tpu.memory_space<hbm>>) target_semaphore(%run_scoped3A : memref<!tpu.dma_semaphore, #tpu.memory_space<semaphore_mem>>)
      %dma_wait3A = arith.constant 10240 : i32
      %dma_wait3A_312 = tpu.memref_slice %arg9[%dma_wait3A] : memref<20480xf32, #tpu.memory_space<vmem>> -> memref<10240xf32, #tpu.memory_space<vmem>>
      %dma_wait3A_313 = tpu.memref_slice %arg4[%mul3A_146] : memref<2621440xf32, #tpu.memory_space<hbm>> -> memref<10240xf32, #tpu.memory_space<hbm>>
      %dma_wait3A_314 = tpu.memref_slice %arg4[%mul3A_146] : memref<2621440xf32, #tpu.memory_space<hbm>> -> memref<10240xf32, #tpu.memory_space<hbm>>
      %dma_wait3A_315 = arith.constant 10240 : i32
      %dma_wait3A_316 = tpu.memref_slice %arg9[%dma_wait3A_315] : memref<20480xf32, #tpu.memory_space<vmem>> -> memref<10240xf32, #tpu.memory_space<vmem>>
      tpu.wait_dma2 semaphore(%run_scoped3A : memref<!tpu.dma_semaphore, #tpu.memory_space<semaphore_mem>>) src(%dma_wait3A_316 : memref<10240xf32, #tpu.memory_space<vmem>>) dst(%dma_wait3A_314 : memref<10240xf32, #tpu.memory_space<hbm>>)
      tpu.yield
    }) : () -> ()
    %add3A_147 = arith.constant 1 : i32
    %add3A_148 = arith.addi %add3A_88, %add3A_147 : i32
    %mul3A_149 = arith.constant 10240 : i32
    %mul3A_150 = arith.muli %add3A_148, %mul3A_149 : i32
    "tpu.region"() ({
      %run_scoped3A = tpu.sem_alloc : memref<!tpu.dma_semaphore, #tpu.memory_space<semaphore_mem>>
      %dma_start3A = arith.constant 10240 : i32
      %dma_start3A_307 = tpu.memref_slice %arg10[%dma_start3A] : memref<20480xf32, #tpu.memory_space<vmem>> -> memref<10240xf32, #tpu.memory_space<vmem>>
      %dma_start3A_308 = tpu.memref_slice %arg5[%mul3A_150] : memref<2621440xf32, #tpu.memory_space<hbm>> -> memref<10240xf32, #tpu.memory_space<hbm>>
      %dma_start3A_309 = tpu.memref_slice %arg5[%mul3A_150] : memref<2621440xf32, #tpu.memory_space<hbm>> -> memref<10240xf32, #tpu.memory_space<hbm>>
      %dma_start3A_310 = arith.constant 10240 : i32
      %dma_start3A_311 = tpu.memref_slice %arg10[%dma_start3A_310] : memref<20480xf32, #tpu.memory_space<vmem>> -> memref<10240xf32, #tpu.memory_space<vmem>>
      tpu.enqueue_dma source(%dma_start3A_311 : memref<10240xf32, #tpu.memory_space<vmem>>) target(%dma_start3A_309 : memref<10240xf32, #tpu.memory_space<hbm>>) target_semaphore(%run_scoped3A : memref<!tpu.dma_semaphore, #tpu.memory_space<semaphore_mem>>)
      %dma_wait3A = arith.constant 10240 : i32
      %dma_wait3A_312 = tpu.memref_slice %arg10[%dma_wait3A] : memref<20480xf32, #tpu.memory_space<vmem>> -> memref<10240xf32, #tpu.memory_space<vmem>>
      %dma_wait3A_313 = tpu.memref_slice %arg5[%mul3A_150] : memref<2621440xf32, #tpu.memory_space<hbm>> -> memref<10240xf32, #tpu.memory_space<hbm>>
      %dma_wait3A_314 = tpu.memref_slice %arg5[%mul3A_150] : memref<2621440xf32, #tpu.memory_space<hbm>> -> memref<10240xf32, #tpu.memory_space<hbm>>
      %dma_wait3A_315 = arith.constant 10240 : i32
      %dma_wait3A_316 = tpu.memref_slice %arg10[%dma_wait3A_315] : memref<20480xf32, #tpu.memory_space<vmem>> -> memref<10240xf32, #tpu.memory_space<vmem>>
      tpu.wait_dma2 semaphore(%run_scoped3A : memref<!tpu.dma_semaphore, #tpu.memory_space<semaphore_mem>>) src(%dma_wait3A_316 : memref<10240xf32, #tpu.memory_space<vmem>>) dst(%dma_wait3A_314 : memref<10240xf32, #tpu.memory_space<hbm>>)
      tpu.yield
    }) : () -> ()
    %add3A_151 = arith.constant 1 : i32
    %add3A_152 = arith.addi %add3A_88, %add3A_151 : i32
    %mul3A_153 = arith.constant 10240 : i32
    %mul3A_154 = arith.muli %add3A_152, %mul3A_153 : i32
    "tpu.region"() ({
      %run_scoped3A = tpu.sem_alloc : memref<!tpu.dma_semaphore, #tpu.memory_space<semaphore_mem>>
      %dma_start3A = arith.constant 10240 : i32
      %dma_start3A_307 = tpu.memref_slice %arg11[%dma_start3A] : memref<20480xf32, #tpu.memory_space<vmem>> -> memref<10240xf32, #tpu.memory_space<vmem>>
      %dma_start3A_308 = tpu.memref_slice %arg6[%mul3A_154] : memref<2621440xf32, #tpu.memory_space<hbm>> -> memref<10240xf32, #tpu.memory_space<hbm>>
      %dma_start3A_309 = tpu.memref_slice %arg6[%mul3A_154] : memref<2621440xf32, #tpu.memory_space<hbm>> -> memref<10240xf32, #tpu.memory_space<hbm>>
      %dma_start3A_310 = arith.constant 10240 : i32
      %dma_start3A_311 = tpu.memref_slice %arg11[%dma_start3A_310] : memref<20480xf32, #tpu.memory_space<vmem>> -> memref<10240xf32, #tpu.memory_space<vmem>>
      tpu.enqueue_dma source(%dma_start3A_311 : memref<10240xf32, #tpu.memory_space<vmem>>) target(%dma_start3A_309 : memref<10240xf32, #tpu.memory_space<hbm>>) target_semaphore(%run_scoped3A : memref<!tpu.dma_semaphore, #tpu.memory_space<semaphore_mem>>)
      %dma_wait3A = arith.constant 10240 : i32
      %dma_wait3A_312 = tpu.memref_slice %arg11[%dma_wait3A] : memref<20480xf32, #tpu.memory_space<vmem>> -> memref<10240xf32, #tpu.memory_space<vmem>>
      %dma_wait3A_313 = tpu.memref_slice %arg6[%mul3A_154] : memref<2621440xf32, #tpu.memory_space<hbm>> -> memref<10240xf32, #tpu.memory_space<hbm>>
      %dma_wait3A_314 = tpu.memref_slice %arg6[%mul3A_154] : memref<2621440xf32, #tpu.memory_space<hbm>> -> memref<10240xf32, #tpu.memory_space<hbm>>
      %dma_wait3A_315 = arith.constant 10240 : i32
      %dma_wait3A_316 = tpu.memref_slice %arg11[%dma_wait3A_315] : memref<20480xf32, #tpu.memory_space<vmem>> -> memref<10240xf32, #tpu.memory_space<vmem>>
      tpu.wait_dma2 semaphore(%run_scoped3A : memref<!tpu.dma_semaphore, #tpu.memory_space<semaphore_mem>>) src(%dma_wait3A_316 : memref<10240xf32, #tpu.memory_space<vmem>>) dst(%dma_wait3A_314 : memref<10240xf32, #tpu.memory_space<hbm>>)
      tpu.yield
    }) : () -> ()
    %add3A_155 = arith.constant 1 : i32
    %add3A_156 = arith.addi %add3A_88, %add3A_155 : i32
    %mul3A_157 = arith.constant 10240 : i32
    %mul3A_158 = arith.muli %add3A_156, %mul3A_157 : i32
    "tpu.region"() ({
      %run_scoped3A = tpu.sem_alloc : memref<!tpu.dma_semaphore, #tpu.memory_space<semaphore_mem>>
      %dma_start3A = arith.constant 10240 : i32
      %dma_start3A_307 = tpu.memref_slice %arg12[%dma_start3A] : memref<20480xf32, #tpu.memory_space<vmem>> -> memref<10240xf32, #tpu.memory_space<vmem>>
      %dma_start3A_308 = tpu.memref_slice %arg7[%mul3A_158] : memref<2621440xf32, #tpu.memory_space<hbm>> -> memref<10240xf32, #tpu.memory_space<hbm>>
      %dma_start3A_309 = tpu.memref_slice %arg7[%mul3A_158] : memref<2621440xf32, #tpu.memory_space<hbm>> -> memref<10240xf32, #tpu.memory_space<hbm>>
      %dma_start3A_310 = arith.constant 10240 : i32
      %dma_start3A_311 = tpu.memref_slice %arg12[%dma_start3A_310] : memref<20480xf32, #tpu.memory_space<vmem>> -> memref<10240xf32, #tpu.memory_space<vmem>>
      tpu.enqueue_dma source(%dma_start3A_311 : memref<10240xf32, #tpu.memory_space<vmem>>) target(%dma_start3A_309 : memref<10240xf32, #tpu.memory_space<hbm>>) target_semaphore(%run_scoped3A : memref<!tpu.dma_semaphore, #tpu.memory_space<semaphore_mem>>)
      %dma_wait3A = arith.constant 10240 : i32
      %dma_wait3A_312 = tpu.memref_slice %arg12[%dma_wait3A] : memref<20480xf32, #tpu.memory_space<vmem>> -> memref<10240xf32, #tpu.memory_space<vmem>>
      %dma_wait3A_313 = tpu.memref_slice %arg7[%mul3A_158] : memref<2621440xf32, #tpu.memory_space<hbm>> -> memref<10240xf32, #tpu.memory_space<hbm>>
      %dma_wait3A_314 = tpu.memref_slice %arg7[%mul3A_158] : memref<2621440xf32, #tpu.memory_space<hbm>> -> memref<10240xf32, #tpu.memory_space<hbm>>
      %dma_wait3A_315 = arith.constant 10240 : i32
      %dma_wait3A_316 = tpu.memref_slice %arg12[%dma_wait3A_315] : memref<20480xf32, #tpu.memory_space<vmem>> -> memref<10240xf32, #tpu.memory_space<vmem>>
      tpu.wait_dma2 semaphore(%run_scoped3A : memref<!tpu.dma_semaphore, #tpu.memory_space<semaphore_mem>>) src(%dma_wait3A_316 : memref<10240xf32, #tpu.memory_space<vmem>>) dst(%dma_wait3A_314 : memref<10240xf32, #tpu.memory_space<hbm>>)
      tpu.yield
    }) : () -> ()
    %mul3A_159 = arith.constant 2 : i32
    %mul3A_160 = arith.muli %add3A, %mul3A_159 : i32
    %add3A_161 = arith.constant 128 : i32
    %add3A_162 = arith.addi %add3A_161, %mul3A_160 : i32
    %scan3A_163 = arith.constant 0 : i32
    %scan3A_164 = arith.constant 0 : i32
    %scan3A_165 = arith.constant 1280 : i32
    %scan3A_166 = arith.addi %scan3A_164, %scan3A_165 : i32
    %scan3A_167 = arith.constant 1 : i32
    %scan3A_168 = scf.for %scan3A_307 = %scan3A_164 to %scan3A_166 step %scan3A_167 iter_args(%scan3A_308 = %scan3A_163) -> (i32)  : i32 {
      %mul3A_309 = arith.constant 16 : i32
      %mul3A_310 = arith.muli %scan3A_307, %mul3A_309 : i32
      %swap3A = arith.index_cast %mul3A_310 : i32 to index
      %swap3A_311 = tpu.vector_load %arg9[%swap3A] {strides = array<i32>} : memref<20480xf32, #tpu.memory_space<vmem>>, vector<16xf32>,
      tpu.vector_store %arg9[%swap3A], %broadcast_in_dim3A_1 {strides = array<i32>} : memref<20480xf32, #tpu.memory_space<vmem>>, vector<16xf32>,
      %scan3A_312 = arith.constant 0 : i32
      scf.yield %scan3A_312 : i32
    }
    %scan3A_169 = arith.constant 1280 : i32
    %scan3A_170 = arith.constant 0 : i32
    %scan3A_171 = arith.constant 0 : i32
    %scan3A_172 = arith.constant 1280 : i32
    %scan3A_173 = arith.addi %scan3A_171, %scan3A_172 : i32
    %scan3A_174 = arith.constant 1 : i32
    %scan3A_175 = scf.for %scan3A_307 = %scan3A_171 to %scan3A_173 step %scan3A_174 iter_args(%scan3A_308 = %scan3A_170) -> (i32)  : i32 {
      %mul3A_309 = arith.constant 16 : i32
      %mul3A_310 = arith.muli %scan3A_307, %mul3A_309 : i32
      %swap3A = arith.index_cast %mul3A_310 : i32 to index
      %swap3A_311 = tpu.vector_load %arg10[%swap3A] {strides = array<i32>} : memref<20480xf32, #tpu.memory_space<vmem>>, vector<16xf32>,
      tpu.vector_store %arg10[%swap3A], %broadcast_in_dim3A_1 {strides = array<i32>} : memref<20480xf32, #tpu.memory_space<vmem>>, vector<16xf32>,
      %scan3A_312 = arith.constant 0 : i32
      scf.yield %scan3A_312 : i32
    }
    %scan3A_176 = arith.constant 1280 : i32
    %scan3A_177 = arith.constant 0 : i32
    %scan3A_178 = arith.constant 0 : i32
    %scan3A_179 = arith.constant 1280 : i32
    %scan3A_180 = arith.addi %scan3A_178, %scan3A_179 : i32
    %scan3A_181 = arith.constant 1 : i32
    %scan3A_182 = scf.for %scan3A_307 = %scan3A_178 to %scan3A_180 step %scan3A_181 iter_args(%scan3A_308 = %scan3A_177) -> (i32)  : i32 {
      %mul3A_309 = arith.constant 16 : i32
      %mul3A_310 = arith.muli %scan3A_307, %mul3A_309 : i32
      %swap3A = arith.index_cast %mul3A_310 : i32 to index
      %swap3A_311 = tpu.vector_load %arg11[%swap3A] {strides = array<i32>} : memref<20480xf32, #tpu.memory_space<vmem>>, vector<16xf32>,
      tpu.vector_store %arg11[%swap3A], %broadcast_in_dim3A_3 {strides = array<i32>} : memref<20480xf32, #tpu.memory_space<vmem>>, vector<16xf32>,
      %scan3A_312 = arith.constant 0 : i32
      scf.yield %scan3A_312 : i32
    }
    %scan3A_183 = arith.constant 1280 : i32
    %neg3A_184 = arith.constant 0.000000e+00 : f32
    %neg3A_185 = vector.broadcast %neg3A_184 : f32 to vector<16xf32>
    %neg3A_186 = arith.subf %neg3A_185, %broadcast_in_dim3A_3 : vector<16xf32>
    %scan3A_187 = arith.constant 0 : i32
    %scan3A_188 = arith.constant 0 : i32
    %scan3A_189 = arith.constant 1280 : i32
    %scan3A_190 = arith.addi %scan3A_188, %scan3A_189 : i32
    %scan3A_191 = arith.constant 1 : i32
    %scan3A_192 = scf.for %scan3A_307 = %scan3A_188 to %scan3A_190 step %scan3A_191 iter_args(%scan3A_308 = %scan3A_187) -> (i32)  : i32 {
      %mul3A_309 = arith.constant 16 : i32
      %mul3A_310 = arith.muli %scan3A_307, %mul3A_309 : i32
      %swap3A = arith.index_cast %mul3A_310 : i32 to index
      %swap3A_311 = tpu.vector_load %arg12[%swap3A] {strides = array<i32>} : memref<20480xf32, #tpu.memory_space<vmem>>, vector<16xf32>,
      tpu.vector_store %arg12[%swap3A], %neg3A_186 {strides = array<i32>} : memref<20480xf32, #tpu.memory_space<vmem>>, vector<16xf32>,
      %scan3A_312 = arith.constant 0 : i32
      scf.yield %scan3A_312 : i32
    }
    %scan3A_193 = arith.constant 1280 : i32
    %scan3A_194 = arith.constant 0 : i32
    %scan3A_195 = arith.constant 0 : i32
    %scan3A_196 = arith.constant 25 : i32
    %scan3A_197 = arith.addi %scan3A_195, %scan3A_196 : i32
    %scan3A_198 = arith.constant 1 : i32
    %scan3A_199 = scf.for %scan3A_307 = %scan3A_195 to %scan3A_197 step %scan3A_198 iter_args(%scan3A_308 = %scan3A_194) -> (i32)  : i32 {
      %mul3A_309 = arith.constant 6400 : i32
      %mul3A_310 = arith.muli %scan3A_307, %mul3A_309 : i32
      %dma_start3A = tpu.memref_slice %arg3[%mul3A_310] : memref<160000xi32, #tpu.memory_space<hbm>> -> memref<6400xi32, #tpu.memory_space<hbm>>
      %dma_start3A_311 = tpu.memref_slice %arg3[%mul3A_310] : memref<160000xi32, #tpu.memory_space<hbm>> -> memref<6400xi32, #tpu.memory_space<hbm>>
      tpu.enqueue_dma source(%dma_start3A_311 : memref<6400xi32, #tpu.memory_space<hbm>>) target(%arg15 : memref<6400xi32, #tpu.memory_space<vmem>>) target_semaphore(%arg17 : memref<!tpu.dma_semaphore, #tpu.memory_space<semaphore_mem>>)
      %add3A_312 = arith.constant 0 : i32
      %add3A_313 = arith.addi %add3A_162, %add3A_312 : i32
      %mul3A_314 = arith.constant 160000 : i32
      %mul3A_315 = arith.muli %add3A_313, %mul3A_314 : i32
      %add3A_316 = arith.addi %mul3A_315, %mul3A_310 : i32
      %dma_start3A_317 = arith.constant 0 : i32
      %dma_start3A_318 = tpu.memref_slice %arg14[%dma_start3A_317] : memref<12800xf32, #tpu.memory_space<vmem>> -> memref<6400xf32, #tpu.memory_space<vmem>>
      %dma_start3A_319 = tpu.memref_slice %arg2[%add3A_316] : memref<40960000xf32, #tpu.memory_space<hbm>> -> memref<6400xf32, #tpu.memory_space<hbm>>
      %dma_start3A_320 = arith.constant 0 : i32
      %dma_start3A_321 = tpu.memref_slice %arg14[%dma_start3A_320] : memref<12800xf32, #tpu.memory_space<vmem>> -> memref<6400xf32, #tpu.memory_space<vmem>>
      %dma_start3A_322 = tpu.memref_slice %arg2[%add3A_316] : memref<40960000xf32, #tpu.memory_space<hbm>> -> memref<6400xf32, #tpu.memory_space<hbm>>
      tpu.enqueue_dma source(%dma_start3A_322 : memref<6400xf32, #tpu.memory_space<hbm>>) target(%dma_start3A_321 : memref<6400xf32, #tpu.memory_space<vmem>>) target_semaphore(%arg17 : memref<!tpu.dma_semaphore, #tpu.memory_space<semaphore_mem>>)
      %add3A_323 = arith.constant 1 : i32
      %add3A_324 = arith.addi %add3A_162, %add3A_323 : i32
      %mul3A_325 = arith.constant 160000 : i32
      %mul3A_326 = arith.muli %add3A_324, %mul3A_325 : i32
      %add3A_327 = arith.addi %mul3A_326, %mul3A_310 : i32
      %dma_start3A_328 = arith.constant 6400 : i32
      %dma_start3A_329 = tpu.memref_slice %arg14[%dma_start3A_328] : memref<12800xf32, #tpu.memory_space<vmem>> -> memref<6400xf32, #tpu.memory_space<vmem>>
      %dma_start3A_330 = tpu.memref_slice %arg2[%add3A_327] : memref<40960000xf32, #tpu.memory_space<hbm>> -> memref<6400xf32, #tpu.memory_space<hbm>>
      %dma_start3A_331 = arith.constant 6400 : i32
      %dma_start3A_332 = tpu.memref_slice %arg14[%dma_start3A_331] : memref<12800xf32, #tpu.memory_space<vmem>> -> memref<6400xf32, #tpu.memory_space<vmem>>
      %dma_start3A_333 = tpu.memref_slice %arg2[%add3A_327] : memref<40960000xf32, #tpu.memory_space<hbm>> -> memref<6400xf32, #tpu.memory_space<hbm>>
      tpu.enqueue_dma source(%dma_start3A_333 : memref<6400xf32, #tpu.memory_space<hbm>>) target(%dma_start3A_332 : memref<6400xf32, #tpu.memory_space<vmem>>) target_semaphore(%arg17 : memref<!tpu.dma_semaphore, #tpu.memory_space<semaphore_mem>>)
      %dma_wait3A = tpu.memref_slice %arg3[%mul3A_310] : memref<160000xi32, #tpu.memory_space<hbm>> -> memref<6400xi32, #tpu.memory_space<hbm>>
      %dma_wait3A_334 = tpu.memref_slice %arg3[%mul3A_310] : memref<160000xi32, #tpu.memory_space<hbm>> -> memref<6400xi32, #tpu.memory_space<hbm>>
      tpu.wait_dma2 semaphore(%arg17 : memref<!tpu.dma_semaphore, #tpu.memory_space<semaphore_mem>>) src(%dma_wait3A_334 : memref<6400xi32, #tpu.memory_space<hbm>>) dst(%arg15 : memref<6400xi32, #tpu.memory_space<vmem>>)
      %dma_wait3A_335 = arith.constant 0 : i32
      %dma_wait3A_336 = tpu.memref_slice %arg14[%dma_wait3A_335] : memref<12800xf32, #tpu.memory_space<vmem>> -> memref<6400xf32, #tpu.memory_space<vmem>>
      %dma_wait3A_337 = tpu.memref_slice %arg2[%add3A_316] : memref<40960000xf32, #tpu.memory_space<hbm>> -> memref<6400xf32, #tpu.memory_space<hbm>>
      %dma_wait3A_338 = arith.constant 0 : i32
      %dma_wait3A_339 = tpu.memref_slice %arg14[%dma_wait3A_338] : memref<12800xf32, #tpu.memory_space<vmem>> -> memref<6400xf32, #tpu.memory_space<vmem>>
      %dma_wait3A_340 = tpu.memref_slice %arg2[%add3A_316] : memref<40960000xf32, #tpu.memory_space<hbm>> -> memref<6400xf32, #tpu.memory_space<hbm>>
      tpu.wait_dma2 semaphore(%arg17 : memref<!tpu.dma_semaphore, #tpu.memory_space<semaphore_mem>>) src(%dma_wait3A_340 : memref<6400xf32, #tpu.memory_space<hbm>>) dst(%dma_wait3A_339 : memref<6400xf32, #tpu.memory_space<vmem>>)
      %dma_wait3A_341 = arith.constant 6400 : i32
      %dma_wait3A_342 = tpu.memref_slice %arg14[%dma_wait3A_341] : memref<12800xf32, #tpu.memory_space<vmem>> -> memref<6400xf32, #tpu.memory_space<vmem>>
      %dma_wait3A_343 = tpu.memref_slice %arg2[%add3A_327] : memref<40960000xf32, #tpu.memory_space<hbm>> -> memref<6400xf32, #tpu.memory_space<hbm>>
      %dma_wait3A_344 = arith.constant 6400 : i32
      %dma_wait3A_345 = tpu.memref_slice %arg14[%dma_wait3A_344] : memref<12800xf32, #tpu.memory_space<vmem>> -> memref<6400xf32, #tpu.memory_space<vmem>>
      %dma_wait3A_346 = tpu.memref_slice %arg2[%add3A_327] : memref<40960000xf32, #tpu.memory_space<hbm>> -> memref<6400xf32, #tpu.memory_space<hbm>>
      tpu.wait_dma2 semaphore(%arg17 : memref<!tpu.dma_semaphore, #tpu.memory_space<semaphore_mem>>) src(%dma_wait3A_346 : memref<6400xf32, #tpu.memory_space<hbm>>) dst(%dma_wait3A_345 : memref<6400xf32, #tpu.memory_space<vmem>>)
      %iota3A = tpu.iota {dimensions = array<i32: 0>} : vector<16xi32>
      %scan3A_347 = arith.constant 0 : i32
      %scan3A_348 = arith.constant 0 : i32
      %scan3A_349 = arith.constant 200 : i32
      %scan3A_350 = arith.addi %scan3A_348, %scan3A_349 : i32
      %scan3A_351 = arith.constant 1 : i32
      %scan3A_352 = scf.for %scan3A_355 = %scan3A_348 to %scan3A_350 step %scan3A_351 iter_args(%scan3A_356 = %scan3A_347) -> (i32)  : i32 {
        %mul3A_357 = arith.constant 2 : i32
        %mul3A_358 = arith.muli %mul3A_357, %scan3A_355 : i32
        %mul3A_359 = arith.constant 16 : i32
        %mul3A_360 = arith.muli %mul3A_358, %mul3A_359 : i32
        %get3A = arith.index_cast %mul3A_360 : i32 to index
        %get3A_361 = tpu.vector_load %arg15[%get3A] {strides = array<i32>} : memref<6400xi32, #tpu.memory_space<vmem>>, vector<16xi32>,
        tpu.vector_store_idx %arg16[%get3A_361], %iota3A : memref<10240xi32, #tpu.memory_space<vmem>>[vector<16xi32>], vector<16xi32>,
        %gather3A = tpu.vector_load_idx %arg16[%get3A_361] : memref<10240xi32, #tpu.memory_space<vmem>>[vector<16xi32>], vector<16xi32>,
        %eq3A_362 = arith.cmpi eq, %gather3A, %iota3A : vector<16xi32>
        %reduce_and3A = arith.constant 1.000000e+00 : f32
        %reduce_and3A_363 = arith.constant 0.000000e+00 : f32
        %reduce_and3A_364 = vector.broadcast %reduce_and3A : f32 to vector<16xf32>
        %reduce_and3A_365 = vector.broadcast %reduce_and3A_363 : f32 to vector<16xf32>
        %reduce_and3A_366 = arith.select %eq3A_362, %reduce_and3A_364, %reduce_and3A_365 : vector<16xi1>, vector<16xf32>
        %reduce_and3A_367 = arith.constant true
        %reduce_and3A_368 = vector.broadcast %reduce_and3A_367 : i1 to vector<16xi1>
        %reduce_and3A_369 = tpu.scan <min>, %reduce_and3A_366 masked %reduce_and3A_368 : vector<16xf32>, vector<16xi1> -> vector<16xf32>
        %reduce_and3A_370 = vector.extract %reduce_and3A_369[15] : f32 from vector<16xf32>
        %reduce_and3A_371 = arith.constant 0.000000e+00 : f32
        %reduce_and3A_372 = arith.cmpf ogt, %reduce_and3A_370, %reduce_and3A_371 : f32
        %mul3A_373 = arith.constant 16 : i32
        %mul3A_374 = arith.muli %mul3A_358, %mul3A_373 : i32
        %add3A_375 = arith.constant 0 : i32
        %add3A_376 = arith.addi %add3A_375, %mul3A_374 : i32
        %get3A_377 = arith.index_cast %add3A_376 : i32 to index
        %get3A_378 = tpu.vector_load %arg14[%get3A_377] {strides = array<i32>} : memref<12800xf32, #tpu.memory_space<vmem>>, vector<16xf32>,
        %mul3A_379 = arith.constant 16 : i32
        %mul3A_380 = arith.muli %mul3A_358, %mul3A_379 : i32
        %add3A_381 = arith.constant 6400 : i32
        %add3A_382 = arith.addi %add3A_381, %mul3A_380 : i32
        %get3A_383 = arith.index_cast %add3A_382 : i32 to index
        %get3A_384 = tpu.vector_load %arg14[%get3A_383] {strides = array<i32>} : memref<12800xf32, #tpu.memory_space<vmem>>, vector<16xf32>,
        %add3A_385 = arith.constant 0 : i32
        %add3A_386 = vector.broadcast %add3A_385 : i32 to vector<16xi32>
        %add3A_387 = arith.addi %get3A_361, %add3A_386 : vector<16xi32>
        %add3A_388 = arith.constant 10240 : i32
        %add3A_389 = vector.broadcast %add3A_388 : i32 to vector<16xi32>
        %add3A_390 = arith.addi %get3A_361, %add3A_389 : vector<16xi32>
        tpu.vector_store_idx %arg9[%add3A_387], %get3A_378 {add = true} : memref<20480xf32, #tpu.memory_space<vmem>>[vector<16xi32>], vector<16xf32>,
        %mul3A_391 = arith.mulf %get3A_378, %get3A_378 : vector<16xf32>
        tpu.vector_store_idx %arg10[%add3A_387], %mul3A_391 {add = true} : memref<20480xf32, #tpu.memory_space<vmem>>[vector<16xi32>], vector<16xf32>,
        tpu.vector_store_idx %arg9[%add3A_390], %get3A_384 {add = true} : memref<20480xf32, #tpu.memory_space<vmem>>[vector<16xi32>], vector<16xf32>,
        %mul3A_392 = arith.mulf %get3A_384, %get3A_384 : vector<16xf32>
        tpu.vector_store_idx %arg10[%add3A_390], %mul3A_392 {add = true} : memref<20480xf32, #tpu.memory_space<vmem>>[vector<16xi32>], vector<16xf32>,
        %convert_element_type3A_393 = arith.extui %reduce_and3A_372 : i1 to i32
        %cond3A_394 = arith.constant 0 : i32
        %cond3A_395 = arith.cmpi ne, %convert_element_type3A_393, %cond3A_394 : i32
        scf.if %cond3A_395 {
          %gather3A_450 = tpu.vector_load_idx %arg11[%add3A_387] : memref<20480xf32, #tpu.memory_space<vmem>>[vector<16xi32>], vector<16xf32>,
          %min3A = arith.minimumf %gather3A_450, %get3A_378 : vector<16xf32>
          tpu.vector_store_idx %arg11[%add3A_387], %min3A : memref<20480xf32, #tpu.memory_space<vmem>>[vector<16xi32>], vector<16xf32>,
          %gather3A_451 = tpu.vector_load_idx %arg12[%add3A_387] : memref<20480xf32, #tpu.memory_space<vmem>>[vector<16xi32>], vector<16xf32>,
          %max3A = arith.maximumf %gather3A_451, %get3A_378 : vector<16xf32>
          tpu.vector_store_idx %arg12[%add3A_387], %max3A : memref<20480xf32, #tpu.memory_space<vmem>>[vector<16xi32>], vector<16xf32>,
          %gather3A_452 = tpu.vector_load_idx %arg11[%add3A_390] : memref<20480xf32, #tpu.memory_space<vmem>>[vector<16xi32>], vector<16xf32>,
          %min3A_453 = arith.minimumf %gather3A_452, %get3A_384 : vector<16xf32>
          tpu.vector_store_idx %arg11[%add3A_390], %min3A_453 : memref<20480xf32, #tpu.memory_space<vmem>>[vector<16xi32>], vector<16xf32>,
          %gather3A_454 = tpu.vector_load_idx %arg12[%add3A_390] : memref<20480xf32, #tpu.memory_space<vmem>>[vector<16xi32>], vector<16xf32>,
          %max3A_455 = arith.maximumf %gather3A_454, %get3A_384 : vector<16xf32>
          tpu.vector_store_idx %arg12[%add3A_390], %max3A_455 : memref<20480xf32, #tpu.memory_space<vmem>>[vector<16xi32>], vector<16xf32>,
        } else {
        }
        %not3A = arith.constant true
        %not3A_396 = arith.xori %reduce_and3A_372, %not3A : i1
        %convert_element_type3A_397 = arith.extui %not3A_396 : i1 to i32
        %cond3A_398 = arith.constant 0 : i32
        %cond3A_399 = arith.cmpi ne, %convert_element_type3A_397, %cond3A_398 : i32
        scf.if %cond3A_399 {
          %while3A = arith.constant true
          %while3A_450 = scf.while (%while3A_457 = %while3A) : (i1) -> i1 {
            scf.condition(%while3A_457) %while3A_457 : i1
          } do {
          ^bb0(%while3A_457: i1):
            %gather3A_458 = tpu.vector_load_idx %arg11[%add3A_387] : memref<20480xf32, #tpu.memory_space<vmem>>[vector<16xi32>], vector<16xf32>,
            %lt3A = arith.cmpf olt, %get3A_378, %gather3A_458 : vector<16xf32>
            tpu.vector_store_idx %arg11[%add3A_387], %get3A_378 masked %lt3A : memref<20480xf32, #tpu.memory_space<vmem>>[vector<16xi32>], vector<16xf32>, vector<16xi1>
            %reduce_or3A = arith.constant 1.000000e+00 : f32
            %reduce_or3A_459 = arith.constant 0.000000e+00 : f32
            %reduce_or3A_460 = vector.broadcast %reduce_or3A : f32 to vector<16xf32>
            %reduce_or3A_461 = vector.broadcast %reduce_or3A_459 : f32 to vector<16xf32>
            %reduce_or3A_462 = arith.select %lt3A, %reduce_or3A_460, %reduce_or3A_461 : vector<16xi1>, vector<16xf32>
            %reduce_or3A_463 = arith.constant true
            %reduce_or3A_464 = vector.broadcast %reduce_or3A_463 : i1 to vector<16xi1>
            %reduce_or3A_465 = tpu.scan <max>, %reduce_or3A_462 masked %reduce_or3A_464 : vector<16xf32>, vector<16xi1> -> vector<16xf32>
            %reduce_or3A_466 = vector.extract %reduce_or3A_465[15] : f32 from vector<16xf32>
            %reduce_or3A_467 = arith.constant 0.000000e+00 : f32
            %reduce_or3A_468 = arith.cmpf ogt, %reduce_or3A_466, %reduce_or3A_467 : f32
            scf.yield %reduce_or3A_468 : i1
          }
          %while3A_451 = arith.constant true
          %while3A_452 = scf.while (%while3A_457 = %while3A_451) : (i1) -> i1 {
            scf.condition(%while3A_457) %while3A_457 : i1
          } do {
          ^bb0(%while3A_457: i1):
            %gather3A_458 = tpu.vector_load_idx %arg12[%add3A_387] : memref<20480xf32, #tpu.memory_space<vmem>>[vector<16xi32>], vector<16xf32>,
            %gt3A = arith.cmpf ogt, %get3A_378, %gather3A_458 : vector<16xf32>
            tpu.vector_store_idx %arg12[%add3A_387], %get3A_378 masked %gt3A : memref<20480xf32, #tpu.memory_space<vmem>>[vector<16xi32>], vector<16xf32>, vector<16xi1>
            %reduce_or3A = arith.constant 1.000000e+00 : f32
            %reduce_or3A_459 = arith.constant 0.000000e+00 : f32
            %reduce_or3A_460 = vector.broadcast %reduce_or3A : f32 to vector<16xf32>
            %reduce_or3A_461 = vector.broadcast %reduce_or3A_459 : f32 to vector<16xf32>
            %reduce_or3A_462 = arith.select %gt3A, %reduce_or3A_460, %reduce_or3A_461 : vector<16xi1>, vector<16xf32>
            %reduce_or3A_463 = arith.constant true
            %reduce_or3A_464 = vector.broadcast %reduce_or3A_463 : i1 to vector<16xi1>
            %reduce_or3A_465 = tpu.scan <max>, %reduce_or3A_462 masked %reduce_or3A_464 : vector<16xf32>, vector<16xi1> -> vector<16xf32>
            %reduce_or3A_466 = vector.extract %reduce_or3A_465[15] : f32 from vector<16xf32>
            %reduce_or3A_467 = arith.constant 0.000000e+00 : f32
            %reduce_or3A_468 = arith.cmpf ogt, %reduce_or3A_466, %reduce_or3A_467 : f32
            scf.yield %reduce_or3A_468 : i1
          }
          %while3A_453 = arith.constant true
          %while3A_454 = scf.while (%while3A_457 = %while3A_453) : (i1) -> i1 {
            scf.condition(%while3A_457) %while3A_457 : i1
          } do {
          ^bb0(%while3A_457: i1):
            %gather3A_458 = tpu.vector_load_idx %arg11[%add3A_390] : memref<20480xf32, #tpu.memory_space<vmem>>[vector<16xi32>], vector<16xf32>,
            %lt3A = arith.cmpf olt, %get3A_384, %gather3A_458 : vector<16xf32>
            tpu.vector_store_idx %arg11[%add3A_390], %get3A_384 masked %lt3A : memref<20480xf32, #tpu.memory_space<vmem>>[vector<16xi32>], vector<16xf32>, vector<16xi1>
            %reduce_or3A = arith.constant 1.000000e+00 : f32
            %reduce_or3A_459 = arith.constant 0.000000e+00 : f32
            %reduce_or3A_460 = vector.broadcast %reduce_or3A : f32 to vector<16xf32>
            %reduce_or3A_461 = vector.broadcast %reduce_or3A_459 : f32 to vector<16xf32>
            %reduce_or3A_462 = arith.select %lt3A, %reduce_or3A_460, %reduce_or3A_461 : vector<16xi1>, vector<16xf32>
            %reduce_or3A_463 = arith.constant true
            %reduce_or3A_464 = vector.broadcast %reduce_or3A_463 : i1 to vector<16xi1>
            %reduce_or3A_465 = tpu.scan <max>, %reduce_or3A_462 masked %reduce_or3A_464 : vector<16xf32>, vector<16xi1> -> vector<16xf32>
            %reduce_or3A_466 = vector.extract %reduce_or3A_465[15] : f32 from vector<16xf32>
            %reduce_or3A_467 = arith.constant 0.000000e+00 : f32
            %reduce_or3A_468 = arith.cmpf ogt, %reduce_or3A_466, %reduce_or3A_467 : f32
            scf.yield %reduce_or3A_468 : i1
          }
          %while3A_455 = arith.constant true
          %while3A_456 = scf.while (%while3A_457 = %while3A_455) : (i1) -> i1 {
            scf.condition(%while3A_457) %while3A_457 : i1
          } do {
          ^bb0(%while3A_457: i1):
            %gather3A_458 = tpu.vector_load_idx %arg12[%add3A_390] : memref<20480xf32, #tpu.memory_space<vmem>>[vector<16xi32>], vector<16xf32>,
            %gt3A = arith.cmpf ogt, %get3A_384, %gather3A_458 : vector<16xf32>
            tpu.vector_store_idx %arg12[%add3A_390], %get3A_384 masked %gt3A : memref<20480xf32, #tpu.memory_space<vmem>>[vector<16xi32>], vector<16xf32>, vector<16xi1>
            %reduce_or3A = arith.constant 1.000000e+00 : f32
            %reduce_or3A_459 = arith.constant 0.000000e+00 : f32
            %reduce_or3A_460 = vector.broadcast %reduce_or3A : f32 to vector<16xf32>
            %reduce_or3A_461 = vector.broadcast %reduce_or3A_459 : f32 to vector<16xf32>
            %reduce_or3A_462 = arith.select %gt3A, %reduce_or3A_460, %reduce_or3A_461 : vector<16xi1>, vector<16xf32>
            %reduce_or3A_463 = arith.constant true
            %reduce_or3A_464 = vector.broadcast %reduce_or3A_463 : i1 to vector<16xi1>
            %reduce_or3A_465 = tpu.scan <max>, %reduce_or3A_462 masked %reduce_or3A_464 : vector<16xf32>, vector<16xi1> -> vector<16xf32>
            %reduce_or3A_466 = vector.extract %reduce_or3A_465[15] : f32 from vector<16xf32>
            %reduce_or3A_467 = arith.constant 0.000000e+00 : f32
            %reduce_or3A_468 = arith.cmpf ogt, %reduce_or3A_466, %reduce_or3A_467 : f32
            scf.yield %reduce_or3A_468 : i1
          }
        } else {
        }
        %mul3A_400 = arith.constant 2 : i32
        %mul3A_401 = arith.muli %mul3A_400, %scan3A_355 : i32
        %add3A_402 = arith.constant 1 : i32
        %add3A_403 = arith.addi %mul3A_401, %add3A_402 : i32
        %mul3A_404 = arith.constant 16 : i32
        %mul3A_405 = arith.muli %add3A_403, %mul3A_404 : i32
        %get3A_406 = arith.index_cast %mul3A_405 : i32 to index
        %get3A_407 = tpu.vector_load %arg15[%get3A_406] {strides = array<i32>} : memref<6400xi32, #tpu.memory_space<vmem>>, vector<16xi32>,
        tpu.vector_store_idx %arg16[%get3A_407], %iota3A : memref<10240xi32, #tpu.memory_space<vmem>>[vector<16xi32>], vector<16xi32>,
        %gather3A_408 = tpu.vector_load_idx %arg16[%get3A_407] : memref<10240xi32, #tpu.memory_space<vmem>>[vector<16xi32>], vector<16xi32>,
        %eq3A_409 = arith.cmpi eq, %gather3A_408, %iota3A : vector<16xi32>
        %reduce_and3A_410 = arith.constant 1.000000e+00 : f32
        %reduce_and3A_411 = arith.constant 0.000000e+00 : f32
        %reduce_and3A_412 = vector.broadcast %reduce_and3A_410 : f32 to vector<16xf32>
        %reduce_and3A_413 = vector.broadcast %reduce_and3A_411 : f32 to vector<16xf32>
        %reduce_and3A_414 = arith.select %eq3A_409, %reduce_and3A_412, %reduce_and3A_413 : vector<16xi1>, vector<16xf32>
        %reduce_and3A_415 = arith.constant true
        %reduce_and3A_416 = vector.broadcast %reduce_and3A_415 : i1 to vector<16xi1>
        %reduce_and3A_417 = tpu.scan <min>, %reduce_and3A_414 masked %reduce_and3A_416 : vector<16xf32>, vector<16xi1> -> vector<16xf32>
        %reduce_and3A_418 = vector.extract %reduce_and3A_417[15] : f32 from vector<16xf32>
        %reduce_and3A_419 = arith.constant 0.000000e+00 : f32
        %reduce_and3A_420 = arith.cmpf ogt, %reduce_and3A_418, %reduce_and3A_419 : f32
        %mul3A_421 = arith.constant 16 : i32
        %mul3A_422 = arith.muli %add3A_403, %mul3A_421 : i32
        %add3A_423 = arith.constant 0 : i32
        %add3A_424 = arith.addi %add3A_423, %mul3A_422 : i32
        %get3A_425 = arith.index_cast %add3A_424 : i32 to index
        %get3A_426 = tpu.vector_load %arg14[%get3A_425] {strides = array<i32>} : memref<12800xf32, #tpu.memory_space<vmem>>, vector<16xf32>,
        %mul3A_427 = arith.constant 16 : i32
        %mul3A_428 = arith.muli %add3A_403, %mul3A_427 : i32
        %add3A_429 = arith.constant 6400 : i32
        %add3A_430 = arith.addi %add3A_429, %mul3A_428 : i32
        %get3A_431 = arith.index_cast %add3A_430 : i32 to index
        %get3A_432 = tpu.vector_load %arg14[%get3A_431] {strides = array<i32>} : memref<12800xf32, #tpu.memory_space<vmem>>, vector<16xf32>,
        %add3A_433 = arith.constant 0 : i32
        %add3A_434 = vector.broadcast %add3A_433 : i32 to vector<16xi32>
        %add3A_435 = arith.addi %get3A_407, %add3A_434 : vector<16xi32>
        %add3A_436 = arith.constant 10240 : i32
        %add3A_437 = vector.broadcast %add3A_436 : i32 to vector<16xi32>
        %add3A_438 = arith.addi %get3A_407, %add3A_437 : vector<16xi32>
        tpu.vector_store_idx %arg9[%add3A_435], %get3A_426 {add = true} : memref<20480xf32, #tpu.memory_space<vmem>>[vector<16xi32>], vector<16xf32>,
        %mul3A_439 = arith.mulf %get3A_426, %get3A_426 : vector<16xf32>
        tpu.vector_store_idx %arg10[%add3A_435], %mul3A_439 {add = true} : memref<20480xf32, #tpu.memory_space<vmem>>[vector<16xi32>], vector<16xf32>,
        tpu.vector_store_idx %arg9[%add3A_438], %get3A_432 {add = true} : memref<20480xf32, #tpu.memory_space<vmem>>[vector<16xi32>], vector<16xf32>,
        %mul3A_440 = arith.mulf %get3A_432, %get3A_432 : vector<16xf32>
        tpu.vector_store_idx %arg10[%add3A_438], %mul3A_440 {add = true} : memref<20480xf32, #tpu.memory_space<vmem>>[vector<16xi32>], vector<16xf32>,
        %convert_element_type3A_441 = arith.extui %reduce_and3A_420 : i1 to i32
        %cond3A_442 = arith.constant 0 : i32
        %cond3A_443 = arith.cmpi ne, %convert_element_type3A_441, %cond3A_442 : i32
        scf.if %cond3A_443 {
          %gather3A_450 = tpu.vector_load_idx %arg11[%add3A_435] : memref<20480xf32, #tpu.memory_space<vmem>>[vector<16xi32>], vector<16xf32>,
          %min3A = arith.minimumf %gather3A_450, %get3A_426 : vector<16xf32>
          tpu.vector_store_idx %arg11[%add3A_435], %min3A : memref<20480xf32, #tpu.memory_space<vmem>>[vector<16xi32>], vector<16xf32>,
          %gather3A_451 = tpu.vector_load_idx %arg12[%add3A_435] : memref<20480xf32, #tpu.memory_space<vmem>>[vector<16xi32>], vector<16xf32>,
          %max3A = arith.maximumf %gather3A_451, %get3A_426 : vector<16xf32>
          tpu.vector_store_idx %arg12[%add3A_435], %max3A : memref<20480xf32, #tpu.memory_space<vmem>>[vector<16xi32>], vector<16xf32>,
          %gather3A_452 = tpu.vector_load_idx %arg11[%add3A_438] : memref<20480xf32, #tpu.memory_space<vmem>>[vector<16xi32>], vector<16xf32>,
          %min3A_453 = arith.minimumf %gather3A_452, %get3A_432 : vector<16xf32>
          tpu.vector_store_idx %arg11[%add3A_438], %min3A_453 : memref<20480xf32, #tpu.memory_space<vmem>>[vector<16xi32>], vector<16xf32>,
          %gather3A_454 = tpu.vector_load_idx %arg12[%add3A_438] : memref<20480xf32, #tpu.memory_space<vmem>>[vector<16xi32>], vector<16xf32>,
          %max3A_455 = arith.maximumf %gather3A_454, %get3A_432 : vector<16xf32>
          tpu.vector_store_idx %arg12[%add3A_438], %max3A_455 : memref<20480xf32, #tpu.memory_space<vmem>>[vector<16xi32>], vector<16xf32>,
        } else {
        }
        %not3A_444 = arith.constant true
        %not3A_445 = arith.xori %reduce_and3A_420, %not3A_444 : i1
        %convert_element_type3A_446 = arith.extui %not3A_445 : i1 to i32
        %cond3A_447 = arith.constant 0 : i32
        %cond3A_448 = arith.cmpi ne, %convert_element_type3A_446, %cond3A_447 : i32
        scf.if %cond3A_448 {
          %while3A = arith.constant true
          %while3A_450 = scf.while (%while3A_457 = %while3A) : (i1) -> i1 {
            scf.condition(%while3A_457) %while3A_457 : i1
          } do {
          ^bb0(%while3A_457: i1):
            %gather3A_458 = tpu.vector_load_idx %arg11[%add3A_435] : memref<20480xf32, #tpu.memory_space<vmem>>[vector<16xi32>], vector<16xf32>,
            %lt3A = arith.cmpf olt, %get3A_426, %gather3A_458 : vector<16xf32>
            tpu.vector_store_idx %arg11[%add3A_435], %get3A_426 masked %lt3A : memref<20480xf32, #tpu.memory_space<vmem>>[vector<16xi32>], vector<16xf32>, vector<16xi1>
            %reduce_or3A = arith.constant 1.000000e+00 : f32
            %reduce_or3A_459 = arith.constant 0.000000e+00 : f32
            %reduce_or3A_460 = vector.broadcast %reduce_or3A : f32 to vector<16xf32>
            %reduce_or3A_461 = vector.broadcast %reduce_or3A_459 : f32 to vector<16xf32>
            %reduce_or3A_462 = arith.select %lt3A, %reduce_or3A_460, %reduce_or3A_461 : vector<16xi1>, vector<16xf32>
            %reduce_or3A_463 = arith.constant true
            %reduce_or3A_464 = vector.broadcast %reduce_or3A_463 : i1 to vector<16xi1>
            %reduce_or3A_465 = tpu.scan <max>, %reduce_or3A_462 masked %reduce_or3A_464 : vector<16xf32>, vector<16xi1> -> vector<16xf32>
            %reduce_or3A_466 = vector.extract %reduce_or3A_465[15] : f32 from vector<16xf32>
            %reduce_or3A_467 = arith.constant 0.000000e+00 : f32
            %reduce_or3A_468 = arith.cmpf ogt, %reduce_or3A_466, %reduce_or3A_467 : f32
            scf.yield %reduce_or3A_468 : i1
          }
          %while3A_451 = arith.constant true
          %while3A_452 = scf.while (%while3A_457 = %while3A_451) : (i1) -> i1 {
            scf.condition(%while3A_457) %while3A_457 : i1
          } do {
          ^bb0(%while3A_457: i1):
            %gather3A_458 = tpu.vector_load_idx %arg12[%add3A_435] : memref<20480xf32, #tpu.memory_space<vmem>>[vector<16xi32>], vector<16xf32>,
            %gt3A = arith.cmpf ogt, %get3A_426, %gather3A_458 : vector<16xf32>
            tpu.vector_store_idx %arg12[%add3A_435], %get3A_426 masked %gt3A : memref<20480xf32, #tpu.memory_space<vmem>>[vector<16xi32>], vector<16xf32>, vector<16xi1>
            %reduce_or3A = arith.constant 1.000000e+00 : f32
            %reduce_or3A_459 = arith.constant 0.000000e+00 : f32
            %reduce_or3A_460 = vector.broadcast %reduce_or3A : f32 to vector<16xf32>
            %reduce_or3A_461 = vector.broadcast %reduce_or3A_459 : f32 to vector<16xf32>
            %reduce_or3A_462 = arith.select %gt3A, %reduce_or3A_460, %reduce_or3A_461 : vector<16xi1>, vector<16xf32>
            %reduce_or3A_463 = arith.constant true
            %reduce_or3A_464 = vector.broadcast %reduce_or3A_463 : i1 to vector<16xi1>
            %reduce_or3A_465 = tpu.scan <max>, %reduce_or3A_462 masked %reduce_or3A_464 : vector<16xf32>, vector<16xi1> -> vector<16xf32>
            %reduce_or3A_466 = vector.extract %reduce_or3A_465[15] : f32 from vector<16xf32>
            %reduce_or3A_467 = arith.constant 0.000000e+00 : f32
            %reduce_or3A_468 = arith.cmpf ogt, %reduce_or3A_466, %reduce_or3A_467 : f32
            scf.yield %reduce_or3A_468 : i1
          }
          %while3A_453 = arith.constant true
          %while3A_454 = scf.while (%while3A_457 = %while3A_453) : (i1) -> i1 {
            scf.condition(%while3A_457) %while3A_457 : i1
          } do {
          ^bb0(%while3A_457: i1):
            %gather3A_458 = tpu.vector_load_idx %arg11[%add3A_438] : memref<20480xf32, #tpu.memory_space<vmem>>[vector<16xi32>], vector<16xf32>,
            %lt3A = arith.cmpf olt, %get3A_432, %gather3A_458 : vector<16xf32>
            tpu.vector_store_idx %arg11[%add3A_438], %get3A_432 masked %lt3A : memref<20480xf32, #tpu.memory_space<vmem>>[vector<16xi32>], vector<16xf32>, vector<16xi1>
            %reduce_or3A = arith.constant 1.000000e+00 : f32
            %reduce_or3A_459 = arith.constant 0.000000e+00 : f32
            %reduce_or3A_460 = vector.broadcast %reduce_or3A : f32 to vector<16xf32>
            %reduce_or3A_461 = vector.broadcast %reduce_or3A_459 : f32 to vector<16xf32>
            %reduce_or3A_462 = arith.select %lt3A, %reduce_or3A_460, %reduce_or3A_461 : vector<16xi1>, vector<16xf32>
            %reduce_or3A_463 = arith.constant true
            %reduce_or3A_464 = vector.broadcast %reduce_or3A_463 : i1 to vector<16xi1>
            %reduce_or3A_465 = tpu.scan <max>, %reduce_or3A_462 masked %reduce_or3A_464 : vector<16xf32>, vector<16xi1> -> vector<16xf32>
            %reduce_or3A_466 = vector.extract %reduce_or3A_465[15] : f32 from vector<16xf32>
            %reduce_or3A_467 = arith.constant 0.000000e+00 : f32
            %reduce_or3A_468 = arith.cmpf ogt, %reduce_or3A_466, %reduce_or3A_467 : f32
            scf.yield %reduce_or3A_468 : i1
          }
          %while3A_455 = arith.constant true
          %while3A_456 = scf.while (%while3A_457 = %while3A_455) : (i1) -> i1 {
            scf.condition(%while3A_457) %while3A_457 : i1
          } do {
          ^bb0(%while3A_457: i1):
            %gather3A_458 = tpu.vector_load_idx %arg12[%add3A_438] : memref<20480xf32, #tpu.memory_space<vmem>>[vector<16xi32>], vector<16xf32>,
            %gt3A = arith.cmpf ogt, %get3A_432, %gather3A_458 : vector<16xf32>
            tpu.vector_store_idx %arg12[%add3A_438], %get3A_432 masked %gt3A : memref<20480xf32, #tpu.memory_space<vmem>>[vector<16xi32>], vector<16xf32>, vector<16xi1>
            %reduce_or3A = arith.constant 1.000000e+00 : f32
            %reduce_or3A_459 = arith.constant 0.000000e+00 : f32
            %reduce_or3A_460 = vector.broadcast %reduce_or3A : f32 to vector<16xf32>
            %reduce_or3A_461 = vector.broadcast %reduce_or3A_459 : f32 to vector<16xf32>
            %reduce_or3A_462 = arith.select %gt3A, %reduce_or3A_460, %reduce_or3A_461 : vector<16xi1>, vector<16xf32>
            %reduce_or3A_463 = arith.constant true
            %reduce_or3A_464 = vector.broadcast %reduce_or3A_463 : i1 to vector<16xi1>
            %reduce_or3A_465 = tpu.scan <max>, %reduce_or3A_462 masked %reduce_or3A_464 : vector<16xf32>, vector<16xi1> -> vector<16xf32>
            %reduce_or3A_466 = vector.extract %reduce_or3A_465[15] : f32 from vector<16xf32>
            %reduce_or3A_467 = arith.constant 0.000000e+00 : f32
            %reduce_or3A_468 = arith.cmpf ogt, %reduce_or3A_466, %reduce_or3A_467 : f32
            scf.yield %reduce_or3A_468 : i1
          }
        } else {
        }
        %scan3A_449 = arith.constant 0 : i32
        scf.yield %scan3A_449 : i32
      }
      %scan3A_353 = arith.constant 200 : i32
      %scan3A_354 = arith.constant 0 : i32
      scf.yield %scan3A_354 : i32
    }
    %scan3A_200 = arith.constant 25 : i32
    %add3A_201 = arith.constant 0 : i32
    %add3A_202 = arith.addi %add3A_162, %add3A_201 : i32
    %mul3A_203 = arith.constant 10240 : i32
    %mul3A_204 = arith.muli %add3A_202, %mul3A_203 : i32
    "tpu.region"() ({
      %run_scoped3A = tpu.sem_alloc : memref<!tpu.dma_semaphore, #tpu.memory_space<semaphore_mem>>
      %dma_start3A = arith.constant 0 : i32
      %dma_start3A_307 = tpu.memref_slice %arg9[%dma_start3A] : memref<20480xf32, #tpu.memory_space<vmem>> -> memref<10240xf32, #tpu.memory_space<vmem>>
      %dma_start3A_308 = tpu.memref_slice %arg4[%mul3A_204] : memref<2621440xf32, #tpu.memory_space<hbm>> -> memref<10240xf32, #tpu.memory_space<hbm>>
      %dma_start3A_309 = tpu.memref_slice %arg4[%mul3A_204] : memref<2621440xf32, #tpu.memory_space<hbm>> -> memref<10240xf32, #tpu.memory_space<hbm>>
      %dma_start3A_310 = arith.constant 0 : i32
      %dma_start3A_311 = tpu.memref_slice %arg9[%dma_start3A_310] : memref<20480xf32, #tpu.memory_space<vmem>> -> memref<10240xf32, #tpu.memory_space<vmem>>
      tpu.enqueue_dma source(%dma_start3A_311 : memref<10240xf32, #tpu.memory_space<vmem>>) target(%dma_start3A_309 : memref<10240xf32, #tpu.memory_space<hbm>>) target_semaphore(%run_scoped3A : memref<!tpu.dma_semaphore, #tpu.memory_space<semaphore_mem>>)
      %dma_wait3A = arith.constant 0 : i32
      %dma_wait3A_312 = tpu.memref_slice %arg9[%dma_wait3A] : memref<20480xf32, #tpu.memory_space<vmem>> -> memref<10240xf32, #tpu.memory_space<vmem>>
      %dma_wait3A_313 = tpu.memref_slice %arg4[%mul3A_204] : memref<2621440xf32, #tpu.memory_space<hbm>> -> memref<10240xf32, #tpu.memory_space<hbm>>
      %dma_wait3A_314 = tpu.memref_slice %arg4[%mul3A_204] : memref<2621440xf32, #tpu.memory_space<hbm>> -> memref<10240xf32, #tpu.memory_space<hbm>>
      %dma_wait3A_315 = arith.constant 0 : i32
      %dma_wait3A_316 = tpu.memref_slice %arg9[%dma_wait3A_315] : memref<20480xf32, #tpu.memory_space<vmem>> -> memref<10240xf32, #tpu.memory_space<vmem>>
      tpu.wait_dma2 semaphore(%run_scoped3A : memref<!tpu.dma_semaphore, #tpu.memory_space<semaphore_mem>>) src(%dma_wait3A_316 : memref<10240xf32, #tpu.memory_space<vmem>>) dst(%dma_wait3A_314 : memref<10240xf32, #tpu.memory_space<hbm>>)
      tpu.yield
    }) : () -> ()
    %add3A_205 = arith.constant 0 : i32
    %add3A_206 = arith.addi %add3A_162, %add3A_205 : i32
    %mul3A_207 = arith.constant 10240 : i32
    %mul3A_208 = arith.muli %add3A_206, %mul3A_207 : i32
    "tpu.region"() ({
      %run_scoped3A = tpu.sem_alloc : memref<!tpu.dma_semaphore, #tpu.memory_space<semaphore_mem>>
      %dma_start3A = arith.constant 0 : i32
      %dma_start3A_307 = tpu.memref_slice %arg10[%dma_start3A] : memref<20480xf32, #tpu.memory_space<vmem>> -> memref<10240xf32, #tpu.memory_space<vmem>>
      %dma_start3A_308 = tpu.memref_slice %arg5[%mul3A_208] : memref<2621440xf32, #tpu.memory_space<hbm>> -> memref<10240xf32, #tpu.memory_space<hbm>>
      %dma_start3A_309 = tpu.memref_slice %arg5[%mul3A_208] : memref<2621440xf32, #tpu.memory_space<hbm>> -> memref<10240xf32, #tpu.memory_space<hbm>>
      %dma_start3A_310 = arith.constant 0 : i32
      %dma_start3A_311 = tpu.memref_slice %arg10[%dma_start3A_310] : memref<20480xf32, #tpu.memory_space<vmem>> -> memref<10240xf32, #tpu.memory_space<vmem>>
      tpu.enqueue_dma source(%dma_start3A_311 : memref<10240xf32, #tpu.memory_space<vmem>>) target(%dma_start3A_309 : memref<10240xf32, #tpu.memory_space<hbm>>) target_semaphore(%run_scoped3A : memref<!tpu.dma_semaphore, #tpu.memory_space<semaphore_mem>>)
      %dma_wait3A = arith.constant 0 : i32
      %dma_wait3A_312 = tpu.memref_slice %arg10[%dma_wait3A] : memref<20480xf32, #tpu.memory_space<vmem>> -> memref<10240xf32, #tpu.memory_space<vmem>>
      %dma_wait3A_313 = tpu.memref_slice %arg5[%mul3A_208] : memref<2621440xf32, #tpu.memory_space<hbm>> -> memref<10240xf32, #tpu.memory_space<hbm>>
      %dma_wait3A_314 = tpu.memref_slice %arg5[%mul3A_208] : memref<2621440xf32, #tpu.memory_space<hbm>> -> memref<10240xf32, #tpu.memory_space<hbm>>
      %dma_wait3A_315 = arith.constant 0 : i32
      %dma_wait3A_316 = tpu.memref_slice %arg10[%dma_wait3A_315] : memref<20480xf32, #tpu.memory_space<vmem>> -> memref<10240xf32, #tpu.memory_space<vmem>>
      tpu.wait_dma2 semaphore(%run_scoped3A : memref<!tpu.dma_semaphore, #tpu.memory_space<semaphore_mem>>) src(%dma_wait3A_316 : memref<10240xf32, #tpu.memory_space<vmem>>) dst(%dma_wait3A_314 : memref<10240xf32, #tpu.memory_space<hbm>>)
      tpu.yield
    }) : () -> ()
    %add3A_209 = arith.constant 0 : i32
    %add3A_210 = arith.addi %add3A_162, %add3A_209 : i32
    %mul3A_211 = arith.constant 10240 : i32
    %mul3A_212 = arith.muli %add3A_210, %mul3A_211 : i32
    "tpu.region"() ({
      %run_scoped3A = tpu.sem_alloc : memref<!tpu.dma_semaphore, #tpu.memory_space<semaphore_mem>>
      %dma_start3A = arith.constant 0 : i32
      %dma_start3A_307 = tpu.memref_slice %arg11[%dma_start3A] : memref<20480xf32, #tpu.memory_space<vmem>> -> memref<10240xf32, #tpu.memory_space<vmem>>
      %dma_start3A_308 = tpu.memref_slice %arg6[%mul3A_212] : memref<2621440xf32, #tpu.memory_space<hbm>> -> memref<10240xf32, #tpu.memory_space<hbm>>
      %dma_start3A_309 = tpu.memref_slice %arg6[%mul3A_212] : memref<2621440xf32, #tpu.memory_space<hbm>> -> memref<10240xf32, #tpu.memory_space<hbm>>
      %dma_start3A_310 = arith.constant 0 : i32
      %dma_start3A_311 = tpu.memref_slice %arg11[%dma_start3A_310] : memref<20480xf32, #tpu.memory_space<vmem>> -> memref<10240xf32, #tpu.memory_space<vmem>>
      tpu.enqueue_dma source(%dma_start3A_311 : memref<10240xf32, #tpu.memory_space<vmem>>) target(%dma_start3A_309 : memref<10240xf32, #tpu.memory_space<hbm>>) target_semaphore(%run_scoped3A : memref<!tpu.dma_semaphore, #tpu.memory_space<semaphore_mem>>)
      %dma_wait3A = arith.constant 0 : i32
      %dma_wait3A_312 = tpu.memref_slice %arg11[%dma_wait3A] : memref<20480xf32, #tpu.memory_space<vmem>> -> memref<10240xf32, #tpu.memory_space<vmem>>
      %dma_wait3A_313 = tpu.memref_slice %arg6[%mul3A_212] : memref<2621440xf32, #tpu.memory_space<hbm>> -> memref<10240xf32, #tpu.memory_space<hbm>>
      %dma_wait3A_314 = tpu.memref_slice %arg6[%mul3A_212] : memref<2621440xf32, #tpu.memory_space<hbm>> -> memref<10240xf32, #tpu.memory_space<hbm>>
      %dma_wait3A_315 = arith.constant 0 : i32
      %dma_wait3A_316 = tpu.memref_slice %arg11[%dma_wait3A_315] : memref<20480xf32, #tpu.memory_space<vmem>> -> memref<10240xf32, #tpu.memory_space<vmem>>
      tpu.wait_dma2 semaphore(%run_scoped3A : memref<!tpu.dma_semaphore, #tpu.memory_space<semaphore_mem>>) src(%dma_wait3A_316 : memref<10240xf32, #tpu.memory_space<vmem>>) dst(%dma_wait3A_314 : memref<10240xf32, #tpu.memory_space<hbm>>)
      tpu.yield
    }) : () -> ()
    %add3A_213 = arith.constant 0 : i32
    %add3A_214 = arith.addi %add3A_162, %add3A_213 : i32
    %mul3A_215 = arith.constant 10240 : i32
    %mul3A_216 = arith.muli %add3A_214, %mul3A_215 : i32
    "tpu.region"() ({
      %run_scoped3A = tpu.sem_alloc : memref<!tpu.dma_semaphore, #tpu.memory_space<semaphore_mem>>
      %dma_start3A = arith.constant 0 : i32
      %dma_start3A_307 = tpu.memref_slice %arg12[%dma_start3A] : memref<20480xf32, #tpu.memory_space<vmem>> -> memref<10240xf32, #tpu.memory_space<vmem>>
      %dma_start3A_308 = tpu.memref_slice %arg7[%mul3A_216] : memref<2621440xf32, #tpu.memory_space<hbm>> -> memref<10240xf32, #tpu.memory_space<hbm>>
      %dma_start3A_309 = tpu.memref_slice %arg7[%mul3A_216] : memref<2621440xf32, #tpu.memory_space<hbm>> -> memref<10240xf32, #tpu.memory_space<hbm>>
      %dma_start3A_310 = arith.constant 0 : i32
      %dma_start3A_311 = tpu.memref_slice %arg12[%dma_start3A_310] : memref<20480xf32, #tpu.memory_space<vmem>> -> memref<10240xf32, #tpu.memory_space<vmem>>
      tpu.enqueue_dma source(%dma_start3A_311 : memref<10240xf32, #tpu.memory_space<vmem>>) target(%dma_start3A_309 : memref<10240xf32, #tpu.memory_space<hbm>>) target_semaphore(%run_scoped3A : memref<!tpu.dma_semaphore, #tpu.memory_space<semaphore_mem>>)
      %dma_wait3A = arith.constant 0 : i32
      %dma_wait3A_312 = tpu.memref_slice %arg12[%dma_wait3A] : memref<20480xf32, #tpu.memory_space<vmem>> -> memref<10240xf32, #tpu.memory_space<vmem>>
      %dma_wait3A_313 = tpu.memref_slice %arg7[%mul3A_216] : memref<2621440xf32, #tpu.memory_space<hbm>> -> memref<10240xf32, #tpu.memory_space<hbm>>
      %dma_wait3A_314 = tpu.memref_slice %arg7[%mul3A_216] : memref<2621440xf32, #tpu.memory_space<hbm>> -> memref<10240xf32, #tpu.memory_space<hbm>>
      %dma_wait3A_315 = arith.constant 0 : i32
      %dma_wait3A_316 = tpu.memref_slice %arg12[%dma_wait3A_315] : memref<20480xf32, #tpu.memory_space<vmem>> -> memref<10240xf32, #tpu.memory_space<vmem>>
      tpu.wait_dma2 semaphore(%run_scoped3A : memref<!tpu.dma_semaphore, #tpu.memory_space<semaphore_mem>>) src(%dma_wait3A_316 : memref<10240xf32, #tpu.memory_space<vmem>>) dst(%dma_wait3A_314 : memref<10240xf32, #tpu.memory_space<hbm>>)
      tpu.yield
    }) : () -> ()
    %add3A_217 = arith.constant 1 : i32
    %add3A_218 = arith.addi %add3A_162, %add3A_217 : i32
    %mul3A_219 = arith.constant 10240 : i32
    %mul3A_220 = arith.muli %add3A_218, %mul3A_219 : i32
    "tpu.region"() ({
      %run_scoped3A = tpu.sem_alloc : memref<!tpu.dma_semaphore, #tpu.memory_space<semaphore_mem>>
      %dma_start3A = arith.constant 10240 : i32
      %dma_start3A_307 = tpu.memref_slice %arg9[%dma_start3A] : memref<20480xf32, #tpu.memory_space<vmem>> -> memref<10240xf32, #tpu.memory_space<vmem>>
      %dma_start3A_308 = tpu.memref_slice %arg4[%mul3A_220] : memref<2621440xf32, #tpu.memory_space<hbm>> -> memref<10240xf32, #tpu.memory_space<hbm>>
      %dma_start3A_309 = tpu.memref_slice %arg4[%mul3A_220] : memref<2621440xf32, #tpu.memory_space<hbm>> -> memref<10240xf32, #tpu.memory_space<hbm>>
      %dma_start3A_310 = arith.constant 10240 : i32
      %dma_start3A_311 = tpu.memref_slice %arg9[%dma_start3A_310] : memref<20480xf32, #tpu.memory_space<vmem>> -> memref<10240xf32, #tpu.memory_space<vmem>>
      tpu.enqueue_dma source(%dma_start3A_311 : memref<10240xf32, #tpu.memory_space<vmem>>) target(%dma_start3A_309 : memref<10240xf32, #tpu.memory_space<hbm>>) target_semaphore(%run_scoped3A : memref<!tpu.dma_semaphore, #tpu.memory_space<semaphore_mem>>)
      %dma_wait3A = arith.constant 10240 : i32
      %dma_wait3A_312 = tpu.memref_slice %arg9[%dma_wait3A] : memref<20480xf32, #tpu.memory_space<vmem>> -> memref<10240xf32, #tpu.memory_space<vmem>>
      %dma_wait3A_313 = tpu.memref_slice %arg4[%mul3A_220] : memref<2621440xf32, #tpu.memory_space<hbm>> -> memref<10240xf32, #tpu.memory_space<hbm>>
      %dma_wait3A_314 = tpu.memref_slice %arg4[%mul3A_220] : memref<2621440xf32, #tpu.memory_space<hbm>> -> memref<10240xf32, #tpu.memory_space<hbm>>
      %dma_wait3A_315 = arith.constant 10240 : i32
      %dma_wait3A_316 = tpu.memref_slice %arg9[%dma_wait3A_315] : memref<20480xf32, #tpu.memory_space<vmem>> -> memref<10240xf32, #tpu.memory_space<vmem>>
      tpu.wait_dma2 semaphore(%run_scoped3A : memref<!tpu.dma_semaphore, #tpu.memory_space<semaphore_mem>>) src(%dma_wait3A_316 : memref<10240xf32, #tpu.memory_space<vmem>>) dst(%dma_wait3A_314 : memref<10240xf32, #tpu.memory_space<hbm>>)
      tpu.yield
    }) : () -> ()
    %add3A_221 = arith.constant 1 : i32
    %add3A_222 = arith.addi %add3A_162, %add3A_221 : i32
    %mul3A_223 = arith.constant 10240 : i32
    %mul3A_224 = arith.muli %add3A_222, %mul3A_223 : i32
    "tpu.region"() ({
      %run_scoped3A = tpu.sem_alloc : memref<!tpu.dma_semaphore, #tpu.memory_space<semaphore_mem>>
      %dma_start3A = arith.constant 10240 : i32
      %dma_start3A_307 = tpu.memref_slice %arg10[%dma_start3A] : memref<20480xf32, #tpu.memory_space<vmem>> -> memref<10240xf32, #tpu.memory_space<vmem>>
      %dma_start3A_308 = tpu.memref_slice %arg5[%mul3A_224] : memref<2621440xf32, #tpu.memory_space<hbm>> -> memref<10240xf32, #tpu.memory_space<hbm>>
      %dma_start3A_309 = tpu.memref_slice %arg5[%mul3A_224] : memref<2621440xf32, #tpu.memory_space<hbm>> -> memref<10240xf32, #tpu.memory_space<hbm>>
      %dma_start3A_310 = arith.constant 10240 : i32
      %dma_start3A_311 = tpu.memref_slice %arg10[%dma_start3A_310] : memref<20480xf32, #tpu.memory_space<vmem>> -> memref<10240xf32, #tpu.memory_space<vmem>>
      tpu.enqueue_dma source(%dma_start3A_311 : memref<10240xf32, #tpu.memory_space<vmem>>) target(%dma_start3A_309 : memref<10240xf32, #tpu.memory_space<hbm>>) target_semaphore(%run_scoped3A : memref<!tpu.dma_semaphore, #tpu.memory_space<semaphore_mem>>)
      %dma_wait3A = arith.constant 10240 : i32
      %dma_wait3A_312 = tpu.memref_slice %arg10[%dma_wait3A] : memref<20480xf32, #tpu.memory_space<vmem>> -> memref<10240xf32, #tpu.memory_space<vmem>>
      %dma_wait3A_313 = tpu.memref_slice %arg5[%mul3A_224] : memref<2621440xf32, #tpu.memory_space<hbm>> -> memref<10240xf32, #tpu.memory_space<hbm>>
      %dma_wait3A_314 = tpu.memref_slice %arg5[%mul3A_224] : memref<2621440xf32, #tpu.memory_space<hbm>> -> memref<10240xf32, #tpu.memory_space<hbm>>
      %dma_wait3A_315 = arith.constant 10240 : i32
      %dma_wait3A_316 = tpu.memref_slice %arg10[%dma_wait3A_315] : memref<20480xf32, #tpu.memory_space<vmem>> -> memref<10240xf32, #tpu.memory_space<vmem>>
      tpu.wait_dma2 semaphore(%run_scoped3A : memref<!tpu.dma_semaphore, #tpu.memory_space<semaphore_mem>>) src(%dma_wait3A_316 : memref<10240xf32, #tpu.memory_space<vmem>>) dst(%dma_wait3A_314 : memref<10240xf32, #tpu.memory_space<hbm>>)
      tpu.yield
    }) : () -> ()
    %add3A_225 = arith.constant 1 : i32
    %add3A_226 = arith.addi %add3A_162, %add3A_225 : i32
    %mul3A_227 = arith.constant 10240 : i32
    %mul3A_228 = arith.muli %add3A_226, %mul3A_227 : i32
    "tpu.region"() ({
      %run_scoped3A = tpu.sem_alloc : memref<!tpu.dma_semaphore, #tpu.memory_space<semaphore_mem>>
      %dma_start3A = arith.constant 10240 : i32
      %dma_start3A_307 = tpu.memref_slice %arg11[%dma_start3A] : memref<20480xf32, #tpu.memory_space<vmem>> -> memref<10240xf32, #tpu.memory_space<vmem>>
      %dma_start3A_308 = tpu.memref_slice %arg6[%mul3A_228] : memref<2621440xf32, #tpu.memory_space<hbm>> -> memref<10240xf32, #tpu.memory_space<hbm>>
      %dma_start3A_309 = tpu.memref_slice %arg6[%mul3A_228] : memref<2621440xf32, #tpu.memory_space<hbm>> -> memref<10240xf32, #tpu.memory_space<hbm>>
      %dma_start3A_310 = arith.constant 10240 : i32
      %dma_start3A_311 = tpu.memref_slice %arg11[%dma_start3A_310] : memref<20480xf32, #tpu.memory_space<vmem>> -> memref<10240xf32, #tpu.memory_space<vmem>>
      tpu.enqueue_dma source(%dma_start3A_311 : memref<10240xf32, #tpu.memory_space<vmem>>) target(%dma_start3A_309 : memref<10240xf32, #tpu.memory_space<hbm>>) target_semaphore(%run_scoped3A : memref<!tpu.dma_semaphore, #tpu.memory_space<semaphore_mem>>)
      %dma_wait3A = arith.constant 10240 : i32
      %dma_wait3A_312 = tpu.memref_slice %arg11[%dma_wait3A] : memref<20480xf32, #tpu.memory_space<vmem>> -> memref<10240xf32, #tpu.memory_space<vmem>>
      %dma_wait3A_313 = tpu.memref_slice %arg6[%mul3A_228] : memref<2621440xf32, #tpu.memory_space<hbm>> -> memref<10240xf32, #tpu.memory_space<hbm>>
      %dma_wait3A_314 = tpu.memref_slice %arg6[%mul3A_228] : memref<2621440xf32, #tpu.memory_space<hbm>> -> memref<10240xf32, #tpu.memory_space<hbm>>
      %dma_wait3A_315 = arith.constant 10240 : i32
      %dma_wait3A_316 = tpu.memref_slice %arg11[%dma_wait3A_315] : memref<20480xf32, #tpu.memory_space<vmem>> -> memref<10240xf32, #tpu.memory_space<vmem>>
      tpu.wait_dma2 semaphore(%run_scoped3A : memref<!tpu.dma_semaphore, #tpu.memory_space<semaphore_mem>>) src(%dma_wait3A_316 : memref<10240xf32, #tpu.memory_space<vmem>>) dst(%dma_wait3A_314 : memref<10240xf32, #tpu.memory_space<hbm>>)
      tpu.yield
    }) : () -> ()
    %add3A_229 = arith.constant 1 : i32
    %add3A_230 = arith.addi %add3A_162, %add3A_229 : i32
    %mul3A_231 = arith.constant 10240 : i32
    %mul3A_232 = arith.muli %add3A_230, %mul3A_231 : i32
    "tpu.region"() ({
      %run_scoped3A = tpu.sem_alloc : memref<!tpu.dma_semaphore, #tpu.memory_space<semaphore_mem>>
      %dma_start3A = arith.constant 10240 : i32
      %dma_start3A_307 = tpu.memref_slice %arg12[%dma_start3A] : memref<20480xf32, #tpu.memory_space<vmem>> -> memref<10240xf32, #tpu.memory_space<vmem>>
      %dma_start3A_308 = tpu.memref_slice %arg7[%mul3A_232] : memref<2621440xf32, #tpu.memory_space<hbm>> -> memref<10240xf32, #tpu.memory_space<hbm>>
      %dma_start3A_309 = tpu.memref_slice %arg7[%mul3A_232] : memref<2621440xf32, #tpu.memory_space<hbm>> -> memref<10240xf32, #tpu.memory_space<hbm>>
      %dma_start3A_310 = arith.constant 10240 : i32
      %dma_start3A_311 = tpu.memref_slice %arg12[%dma_start3A_310] : memref<20480xf32, #tpu.memory_space<vmem>> -> memref<10240xf32, #tpu.memory_space<vmem>>
      tpu.enqueue_dma source(%dma_start3A_311 : memref<10240xf32, #tpu.memory_space<vmem>>) target(%dma_start3A_309 : memref<10240xf32, #tpu.memory_space<hbm>>) target_semaphore(%run_scoped3A : memref<!tpu.dma_semaphore, #tpu.memory_space<semaphore_mem>>)
      %dma_wait3A = arith.constant 10240 : i32
      %dma_wait3A_312 = tpu.memref_slice %arg12[%dma_wait3A] : memref<20480xf32, #tpu.memory_space<vmem>> -> memref<10240xf32, #tpu.memory_space<vmem>>
      %dma_wait3A_313 = tpu.memref_slice %arg7[%mul3A_232] : memref<2621440xf32, #tpu.memory_space<hbm>> -> memref<10240xf32, #tpu.memory_space<hbm>>
      %dma_wait3A_314 = tpu.memref_slice %arg7[%mul3A_232] : memref<2621440xf32, #tpu.memory_space<hbm>> -> memref<10240xf32, #tpu.memory_space<hbm>>
      %dma_wait3A_315 = arith.constant 10240 : i32
      %dma_wait3A_316 = tpu.memref_slice %arg12[%dma_wait3A_315] : memref<20480xf32, #tpu.memory_space<vmem>> -> memref<10240xf32, #tpu.memory_space<vmem>>
      tpu.wait_dma2 semaphore(%run_scoped3A : memref<!tpu.dma_semaphore, #tpu.memory_space<semaphore_mem>>) src(%dma_wait3A_316 : memref<10240xf32, #tpu.memory_space<vmem>>) dst(%dma_wait3A_314 : memref<10240xf32, #tpu.memory_space<hbm>>)
      tpu.yield
    }) : () -> ()
    %mul3A_233 = arith.constant 2 : i32
    %mul3A_234 = arith.muli %add3A, %mul3A_233 : i32
    %add3A_235 = arith.constant 192 : i32
    %add3A_236 = arith.addi %add3A_235, %mul3A_234 : i32
    %scan3A_237 = arith.constant 0 : i32
    %scan3A_238 = arith.constant 0 : i32
    %scan3A_239 = arith.constant 1280 : i32
    %scan3A_240 = arith.addi %scan3A_238, %scan3A_239 : i32
    %scan3A_241 = arith.constant 1 : i32
    %scan3A_242 = scf.for %scan3A_307 = %scan3A_238 to %scan3A_240 step %scan3A_241 iter_args(%scan3A_308 = %scan3A_237) -> (i32)  : i32 {
      %mul3A_309 = arith.constant 16 : i32
      %mul3A_310 = arith.muli %scan3A_307, %mul3A_309 : i32
      %swap3A = arith.index_cast %mul3A_310 : i32 to index
      %swap3A_311 = tpu.vector_load %arg9[%swap3A] {strides = array<i32>} : memref<20480xf32, #tpu.memory_space<vmem>>, vector<16xf32>,
      tpu.vector_store %arg9[%swap3A], %broadcast_in_dim3A_1 {strides = array<i32>} : memref<20480xf32, #tpu.memory_space<vmem>>, vector<16xf32>,
      %scan3A_312 = arith.constant 0 : i32
      scf.yield %scan3A_312 : i32
    }
    %scan3A_243 = arith.constant 1280 : i32
    %scan3A_244 = arith.constant 0 : i32
    %scan3A_245 = arith.constant 0 : i32
    %scan3A_246 = arith.constant 1280 : i32
    %scan3A_247 = arith.addi %scan3A_245, %scan3A_246 : i32
    %scan3A_248 = arith.constant 1 : i32
    %scan3A_249 = scf.for %scan3A_307 = %scan3A_245 to %scan3A_247 step %scan3A_248 iter_args(%scan3A_308 = %scan3A_244) -> (i32)  : i32 {
      %mul3A_309 = arith.constant 16 : i32
      %mul3A_310 = arith.muli %scan3A_307, %mul3A_309 : i32
      %swap3A = arith.index_cast %mul3A_310 : i32 to index
      %swap3A_311 = tpu.vector_load %arg10[%swap3A] {strides = array<i32>} : memref<20480xf32, #tpu.memory_space<vmem>>, vector<16xf32>,
      tpu.vector_store %arg10[%swap3A], %broadcast_in_dim3A_1 {strides = array<i32>} : memref<20480xf32, #tpu.memory_space<vmem>>, vector<16xf32>,
      %scan3A_312 = arith.constant 0 : i32
      scf.yield %scan3A_312 : i32
    }
    %scan3A_250 = arith.constant 1280 : i32
    %scan3A_251 = arith.constant 0 : i32
    %scan3A_252 = arith.constant 0 : i32
    %scan3A_253 = arith.constant 1280 : i32
    %scan3A_254 = arith.addi %scan3A_252, %scan3A_253 : i32
    %scan3A_255 = arith.constant 1 : i32
    %scan3A_256 = scf.for %scan3A_307 = %scan3A_252 to %scan3A_254 step %scan3A_255 iter_args(%scan3A_308 = %scan3A_251) -> (i32)  : i32 {
      %mul3A_309 = arith.constant 16 : i32
      %mul3A_310 = arith.muli %scan3A_307, %mul3A_309 : i32
      %swap3A = arith.index_cast %mul3A_310 : i32 to index
      %swap3A_311 = tpu.vector_load %arg11[%swap3A] {strides = array<i32>} : memref<20480xf32, #tpu.memory_space<vmem>>, vector<16xf32>,
      tpu.vector_store %arg11[%swap3A], %broadcast_in_dim3A_3 {strides = array<i32>} : memref<20480xf32, #tpu.memory_space<vmem>>, vector<16xf32>,
      %scan3A_312 = arith.constant 0 : i32
      scf.yield %scan3A_312 : i32
    }
    %scan3A_257 = arith.constant 1280 : i32
    %neg3A_258 = arith.constant 0.000000e+00 : f32
    %neg3A_259 = vector.broadcast %neg3A_258 : f32 to vector<16xf32>
    %neg3A_260 = arith.subf %neg3A_259, %broadcast_in_dim3A_3 : vector<16xf32>
    %scan3A_261 = arith.constant 0 : i32
    %scan3A_262 = arith.constant 0 : i32
    %scan3A_263 = arith.constant 1280 : i32
    %scan3A_264 = arith.addi %scan3A_262, %scan3A_263 : i32
    %scan3A_265 = arith.constant 1 : i32
    %scan3A_266 = scf.for %scan3A_307 = %scan3A_262 to %scan3A_264 step %scan3A_265 iter_args(%scan3A_308 = %scan3A_261) -> (i32)  : i32 {
      %mul3A_309 = arith.constant 16 : i32
      %mul3A_310 = arith.muli %scan3A_307, %mul3A_309 : i32
      %swap3A = arith.index_cast %mul3A_310 : i32 to index
      %swap3A_311 = tpu.vector_load %arg12[%swap3A] {strides = array<i32>} : memref<20480xf32, #tpu.memory_space<vmem>>, vector<16xf32>,
      tpu.vector_store %arg12[%swap3A], %neg3A_260 {strides = array<i32>} : memref<20480xf32, #tpu.memory_space<vmem>>, vector<16xf32>,
      %scan3A_312 = arith.constant 0 : i32
      scf.yield %scan3A_312 : i32
    }
    %scan3A_267 = arith.constant 1280 : i32
    %scan3A_268 = arith.constant 0 : i32
    %scan3A_269 = arith.constant 0 : i32
    %scan3A_270 = arith.constant 25 : i32
    %scan3A_271 = arith.addi %scan3A_269, %scan3A_270 : i32
    %scan3A_272 = arith.constant 1 : i32
    %scan3A_273 = scf.for %scan3A_307 = %scan3A_269 to %scan3A_271 step %scan3A_272 iter_args(%scan3A_308 = %scan3A_268) -> (i32)  : i32 {
      %mul3A_309 = arith.constant 6400 : i32
      %mul3A_310 = arith.muli %scan3A_307, %mul3A_309 : i32
      %dma_start3A = tpu.memref_slice %arg3[%mul3A_310] : memref<160000xi32, #tpu.memory_space<hbm>> -> memref<6400xi32, #tpu.memory_space<hbm>>
      %dma_start3A_311 = tpu.memref_slice %arg3[%mul3A_310] : memref<160000xi32, #tpu.memory_space<hbm>> -> memref<6400xi32, #tpu.memory_space<hbm>>
      tpu.enqueue_dma source(%dma_start3A_311 : memref<6400xi32, #tpu.memory_space<hbm>>) target(%arg15 : memref<6400xi32, #tpu.memory_space<vmem>>) target_semaphore(%arg17 : memref<!tpu.dma_semaphore, #tpu.memory_space<semaphore_mem>>)
      %add3A_312 = arith.constant 0 : i32
      %add3A_313 = arith.addi %add3A_236, %add3A_312 : i32
      %mul3A_314 = arith.constant 160000 : i32
      %mul3A_315 = arith.muli %add3A_313, %mul3A_314 : i32
      %add3A_316 = arith.addi %mul3A_315, %mul3A_310 : i32
      %dma_start3A_317 = arith.constant 0 : i32
      %dma_start3A_318 = tpu.memref_slice %arg14[%dma_start3A_317] : memref<12800xf32, #tpu.memory_space<vmem>> -> memref<6400xf32, #tpu.memory_space<vmem>>
      %dma_start3A_319 = tpu.memref_slice %arg2[%add3A_316] : memref<40960000xf32, #tpu.memory_space<hbm>> -> memref<6400xf32, #tpu.memory_space<hbm>>
      %dma_start3A_320 = arith.constant 0 : i32
      %dma_start3A_321 = tpu.memref_slice %arg14[%dma_start3A_320] : memref<12800xf32, #tpu.memory_space<vmem>> -> memref<6400xf32, #tpu.memory_space<vmem>>
      %dma_start3A_322 = tpu.memref_slice %arg2[%add3A_316] : memref<40960000xf32, #tpu.memory_space<hbm>> -> memref<6400xf32, #tpu.memory_space<hbm>>
      tpu.enqueue_dma source(%dma_start3A_322 : memref<6400xf32, #tpu.memory_space<hbm>>) target(%dma_start3A_321 : memref<6400xf32, #tpu.memory_space<vmem>>) target_semaphore(%arg17 : memref<!tpu.dma_semaphore, #tpu.memory_space<semaphore_mem>>)
      %add3A_323 = arith.constant 1 : i32
      %add3A_324 = arith.addi %add3A_236, %add3A_323 : i32
      %mul3A_325 = arith.constant 160000 : i32
      %mul3A_326 = arith.muli %add3A_324, %mul3A_325 : i32
      %add3A_327 = arith.addi %mul3A_326, %mul3A_310 : i32
      %dma_start3A_328 = arith.constant 6400 : i32
      %dma_start3A_329 = tpu.memref_slice %arg14[%dma_start3A_328] : memref<12800xf32, #tpu.memory_space<vmem>> -> memref<6400xf32, #tpu.memory_space<vmem>>
      %dma_start3A_330 = tpu.memref_slice %arg2[%add3A_327] : memref<40960000xf32, #tpu.memory_space<hbm>> -> memref<6400xf32, #tpu.memory_space<hbm>>
      %dma_start3A_331 = arith.constant 6400 : i32
      %dma_start3A_332 = tpu.memref_slice %arg14[%dma_start3A_331] : memref<12800xf32, #tpu.memory_space<vmem>> -> memref<6400xf32, #tpu.memory_space<vmem>>
      %dma_start3A_333 = tpu.memref_slice %arg2[%add3A_327] : memref<40960000xf32, #tpu.memory_space<hbm>> -> memref<6400xf32, #tpu.memory_space<hbm>>
      tpu.enqueue_dma source(%dma_start3A_333 : memref<6400xf32, #tpu.memory_space<hbm>>) target(%dma_start3A_332 : memref<6400xf32, #tpu.memory_space<vmem>>) target_semaphore(%arg17 : memref<!tpu.dma_semaphore, #tpu.memory_space<semaphore_mem>>)
      %dma_wait3A = tpu.memref_slice %arg3[%mul3A_310] : memref<160000xi32, #tpu.memory_space<hbm>> -> memref<6400xi32, #tpu.memory_space<hbm>>
      %dma_wait3A_334 = tpu.memref_slice %arg3[%mul3A_310] : memref<160000xi32, #tpu.memory_space<hbm>> -> memref<6400xi32, #tpu.memory_space<hbm>>
      tpu.wait_dma2 semaphore(%arg17 : memref<!tpu.dma_semaphore, #tpu.memory_space<semaphore_mem>>) src(%dma_wait3A_334 : memref<6400xi32, #tpu.memory_space<hbm>>) dst(%arg15 : memref<6400xi32, #tpu.memory_space<vmem>>)
      %dma_wait3A_335 = arith.constant 0 : i32
      %dma_wait3A_336 = tpu.memref_slice %arg14[%dma_wait3A_335] : memref<12800xf32, #tpu.memory_space<vmem>> -> memref<6400xf32, #tpu.memory_space<vmem>>
      %dma_wait3A_337 = tpu.memref_slice %arg2[%add3A_316] : memref<40960000xf32, #tpu.memory_space<hbm>> -> memref<6400xf32, #tpu.memory_space<hbm>>
      %dma_wait3A_338 = arith.constant 0 : i32
      %dma_wait3A_339 = tpu.memref_slice %arg14[%dma_wait3A_338] : memref<12800xf32, #tpu.memory_space<vmem>> -> memref<6400xf32, #tpu.memory_space<vmem>>
      %dma_wait3A_340 = tpu.memref_slice %arg2[%add3A_316] : memref<40960000xf32, #tpu.memory_space<hbm>> -> memref<6400xf32, #tpu.memory_space<hbm>>
      tpu.wait_dma2 semaphore(%arg17 : memref<!tpu.dma_semaphore, #tpu.memory_space<semaphore_mem>>) src(%dma_wait3A_340 : memref<6400xf32, #tpu.memory_space<hbm>>) dst(%dma_wait3A_339 : memref<6400xf32, #tpu.memory_space<vmem>>)
      %dma_wait3A_341 = arith.constant 6400 : i32
      %dma_wait3A_342 = tpu.memref_slice %arg14[%dma_wait3A_341] : memref<12800xf32, #tpu.memory_space<vmem>> -> memref<6400xf32, #tpu.memory_space<vmem>>
      %dma_wait3A_343 = tpu.memref_slice %arg2[%add3A_327] : memref<40960000xf32, #tpu.memory_space<hbm>> -> memref<6400xf32, #tpu.memory_space<hbm>>
      %dma_wait3A_344 = arith.constant 6400 : i32
      %dma_wait3A_345 = tpu.memref_slice %arg14[%dma_wait3A_344] : memref<12800xf32, #tpu.memory_space<vmem>> -> memref<6400xf32, #tpu.memory_space<vmem>>
      %dma_wait3A_346 = tpu.memref_slice %arg2[%add3A_327] : memref<40960000xf32, #tpu.memory_space<hbm>> -> memref<6400xf32, #tpu.memory_space<hbm>>
      tpu.wait_dma2 semaphore(%arg17 : memref<!tpu.dma_semaphore, #tpu.memory_space<semaphore_mem>>) src(%dma_wait3A_346 : memref<6400xf32, #tpu.memory_space<hbm>>) dst(%dma_wait3A_345 : memref<6400xf32, #tpu.memory_space<vmem>>)
      %iota3A = tpu.iota {dimensions = array<i32: 0>} : vector<16xi32>
      %scan3A_347 = arith.constant 0 : i32
      %scan3A_348 = arith.constant 0 : i32
      %scan3A_349 = arith.constant 200 : i32
      %scan3A_350 = arith.addi %scan3A_348, %scan3A_349 : i32
      %scan3A_351 = arith.constant 1 : i32
      %scan3A_352 = scf.for %scan3A_355 = %scan3A_348 to %scan3A_350 step %scan3A_351 iter_args(%scan3A_356 = %scan3A_347) -> (i32)  : i32 {
        %mul3A_357 = arith.constant 2 : i32
        %mul3A_358 = arith.muli %mul3A_357, %scan3A_355 : i32
        %mul3A_359 = arith.constant 16 : i32
        %mul3A_360 = arith.muli %mul3A_358, %mul3A_359 : i32
        %get3A = arith.index_cast %mul3A_360 : i32 to index
        %get3A_361 = tpu.vector_load %arg15[%get3A] {strides = array<i32>} : memref<6400xi32, #tpu.memory_space<vmem>>, vector<16xi32>,
        tpu.vector_store_idx %arg16[%get3A_361], %iota3A : memref<10240xi32, #tpu.memory_space<vmem>>[vector<16xi32>], vector<16xi32>,
        %gather3A = tpu.vector_load_idx %arg16[%get3A_361] : memref<10240xi32, #tpu.memory_space<vmem>>[vector<16xi32>], vector<16xi32>,
        %eq3A_362 = arith.cmpi eq, %gather3A, %iota3A : vector<16xi32>
        %reduce_and3A = arith.constant 1.000000e+00 : f32
        %reduce_and3A_363 = arith.constant 0.000000e+00 : f32
        %reduce_and3A_364 = vector.broadcast %reduce_and3A : f32 to vector<16xf32>
        %reduce_and3A_365 = vector.broadcast %reduce_and3A_363 : f32 to vector<16xf32>
        %reduce_and3A_366 = arith.select %eq3A_362, %reduce_and3A_364, %reduce_and3A_365 : vector<16xi1>, vector<16xf32>
        %reduce_and3A_367 = arith.constant true
        %reduce_and3A_368 = vector.broadcast %reduce_and3A_367 : i1 to vector<16xi1>
        %reduce_and3A_369 = tpu.scan <min>, %reduce_and3A_366 masked %reduce_and3A_368 : vector<16xf32>, vector<16xi1> -> vector<16xf32>
        %reduce_and3A_370 = vector.extract %reduce_and3A_369[15] : f32 from vector<16xf32>
        %reduce_and3A_371 = arith.constant 0.000000e+00 : f32
        %reduce_and3A_372 = arith.cmpf ogt, %reduce_and3A_370, %reduce_and3A_371 : f32
        %mul3A_373 = arith.constant 16 : i32
        %mul3A_374 = arith.muli %mul3A_358, %mul3A_373 : i32
        %add3A_375 = arith.constant 0 : i32
        %add3A_376 = arith.addi %add3A_375, %mul3A_374 : i32
        %get3A_377 = arith.index_cast %add3A_376 : i32 to index
        %get3A_378 = tpu.vector_load %arg14[%get3A_377] {strides = array<i32>} : memref<12800xf32, #tpu.memory_space<vmem>>, vector<16xf32>,
        %mul3A_379 = arith.constant 16 : i32
        %mul3A_380 = arith.muli %mul3A_358, %mul3A_379 : i32
        %add3A_381 = arith.constant 6400 : i32
        %add3A_382 = arith.addi %add3A_381, %mul3A_380 : i32
        %get3A_383 = arith.index_cast %add3A_382 : i32 to index
        %get3A_384 = tpu.vector_load %arg14[%get3A_383] {strides = array<i32>} : memref<12800xf32, #tpu.memory_space<vmem>>, vector<16xf32>,
        %add3A_385 = arith.constant 0 : i32
        %add3A_386 = vector.broadcast %add3A_385 : i32 to vector<16xi32>
        %add3A_387 = arith.addi %get3A_361, %add3A_386 : vector<16xi32>
        %add3A_388 = arith.constant 10240 : i32
        %add3A_389 = vector.broadcast %add3A_388 : i32 to vector<16xi32>
        %add3A_390 = arith.addi %get3A_361, %add3A_389 : vector<16xi32>
        tpu.vector_store_idx %arg9[%add3A_387], %get3A_378 {add = true} : memref<20480xf32, #tpu.memory_space<vmem>>[vector<16xi32>], vector<16xf32>,
        %mul3A_391 = arith.mulf %get3A_378, %get3A_378 : vector<16xf32>
        tpu.vector_store_idx %arg10[%add3A_387], %mul3A_391 {add = true} : memref<20480xf32, #tpu.memory_space<vmem>>[vector<16xi32>], vector<16xf32>,
        tpu.vector_store_idx %arg9[%add3A_390], %get3A_384 {add = true} : memref<20480xf32, #tpu.memory_space<vmem>>[vector<16xi32>], vector<16xf32>,
        %mul3A_392 = arith.mulf %get3A_384, %get3A_384 : vector<16xf32>
        tpu.vector_store_idx %arg10[%add3A_390], %mul3A_392 {add = true} : memref<20480xf32, #tpu.memory_space<vmem>>[vector<16xi32>], vector<16xf32>,
        %convert_element_type3A_393 = arith.extui %reduce_and3A_372 : i1 to i32
        %cond3A_394 = arith.constant 0 : i32
        %cond3A_395 = arith.cmpi ne, %convert_element_type3A_393, %cond3A_394 : i32
        scf.if %cond3A_395 {
          %gather3A_450 = tpu.vector_load_idx %arg11[%add3A_387] : memref<20480xf32, #tpu.memory_space<vmem>>[vector<16xi32>], vector<16xf32>,
          %min3A = arith.minimumf %gather3A_450, %get3A_378 : vector<16xf32>
          tpu.vector_store_idx %arg11[%add3A_387], %min3A : memref<20480xf32, #tpu.memory_space<vmem>>[vector<16xi32>], vector<16xf32>,
          %gather3A_451 = tpu.vector_load_idx %arg12[%add3A_387] : memref<20480xf32, #tpu.memory_space<vmem>>[vector<16xi32>], vector<16xf32>,
          %max3A = arith.maximumf %gather3A_451, %get3A_378 : vector<16xf32>
          tpu.vector_store_idx %arg12[%add3A_387], %max3A : memref<20480xf32, #tpu.memory_space<vmem>>[vector<16xi32>], vector<16xf32>,
          %gather3A_452 = tpu.vector_load_idx %arg11[%add3A_390] : memref<20480xf32, #tpu.memory_space<vmem>>[vector<16xi32>], vector<16xf32>,
          %min3A_453 = arith.minimumf %gather3A_452, %get3A_384 : vector<16xf32>
          tpu.vector_store_idx %arg11[%add3A_390], %min3A_453 : memref<20480xf32, #tpu.memory_space<vmem>>[vector<16xi32>], vector<16xf32>,
          %gather3A_454 = tpu.vector_load_idx %arg12[%add3A_390] : memref<20480xf32, #tpu.memory_space<vmem>>[vector<16xi32>], vector<16xf32>,
          %max3A_455 = arith.maximumf %gather3A_454, %get3A_384 : vector<16xf32>
          tpu.vector_store_idx %arg12[%add3A_390], %max3A_455 : memref<20480xf32, #tpu.memory_space<vmem>>[vector<16xi32>], vector<16xf32>,
        } else {
        }
        %not3A = arith.constant true
        %not3A_396 = arith.xori %reduce_and3A_372, %not3A : i1
        %convert_element_type3A_397 = arith.extui %not3A_396 : i1 to i32
        %cond3A_398 = arith.constant 0 : i32
        %cond3A_399 = arith.cmpi ne, %convert_element_type3A_397, %cond3A_398 : i32
        scf.if %cond3A_399 {
          %while3A = arith.constant true
          %while3A_450 = scf.while (%while3A_457 = %while3A) : (i1) -> i1 {
            scf.condition(%while3A_457) %while3A_457 : i1
          } do {
          ^bb0(%while3A_457: i1):
            %gather3A_458 = tpu.vector_load_idx %arg11[%add3A_387] : memref<20480xf32, #tpu.memory_space<vmem>>[vector<16xi32>], vector<16xf32>,
            %lt3A = arith.cmpf olt, %get3A_378, %gather3A_458 : vector<16xf32>
            tpu.vector_store_idx %arg11[%add3A_387], %get3A_378 masked %lt3A : memref<20480xf32, #tpu.memory_space<vmem>>[vector<16xi32>], vector<16xf32>, vector<16xi1>
            %reduce_or3A = arith.constant 1.000000e+00 : f32
            %reduce_or3A_459 = arith.constant 0.000000e+00 : f32
            %reduce_or3A_460 = vector.broadcast %reduce_or3A : f32 to vector<16xf32>
            %reduce_or3A_461 = vector.broadcast %reduce_or3A_459 : f32 to vector<16xf32>
            %reduce_or3A_462 = arith.select %lt3A, %reduce_or3A_460, %reduce_or3A_461 : vector<16xi1>, vector<16xf32>
            %reduce_or3A_463 = arith.constant true
            %reduce_or3A_464 = vector.broadcast %reduce_or3A_463 : i1 to vector<16xi1>
            %reduce_or3A_465 = tpu.scan <max>, %reduce_or3A_462 masked %reduce_or3A_464 : vector<16xf32>, vector<16xi1> -> vector<16xf32>
            %reduce_or3A_466 = vector.extract %reduce_or3A_465[15] : f32 from vector<16xf32>
            %reduce_or3A_467 = arith.constant 0.000000e+00 : f32
            %reduce_or3A_468 = arith.cmpf ogt, %reduce_or3A_466, %reduce_or3A_467 : f32
            scf.yield %reduce_or3A_468 : i1
          }
          %while3A_451 = arith.constant true
          %while3A_452 = scf.while (%while3A_457 = %while3A_451) : (i1) -> i1 {
            scf.condition(%while3A_457) %while3A_457 : i1
          } do {
          ^bb0(%while3A_457: i1):
            %gather3A_458 = tpu.vector_load_idx %arg12[%add3A_387] : memref<20480xf32, #tpu.memory_space<vmem>>[vector<16xi32>], vector<16xf32>,
            %gt3A = arith.cmpf ogt, %get3A_378, %gather3A_458 : vector<16xf32>
            tpu.vector_store_idx %arg12[%add3A_387], %get3A_378 masked %gt3A : memref<20480xf32, #tpu.memory_space<vmem>>[vector<16xi32>], vector<16xf32>, vector<16xi1>
            %reduce_or3A = arith.constant 1.000000e+00 : f32
            %reduce_or3A_459 = arith.constant 0.000000e+00 : f32
            %reduce_or3A_460 = vector.broadcast %reduce_or3A : f32 to vector<16xf32>
            %reduce_or3A_461 = vector.broadcast %reduce_or3A_459 : f32 to vector<16xf32>
            %reduce_or3A_462 = arith.select %gt3A, %reduce_or3A_460, %reduce_or3A_461 : vector<16xi1>, vector<16xf32>
            %reduce_or3A_463 = arith.constant true
            %reduce_or3A_464 = vector.broadcast %reduce_or3A_463 : i1 to vector<16xi1>
            %reduce_or3A_465 = tpu.scan <max>, %reduce_or3A_462 masked %reduce_or3A_464 : vector<16xf32>, vector<16xi1> -> vector<16xf32>
            %reduce_or3A_466 = vector.extract %reduce_or3A_465[15] : f32 from vector<16xf32>
            %reduce_or3A_467 = arith.constant 0.000000e+00 : f32
            %reduce_or3A_468 = arith.cmpf ogt, %reduce_or3A_466, %reduce_or3A_467 : f32
            scf.yield %reduce_or3A_468 : i1
          }
          %while3A_453 = arith.constant true
          %while3A_454 = scf.while (%while3A_457 = %while3A_453) : (i1) -> i1 {
            scf.condition(%while3A_457) %while3A_457 : i1
          } do {
          ^bb0(%while3A_457: i1):
            %gather3A_458 = tpu.vector_load_idx %arg11[%add3A_390] : memref<20480xf32, #tpu.memory_space<vmem>>[vector<16xi32>], vector<16xf32>,
            %lt3A = arith.cmpf olt, %get3A_384, %gather3A_458 : vector<16xf32>
            tpu.vector_store_idx %arg11[%add3A_390], %get3A_384 masked %lt3A : memref<20480xf32, #tpu.memory_space<vmem>>[vector<16xi32>], vector<16xf32>, vector<16xi1>
            %reduce_or3A = arith.constant 1.000000e+00 : f32
            %reduce_or3A_459 = arith.constant 0.000000e+00 : f32
            %reduce_or3A_460 = vector.broadcast %reduce_or3A : f32 to vector<16xf32>
            %reduce_or3A_461 = vector.broadcast %reduce_or3A_459 : f32 to vector<16xf32>
            %reduce_or3A_462 = arith.select %lt3A, %reduce_or3A_460, %reduce_or3A_461 : vector<16xi1>, vector<16xf32>
            %reduce_or3A_463 = arith.constant true
            %reduce_or3A_464 = vector.broadcast %reduce_or3A_463 : i1 to vector<16xi1>
            %reduce_or3A_465 = tpu.scan <max>, %reduce_or3A_462 masked %reduce_or3A_464 : vector<16xf32>, vector<16xi1> -> vector<16xf32>
            %reduce_or3A_466 = vector.extract %reduce_or3A_465[15] : f32 from vector<16xf32>
            %reduce_or3A_467 = arith.constant 0.000000e+00 : f32
            %reduce_or3A_468 = arith.cmpf ogt, %reduce_or3A_466, %reduce_or3A_467 : f32
            scf.yield %reduce_or3A_468 : i1
          }
          %while3A_455 = arith.constant true
          %while3A_456 = scf.while (%while3A_457 = %while3A_455) : (i1) -> i1 {
            scf.condition(%while3A_457) %while3A_457 : i1
          } do {
          ^bb0(%while3A_457: i1):
            %gather3A_458 = tpu.vector_load_idx %arg12[%add3A_390] : memref<20480xf32, #tpu.memory_space<vmem>>[vector<16xi32>], vector<16xf32>,
            %gt3A = arith.cmpf ogt, %get3A_384, %gather3A_458 : vector<16xf32>
            tpu.vector_store_idx %arg12[%add3A_390], %get3A_384 masked %gt3A : memref<20480xf32, #tpu.memory_space<vmem>>[vector<16xi32>], vector<16xf32>, vector<16xi1>
            %reduce_or3A = arith.constant 1.000000e+00 : f32
            %reduce_or3A_459 = arith.constant 0.000000e+00 : f32
            %reduce_or3A_460 = vector.broadcast %reduce_or3A : f32 to vector<16xf32>
            %reduce_or3A_461 = vector.broadcast %reduce_or3A_459 : f32 to vector<16xf32>
            %reduce_or3A_462 = arith.select %gt3A, %reduce_or3A_460, %reduce_or3A_461 : vector<16xi1>, vector<16xf32>
            %reduce_or3A_463 = arith.constant true
            %reduce_or3A_464 = vector.broadcast %reduce_or3A_463 : i1 to vector<16xi1>
            %reduce_or3A_465 = tpu.scan <max>, %reduce_or3A_462 masked %reduce_or3A_464 : vector<16xf32>, vector<16xi1> -> vector<16xf32>
            %reduce_or3A_466 = vector.extract %reduce_or3A_465[15] : f32 from vector<16xf32>
            %reduce_or3A_467 = arith.constant 0.000000e+00 : f32
            %reduce_or3A_468 = arith.cmpf ogt, %reduce_or3A_466, %reduce_or3A_467 : f32
            scf.yield %reduce_or3A_468 : i1
          }
        } else {
        }
        %mul3A_400 = arith.constant 2 : i32
        %mul3A_401 = arith.muli %mul3A_400, %scan3A_355 : i32
        %add3A_402 = arith.constant 1 : i32
        %add3A_403 = arith.addi %mul3A_401, %add3A_402 : i32
        %mul3A_404 = arith.constant 16 : i32
        %mul3A_405 = arith.muli %add3A_403, %mul3A_404 : i32
        %get3A_406 = arith.index_cast %mul3A_405 : i32 to index
        %get3A_407 = tpu.vector_load %arg15[%get3A_406] {strides = array<i32>} : memref<6400xi32, #tpu.memory_space<vmem>>, vector<16xi32>,
        tpu.vector_store_idx %arg16[%get3A_407], %iota3A : memref<10240xi32, #tpu.memory_space<vmem>>[vector<16xi32>], vector<16xi32>,
        %gather3A_408 = tpu.vector_load_idx %arg16[%get3A_407] : memref<10240xi32, #tpu.memory_space<vmem>>[vector<16xi32>], vector<16xi32>,
        %eq3A_409 = arith.cmpi eq, %gather3A_408, %iota3A : vector<16xi32>
        %reduce_and3A_410 = arith.constant 1.000000e+00 : f32
        %reduce_and3A_411 = arith.constant 0.000000e+00 : f32
        %reduce_and3A_412 = vector.broadcast %reduce_and3A_410 : f32 to vector<16xf32>
        %reduce_and3A_413 = vector.broadcast %reduce_and3A_411 : f32 to vector<16xf32>
        %reduce_and3A_414 = arith.select %eq3A_409, %reduce_and3A_412, %reduce_and3A_413 : vector<16xi1>, vector<16xf32>
        %reduce_and3A_415 = arith.constant true
        %reduce_and3A_416 = vector.broadcast %reduce_and3A_415 : i1 to vector<16xi1>
        %reduce_and3A_417 = tpu.scan <min>, %reduce_and3A_414 masked %reduce_and3A_416 : vector<16xf32>, vector<16xi1> -> vector<16xf32>
        %reduce_and3A_418 = vector.extract %reduce_and3A_417[15] : f32 from vector<16xf32>
        %reduce_and3A_419 = arith.constant 0.000000e+00 : f32
        %reduce_and3A_420 = arith.cmpf ogt, %reduce_and3A_418, %reduce_and3A_419 : f32
        %mul3A_421 = arith.constant 16 : i32
        %mul3A_422 = arith.muli %add3A_403, %mul3A_421 : i32
        %add3A_423 = arith.constant 0 : i32
        %add3A_424 = arith.addi %add3A_423, %mul3A_422 : i32
        %get3A_425 = arith.index_cast %add3A_424 : i32 to index
        %get3A_426 = tpu.vector_load %arg14[%get3A_425] {strides = array<i32>} : memref<12800xf32, #tpu.memory_space<vmem>>, vector<16xf32>,
        %mul3A_427 = arith.constant 16 : i32
        %mul3A_428 = arith.muli %add3A_403, %mul3A_427 : i32
        %add3A_429 = arith.constant 6400 : i32
        %add3A_430 = arith.addi %add3A_429, %mul3A_428 : i32
        %get3A_431 = arith.index_cast %add3A_430 : i32 to index
        %get3A_432 = tpu.vector_load %arg14[%get3A_431] {strides = array<i32>} : memref<12800xf32, #tpu.memory_space<vmem>>, vector<16xf32>,
        %add3A_433 = arith.constant 0 : i32
        %add3A_434 = vector.broadcast %add3A_433 : i32 to vector<16xi32>
        %add3A_435 = arith.addi %get3A_407, %add3A_434 : vector<16xi32>
        %add3A_436 = arith.constant 10240 : i32
        %add3A_437 = vector.broadcast %add3A_436 : i32 to vector<16xi32>
        %add3A_438 = arith.addi %get3A_407, %add3A_437 : vector<16xi32>
        tpu.vector_store_idx %arg9[%add3A_435], %get3A_426 {add = true} : memref<20480xf32, #tpu.memory_space<vmem>>[vector<16xi32>], vector<16xf32>,
        %mul3A_439 = arith.mulf %get3A_426, %get3A_426 : vector<16xf32>
        tpu.vector_store_idx %arg10[%add3A_435], %mul3A_439 {add = true} : memref<20480xf32, #tpu.memory_space<vmem>>[vector<16xi32>], vector<16xf32>,
        tpu.vector_store_idx %arg9[%add3A_438], %get3A_432 {add = true} : memref<20480xf32, #tpu.memory_space<vmem>>[vector<16xi32>], vector<16xf32>,
        %mul3A_440 = arith.mulf %get3A_432, %get3A_432 : vector<16xf32>
        tpu.vector_store_idx %arg10[%add3A_438], %mul3A_440 {add = true} : memref<20480xf32, #tpu.memory_space<vmem>>[vector<16xi32>], vector<16xf32>,
        %convert_element_type3A_441 = arith.extui %reduce_and3A_420 : i1 to i32
        %cond3A_442 = arith.constant 0 : i32
        %cond3A_443 = arith.cmpi ne, %convert_element_type3A_441, %cond3A_442 : i32
        scf.if %cond3A_443 {
          %gather3A_450 = tpu.vector_load_idx %arg11[%add3A_435] : memref<20480xf32, #tpu.memory_space<vmem>>[vector<16xi32>], vector<16xf32>,
          %min3A = arith.minimumf %gather3A_450, %get3A_426 : vector<16xf32>
          tpu.vector_store_idx %arg11[%add3A_435], %min3A : memref<20480xf32, #tpu.memory_space<vmem>>[vector<16xi32>], vector<16xf32>,
          %gather3A_451 = tpu.vector_load_idx %arg12[%add3A_435] : memref<20480xf32, #tpu.memory_space<vmem>>[vector<16xi32>], vector<16xf32>,
          %max3A = arith.maximumf %gather3A_451, %get3A_426 : vector<16xf32>
          tpu.vector_store_idx %arg12[%add3A_435], %max3A : memref<20480xf32, #tpu.memory_space<vmem>>[vector<16xi32>], vector<16xf32>,
          %gather3A_452 = tpu.vector_load_idx %arg11[%add3A_438] : memref<20480xf32, #tpu.memory_space<vmem>>[vector<16xi32>], vector<16xf32>,
          %min3A_453 = arith.minimumf %gather3A_452, %get3A_432 : vector<16xf32>
          tpu.vector_store_idx %arg11[%add3A_438], %min3A_453 : memref<20480xf32, #tpu.memory_space<vmem>>[vector<16xi32>], vector<16xf32>,
          %gather3A_454 = tpu.vector_load_idx %arg12[%add3A_438] : memref<20480xf32, #tpu.memory_space<vmem>>[vector<16xi32>], vector<16xf32>,
          %max3A_455 = arith.maximumf %gather3A_454, %get3A_432 : vector<16xf32>
          tpu.vector_store_idx %arg12[%add3A_438], %max3A_455 : memref<20480xf32, #tpu.memory_space<vmem>>[vector<16xi32>], vector<16xf32>,
        } else {
        }
        %not3A_444 = arith.constant true
        %not3A_445 = arith.xori %reduce_and3A_420, %not3A_444 : i1
        %convert_element_type3A_446 = arith.extui %not3A_445 : i1 to i32
        %cond3A_447 = arith.constant 0 : i32
        %cond3A_448 = arith.cmpi ne, %convert_element_type3A_446, %cond3A_447 : i32
        scf.if %cond3A_448 {
          %while3A = arith.constant true
          %while3A_450 = scf.while (%while3A_457 = %while3A) : (i1) -> i1 {
            scf.condition(%while3A_457) %while3A_457 : i1
          } do {
          ^bb0(%while3A_457: i1):
            %gather3A_458 = tpu.vector_load_idx %arg11[%add3A_435] : memref<20480xf32, #tpu.memory_space<vmem>>[vector<16xi32>], vector<16xf32>,
            %lt3A = arith.cmpf olt, %get3A_426, %gather3A_458 : vector<16xf32>
            tpu.vector_store_idx %arg11[%add3A_435], %get3A_426 masked %lt3A : memref<20480xf32, #tpu.memory_space<vmem>>[vector<16xi32>], vector<16xf32>, vector<16xi1>
            %reduce_or3A = arith.constant 1.000000e+00 : f32
            %reduce_or3A_459 = arith.constant 0.000000e+00 : f32
            %reduce_or3A_460 = vector.broadcast %reduce_or3A : f32 to vector<16xf32>
            %reduce_or3A_461 = vector.broadcast %reduce_or3A_459 : f32 to vector<16xf32>
            %reduce_or3A_462 = arith.select %lt3A, %reduce_or3A_460, %reduce_or3A_461 : vector<16xi1>, vector<16xf32>
            %reduce_or3A_463 = arith.constant true
            %reduce_or3A_464 = vector.broadcast %reduce_or3A_463 : i1 to vector<16xi1>
            %reduce_or3A_465 = tpu.scan <max>, %reduce_or3A_462 masked %reduce_or3A_464 : vector<16xf32>, vector<16xi1> -> vector<16xf32>
            %reduce_or3A_466 = vector.extract %reduce_or3A_465[15] : f32 from vector<16xf32>
            %reduce_or3A_467 = arith.constant 0.000000e+00 : f32
            %reduce_or3A_468 = arith.cmpf ogt, %reduce_or3A_466, %reduce_or3A_467 : f32
            scf.yield %reduce_or3A_468 : i1
          }
          %while3A_451 = arith.constant true
          %while3A_452 = scf.while (%while3A_457 = %while3A_451) : (i1) -> i1 {
            scf.condition(%while3A_457) %while3A_457 : i1
          } do {
          ^bb0(%while3A_457: i1):
            %gather3A_458 = tpu.vector_load_idx %arg12[%add3A_435] : memref<20480xf32, #tpu.memory_space<vmem>>[vector<16xi32>], vector<16xf32>,
            %gt3A = arith.cmpf ogt, %get3A_426, %gather3A_458 : vector<16xf32>
            tpu.vector_store_idx %arg12[%add3A_435], %get3A_426 masked %gt3A : memref<20480xf32, #tpu.memory_space<vmem>>[vector<16xi32>], vector<16xf32>, vector<16xi1>
            %reduce_or3A = arith.constant 1.000000e+00 : f32
            %reduce_or3A_459 = arith.constant 0.000000e+00 : f32
            %reduce_or3A_460 = vector.broadcast %reduce_or3A : f32 to vector<16xf32>
            %reduce_or3A_461 = vector.broadcast %reduce_or3A_459 : f32 to vector<16xf32>
            %reduce_or3A_462 = arith.select %gt3A, %reduce_or3A_460, %reduce_or3A_461 : vector<16xi1>, vector<16xf32>
            %reduce_or3A_463 = arith.constant true
            %reduce_or3A_464 = vector.broadcast %reduce_or3A_463 : i1 to vector<16xi1>
            %reduce_or3A_465 = tpu.scan <max>, %reduce_or3A_462 masked %reduce_or3A_464 : vector<16xf32>, vector<16xi1> -> vector<16xf32>
            %reduce_or3A_466 = vector.extract %reduce_or3A_465[15] : f32 from vector<16xf32>
            %reduce_or3A_467 = arith.constant 0.000000e+00 : f32
            %reduce_or3A_468 = arith.cmpf ogt, %reduce_or3A_466, %reduce_or3A_467 : f32
            scf.yield %reduce_or3A_468 : i1
          }
          %while3A_453 = arith.constant true
          %while3A_454 = scf.while (%while3A_457 = %while3A_453) : (i1) -> i1 {
            scf.condition(%while3A_457) %while3A_457 : i1
          } do {
          ^bb0(%while3A_457: i1):
            %gather3A_458 = tpu.vector_load_idx %arg11[%add3A_438] : memref<20480xf32, #tpu.memory_space<vmem>>[vector<16xi32>], vector<16xf32>,
            %lt3A = arith.cmpf olt, %get3A_432, %gather3A_458 : vector<16xf32>
            tpu.vector_store_idx %arg11[%add3A_438], %get3A_432 masked %lt3A : memref<20480xf32, #tpu.memory_space<vmem>>[vector<16xi32>], vector<16xf32>, vector<16xi1>
            %reduce_or3A = arith.constant 1.000000e+00 : f32
            %reduce_or3A_459 = arith.constant 0.000000e+00 : f32
            %reduce_or3A_460 = vector.broadcast %reduce_or3A : f32 to vector<16xf32>
            %reduce_or3A_461 = vector.broadcast %reduce_or3A_459 : f32 to vector<16xf32>
            %reduce_or3A_462 = arith.select %lt3A, %reduce_or3A_460, %reduce_or3A_461 : vector<16xi1>, vector<16xf32>
            %reduce_or3A_463 = arith.constant true
            %reduce_or3A_464 = vector.broadcast %reduce_or3A_463 : i1 to vector<16xi1>
            %reduce_or3A_465 = tpu.scan <max>, %reduce_or3A_462 masked %reduce_or3A_464 : vector<16xf32>, vector<16xi1> -> vector<16xf32>
            %reduce_or3A_466 = vector.extract %reduce_or3A_465[15] : f32 from vector<16xf32>
            %reduce_or3A_467 = arith.constant 0.000000e+00 : f32
            %reduce_or3A_468 = arith.cmpf ogt, %reduce_or3A_466, %reduce_or3A_467 : f32
            scf.yield %reduce_or3A_468 : i1
          }
          %while3A_455 = arith.constant true
          %while3A_456 = scf.while (%while3A_457 = %while3A_455) : (i1) -> i1 {
            scf.condition(%while3A_457) %while3A_457 : i1
          } do {
          ^bb0(%while3A_457: i1):
            %gather3A_458 = tpu.vector_load_idx %arg12[%add3A_438] : memref<20480xf32, #tpu.memory_space<vmem>>[vector<16xi32>], vector<16xf32>,
            %gt3A = arith.cmpf ogt, %get3A_432, %gather3A_458 : vector<16xf32>
            tpu.vector_store_idx %arg12[%add3A_438], %get3A_432 masked %gt3A : memref<20480xf32, #tpu.memory_space<vmem>>[vector<16xi32>], vector<16xf32>, vector<16xi1>
            %reduce_or3A = arith.constant 1.000000e+00 : f32
            %reduce_or3A_459 = arith.constant 0.000000e+00 : f32
            %reduce_or3A_460 = vector.broadcast %reduce_or3A : f32 to vector<16xf32>
            %reduce_or3A_461 = vector.broadcast %reduce_or3A_459 : f32 to vector<16xf32>
            %reduce_or3A_462 = arith.select %gt3A, %reduce_or3A_460, %reduce_or3A_461 : vector<16xi1>, vector<16xf32>
            %reduce_or3A_463 = arith.constant true
            %reduce_or3A_464 = vector.broadcast %reduce_or3A_463 : i1 to vector<16xi1>
            %reduce_or3A_465 = tpu.scan <max>, %reduce_or3A_462 masked %reduce_or3A_464 : vector<16xf32>, vector<16xi1> -> vector<16xf32>
            %reduce_or3A_466 = vector.extract %reduce_or3A_465[15] : f32 from vector<16xf32>
            %reduce_or3A_467 = arith.constant 0.000000e+00 : f32
            %reduce_or3A_468 = arith.cmpf ogt, %reduce_or3A_466, %reduce_or3A_467 : f32
            scf.yield %reduce_or3A_468 : i1
          }
        } else {
        }
        %scan3A_449 = arith.constant 0 : i32
        scf.yield %scan3A_449 : i32
      }
      %scan3A_353 = arith.constant 200 : i32
      %scan3A_354 = arith.constant 0 : i32
      scf.yield %scan3A_354 : i32
    }
    %scan3A_274 = arith.constant 25 : i32
    %add3A_275 = arith.constant 0 : i32
    %add3A_276 = arith.addi %add3A_236, %add3A_275 : i32
    %mul3A_277 = arith.constant 10240 : i32
    %mul3A_278 = arith.muli %add3A_276, %mul3A_277 : i32
    "tpu.region"() ({
      %run_scoped3A = tpu.sem_alloc : memref<!tpu.dma_semaphore, #tpu.memory_space<semaphore_mem>>
      %dma_start3A = arith.constant 0 : i32
      %dma_start3A_307 = tpu.memref_slice %arg9[%dma_start3A] : memref<20480xf32, #tpu.memory_space<vmem>> -> memref<10240xf32, #tpu.memory_space<vmem>>
      %dma_start3A_308 = tpu.memref_slice %arg4[%mul3A_278] : memref<2621440xf32, #tpu.memory_space<hbm>> -> memref<10240xf32, #tpu.memory_space<hbm>>
      %dma_start3A_309 = tpu.memref_slice %arg4[%mul3A_278] : memref<2621440xf32, #tpu.memory_space<hbm>> -> memref<10240xf32, #tpu.memory_space<hbm>>
      %dma_start3A_310 = arith.constant 0 : i32
      %dma_start3A_311 = tpu.memref_slice %arg9[%dma_start3A_310] : memref<20480xf32, #tpu.memory_space<vmem>> -> memref<10240xf32, #tpu.memory_space<vmem>>
      tpu.enqueue_dma source(%dma_start3A_311 : memref<10240xf32, #tpu.memory_space<vmem>>) target(%dma_start3A_309 : memref<10240xf32, #tpu.memory_space<hbm>>) target_semaphore(%run_scoped3A : memref<!tpu.dma_semaphore, #tpu.memory_space<semaphore_mem>>)
      %dma_wait3A = arith.constant 0 : i32
      %dma_wait3A_312 = tpu.memref_slice %arg9[%dma_wait3A] : memref<20480xf32, #tpu.memory_space<vmem>> -> memref<10240xf32, #tpu.memory_space<vmem>>
      %dma_wait3A_313 = tpu.memref_slice %arg4[%mul3A_278] : memref<2621440xf32, #tpu.memory_space<hbm>> -> memref<10240xf32, #tpu.memory_space<hbm>>
      %dma_wait3A_314 = tpu.memref_slice %arg4[%mul3A_278] : memref<2621440xf32, #tpu.memory_space<hbm>> -> memref<10240xf32, #tpu.memory_space<hbm>>
      %dma_wait3A_315 = arith.constant 0 : i32
      %dma_wait3A_316 = tpu.memref_slice %arg9[%dma_wait3A_315] : memref<20480xf32, #tpu.memory_space<vmem>> -> memref<10240xf32, #tpu.memory_space<vmem>>
      tpu.wait_dma2 semaphore(%run_scoped3A : memref<!tpu.dma_semaphore, #tpu.memory_space<semaphore_mem>>) src(%dma_wait3A_316 : memref<10240xf32, #tpu.memory_space<vmem>>) dst(%dma_wait3A_314 : memref<10240xf32, #tpu.memory_space<hbm>>)
      tpu.yield
    }) : () -> ()
    %add3A_279 = arith.constant 0 : i32
    %add3A_280 = arith.addi %add3A_236, %add3A_279 : i32
    %mul3A_281 = arith.constant 10240 : i32
    %mul3A_282 = arith.muli %add3A_280, %mul3A_281 : i32
    "tpu.region"() ({
      %run_scoped3A = tpu.sem_alloc : memref<!tpu.dma_semaphore, #tpu.memory_space<semaphore_mem>>
      %dma_start3A = arith.constant 0 : i32
      %dma_start3A_307 = tpu.memref_slice %arg10[%dma_start3A] : memref<20480xf32, #tpu.memory_space<vmem>> -> memref<10240xf32, #tpu.memory_space<vmem>>
      %dma_start3A_308 = tpu.memref_slice %arg5[%mul3A_282] : memref<2621440xf32, #tpu.memory_space<hbm>> -> memref<10240xf32, #tpu.memory_space<hbm>>
      %dma_start3A_309 = tpu.memref_slice %arg5[%mul3A_282] : memref<2621440xf32, #tpu.memory_space<hbm>> -> memref<10240xf32, #tpu.memory_space<hbm>>
      %dma_start3A_310 = arith.constant 0 : i32
      %dma_start3A_311 = tpu.memref_slice %arg10[%dma_start3A_310] : memref<20480xf32, #tpu.memory_space<vmem>> -> memref<10240xf32, #tpu.memory_space<vmem>>
      tpu.enqueue_dma source(%dma_start3A_311 : memref<10240xf32, #tpu.memory_space<vmem>>) target(%dma_start3A_309 : memref<10240xf32, #tpu.memory_space<hbm>>) target_semaphore(%run_scoped3A : memref<!tpu.dma_semaphore, #tpu.memory_space<semaphore_mem>>)
      %dma_wait3A = arith.constant 0 : i32
      %dma_wait3A_312 = tpu.memref_slice %arg10[%dma_wait3A] : memref<20480xf32, #tpu.memory_space<vmem>> -> memref<10240xf32, #tpu.memory_space<vmem>>
      %dma_wait3A_313 = tpu.memref_slice %arg5[%mul3A_282] : memref<2621440xf32, #tpu.memory_space<hbm>> -> memref<10240xf32, #tpu.memory_space<hbm>>
      %dma_wait3A_314 = tpu.memref_slice %arg5[%mul3A_282] : memref<2621440xf32, #tpu.memory_space<hbm>> -> memref<10240xf32, #tpu.memory_space<hbm>>
      %dma_wait3A_315 = arith.constant 0 : i32
      %dma_wait3A_316 = tpu.memref_slice %arg10[%dma_wait3A_315] : memref<20480xf32, #tpu.memory_space<vmem>> -> memref<10240xf32, #tpu.memory_space<vmem>>
      tpu.wait_dma2 semaphore(%run_scoped3A : memref<!tpu.dma_semaphore, #tpu.memory_space<semaphore_mem>>) src(%dma_wait3A_316 : memref<10240xf32, #tpu.memory_space<vmem>>) dst(%dma_wait3A_314 : memref<10240xf32, #tpu.memory_space<hbm>>)
      tpu.yield
    }) : () -> ()
    %add3A_283 = arith.constant 0 : i32
    %add3A_284 = arith.addi %add3A_236, %add3A_283 : i32
    %mul3A_285 = arith.constant 10240 : i32
    %mul3A_286 = arith.muli %add3A_284, %mul3A_285 : i32
    "tpu.region"() ({
      %run_scoped3A = tpu.sem_alloc : memref<!tpu.dma_semaphore, #tpu.memory_space<semaphore_mem>>
      %dma_start3A = arith.constant 0 : i32
      %dma_start3A_307 = tpu.memref_slice %arg11[%dma_start3A] : memref<20480xf32, #tpu.memory_space<vmem>> -> memref<10240xf32, #tpu.memory_space<vmem>>
      %dma_start3A_308 = tpu.memref_slice %arg6[%mul3A_286] : memref<2621440xf32, #tpu.memory_space<hbm>> -> memref<10240xf32, #tpu.memory_space<hbm>>
      %dma_start3A_309 = tpu.memref_slice %arg6[%mul3A_286] : memref<2621440xf32, #tpu.memory_space<hbm>> -> memref<10240xf32, #tpu.memory_space<hbm>>
      %dma_start3A_310 = arith.constant 0 : i32
      %dma_start3A_311 = tpu.memref_slice %arg11[%dma_start3A_310] : memref<20480xf32, #tpu.memory_space<vmem>> -> memref<10240xf32, #tpu.memory_space<vmem>>
      tpu.enqueue_dma source(%dma_start3A_311 : memref<10240xf32, #tpu.memory_space<vmem>>) target(%dma_start3A_309 : memref<10240xf32, #tpu.memory_space<hbm>>) target_semaphore(%run_scoped3A : memref<!tpu.dma_semaphore, #tpu.memory_space<semaphore_mem>>)
      %dma_wait3A = arith.constant 0 : i32
      %dma_wait3A_312 = tpu.memref_slice %arg11[%dma_wait3A] : memref<20480xf32, #tpu.memory_space<vmem>> -> memref<10240xf32, #tpu.memory_space<vmem>>
      %dma_wait3A_313 = tpu.memref_slice %arg6[%mul3A_286] : memref<2621440xf32, #tpu.memory_space<hbm>> -> memref<10240xf32, #tpu.memory_space<hbm>>
      %dma_wait3A_314 = tpu.memref_slice %arg6[%mul3A_286] : memref<2621440xf32, #tpu.memory_space<hbm>> -> memref<10240xf32, #tpu.memory_space<hbm>>
      %dma_wait3A_315 = arith.constant 0 : i32
      %dma_wait3A_316 = tpu.memref_slice %arg11[%dma_wait3A_315] : memref<20480xf32, #tpu.memory_space<vmem>> -> memref<10240xf32, #tpu.memory_space<vmem>>
      tpu.wait_dma2 semaphore(%run_scoped3A : memref<!tpu.dma_semaphore, #tpu.memory_space<semaphore_mem>>) src(%dma_wait3A_316 : memref<10240xf32, #tpu.memory_space<vmem>>) dst(%dma_wait3A_314 : memref<10240xf32, #tpu.memory_space<hbm>>)
      tpu.yield
    }) : () -> ()
    %add3A_287 = arith.constant 0 : i32
    %add3A_288 = arith.addi %add3A_236, %add3A_287 : i32
    %mul3A_289 = arith.constant 10240 : i32
    %mul3A_290 = arith.muli %add3A_288, %mul3A_289 : i32
    "tpu.region"() ({
      %run_scoped3A = tpu.sem_alloc : memref<!tpu.dma_semaphore, #tpu.memory_space<semaphore_mem>>
      %dma_start3A = arith.constant 0 : i32
      %dma_start3A_307 = tpu.memref_slice %arg12[%dma_start3A] : memref<20480xf32, #tpu.memory_space<vmem>> -> memref<10240xf32, #tpu.memory_space<vmem>>
      %dma_start3A_308 = tpu.memref_slice %arg7[%mul3A_290] : memref<2621440xf32, #tpu.memory_space<hbm>> -> memref<10240xf32, #tpu.memory_space<hbm>>
      %dma_start3A_309 = tpu.memref_slice %arg7[%mul3A_290] : memref<2621440xf32, #tpu.memory_space<hbm>> -> memref<10240xf32, #tpu.memory_space<hbm>>
      %dma_start3A_310 = arith.constant 0 : i32
      %dma_start3A_311 = tpu.memref_slice %arg12[%dma_start3A_310] : memref<20480xf32, #tpu.memory_space<vmem>> -> memref<10240xf32, #tpu.memory_space<vmem>>
      tpu.enqueue_dma source(%dma_start3A_311 : memref<10240xf32, #tpu.memory_space<vmem>>) target(%dma_start3A_309 : memref<10240xf32, #tpu.memory_space<hbm>>) target_semaphore(%run_scoped3A : memref<!tpu.dma_semaphore, #tpu.memory_space<semaphore_mem>>)
      %dma_wait3A = arith.constant 0 : i32
      %dma_wait3A_312 = tpu.memref_slice %arg12[%dma_wait3A] : memref<20480xf32, #tpu.memory_space<vmem>> -> memref<10240xf32, #tpu.memory_space<vmem>>
      %dma_wait3A_313 = tpu.memref_slice %arg7[%mul3A_290] : memref<2621440xf32, #tpu.memory_space<hbm>> -> memref<10240xf32, #tpu.memory_space<hbm>>
      %dma_wait3A_314 = tpu.memref_slice %arg7[%mul3A_290] : memref<2621440xf32, #tpu.memory_space<hbm>> -> memref<10240xf32, #tpu.memory_space<hbm>>
      %dma_wait3A_315 = arith.constant 0 : i32
      %dma_wait3A_316 = tpu.memref_slice %arg12[%dma_wait3A_315] : memref<20480xf32, #tpu.memory_space<vmem>> -> memref<10240xf32, #tpu.memory_space<vmem>>
      tpu.wait_dma2 semaphore(%run_scoped3A : memref<!tpu.dma_semaphore, #tpu.memory_space<semaphore_mem>>) src(%dma_wait3A_316 : memref<10240xf32, #tpu.memory_space<vmem>>) dst(%dma_wait3A_314 : memref<10240xf32, #tpu.memory_space<hbm>>)
      tpu.yield
    }) : () -> ()
    %add3A_291 = arith.constant 1 : i32
    %add3A_292 = arith.addi %add3A_236, %add3A_291 : i32
    %mul3A_293 = arith.constant 10240 : i32
    %mul3A_294 = arith.muli %add3A_292, %mul3A_293 : i32
    "tpu.region"() ({
      %run_scoped3A = tpu.sem_alloc : memref<!tpu.dma_semaphore, #tpu.memory_space<semaphore_mem>>
      %dma_start3A = arith.constant 10240 : i32
      %dma_start3A_307 = tpu.memref_slice %arg9[%dma_start3A] : memref<20480xf32, #tpu.memory_space<vmem>> -> memref<10240xf32, #tpu.memory_space<vmem>>
      %dma_start3A_308 = tpu.memref_slice %arg4[%mul3A_294] : memref<2621440xf32, #tpu.memory_space<hbm>> -> memref<10240xf32, #tpu.memory_space<hbm>>
      %dma_start3A_309 = tpu.memref_slice %arg4[%mul3A_294] : memref<2621440xf32, #tpu.memory_space<hbm>> -> memref<10240xf32, #tpu.memory_space<hbm>>
      %dma_start3A_310 = arith.constant 10240 : i32
      %dma_start3A_311 = tpu.memref_slice %arg9[%dma_start3A_310] : memref<20480xf32, #tpu.memory_space<vmem>> -> memref<10240xf32, #tpu.memory_space<vmem>>
      tpu.enqueue_dma source(%dma_start3A_311 : memref<10240xf32, #tpu.memory_space<vmem>>) target(%dma_start3A_309 : memref<10240xf32, #tpu.memory_space<hbm>>) target_semaphore(%run_scoped3A : memref<!tpu.dma_semaphore, #tpu.memory_space<semaphore_mem>>)
      %dma_wait3A = arith.constant 10240 : i32
      %dma_wait3A_312 = tpu.memref_slice %arg9[%dma_wait3A] : memref<20480xf32, #tpu.memory_space<vmem>> -> memref<10240xf32, #tpu.memory_space<vmem>>
      %dma_wait3A_313 = tpu.memref_slice %arg4[%mul3A_294] : memref<2621440xf32, #tpu.memory_space<hbm>> -> memref<10240xf32, #tpu.memory_space<hbm>>
      %dma_wait3A_314 = tpu.memref_slice %arg4[%mul3A_294] : memref<2621440xf32, #tpu.memory_space<hbm>> -> memref<10240xf32, #tpu.memory_space<hbm>>
      %dma_wait3A_315 = arith.constant 10240 : i32
      %dma_wait3A_316 = tpu.memref_slice %arg9[%dma_wait3A_315] : memref<20480xf32, #tpu.memory_space<vmem>> -> memref<10240xf32, #tpu.memory_space<vmem>>
      tpu.wait_dma2 semaphore(%run_scoped3A : memref<!tpu.dma_semaphore, #tpu.memory_space<semaphore_mem>>) src(%dma_wait3A_316 : memref<10240xf32, #tpu.memory_space<vmem>>) dst(%dma_wait3A_314 : memref<10240xf32, #tpu.memory_space<hbm>>)
      tpu.yield
    }) : () -> ()
    %add3A_295 = arith.constant 1 : i32
    %add3A_296 = arith.addi %add3A_236, %add3A_295 : i32
    %mul3A_297 = arith.constant 10240 : i32
    %mul3A_298 = arith.muli %add3A_296, %mul3A_297 : i32
    "tpu.region"() ({
      %run_scoped3A = tpu.sem_alloc : memref<!tpu.dma_semaphore, #tpu.memory_space<semaphore_mem>>
      %dma_start3A = arith.constant 10240 : i32
      %dma_start3A_307 = tpu.memref_slice %arg10[%dma_start3A] : memref<20480xf32, #tpu.memory_space<vmem>> -> memref<10240xf32, #tpu.memory_space<vmem>>
      %dma_start3A_308 = tpu.memref_slice %arg5[%mul3A_298] : memref<2621440xf32, #tpu.memory_space<hbm>> -> memref<10240xf32, #tpu.memory_space<hbm>>
      %dma_start3A_309 = tpu.memref_slice %arg5[%mul3A_298] : memref<2621440xf32, #tpu.memory_space<hbm>> -> memref<10240xf32, #tpu.memory_space<hbm>>
      %dma_start3A_310 = arith.constant 10240 : i32
      %dma_start3A_311 = tpu.memref_slice %arg10[%dma_start3A_310] : memref<20480xf32, #tpu.memory_space<vmem>> -> memref<10240xf32, #tpu.memory_space<vmem>>
      tpu.enqueue_dma source(%dma_start3A_311 : memref<10240xf32, #tpu.memory_space<vmem>>) target(%dma_start3A_309 : memref<10240xf32, #tpu.memory_space<hbm>>) target_semaphore(%run_scoped3A : memref<!tpu.dma_semaphore, #tpu.memory_space<semaphore_mem>>)
      %dma_wait3A = arith.constant 10240 : i32
      %dma_wait3A_312 = tpu.memref_slice %arg10[%dma_wait3A] : memref<20480xf32, #tpu.memory_space<vmem>> -> memref<10240xf32, #tpu.memory_space<vmem>>
      %dma_wait3A_313 = tpu.memref_slice %arg5[%mul3A_298] : memref<2621440xf32, #tpu.memory_space<hbm>> -> memref<10240xf32, #tpu.memory_space<hbm>>
      %dma_wait3A_314 = tpu.memref_slice %arg5[%mul3A_298] : memref<2621440xf32, #tpu.memory_space<hbm>> -> memref<10240xf32, #tpu.memory_space<hbm>>
      %dma_wait3A_315 = arith.constant 10240 : i32
      %dma_wait3A_316 = tpu.memref_slice %arg10[%dma_wait3A_315] : memref<20480xf32, #tpu.memory_space<vmem>> -> memref<10240xf32, #tpu.memory_space<vmem>>
      tpu.wait_dma2 semaphore(%run_scoped3A : memref<!tpu.dma_semaphore, #tpu.memory_space<semaphore_mem>>) src(%dma_wait3A_316 : memref<10240xf32, #tpu.memory_space<vmem>>) dst(%dma_wait3A_314 : memref<10240xf32, #tpu.memory_space<hbm>>)
      tpu.yield
    }) : () -> ()
    %add3A_299 = arith.constant 1 : i32
    %add3A_300 = arith.addi %add3A_236, %add3A_299 : i32
    %mul3A_301 = arith.constant 10240 : i32
    %mul3A_302 = arith.muli %add3A_300, %mul3A_301 : i32
    "tpu.region"() ({
      %run_scoped3A = tpu.sem_alloc : memref<!tpu.dma_semaphore, #tpu.memory_space<semaphore_mem>>
      %dma_start3A = arith.constant 10240 : i32
      %dma_start3A_307 = tpu.memref_slice %arg11[%dma_start3A] : memref<20480xf32, #tpu.memory_space<vmem>> -> memref<10240xf32, #tpu.memory_space<vmem>>
      %dma_start3A_308 = tpu.memref_slice %arg6[%mul3A_302] : memref<2621440xf32, #tpu.memory_space<hbm>> -> memref<10240xf32, #tpu.memory_space<hbm>>
      %dma_start3A_309 = tpu.memref_slice %arg6[%mul3A_302] : memref<2621440xf32, #tpu.memory_space<hbm>> -> memref<10240xf32, #tpu.memory_space<hbm>>
      %dma_start3A_310 = arith.constant 10240 : i32
      %dma_start3A_311 = tpu.memref_slice %arg11[%dma_start3A_310] : memref<20480xf32, #tpu.memory_space<vmem>> -> memref<10240xf32, #tpu.memory_space<vmem>>
      tpu.enqueue_dma source(%dma_start3A_311 : memref<10240xf32, #tpu.memory_space<vmem>>) target(%dma_start3A_309 : memref<10240xf32, #tpu.memory_space<hbm>>) target_semaphore(%run_scoped3A : memref<!tpu.dma_semaphore, #tpu.memory_space<semaphore_mem>>)
      %dma_wait3A = arith.constant 10240 : i32
      %dma_wait3A_312 = tpu.memref_slice %arg11[%dma_wait3A] : memref<20480xf32, #tpu.memory_space<vmem>> -> memref<10240xf32, #tpu.memory_space<vmem>>
      %dma_wait3A_313 = tpu.memref_slice %arg6[%mul3A_302] : memref<2621440xf32, #tpu.memory_space<hbm>> -> memref<10240xf32, #tpu.memory_space<hbm>>
      %dma_wait3A_314 = tpu.memref_slice %arg6[%mul3A_302] : memref<2621440xf32, #tpu.memory_space<hbm>> -> memref<10240xf32, #tpu.memory_space<hbm>>
      %dma_wait3A_315 = arith.constant 10240 : i32
      %dma_wait3A_316 = tpu.memref_slice %arg11[%dma_wait3A_315] : memref<20480xf32, #tpu.memory_space<vmem>> -> memref<10240xf32, #tpu.memory_space<vmem>>
      tpu.wait_dma2 semaphore(%run_scoped3A : memref<!tpu.dma_semaphore, #tpu.memory_space<semaphore_mem>>) src(%dma_wait3A_316 : memref<10240xf32, #tpu.memory_space<vmem>>) dst(%dma_wait3A_314 : memref<10240xf32, #tpu.memory_space<hbm>>)
      tpu.yield
    }) : () -> ()
    %add3A_303 = arith.constant 1 : i32
    %add3A_304 = arith.addi %add3A_236, %add3A_303 : i32
    %mul3A_305 = arith.constant 10240 : i32
    %mul3A_306 = arith.muli %add3A_304, %mul3A_305 : i32
    "tpu.region"() ({
      %run_scoped3A = tpu.sem_alloc : memref<!tpu.dma_semaphore, #tpu.memory_space<semaphore_mem>>
      %dma_start3A = arith.constant 10240 : i32
      %dma_start3A_307 = tpu.memref_slice %arg12[%dma_start3A] : memref<20480xf32, #tpu.memory_space<vmem>> -> memref<10240xf32, #tpu.memory_space<vmem>>
      %dma_start3A_308 = tpu.memref_slice %arg7[%mul3A_306] : memref<2621440xf32, #tpu.memory_space<hbm>> -> memref<10240xf32, #tpu.memory_space<hbm>>
      %dma_start3A_309 = tpu.memref_slice %arg7[%mul3A_306] : memref<2621440xf32, #tpu.memory_space<hbm>> -> memref<10240xf32, #tpu.memory_space<hbm>>
      %dma_start3A_310 = arith.constant 10240 : i32
      %dma_start3A_311 = tpu.memref_slice %arg12[%dma_start3A_310] : memref<20480xf32, #tpu.memory_space<vmem>> -> memref<10240xf32, #tpu.memory_space<vmem>>
      tpu.enqueue_dma source(%dma_start3A_311 : memref<10240xf32, #tpu.memory_space<vmem>>) target(%dma_start3A_309 : memref<10240xf32, #tpu.memory_space<hbm>>) target_semaphore(%run_scoped3A : memref<!tpu.dma_semaphore, #tpu.memory_space<semaphore_mem>>)
      %dma_wait3A = arith.constant 10240 : i32
      %dma_wait3A_312 = tpu.memref_slice %arg12[%dma_wait3A] : memref<20480xf32, #tpu.memory_space<vmem>> -> memref<10240xf32, #tpu.memory_space<vmem>>
      %dma_wait3A_313 = tpu.memref_slice %arg7[%mul3A_306] : memref<2621440xf32, #tpu.memory_space<hbm>> -> memref<10240xf32, #tpu.memory_space<hbm>>
      %dma_wait3A_314 = tpu.memref_slice %arg7[%mul3A_306] : memref<2621440xf32, #tpu.memory_space<hbm>> -> memref<10240xf32, #tpu.memory_space<hbm>>
      %dma_wait3A_315 = arith.constant 10240 : i32
      %dma_wait3A_316 = tpu.memref_slice %arg12[%dma_wait3A_315] : memref<20480xf32, #tpu.memory_space<vmem>> -> memref<10240xf32, #tpu.memory_space<vmem>>
      tpu.wait_dma2 semaphore(%run_scoped3A : memref<!tpu.dma_semaphore, #tpu.memory_space<semaphore_mem>>) src(%dma_wait3A_316 : memref<10240xf32, #tpu.memory_space<vmem>>) dst(%dma_wait3A_314 : memref<10240xf32, #tpu.memory_space<hbm>>)
      tpu.yield
    }) : () -> ()
    return
  }
}

module attributes {stable_mosaic.version = 14 : i64} {
  func.func @_tables_kernel(%arg0: i32, %arg1: memref<1000x256xf32, #tpu.memory_space<vmem>>, %arg2: memref<4x192x64xf32, #tpu.memory_space<vmem>>, %arg3: memref<1000x256xf32, #tpu.memory_space<vmem>>, %arg4: memref<1000x256xf32, #tpu.memory_space<vmem>>) attributes {dimension_semantics = [#tpu.dimension_semantics<arbitrary>], iteration_bounds = array<i64: 10>, scalar_prefetch = 0 : i64, scratch_operands = 0 : i64, tpu.core_type = #tpu.core_type<tc>, window_params = [{transform_indices = @transform_0, window_bounds = array<i64: 1000, 256>}, {pipeline_mode = #tpu.pipeline_mode<synchronous>, transform_indices = @transform_1, window_bounds = array<i64: 4, 192, 64>}, {transform_indices = @transform_2, window_bounds = array<i64: 1000, 256>}, {transform_indices = @transform_3, window_bounds = array<i64: 1000, 256>}]} {
    %get3A = arith.constant 0 : index
    %get3A_0 = arith.constant 0 : index
    %get3A_1 = vector.load %arg1[%get3A, %get3A_0] : memref<1000x256xf32, #tpu.memory_space<vmem>>, vector<1000x64xf32>
    %get3A_2 = arith.constant 0 : index
    %get3A_3 = arith.constant 0 : index
    %get3A_4 = arith.constant 0 : index
    %get3A_5 = vector.load %arg2[%get3A_2, %get3A_3, %get3A_4] : memref<4x192x64xf32, #tpu.memory_space<vmem>>, vector<1x64x64xf32>
    %get3A_6 = vector.shape_cast %get3A_5 : vector<1x64x64xf32> to vector<64x64xf32>
    %dot_general3A = arith.constant dense<0.000000e+00> : vector<1000x64xf32>
    %dot_general3A_7 = tpu.matmul %get3A_1, %get3A_6, %dot_general3A {dimension_numbers = #tpu.dot_dimension_numbers<[1], [0], [0], [1], [0, 0, 1, 1], [], []>, transpose_lhs_hint = false} : vector<1000x64xf32>, vector<64x64xf32>, vector<1000x64xf32> -> vector<1000x64xf32>
    %swap3A = arith.constant 0 : index
    %swap3A_8 = arith.constant 0 : index
    %swap3A_9 = vector.load %arg3[%swap3A, %swap3A_8] : memref<1000x256xf32, #tpu.memory_space<vmem>>, vector<1000x64xf32>
    tpu.vector_store %arg3[%swap3A, %swap3A_8], %dot_general3A_7 {strides = array<i32>} : memref<1000x256xf32, #tpu.memory_space<vmem>>, vector<1000x64xf32>,
    %get3A_10 = arith.constant 0 : index
    %get3A_11 = arith.constant 64 : index
    %get3A_12 = arith.constant 0 : index
    %get3A_13 = vector.load %arg2[%get3A_10, %get3A_11, %get3A_12] : memref<4x192x64xf32, #tpu.memory_space<vmem>>, vector<1x64x64xf32>
    %get3A_14 = vector.shape_cast %get3A_13 : vector<1x64x64xf32> to vector<64x64xf32>
    %dot_general3A_15 = arith.constant dense<0.000000e+00> : vector<1000x64xf32>
    %dot_general3A_16 = tpu.matmul %get3A_1, %get3A_14, %dot_general3A_15 {dimension_numbers = #tpu.dot_dimension_numbers<[1], [0], [0], [1], [0, 0, 1, 1], [], []>, transpose_lhs_hint = false} : vector<1000x64xf32>, vector<64x64xf32>, vector<1000x64xf32> -> vector<1000x64xf32>
    %swap3A_17 = arith.constant 0 : index
    %swap3A_18 = arith.constant 0 : index
    %swap3A_19 = vector.load %arg4[%swap3A_17, %swap3A_18] : memref<1000x256xf32, #tpu.memory_space<vmem>>, vector<1000x64xf32>
    tpu.vector_store %arg4[%swap3A_17, %swap3A_18], %dot_general3A_16 {strides = array<i32>} : memref<1000x256xf32, #tpu.memory_space<vmem>>, vector<1000x64xf32>,
    %get3A_20 = arith.constant 0 : index
    %get3A_21 = arith.constant 64 : index
    %get3A_22 = vector.load %arg1[%get3A_20, %get3A_21] : memref<1000x256xf32, #tpu.memory_space<vmem>>, vector<1000x64xf32>
    %get3A_23 = arith.constant 1 : index
    %get3A_24 = arith.constant 0 : index
    %get3A_25 = arith.constant 0 : index
    %get3A_26 = vector.load %arg2[%get3A_23, %get3A_24, %get3A_25] : memref<4x192x64xf32, #tpu.memory_space<vmem>>, vector<1x64x64xf32>
    %get3A_27 = vector.shape_cast %get3A_26 : vector<1x64x64xf32> to vector<64x64xf32>
    %dot_general3A_28 = arith.constant dense<0.000000e+00> : vector<1000x64xf32>
    %dot_general3A_29 = tpu.matmul %get3A_22, %get3A_27, %dot_general3A_28 {dimension_numbers = #tpu.dot_dimension_numbers<[1], [0], [0], [1], [0, 0, 1, 1], [], []>, transpose_lhs_hint = false} : vector<1000x64xf32>, vector<64x64xf32>, vector<1000x64xf32> -> vector<1000x64xf32>
    %swap3A_30 = arith.constant 0 : index
    %swap3A_31 = arith.constant 64 : index
    %swap3A_32 = vector.load %arg3[%swap3A_30, %swap3A_31] : memref<1000x256xf32, #tpu.memory_space<vmem>>, vector<1000x64xf32>
    tpu.vector_store %arg3[%swap3A_30, %swap3A_31], %dot_general3A_29 {strides = array<i32>} : memref<1000x256xf32, #tpu.memory_space<vmem>>, vector<1000x64xf32>,
    %get3A_33 = arith.constant 1 : index
    %get3A_34 = arith.constant 64 : index
    %get3A_35 = arith.constant 0 : index
    %get3A_36 = vector.load %arg2[%get3A_33, %get3A_34, %get3A_35] : memref<4x192x64xf32, #tpu.memory_space<vmem>>, vector<1x64x64xf32>
    %get3A_37 = vector.shape_cast %get3A_36 : vector<1x64x64xf32> to vector<64x64xf32>
    %dot_general3A_38 = arith.constant dense<0.000000e+00> : vector<1000x64xf32>
    %dot_general3A_39 = tpu.matmul %get3A_22, %get3A_37, %dot_general3A_38 {dimension_numbers = #tpu.dot_dimension_numbers<[1], [0], [0], [1], [0, 0, 1, 1], [], []>, transpose_lhs_hint = false} : vector<1000x64xf32>, vector<64x64xf32>, vector<1000x64xf32> -> vector<1000x64xf32>
    %swap3A_40 = arith.constant 0 : index
    %swap3A_41 = arith.constant 64 : index
    %swap3A_42 = vector.load %arg4[%swap3A_40, %swap3A_41] : memref<1000x256xf32, #tpu.memory_space<vmem>>, vector<1000x64xf32>
    tpu.vector_store %arg4[%swap3A_40, %swap3A_41], %dot_general3A_39 {strides = array<i32>} : memref<1000x256xf32, #tpu.memory_space<vmem>>, vector<1000x64xf32>,
    %get3A_43 = arith.constant 0 : index
    %get3A_44 = arith.constant 128 : index
    %get3A_45 = vector.load %arg1[%get3A_43, %get3A_44] : memref<1000x256xf32, #tpu.memory_space<vmem>>, vector<1000x64xf32>
    %get3A_46 = arith.constant 2 : index
    %get3A_47 = arith.constant 0 : index
    %get3A_48 = arith.constant 0 : index
    %get3A_49 = vector.load %arg2[%get3A_46, %get3A_47, %get3A_48] : memref<4x192x64xf32, #tpu.memory_space<vmem>>, vector<1x64x64xf32>
    %get3A_50 = vector.shape_cast %get3A_49 : vector<1x64x64xf32> to vector<64x64xf32>
    %dot_general3A_51 = arith.constant dense<0.000000e+00> : vector<1000x64xf32>
    %dot_general3A_52 = tpu.matmul %get3A_45, %get3A_50, %dot_general3A_51 {dimension_numbers = #tpu.dot_dimension_numbers<[1], [0], [0], [1], [0, 0, 1, 1], [], []>, transpose_lhs_hint = false} : vector<1000x64xf32>, vector<64x64xf32>, vector<1000x64xf32> -> vector<1000x64xf32>
    %swap3A_53 = arith.constant 0 : index
    %swap3A_54 = arith.constant 128 : index
    %swap3A_55 = vector.load %arg3[%swap3A_53, %swap3A_54] : memref<1000x256xf32, #tpu.memory_space<vmem>>, vector<1000x64xf32>
    tpu.vector_store %arg3[%swap3A_53, %swap3A_54], %dot_general3A_52 {strides = array<i32>} : memref<1000x256xf32, #tpu.memory_space<vmem>>, vector<1000x64xf32>,
    %get3A_56 = arith.constant 2 : index
    %get3A_57 = arith.constant 64 : index
    %get3A_58 = arith.constant 0 : index
    %get3A_59 = vector.load %arg2[%get3A_56, %get3A_57, %get3A_58] : memref<4x192x64xf32, #tpu.memory_space<vmem>>, vector<1x64x64xf32>
    %get3A_60 = vector.shape_cast %get3A_59 : vector<1x64x64xf32> to vector<64x64xf32>
    %dot_general3A_61 = arith.constant dense<0.000000e+00> : vector<1000x64xf32>
    %dot_general3A_62 = tpu.matmul %get3A_45, %get3A_60, %dot_general3A_61 {dimension_numbers = #tpu.dot_dimension_numbers<[1], [0], [0], [1], [0, 0, 1, 1], [], []>, transpose_lhs_hint = false} : vector<1000x64xf32>, vector<64x64xf32>, vector<1000x64xf32> -> vector<1000x64xf32>
    %swap3A_63 = arith.constant 0 : index
    %swap3A_64 = arith.constant 128 : index
    %swap3A_65 = vector.load %arg4[%swap3A_63, %swap3A_64] : memref<1000x256xf32, #tpu.memory_space<vmem>>, vector<1000x64xf32>
    tpu.vector_store %arg4[%swap3A_63, %swap3A_64], %dot_general3A_62 {strides = array<i32>} : memref<1000x256xf32, #tpu.memory_space<vmem>>, vector<1000x64xf32>,
    %get3A_66 = arith.constant 0 : index
    %get3A_67 = arith.constant 192 : index
    %get3A_68 = vector.load %arg1[%get3A_66, %get3A_67] : memref<1000x256xf32, #tpu.memory_space<vmem>>, vector<1000x64xf32>
    %get3A_69 = arith.constant 3 : index
    %get3A_70 = arith.constant 0 : index
    %get3A_71 = arith.constant 0 : index
    %get3A_72 = vector.load %arg2[%get3A_69, %get3A_70, %get3A_71] : memref<4x192x64xf32, #tpu.memory_space<vmem>>, vector<1x64x64xf32>
    %get3A_73 = vector.shape_cast %get3A_72 : vector<1x64x64xf32> to vector<64x64xf32>
    %dot_general3A_74 = arith.constant dense<0.000000e+00> : vector<1000x64xf32>
    %dot_general3A_75 = tpu.matmul %get3A_68, %get3A_73, %dot_general3A_74 {dimension_numbers = #tpu.dot_dimension_numbers<[1], [0], [0], [1], [0, 0, 1, 1], [], []>, transpose_lhs_hint = false} : vector<1000x64xf32>, vector<64x64xf32>, vector<1000x64xf32> -> vector<1000x64xf32>
    %swap3A_76 = arith.constant 0 : index
    %swap3A_77 = arith.constant 192 : index
    %swap3A_78 = vector.load %arg3[%swap3A_76, %swap3A_77] : memref<1000x256xf32, #tpu.memory_space<vmem>>, vector<1000x64xf32>
    tpu.vector_store %arg3[%swap3A_76, %swap3A_77], %dot_general3A_75 {strides = array<i32>} : memref<1000x256xf32, #tpu.memory_space<vmem>>, vector<1000x64xf32>,
    %get3A_79 = arith.constant 3 : index
    %get3A_80 = arith.constant 64 : index
    %get3A_81 = arith.constant 0 : index
    %get3A_82 = vector.load %arg2[%get3A_79, %get3A_80, %get3A_81] : memref<4x192x64xf32, #tpu.memory_space<vmem>>, vector<1x64x64xf32>
    %get3A_83 = vector.shape_cast %get3A_82 : vector<1x64x64xf32> to vector<64x64xf32>
    %dot_general3A_84 = arith.constant dense<0.000000e+00> : vector<1000x64xf32>
    %dot_general3A_85 = tpu.matmul %get3A_68, %get3A_83, %dot_general3A_84 {dimension_numbers = #tpu.dot_dimension_numbers<[1], [0], [0], [1], [0, 0, 1, 1], [], []>, transpose_lhs_hint = false} : vector<1000x64xf32>, vector<64x64xf32>, vector<1000x64xf32> -> vector<1000x64xf32>
    %swap3A_86 = arith.constant 0 : index
    %swap3A_87 = arith.constant 192 : index
    %swap3A_88 = vector.load %arg4[%swap3A_86, %swap3A_87] : memref<1000x256xf32, #tpu.memory_space<vmem>>, vector<1000x64xf32>
    tpu.vector_store %arg4[%swap3A_86, %swap3A_87], %dot_general3A_85 {strides = array<i32>} : memref<1000x256xf32, #tpu.memory_space<vmem>>, vector<1000x64xf32>,
    return
  }
  func.func @transform_0(%arg0: i32) -> (i32, i32) {
    %c0_i32 = arith.constant 0 : i32
    %c0_i32_0 = arith.constant 0 : i32
    return %arg0, %c0_i32 : i32, i32
  }
  func.func @transform_1(%arg0: i32) -> (i32, i32, i32) {
    %c0_i32 = arith.constant 0 : i32
    %c0_i32_0 = arith.constant 0 : i32
    %c0_i32_1 = arith.constant 0 : i32
    %c0_i32_2 = arith.constant 0 : i32
    return %c0_i32, %c0_i32_0, %c0_i32_1 : i32, i32, i32
  }
  func.func @transform_2(%arg0: i32) -> (i32, i32) {
    %c0_i32 = arith.constant 0 : i32
    %c0_i32_0 = arith.constant 0 : i32
    return %arg0, %c0_i32 : i32, i32
  }
  func.func @transform_3(%arg0: i32) -> (i32, i32) {
    %c0_i32 = arith.constant 0 : i32
    %c0_i32_0 = arith.constant 0 : i32
    return %arg0, %c0_i32 : i32, i32
  }
}

module attributes {stable_mosaic.version = 14 : i64} {
  func.func @_fold_kernel(%arg0: memref<16x64xf32, #tpu.memory_space<vmem>>, %arg1: memref<64xf32, #tpu.memory_space<vmem>>, %arg2: memref<4x192x64xf32, #tpu.memory_space<vmem>>, %arg3: memref<4x64xf32, #tpu.memory_space<vmem>>, %arg4: memref<16x256xf32, #tpu.memory_space<vmem>>, %arg5: memref<1x256xf32, #tpu.memory_space<vmem>>) attributes {dimension_semantics = [], scalar_prefetch = 0 : i64, scratch_operands = 0 : i64, tpu.core_type = #tpu.core_type<tc>} {
    %get3A = arith.constant 0 : index
    %get3A_0 = arith.constant 128 : index
    %get3A_1 = arith.constant 0 : index
    %get3A_2 = vector.load %arg2[%get3A, %get3A_0, %get3A_1] : memref<4x192x64xf32, #tpu.memory_space<vmem>>, vector<1x64x64xf32>
    %get3A_3 = vector.shape_cast %get3A_2 : vector<1x64x64xf32> to vector<64x64xf32>
    %get3A_4 = arith.constant 0 : index
    %get3A_5 = arith.constant 0 : index
    %get3A_6 = vector.load %arg0[%get3A_4, %get3A_5] : memref<16x64xf32, #tpu.memory_space<vmem>>, vector<16x64xf32>
    %dot_general3A = arith.constant dense<0.000000e+00> : vector<16x64xf32>
    %dot_general3A_7 = tpu.matmul %get3A_6, %get3A_3, %dot_general3A {dimension_numbers = #tpu.dot_dimension_numbers<[1], [0], [0], [1], [0, 0, 1, 1], [], []>, transpose_lhs_hint = false} : vector<16x64xf32>, vector<64x64xf32>, vector<16x64xf32> -> vector<16x64xf32>
    %swap3A = arith.constant 0 : index
    %swap3A_8 = arith.constant 0 : index
    %swap3A_9 = vector.load %arg4[%swap3A, %swap3A_8] : memref<16x256xf32, #tpu.memory_space<vmem>>, vector<16x64xf32>
    tpu.vector_store %arg4[%swap3A, %swap3A_8], %dot_general3A_7 {strides = array<i32>} : memref<16x256xf32, #tpu.memory_space<vmem>>, vector<16x64xf32>,
    %get3A_10 = arith.constant 0 : index
    %get3A_11 = vector.load %arg1[%get3A_10] : memref<64xf32, #tpu.memory_space<vmem>>, vector<64xf32>
    %dot_general3A_12 = arith.constant dense<0.000000e+00> : vector<64xf32>
    %dot_general3A_13 = tpu.matmul %get3A_11, %get3A_3, %dot_general3A_12 {dimension_numbers = #tpu.dot_dimension_numbers<[0], [0], [], [1], [1, 1], [], []>, transpose_lhs_hint = false} : vector<64xf32>, vector<64x64xf32>, vector<64xf32> -> vector<64xf32>
    %get3A_14 = arith.constant 0 : index
    %get3A_15 = arith.constant 0 : index
    %get3A_16 = vector.load %arg3[%get3A_14, %get3A_15] : memref<4x64xf32, #tpu.memory_space<vmem>>, vector<1x64xf32>
    %get3A_17 = vector.shape_cast %get3A_16 : vector<1x64xf32> to vector<64xf32>
    %add3A = arith.addf %dot_general3A_13, %get3A_17 : vector<64xf32>
    %swap3A_18 = arith.constant 0 : index
    %swap3A_19 = arith.constant 0 : index
    %swap3A_20 = vector.load %arg5[%swap3A_18, %swap3A_19] : memref<1x256xf32, #tpu.memory_space<vmem>>, vector<1x64xf32>
    %swap3A_21 = vector.shape_cast %swap3A_20 : vector<1x64xf32> to vector<64xf32>
    %swap3A_22 = vector.shape_cast %add3A : vector<64xf32> to vector<1x64xf32>
    tpu.vector_store %arg5[%swap3A_18, %swap3A_19], %swap3A_22 {strides = array<i32>} : memref<1x256xf32, #tpu.memory_space<vmem>>, vector<1x64xf32>,
    %get3A_23 = arith.constant 1 : index
    %get3A_24 = arith.constant 128 : index
    %get3A_25 = arith.constant 0 : index
    %get3A_26 = vector.load %arg2[%get3A_23, %get3A_24, %get3A_25] : memref<4x192x64xf32, #tpu.memory_space<vmem>>, vector<1x64x64xf32>
    %get3A_27 = vector.shape_cast %get3A_26 : vector<1x64x64xf32> to vector<64x64xf32>
    %get3A_28 = arith.constant 0 : index
    %get3A_29 = arith.constant 0 : index
    %get3A_30 = vector.load %arg0[%get3A_28, %get3A_29] : memref<16x64xf32, #tpu.memory_space<vmem>>, vector<16x64xf32>
    %dot_general3A_31 = arith.constant dense<0.000000e+00> : vector<16x64xf32>
    %dot_general3A_32 = tpu.matmul %get3A_30, %get3A_27, %dot_general3A_31 {dimension_numbers = #tpu.dot_dimension_numbers<[1], [0], [0], [1], [0, 0, 1, 1], [], []>, transpose_lhs_hint = false} : vector<16x64xf32>, vector<64x64xf32>, vector<16x64xf32> -> vector<16x64xf32>
    %swap3A_33 = arith.constant 0 : index
    %swap3A_34 = arith.constant 64 : index
    %swap3A_35 = vector.load %arg4[%swap3A_33, %swap3A_34] : memref<16x256xf32, #tpu.memory_space<vmem>>, vector<16x64xf32>
    tpu.vector_store %arg4[%swap3A_33, %swap3A_34], %dot_general3A_32 {strides = array<i32>} : memref<16x256xf32, #tpu.memory_space<vmem>>, vector<16x64xf32>,
    %get3A_36 = arith.constant 0 : index
    %get3A_37 = vector.load %arg1[%get3A_36] : memref<64xf32, #tpu.memory_space<vmem>>, vector<64xf32>
    %dot_general3A_38 = arith.constant dense<0.000000e+00> : vector<64xf32>
    %dot_general3A_39 = tpu.matmul %get3A_37, %get3A_27, %dot_general3A_38 {dimension_numbers = #tpu.dot_dimension_numbers<[0], [0], [], [1], [1, 1], [], []>, transpose_lhs_hint = false} : vector<64xf32>, vector<64x64xf32>, vector<64xf32> -> vector<64xf32>
    %get3A_40 = arith.constant 1 : index
    %get3A_41 = arith.constant 0 : index
    %get3A_42 = vector.load %arg3[%get3A_40, %get3A_41] : memref<4x64xf32, #tpu.memory_space<vmem>>, vector<1x64xf32>
    %get3A_43 = vector.shape_cast %get3A_42 : vector<1x64xf32> to vector<64xf32>
    %add3A_44 = arith.addf %dot_general3A_39, %get3A_43 : vector<64xf32>
    %swap3A_45 = arith.constant 0 : index
    %swap3A_46 = arith.constant 64 : index
    %swap3A_47 = vector.load %arg5[%swap3A_45, %swap3A_46] : memref<1x256xf32, #tpu.memory_space<vmem>>, vector<1x64xf32>
    %swap3A_48 = vector.shape_cast %swap3A_47 : vector<1x64xf32> to vector<64xf32>
    %swap3A_49 = vector.shape_cast %add3A_44 : vector<64xf32> to vector<1x64xf32>
    tpu.vector_store %arg5[%swap3A_45, %swap3A_46], %swap3A_49 {strides = array<i32>} : memref<1x256xf32, #tpu.memory_space<vmem>>, vector<1x64xf32>,
    %get3A_50 = arith.constant 2 : index
    %get3A_51 = arith.constant 128 : index
    %get3A_52 = arith.constant 0 : index
    %get3A_53 = vector.load %arg2[%get3A_50, %get3A_51, %get3A_52] : memref<4x192x64xf32, #tpu.memory_space<vmem>>, vector<1x64x64xf32>
    %get3A_54 = vector.shape_cast %get3A_53 : vector<1x64x64xf32> to vector<64x64xf32>
    %get3A_55 = arith.constant 0 : index
    %get3A_56 = arith.constant 0 : index
    %get3A_57 = vector.load %arg0[%get3A_55, %get3A_56] : memref<16x64xf32, #tpu.memory_space<vmem>>, vector<16x64xf32>
    %dot_general3A_58 = arith.constant dense<0.000000e+00> : vector<16x64xf32>
    %dot_general3A_59 = tpu.matmul %get3A_57, %get3A_54, %dot_general3A_58 {dimension_numbers = #tpu.dot_dimension_numbers<[1], [0], [0], [1], [0, 0, 1, 1], [], []>, transpose_lhs_hint = false} : vector<16x64xf32>, vector<64x64xf32>, vector<16x64xf32> -> vector<16x64xf32>
    %swap3A_60 = arith.constant 0 : index
    %swap3A_61 = arith.constant 128 : index
    %swap3A_62 = vector.load %arg4[%swap3A_60, %swap3A_61] : memref<16x256xf32, #tpu.memory_space<vmem>>, vector<16x64xf32>
    tpu.vector_store %arg4[%swap3A_60, %swap3A_61], %dot_general3A_59 {strides = array<i32>} : memref<16x256xf32, #tpu.memory_space<vmem>>, vector<16x64xf32>,
    %get3A_63 = arith.constant 0 : index
    %get3A_64 = vector.load %arg1[%get3A_63] : memref<64xf32, #tpu.memory_space<vmem>>, vector<64xf32>
    %dot_general3A_65 = arith.constant dense<0.000000e+00> : vector<64xf32>
    %dot_general3A_66 = tpu.matmul %get3A_64, %get3A_54, %dot_general3A_65 {dimension_numbers = #tpu.dot_dimension_numbers<[0], [0], [], [1], [1, 1], [], []>, transpose_lhs_hint = false} : vector<64xf32>, vector<64x64xf32>, vector<64xf32> -> vector<64xf32>
    %get3A_67 = arith.constant 2 : index
    %get3A_68 = arith.constant 0 : index
    %get3A_69 = vector.load %arg3[%get3A_67, %get3A_68] : memref<4x64xf32, #tpu.memory_space<vmem>>, vector<1x64xf32>
    %get3A_70 = vector.shape_cast %get3A_69 : vector<1x64xf32> to vector<64xf32>
    %add3A_71 = arith.addf %dot_general3A_66, %get3A_70 : vector<64xf32>
    %swap3A_72 = arith.constant 0 : index
    %swap3A_73 = arith.constant 128 : index
    %swap3A_74 = vector.load %arg5[%swap3A_72, %swap3A_73] : memref<1x256xf32, #tpu.memory_space<vmem>>, vector<1x64xf32>
    %swap3A_75 = vector.shape_cast %swap3A_74 : vector<1x64xf32> to vector<64xf32>
    %swap3A_76 = vector.shape_cast %add3A_71 : vector<64xf32> to vector<1x64xf32>
    tpu.vector_store %arg5[%swap3A_72, %swap3A_73], %swap3A_76 {strides = array<i32>} : memref<1x256xf32, #tpu.memory_space<vmem>>, vector<1x64xf32>,
    %get3A_77 = arith.constant 3 : index
    %get3A_78 = arith.constant 128 : index
    %get3A_79 = arith.constant 0 : index
    %get3A_80 = vector.load %arg2[%get3A_77, %get3A_78, %get3A_79] : memref<4x192x64xf32, #tpu.memory_space<vmem>>, vector<1x64x64xf32>
    %get3A_81 = vector.shape_cast %get3A_80 : vector<1x64x64xf32> to vector<64x64xf32>
    %get3A_82 = arith.constant 0 : index
    %get3A_83 = arith.constant 0 : index
    %get3A_84 = vector.load %arg0[%get3A_82, %get3A_83] : memref<16x64xf32, #tpu.memory_space<vmem>>, vector<16x64xf32>
    %dot_general3A_85 = arith.constant dense<0.000000e+00> : vector<16x64xf32>
    %dot_general3A_86 = tpu.matmul %get3A_84, %get3A_81, %dot_general3A_85 {dimension_numbers = #tpu.dot_dimension_numbers<[1], [0], [0], [1], [0, 0, 1, 1], [], []>, transpose_lhs_hint = false} : vector<16x64xf32>, vector<64x64xf32>, vector<16x64xf32> -> vector<16x64xf32>
    %swap3A_87 = arith.constant 0 : index
    %swap3A_88 = arith.constant 192 : index
    %swap3A_89 = vector.load %arg4[%swap3A_87, %swap3A_88] : memref<16x256xf32, #tpu.memory_space<vmem>>, vector<16x64xf32>
    tpu.vector_store %arg4[%swap3A_87, %swap3A_88], %dot_general3A_86 {strides = array<i32>} : memref<16x256xf32, #tpu.memory_space<vmem>>, vector<16x64xf32>,
    %get3A_90 = arith.constant 0 : index
    %get3A_91 = vector.load %arg1[%get3A_90] : memref<64xf32, #tpu.memory_space<vmem>>, vector<64xf32>
    %dot_general3A_92 = arith.constant dense<0.000000e+00> : vector<64xf32>
    %dot_general3A_93 = tpu.matmul %get3A_91, %get3A_81, %dot_general3A_92 {dimension_numbers = #tpu.dot_dimension_numbers<[0], [0], [], [1], [1, 1], [], []>, transpose_lhs_hint = false} : vector<64xf32>, vector<64x64xf32>, vector<64xf32> -> vector<64xf32>
    %get3A_94 = arith.constant 3 : index
    %get3A_95 = arith.constant 0 : index
    %get3A_96 = vector.load %arg3[%get3A_94, %get3A_95] : memref<4x64xf32, #tpu.memory_space<vmem>>, vector<1x64xf32>
    %get3A_97 = vector.shape_cast %get3A_96 : vector<1x64xf32> to vector<64xf32>
    %add3A_98 = arith.addf %dot_general3A_93, %get3A_97 : vector<64xf32>
    %swap3A_99 = arith.constant 0 : index
    %swap3A_100 = arith.constant 192 : index
    %swap3A_101 = vector.load %arg5[%swap3A_99, %swap3A_100] : memref<1x256xf32, #tpu.memory_space<vmem>>, vector<1x64xf32>
    %swap3A_102 = vector.shape_cast %swap3A_101 : vector<1x64xf32> to vector<64xf32>
    %swap3A_103 = vector.shape_cast %add3A_98 : vector<64xf32> to vector<1x64xf32>
    tpu.vector_store %arg5[%swap3A_99, %swap3A_100], %swap3A_103 {strides = array<i32>} : memref<1x256xf32, #tpu.memory_space<vmem>>, vector<1x64xf32>,
    return
  }
}

module attributes {stable_mosaic.version = 14 : i64} {
  func.func @_edge_kernel(%arg0: i32, %arg1: memref<1280x256xf32, #tpu.memory_space<vmem>>, %arg2: memref<1280x256xf32, #tpu.memory_space<vmem>>, %arg3: memref<1280x16xf32, #tpu.memory_space<vmem>>, %arg4: memref<16x256xf32, #tpu.memory_space<vmem>>, %arg5: memref<1x256xf32, #tpu.memory_space<vmem>>, %arg6: memref<4x64x64xf32, #tpu.memory_space<vmem>>, %arg7: memref<4x64xf32, #tpu.memory_space<vmem>>, %arg8: memref<256x1280xf32, #tpu.memory_space<vmem>>) attributes {dimension_semantics = [#tpu.dimension_semantics<arbitrary>], iteration_bounds = array<i64: 125>, scalar_prefetch = 0 : i64, scratch_operands = 0 : i64, tpu.core_type = #tpu.core_type<tc>, window_params = [{transform_indices = @transform_0, window_bounds = array<i64: 1280, 256>}, {transform_indices = @transform_1, window_bounds = array<i64: 1280, 256>}, {transform_indices = @transform_2, window_bounds = array<i64: 1280, 16>}, {pipeline_mode = #tpu.pipeline_mode<synchronous>, transform_indices = @transform_3, window_bounds = array<i64: 16, 256>}, {pipeline_mode = #tpu.pipeline_mode<synchronous>, transform_indices = @transform_4, window_bounds = array<i64: 1, 256>}, {pipeline_mode = #tpu.pipeline_mode<synchronous>, transform_indices = @transform_5, window_bounds = array<i64: 4, 64, 64>}, {pipeline_mode = #tpu.pipeline_mode<synchronous>, transform_indices = @transform_6, window_bounds = array<i64: 4, 64>}, {transform_indices = @transform_7, window_bounds = array<i64: 256, 1280>}]} {
    %get3A = arith.constant 0 : index
    %get3A_0 = arith.constant 0 : index
    %get3A_1 = vector.load %arg1[%get3A, %get3A_0] : memref<1280x256xf32, #tpu.memory_space<vmem>>, vector<1280x256xf32>
    %get3A_2 = arith.constant 0 : index
    %get3A_3 = arith.constant 0 : index
    %get3A_4 = vector.load %arg2[%get3A_2, %get3A_3] : memref<1280x256xf32, #tpu.memory_space<vmem>>, vector<1280x256xf32>
    %add3A = arith.addf %get3A_1, %get3A_4 : vector<1280x256xf32>
    %get3A_5 = arith.constant 0 : index
    %get3A_6 = arith.constant 0 : index
    %get3A_7 = vector.load %arg3[%get3A_5, %get3A_6] : memref<1280x16xf32, #tpu.memory_space<vmem>>, vector<1280x16xf32>
    %get3A_8 = arith.constant 0 : index
    %get3A_9 = arith.constant 0 : index
    %get3A_10 = vector.load %arg4[%get3A_8, %get3A_9] : memref<16x256xf32, #tpu.memory_space<vmem>>, vector<16x256xf32>
    %dot_general3A = arith.constant dense<0.000000e+00> : vector<1280x256xf32>
    %dot_general3A_11 = tpu.matmul %get3A_7, %get3A_10, %dot_general3A {dimension_numbers = #tpu.dot_dimension_numbers<[1], [0], [0], [1], [0, 0, 1, 1], [], []>, transpose_lhs_hint = false} : vector<1280x16xf32>, vector<16x256xf32>, vector<1280x256xf32> -> vector<1280x256xf32>
    %add3A_12 = arith.addf %add3A, %dot_general3A_11 : vector<1280x256xf32>
    %get3A_13 = arith.constant 0 : index
    %get3A_14 = arith.constant 0 : index
    %get3A_15 = vector.load %arg5[%get3A_13, %get3A_14] : memref<1x256xf32, #tpu.memory_space<vmem>>, vector<1x256xf32>
    %add3A_16 = vector.broadcast %get3A_15 : vector<1x256xf32> to vector<1280x256xf32>
    %add3A_17 = arith.addf %add3A_12, %add3A_16 : vector<1280x256xf32>
    %slice3A = vector.extract_strided_slice %add3A_17 {offsets = [0, 0], sizes = [1280, 64], strides = [1, 1]} : vector<1280x256xf32> to vector<1280x64xf32>
    %max3A = arith.constant 0.000000e+00 : f32
    %max3A_18 = vector.broadcast %max3A : f32 to vector<1280x64xf32>
    %max3A_19 = arith.maximumf %slice3A, %max3A_18 : vector<1280x64xf32>
    %get3A_20 = arith.constant 0 : index
    %get3A_21 = arith.constant 0 : index
    %get3A_22 = arith.constant 0 : index
    %get3A_23 = vector.load %arg6[%get3A_20, %get3A_21, %get3A_22] : memref<4x64x64xf32, #tpu.memory_space<vmem>>, vector<1x64x64xf32>
    %get3A_24 = vector.shape_cast %get3A_23 : vector<1x64x64xf32> to vector<64x64xf32>
    %dot_general3A_25 = arith.constant dense<0.000000e+00> : vector<64x1280xf32>
    %dot_general3A_26 = tpu.matmul %get3A_24, %max3A_19, %dot_general3A_25 {dimension_numbers = #tpu.dot_dimension_numbers<[0], [1], [1], [0], [0, 1, 1, 0], [], []>, transpose_lhs_hint = false} : vector<64x64xf32>, vector<1280x64xf32>, vector<64x1280xf32> -> vector<64x1280xf32>
    %get3A_27 = arith.constant 0 : index
    %get3A_28 = arith.constant 0 : index
    %get3A_29 = vector.load %arg7[%get3A_27, %get3A_28] : memref<4x64xf32, #tpu.memory_space<vmem>>, vector<1x64xf32>
    %get3A_30 = vector.shape_cast %get3A_29 : vector<1x64xf32> to vector<64xf32>
    %broadcast_in_dim3A = vector.shape_cast %get3A_30 : vector<64xf32> to vector<64x1xf32>
    %add3A_31 = vector.broadcast %broadcast_in_dim3A : vector<64x1xf32> to vector<64x1280xf32>
    %add3A_32 = arith.addf %dot_general3A_26, %add3A_31 : vector<64x1280xf32>
    %swap3A = arith.constant 0 : index
    %swap3A_33 = arith.constant 0 : index
    %swap3A_34 = vector.load %arg8[%swap3A, %swap3A_33] : memref<256x1280xf32, #tpu.memory_space<vmem>>, vector<64x1280xf32>
    tpu.vector_store %arg8[%swap3A, %swap3A_33], %add3A_32 {strides = array<i32>} : memref<256x1280xf32, #tpu.memory_space<vmem>>, vector<64x1280xf32>,
    %slice3A_35 = vector.extract_strided_slice %add3A_17 {offsets = [0, 64], sizes = [1280, 64], strides = [1, 1]} : vector<1280x256xf32> to vector<1280x64xf32>
    %max3A_36 = arith.constant 0.000000e+00 : f32
    %max3A_37 = vector.broadcast %max3A_36 : f32 to vector<1280x64xf32>
    %max3A_38 = arith.maximumf %slice3A_35, %max3A_37 : vector<1280x64xf32>
    %get3A_39 = arith.constant 1 : index
    %get3A_40 = arith.constant 0 : index
    %get3A_41 = arith.constant 0 : index
    %get3A_42 = vector.load %arg6[%get3A_39, %get3A_40, %get3A_41] : memref<4x64x64xf32, #tpu.memory_space<vmem>>, vector<1x64x64xf32>
    %get3A_43 = vector.shape_cast %get3A_42 : vector<1x64x64xf32> to vector<64x64xf32>
    %dot_general3A_44 = arith.constant dense<0.000000e+00> : vector<64x1280xf32>
    %dot_general3A_45 = tpu.matmul %get3A_43, %max3A_38, %dot_general3A_44 {dimension_numbers = #tpu.dot_dimension_numbers<[0], [1], [1], [0], [0, 1, 1, 0], [], []>, transpose_lhs_hint = false} : vector<64x64xf32>, vector<1280x64xf32>, vector<64x1280xf32> -> vector<64x1280xf32>
    %get3A_46 = arith.constant 1 : index
    %get3A_47 = arith.constant 0 : index
    %get3A_48 = vector.load %arg7[%get3A_46, %get3A_47] : memref<4x64xf32, #tpu.memory_space<vmem>>, vector<1x64xf32>
    %get3A_49 = vector.shape_cast %get3A_48 : vector<1x64xf32> to vector<64xf32>
    %broadcast_in_dim3A_50 = vector.shape_cast %get3A_49 : vector<64xf32> to vector<64x1xf32>
    %add3A_51 = vector.broadcast %broadcast_in_dim3A_50 : vector<64x1xf32> to vector<64x1280xf32>
    %add3A_52 = arith.addf %dot_general3A_45, %add3A_51 : vector<64x1280xf32>
    %swap3A_53 = arith.constant 64 : index
    %swap3A_54 = arith.constant 0 : index
    %swap3A_55 = vector.load %arg8[%swap3A_53, %swap3A_54] : memref<256x1280xf32, #tpu.memory_space<vmem>>, vector<64x1280xf32>
    tpu.vector_store %arg8[%swap3A_53, %swap3A_54], %add3A_52 {strides = array<i32>} : memref<256x1280xf32, #tpu.memory_space<vmem>>, vector<64x1280xf32>,
    %slice3A_56 = vector.extract_strided_slice %add3A_17 {offsets = [0, 128], sizes = [1280, 64], strides = [1, 1]} : vector<1280x256xf32> to vector<1280x64xf32>
    %max3A_57 = arith.constant 0.000000e+00 : f32
    %max3A_58 = vector.broadcast %max3A_57 : f32 to vector<1280x64xf32>
    %max3A_59 = arith.maximumf %slice3A_56, %max3A_58 : vector<1280x64xf32>
    %get3A_60 = arith.constant 2 : index
    %get3A_61 = arith.constant 0 : index
    %get3A_62 = arith.constant 0 : index
    %get3A_63 = vector.load %arg6[%get3A_60, %get3A_61, %get3A_62] : memref<4x64x64xf32, #tpu.memory_space<vmem>>, vector<1x64x64xf32>
    %get3A_64 = vector.shape_cast %get3A_63 : vector<1x64x64xf32> to vector<64x64xf32>
    %dot_general3A_65 = arith.constant dense<0.000000e+00> : vector<64x1280xf32>
    %dot_general3A_66 = tpu.matmul %get3A_64, %max3A_59, %dot_general3A_65 {dimension_numbers = #tpu.dot_dimension_numbers<[0], [1], [1], [0], [0, 1, 1, 0], [], []>, transpose_lhs_hint = false} : vector<64x64xf32>, vector<1280x64xf32>, vector<64x1280xf32> -> vector<64x1280xf32>
    %get3A_67 = arith.constant 2 : index
    %get3A_68 = arith.constant 0 : index
    %get3A_69 = vector.load %arg7[%get3A_67, %get3A_68] : memref<4x64xf32, #tpu.memory_space<vmem>>, vector<1x64xf32>
    %get3A_70 = vector.shape_cast %get3A_69 : vector<1x64xf32> to vector<64xf32>
    %broadcast_in_dim3A_71 = vector.shape_cast %get3A_70 : vector<64xf32> to vector<64x1xf32>
    %add3A_72 = vector.broadcast %broadcast_in_dim3A_71 : vector<64x1xf32> to vector<64x1280xf32>
    %add3A_73 = arith.addf %dot_general3A_66, %add3A_72 : vector<64x1280xf32>
    %swap3A_74 = arith.constant 128 : index
    %swap3A_75 = arith.constant 0 : index
    %swap3A_76 = vector.load %arg8[%swap3A_74, %swap3A_75] : memref<256x1280xf32, #tpu.memory_space<vmem>>, vector<64x1280xf32>
    tpu.vector_store %arg8[%swap3A_74, %swap3A_75], %add3A_73 {strides = array<i32>} : memref<256x1280xf32, #tpu.memory_space<vmem>>, vector<64x1280xf32>,
    %slice3A_77 = vector.extract_strided_slice %add3A_17 {offsets = [0, 192], sizes = [1280, 64], strides = [1, 1]} : vector<1280x256xf32> to vector<1280x64xf32>
    %max3A_78 = arith.constant 0.000000e+00 : f32
    %max3A_79 = vector.broadcast %max3A_78 : f32 to vector<1280x64xf32>
    %max3A_80 = arith.maximumf %slice3A_77, %max3A_79 : vector<1280x64xf32>
    %get3A_81 = arith.constant 3 : index
    %get3A_82 = arith.constant 0 : index
    %get3A_83 = arith.constant 0 : index
    %get3A_84 = vector.load %arg6[%get3A_81, %get3A_82, %get3A_83] : memref<4x64x64xf32, #tpu.memory_space<vmem>>, vector<1x64x64xf32>
    %get3A_85 = vector.shape_cast %get3A_84 : vector<1x64x64xf32> to vector<64x64xf32>
    %dot_general3A_86 = arith.constant dense<0.000000e+00> : vector<64x1280xf32>
    %dot_general3A_87 = tpu.matmul %get3A_85, %max3A_80, %dot_general3A_86 {dimension_numbers = #tpu.dot_dimension_numbers<[0], [1], [1], [0], [0, 1, 1, 0], [], []>, transpose_lhs_hint = false} : vector<64x64xf32>, vector<1280x64xf32>, vector<64x1280xf32> -> vector<64x1280xf32>
    %get3A_88 = arith.constant 3 : index
    %get3A_89 = arith.constant 0 : index
    %get3A_90 = vector.load %arg7[%get3A_88, %get3A_89] : memref<4x64xf32, #tpu.memory_space<vmem>>, vector<1x64xf32>
    %get3A_91 = vector.shape_cast %get3A_90 : vector<1x64xf32> to vector<64xf32>
    %broadcast_in_dim3A_92 = vector.shape_cast %get3A_91 : vector<64xf32> to vector<64x1xf32>
    %add3A_93 = vector.broadcast %broadcast_in_dim3A_92 : vector<64x1xf32> to vector<64x1280xf32>
    %add3A_94 = arith.addf %dot_general3A_87, %add3A_93 : vector<64x1280xf32>
    %swap3A_95 = arith.constant 192 : index
    %swap3A_96 = arith.constant 0 : index
    %swap3A_97 = vector.load %arg8[%swap3A_95, %swap3A_96] : memref<256x1280xf32, #tpu.memory_space<vmem>>, vector<64x1280xf32>
    tpu.vector_store %arg8[%swap3A_95, %swap3A_96], %add3A_94 {strides = array<i32>} : memref<256x1280xf32, #tpu.memory_space<vmem>>, vector<64x1280xf32>,
    return
  }
  func.func @transform_0(%arg0: i32) -> (i32, i32) {
    %c0_i32 = arith.constant 0 : i32
    %c0_i32_0 = arith.constant 0 : i32
    return %arg0, %c0_i32 : i32, i32
  }
  func.func @transform_1(%arg0: i32) -> (i32, i32) {
    %c0_i32 = arith.constant 0 : i32
    %c0_i32_0 = arith.constant 0 : i32
    return %arg0, %c0_i32 : i32, i32
  }
  func.func @transform_2(%arg0: i32) -> (i32, i32) {
    %c0_i32 = arith.constant 0 : i32
    %c0_i32_0 = arith.constant 0 : i32
    return %arg0, %c0_i32 : i32, i32
  }
  func.func @transform_3(%arg0: i32) -> (i32, i32) {
    %c0_i32 = arith.constant 0 : i32
    %c0_i32_0 = arith.constant 0 : i32
    %c0_i32_1 = arith.constant 0 : i32
    return %c0_i32, %c0_i32_0 : i32, i32
  }
  func.func @transform_4(%arg0: i32) -> (i32, i32) {
    %c0_i32 = arith.constant 0 : i32
    %c0_i32_0 = arith.constant 0 : i32
    %c0_i32_1 = arith.constant 0 : i32
    return %c0_i32, %c0_i32_0 : i32, i32
  }
  func.func @transform_5(%arg0: i32) -> (i32, i32, i32) {
    %c0_i32 = arith.constant 0 : i32
    %c0_i32_0 = arith.constant 0 : i32
    %c0_i32_1 = arith.constant 0 : i32
    %c0_i32_2 = arith.constant 0 : i32
    return %c0_i32, %c0_i32_0, %c0_i32_1 : i32, i32, i32
  }
  func.func @transform_6(%arg0: i32) -> (i32, i32) {
    %c0_i32 = arith.constant 0 : i32
    %c0_i32_0 = arith.constant 0 : i32
    %c0_i32_1 = arith.constant 0 : i32
    return %c0_i32, %c0_i32_0 : i32, i32
  }
  func.func @transform_7(%arg0: i32) -> (i32, i32) {
    %c0_i32 = arith.constant 0 : i32
    %c0_i32_0 = arith.constant 0 : i32
    return %c0_i32, %arg0 : i32, i32
  }
}

module attributes {stable_mosaic.version = 14 : i64} {
  func.func @_post_kernel(%arg0: i32, %arg1: memref<1024x256xf32, #tpu.memory_space<vmem>>, %arg2: memref<256x1024xf32, #tpu.memory_space<vmem>>, %arg3: memref<256x1024xf32, #tpu.memory_space<vmem>>, %arg4: memref<256x1024xf32, #tpu.memory_space<vmem>>, %arg5: memref<256x1024xf32, #tpu.memory_space<vmem>>, %arg6: memref<1x1024xf32, #tpu.memory_space<vmem>>, %arg7: memref<4x1024x64xf32, #tpu.memory_space<vmem>>, %arg8: memref<4x64xf32, #tpu.memory_space<vmem>>, %arg9: memref<4x64x64xf32, #tpu.memory_space<vmem>>, %arg10: memref<4x64xf32, #tpu.memory_space<vmem>>, %arg11: memref<256x256xf32, #tpu.memory_space<vmem>>, %arg12: memref<1x256xf32, #tpu.memory_space<vmem>>, %arg13: memref<1x256xf32, #tpu.memory_space<vmem>>, %arg14: memref<1x256xf32, #tpu.memory_space<vmem>>, %arg15: memref<1024x256xf32, #tpu.memory_space<vmem>>) attributes {dimension_semantics = [#tpu.dimension_semantics<arbitrary>], iteration_bounds = array<i64: 10>, scalar_prefetch = 0 : i64, scratch_operands = 0 : i64, tpu.core_type = #tpu.core_type<tc>, window_params = [{transform_indices = @transform_0, window_bounds = array<i64: 1024, 256>}, {transform_indices = @transform_1, window_bounds = array<i64: 256, 1024>}, {transform_indices = @transform_2, window_bounds = array<i64: 256, 1024>}, {transform_indices = @transform_3, window_bounds = array<i64: 256, 1024>}, {transform_indices = @transform_4, window_bounds = array<i64: 256, 1024>}, {transform_indices = @transform_5, window_bounds = array<i64: 1, 1024>}, {pipeline_mode = #tpu.pipeline_mode<synchronous>, transform_indices = @transform_6, window_bounds = array<i64: 4, 1024, 64>}, {pipeline_mode = #tpu.pipeline_mode<synchronous>, transform_indices = @transform_7, window_bounds = array<i64: 4, 64>}, {pipeline_mode = #tpu.pipeline_mode<synchronous>, transform_indices = @transform_8, window_bounds = array<i64: 4, 64, 64>}, {pipeline_mode = #tpu.pipeline_mode<synchronous>, transform_indices = @transform_9, window_bounds = array<i64: 4, 64>}, {pipeline_mode = #tpu.pipeline_mode<synchronous>, transform_indices = @transform_10, window_bounds = array<i64: 256, 256>}, {pipeline_mode = #tpu.pipeline_mode<synchronous>, transform_indices = @transform_11, window_bounds = array<i64: 1, 256>}, {pipeline_mode = #tpu.pipeline_mode<synchronous>, transform_indices = @transform_12, window_bounds = array<i64: 1, 256>}, {pipeline_mode = #tpu.pipeline_mode<synchronous>, transform_indices = @transform_13, window_bounds = array<i64: 1, 256>}, {transform_indices = @transform_14, window_bounds = array<i64: 1024, 256>}]} {
    %get3A = arith.constant 0 : index
    %get3A_0 = arith.constant 0 : index
    %get3A_1 = vector.load %arg6[%get3A, %get3A_0] : memref<1x1024xf32, #tpu.memory_space<vmem>>, vector<1x1024xf32>
    %max3A = arith.constant 1.000000e+00 : f32
    %max3A_2 = vector.broadcast %max3A : f32 to vector<1x1024xf32>
    %max3A_3 = arith.maximumf %get3A_1, %max3A_2 : vector<1x1024xf32>
    %div3A = arith.constant 1.000000e+00 : f32
    %div3A_4 = vector.broadcast %div3A : f32 to vector<1x1024xf32>
    %div3A_5 = arith.divf %div3A_4, %max3A_3 : vector<1x1024xf32>
    %gt3A = arith.constant 0.000000e+00 : f32
    %gt3A_6 = vector.broadcast %gt3A : f32 to vector<1x1024xf32>
    %gt3A_7 = arith.cmpf ogt, %get3A_1, %gt3A_6 : vector<1x1024xf32>
    %convert_element_type3A = arith.extui %gt3A_7 : vector<1x1024xi1> to vector<1x1024xi32>
    %convert_element_type3A_8 = arith.sitofp %convert_element_type3A : vector<1x1024xi32> to vector<1x1024xf32>
    %add3A = arith.constant 1.000000e+00 : f32
    %add3A_9 = vector.broadcast %add3A : f32 to vector<1x1024xf32>
    %add3A_10 = arith.addf %max3A_3, %add3A_9 : vector<1x1024xf32>
    %log3A = math.log %add3A_10 : vector<1x1024xf32>
    %mul3A = arith.constant 0.356799662 : f32
    %mul3A_11 = vector.broadcast %mul3A : f32 to vector<1x1024xf32>
    %mul3A_12 = arith.mulf %log3A, %mul3A_11 : vector<1x1024xf32>
    %div3A_13 = arith.constant 2.80269313 : f32
    %div3A_14 = vector.broadcast %div3A_13 : f32 to vector<1x1024xf32>
    %div3A_15 = arith.divf %div3A_14, %log3A : vector<1x1024xf32>
    %get3A_16 = arith.constant 0 : index
    %get3A_17 = arith.constant 0 : index
    %get3A_18 = vector.load %arg2[%get3A_16, %get3A_17] : memref<256x1024xf32, #tpu.memory_space<vmem>>, vector<256x1024xf32>
    %mul3A_19 = vector.broadcast %div3A_5 : vector<1x1024xf32> to vector<256x1024xf32>
    %mul3A_20 = arith.mulf %get3A_18, %mul3A_19 : vector<256x1024xf32>
    %get3A_21 = arith.constant 0 : index
    %get3A_22 = arith.constant 0 : index
    %get3A_23 = vector.load %arg3[%get3A_21, %get3A_22] : memref<256x1024xf32, #tpu.memory_space<vmem>>, vector<256x1024xf32>
    %mul3A_24 = vector.broadcast %convert_element_type3A_8 : vector<1x1024xf32> to vector<256x1024xf32>
    %mul3A_25 = arith.mulf %get3A_23, %mul3A_24 : vector<256x1024xf32>
    %get3A_26 = arith.constant 0 : index
    %get3A_27 = arith.constant 0 : index
    %get3A_28 = vector.load %arg4[%get3A_26, %get3A_27] : memref<256x1024xf32, #tpu.memory_space<vmem>>, vector<256x1024xf32>
    %mul3A_29 = vector.broadcast %convert_element_type3A_8 : vector<1x1024xf32> to vector<256x1024xf32>
    %mul3A_30 = arith.mulf %get3A_28, %mul3A_29 : vector<256x1024xf32>
    %get3A_31 = arith.constant 0 : index
    %get3A_32 = arith.constant 0 : index
    %get3A_33 = vector.load %arg5[%get3A_31, %get3A_32] : memref<256x1024xf32, #tpu.memory_space<vmem>>, vector<256x1024xf32>
    %mul3A_34 = vector.broadcast %div3A_5 : vector<1x1024xf32> to vector<256x1024xf32>
    %mul3A_35 = arith.mulf %get3A_33, %mul3A_34 : vector<256x1024xf32>
    %mul3A_36 = arith.mulf %mul3A_20, %mul3A_20 : vector<256x1024xf32>
    %sub3A = arith.subf %mul3A_35, %mul3A_36 : vector<256x1024xf32>
    %max3A_37 = arith.constant 0.000000e+00 : f32
    %max3A_38 = vector.broadcast %max3A_37 : f32 to vector<256x1024xf32>
    %max3A_39 = arith.maximumf %sub3A, %max3A_38 : vector<256x1024xf32>
    %add3A_40 = arith.constant 9.99999974E-6 : f32
    %add3A_41 = vector.broadcast %add3A_40 : f32 to vector<256x1024xf32>
    %add3A_42 = arith.addf %max3A_39, %add3A_41 : vector<256x1024xf32>
    %sqrt3A = math.sqrt %add3A_42 : vector<256x1024xf32>
    %slice3A = vector.extract_strided_slice %get3A_18 {offsets = [0, 0], sizes = [64, 1024], strides = [1, 1]} : vector<256x1024xf32> to vector<64x1024xf32>
    %slice3A_43 = vector.extract_strided_slice %mul3A_20 {offsets = [0, 0], sizes = [64, 1024], strides = [1, 1]} : vector<256x1024xf32> to vector<64x1024xf32>
    %slice3A_44 = vector.extract_strided_slice %mul3A_25 {offsets = [0, 0], sizes = [64, 1024], strides = [1, 1]} : vector<256x1024xf32> to vector<64x1024xf32>
    %slice3A_45 = vector.extract_strided_slice %mul3A_30 {offsets = [0, 0], sizes = [64, 1024], strides = [1, 1]} : vector<256x1024xf32> to vector<64x1024xf32>
    %slice3A_46 = vector.extract_strided_slice %sqrt3A {offsets = [0, 0], sizes = [64, 1024], strides = [1, 1]} : vector<256x1024xf32> to vector<64x1024xf32>
    %concatenate3A = tpu.concatenate %slice3A, %slice3A_43, %slice3A_44, %slice3A_45, %slice3A_46 in 0 : vector<64x1024xf32>, vector<64x1024xf32>, vector<64x1024xf32>, vector<64x1024xf32>, vector<64x1024xf32> -> vector<320x1024xf32>
    %get3A_47 = arith.constant 0 : index
    %get3A_48 = arith.constant 0 : index
    %get3A_49 = arith.constant 0 : index
    %get3A_50 = vector.load %arg7[%get3A_47, %get3A_48, %get3A_49] : memref<4x1024x64xf32, #tpu.memory_space<vmem>>, vector<1x1024x64xf32>
    %get3A_51 = vector.shape_cast %get3A_50 : vector<1x1024x64xf32> to vector<1024x64xf32>
    %slice3A_52 = vector.extract_strided_slice %get3A_51 {offsets = [0, 0], sizes = [64, 64], strides = [1, 1]} : vector<1024x64xf32> to vector<64x64xf32>
    %get3A_53 = arith.constant 0 : index
    %get3A_54 = arith.constant 0 : index
    %get3A_55 = vector.load %arg1[%get3A_53, %get3A_54] : memref<1024x256xf32, #tpu.memory_space<vmem>>, vector<1024x64xf32>
    %dot_general3A = arith.constant dense<0.000000e+00> : vector<64x1024xf32>
    %dot_general3A_56 = tpu.matmul %slice3A_52, %get3A_55, %dot_general3A {dimension_numbers = #tpu.dot_dimension_numbers<[0], [1], [1], [0], [0, 1, 1, 0], [], []>, transpose_lhs_hint = false} : vector<64x64xf32>, vector<1024x64xf32>, vector<64x1024xf32> -> vector<64x1024xf32>
    %slice3A_57 = vector.extract_strided_slice %get3A_51 {offsets = [64, 0], sizes = [320, 64], strides = [1, 1]} : vector<1024x64xf32> to vector<320x64xf32>
    %dot_general3A_58 = arith.constant dense<0.000000e+00> : vector<64x1024xf32>
    %dot_general3A_59 = tpu.matmul %slice3A_57, %concatenate3A, %dot_general3A_58 {dimension_numbers = #tpu.dot_dimension_numbers<[0], [0], [1], [1], [0, 1, 1, 1], [], []>, transpose_lhs_hint = false} : vector<320x64xf32>, vector<320x1024xf32>, vector<64x1024xf32> -> vector<64x1024xf32>
    %add3A_60 = arith.addf %dot_general3A_56, %dot_general3A_59 : vector<64x1024xf32>
    %slice3A_61 = vector.extract_strided_slice %get3A_51 {offsets = [384, 0], sizes = [320, 64], strides = [1, 1]} : vector<1024x64xf32> to vector<320x64xf32>
    %dot_general3A_62 = arith.constant dense<0.000000e+00> : vector<64x1024xf32>
    %dot_general3A_63 = tpu.matmul %slice3A_61, %concatenate3A, %dot_general3A_62 {dimension_numbers = #tpu.dot_dimension_numbers<[0], [0], [1], [1], [0, 1, 1, 1], [], []>, transpose_lhs_hint = false} : vector<320x64xf32>, vector<320x1024xf32>, vector<64x1024xf32> -> vector<64x1024xf32>
    %mul3A_64 = vector.broadcast %mul3A_12 : vector<1x1024xf32> to vector<64x1024xf32>
    %mul3A_65 = arith.mulf %mul3A_64, %dot_general3A_63 : vector<64x1024xf32>
    %add3A_66 = arith.addf %add3A_60, %mul3A_65 : vector<64x1024xf32>
    %slice3A_67 = vector.extract_strided_slice %get3A_51 {offsets = [704, 0], sizes = [320, 64], strides = [1, 1]} : vector<1024x64xf32> to vector<320x64xf32>
    %dot_general3A_68 = arith.constant dense<0.000000e+00> : vector<64x1024xf32>
    %dot_general3A_69 = tpu.matmul %slice3A_67, %concatenate3A, %dot_general3A_68 {dimension_numbers = #tpu.dot_dimension_numbers<[0], [0], [1], [1], [0, 1, 1, 1], [], []>, transpose_lhs_hint = false} : vector<320x64xf32>, vector<320x1024xf32>, vector<64x1024xf32> -> vector<64x1024xf32>
    %mul3A_70 = vector.broadcast %div3A_15 : vector<1x1024xf32> to vector<64x1024xf32>
    %mul3A_71 = arith.mulf %mul3A_70, %dot_general3A_69 : vector<64x1024xf32>
    %add3A_72 = arith.addf %add3A_66, %mul3A_71 : vector<64x1024xf32>
    %get3A_73 = arith.constant 0 : index
    %get3A_74 = arith.constant 0 : index
    %get3A_75 = vector.load %arg8[%get3A_73, %get3A_74] : memref<4x64xf32, #tpu.memory_space<vmem>>, vector<1x64xf32>
    %get3A_76 = vector.shape_cast %get3A_75 : vector<1x64xf32> to vector<64xf32>
    %broadcast_in_dim3A = vector.shape_cast %get3A_76 : vector<64xf32> to vector<64x1xf32>
    %add3A_77 = vector.broadcast %broadcast_in_dim3A : vector<64x1xf32> to vector<64x1024xf32>
    %add3A_78 = arith.addf %add3A_72, %add3A_77 : vector<64x1024xf32>
    %max3A_79 = arith.constant 0.000000e+00 : f32
    %max3A_80 = vector.broadcast %max3A_79 : f32 to vector<64x1024xf32>
    %max3A_81 = arith.maximumf %add3A_78, %max3A_80 : vector<64x1024xf32>
    %get3A_82 = arith.constant 0 : index
    %get3A_83 = arith.constant 0 : index
    %get3A_84 = arith.constant 0 : index
    %get3A_85 = vector.load %arg9[%get3A_82, %get3A_83, %get3A_84] : memref<4x64x64xf32, #tpu.memory_space<vmem>>, vector<1x64x64xf32>
    %get3A_86 = vector.shape_cast %get3A_85 : vector<1x64x64xf32> to vector<64x64xf32>
    %dot_general3A_87 = arith.constant dense<0.000000e+00> : vector<64x1024xf32>
    %dot_general3A_88 = tpu.matmul %get3A_86, %max3A_81, %dot_general3A_87 {dimension_numbers = #tpu.dot_dimension_numbers<[0], [0], [1], [1], [0, 1, 1, 1], [], []>, transpose_lhs_hint = false} : vector<64x64xf32>, vector<64x1024xf32>, vector<64x1024xf32> -> vector<64x1024xf32>
    %get3A_89 = arith.constant 0 : index
    %get3A_90 = arith.constant 0 : index
    %get3A_91 = vector.load %arg10[%get3A_89, %get3A_90] : memref<4x64xf32, #tpu.memory_space<vmem>>, vector<1x64xf32>
    %get3A_92 = vector.shape_cast %get3A_91 : vector<1x64xf32> to vector<64xf32>
    %broadcast_in_dim3A_93 = vector.shape_cast %get3A_92 : vector<64xf32> to vector<64x1xf32>
    %add3A_94 = vector.broadcast %broadcast_in_dim3A_93 : vector<64x1xf32> to vector<64x1024xf32>
    %add3A_95 = arith.addf %dot_general3A_88, %add3A_94 : vector<64x1024xf32>
    %slice3A_96 = vector.extract_strided_slice %get3A_18 {offsets = [64, 0], sizes = [64, 1024], strides = [1, 1]} : vector<256x1024xf32> to vector<64x1024xf32>
    %slice3A_97 = vector.extract_strided_slice %mul3A_20 {offsets = [64, 0], sizes = [64, 1024], strides = [1, 1]} : vector<256x1024xf32> to vector<64x1024xf32>
    %slice3A_98 = vector.extract_strided_slice %mul3A_25 {offsets = [64, 0], sizes = [64, 1024], strides = [1, 1]} : vector<256x1024xf32> to vector<64x1024xf32>
    %slice3A_99 = vector.extract_strided_slice %mul3A_30 {offsets = [64, 0], sizes = [64, 1024], strides = [1, 1]} : vector<256x1024xf32> to vector<64x1024xf32>
    %slice3A_100 = vector.extract_strided_slice %sqrt3A {offsets = [64, 0], sizes = [64, 1024], strides = [1, 1]} : vector<256x1024xf32> to vector<64x1024xf32>
    %concatenate3A_101 = tpu.concatenate %slice3A_96, %slice3A_97, %slice3A_98, %slice3A_99, %slice3A_100 in 0 : vector<64x1024xf32>, vector<64x1024xf32>, vector<64x1024xf32>, vector<64x1024xf32>, vector<64x1024xf32> -> vector<320x1024xf32>
    %get3A_102 = arith.constant 1 : index
    %get3A_103 = arith.constant 0 : index
    %get3A_104 = arith.constant 0 : index
    %get3A_105 = vector.load %arg7[%get3A_102, %get3A_103, %get3A_104] : memref<4x1024x64xf32, #tpu.memory_space<vmem>>, vector<1x1024x64xf32>
    %get3A_106 = vector.shape_cast %get3A_105 : vector<1x1024x64xf32> to vector<1024x64xf32>
    %slice3A_107 = vector.extract_strided_slice %get3A_106 {offsets = [0, 0], sizes = [64, 64], strides = [1, 1]} : vector<1024x64xf32> to vector<64x64xf32>
    %get3A_108 = arith.constant 0 : index
    %get3A_109 = arith.constant 64 : index
    %get3A_110 = vector.load %arg1[%get3A_108, %get3A_109] : memref<1024x256xf32, #tpu.memory_space<vmem>>, vector<1024x64xf32>
    %dot_general3A_111 = arith.constant dense<0.000000e+00> : vector<64x1024xf32>
    %dot_general3A_112 = tpu.matmul %slice3A_107, %get3A_110, %dot_general3A_111 {dimension_numbers = #tpu.dot_dimension_numbers<[0], [1], [1], [0], [0, 1, 1, 0], [], []>, transpose_lhs_hint = false} : vector<64x64xf32>, vector<1024x64xf32>, vector<64x1024xf32> -> vector<64x1024xf32>
    %slice3A_113 = vector.extract_strided_slice %get3A_106 {offsets = [64, 0], sizes = [320, 64], strides = [1, 1]} : vector<1024x64xf32> to vector<320x64xf32>
    %dot_general3A_114 = arith.constant dense<0.000000e+00> : vector<64x1024xf32>
    %dot_general3A_115 = tpu.matmul %slice3A_113, %concatenate3A_101, %dot_general3A_114 {dimension_numbers = #tpu.dot_dimension_numbers<[0], [0], [1], [1], [0, 1, 1, 1], [], []>, transpose_lhs_hint = false} : vector<320x64xf32>, vector<320x1024xf32>, vector<64x1024xf32> -> vector<64x1024xf32>
    %add3A_116 = arith.addf %dot_general3A_112, %dot_general3A_115 : vector<64x1024xf32>
    %slice3A_117 = vector.extract_strided_slice %get3A_106 {offsets = [384, 0], sizes = [320, 64], strides = [1, 1]} : vector<1024x64xf32> to vector<320x64xf32>
    %dot_general3A_118 = arith.constant dense<0.000000e+00> : vector<64x1024xf32>
    %dot_general3A_119 = tpu.matmul %slice3A_117, %concatenate3A_101, %dot_general3A_118 {dimension_numbers = #tpu.dot_dimension_numbers<[0], [0], [1], [1], [0, 1, 1, 1], [], []>, transpose_lhs_hint = false} : vector<320x64xf32>, vector<320x1024xf32>, vector<64x1024xf32> -> vector<64x1024xf32>
    %mul3A_120 = vector.broadcast %mul3A_12 : vector<1x1024xf32> to vector<64x1024xf32>
    %mul3A_121 = arith.mulf %mul3A_120, %dot_general3A_119 : vector<64x1024xf32>
    %add3A_122 = arith.addf %add3A_116, %mul3A_121 : vector<64x1024xf32>
    %slice3A_123 = vector.extract_strided_slice %get3A_106 {offsets = [704, 0], sizes = [320, 64], strides = [1, 1]} : vector<1024x64xf32> to vector<320x64xf32>
    %dot_general3A_124 = arith.constant dense<0.000000e+00> : vector<64x1024xf32>
    %dot_general3A_125 = tpu.matmul %slice3A_123, %concatenate3A_101, %dot_general3A_124 {dimension_numbers = #tpu.dot_dimension_numbers<[0], [0], [1], [1], [0, 1, 1, 1], [], []>, transpose_lhs_hint = false} : vector<320x64xf32>, vector<320x1024xf32>, vector<64x1024xf32> -> vector<64x1024xf32>
    %mul3A_126 = vector.broadcast %div3A_15 : vector<1x1024xf32> to vector<64x1024xf32>
    %mul3A_127 = arith.mulf %mul3A_126, %dot_general3A_125 : vector<64x1024xf32>
    %add3A_128 = arith.addf %add3A_122, %mul3A_127 : vector<64x1024xf32>
    %get3A_129 = arith.constant 1 : index
    %get3A_130 = arith.constant 0 : index
    %get3A_131 = vector.load %arg8[%get3A_129, %get3A_130] : memref<4x64xf32, #tpu.memory_space<vmem>>, vector<1x64xf32>
    %get3A_132 = vector.shape_cast %get3A_131 : vector<1x64xf32> to vector<64xf32>
    %broadcast_in_dim3A_133 = vector.shape_cast %get3A_132 : vector<64xf32> to vector<64x1xf32>
    %add3A_134 = vector.broadcast %broadcast_in_dim3A_133 : vector<64x1xf32> to vector<64x1024xf32>
    %add3A_135 = arith.addf %add3A_128, %add3A_134 : vector<64x1024xf32>
    %max3A_136 = arith.constant 0.000000e+00 : f32
    %max3A_137 = vector.broadcast %max3A_136 : f32 to vector<64x1024xf32>
    %max3A_138 = arith.maximumf %add3A_135, %max3A_137 : vector<64x1024xf32>
    %get3A_139 = arith.constant 1 : index
    %get3A_140 = arith.constant 0 : index
    %get3A_141 = arith.constant 0 : index
    %get3A_142 = vector.load %arg9[%get3A_139, %get3A_140, %get3A_141] : memref<4x64x64xf32, #tpu.memory_space<vmem>>, vector<1x64x64xf32>
    %get3A_143 = vector.shape_cast %get3A_142 : vector<1x64x64xf32> to vector<64x64xf32>
    %dot_general3A_144 = arith.constant dense<0.000000e+00> : vector<64x1024xf32>
    %dot_general3A_145 = tpu.matmul %get3A_143, %max3A_138, %dot_general3A_144 {dimension_numbers = #tpu.dot_dimension_numbers<[0], [0], [1], [1], [0, 1, 1, 1], [], []>, transpose_lhs_hint = false} : vector<64x64xf32>, vector<64x1024xf32>, vector<64x1024xf32> -> vector<64x1024xf32>
    %get3A_146 = arith.constant 1 : index
    %get3A_147 = arith.constant 0 : index
    %get3A_148 = vector.load %arg10[%get3A_146, %get3A_147] : memref<4x64xf32, #tpu.memory_space<vmem>>, vector<1x64xf32>
    %get3A_149 = vector.shape_cast %get3A_148 : vector<1x64xf32> to vector<64xf32>
    %broadcast_in_dim3A_150 = vector.shape_cast %get3A_149 : vector<64xf32> to vector<64x1xf32>
    %add3A_151 = vector.broadcast %broadcast_in_dim3A_150 : vector<64x1xf32> to vector<64x1024xf32>
    %add3A_152 = arith.addf %dot_general3A_145, %add3A_151 : vector<64x1024xf32>
    %slice3A_153 = vector.extract_strided_slice %get3A_18 {offsets = [128, 0], sizes = [64, 1024], strides = [1, 1]} : vector<256x1024xf32> to vector<64x1024xf32>
    %slice3A_154 = vector.extract_strided_slice %mul3A_20 {offsets = [128, 0], sizes = [64, 1024], strides = [1, 1]} : vector<256x1024xf32> to vector<64x1024xf32>
    %slice3A_155 = vector.extract_strided_slice %mul3A_25 {offsets = [128, 0], sizes = [64, 1024], strides = [1, 1]} : vector<256x1024xf32> to vector<64x1024xf32>
    %slice3A_156 = vector.extract_strided_slice %mul3A_30 {offsets = [128, 0], sizes = [64, 1024], strides = [1, 1]} : vector<256x1024xf32> to vector<64x1024xf32>
    %slice3A_157 = vector.extract_strided_slice %sqrt3A {offsets = [128, 0], sizes = [64, 1024], strides = [1, 1]} : vector<256x1024xf32> to vector<64x1024xf32>
    %concatenate3A_158 = tpu.concatenate %slice3A_153, %slice3A_154, %slice3A_155, %slice3A_156, %slice3A_157 in 0 : vector<64x1024xf32>, vector<64x1024xf32>, vector<64x1024xf32>, vector<64x1024xf32>, vector<64x1024xf32> -> vector<320x1024xf32>
    %get3A_159 = arith.constant 2 : index
    %get3A_160 = arith.constant 0 : index
    %get3A_161 = arith.constant 0 : index
    %get3A_162 = vector.load %arg7[%get3A_159, %get3A_160, %get3A_161] : memref<4x1024x64xf32, #tpu.memory_space<vmem>>, vector<1x1024x64xf32>
    %get3A_163 = vector.shape_cast %get3A_162 : vector<1x1024x64xf32> to vector<1024x64xf32>
    %slice3A_164 = vector.extract_strided_slice %get3A_163 {offsets = [0, 0], sizes = [64, 64], strides = [1, 1]} : vector<1024x64xf32> to vector<64x64xf32>
    %get3A_165 = arith.constant 0 : index
    %get3A_166 = arith.constant 128 : index
    %get3A_167 = vector.load %arg1[%get3A_165, %get3A_166] : memref<1024x256xf32, #tpu.memory_space<vmem>>, vector<1024x64xf32>
    %dot_general3A_168 = arith.constant dense<0.000000e+00> : vector<64x1024xf32>
    %dot_general3A_169 = tpu.matmul %slice3A_164, %get3A_167, %dot_general3A_168 {dimension_numbers = #tpu.dot_dimension_numbers<[0], [1], [1], [0], [0, 1, 1, 0], [], []>, transpose_lhs_hint = false} : vector<64x64xf32>, vector<1024x64xf32>, vector<64x1024xf32> -> vector<64x1024xf32>
    %slice3A_170 = vector.extract_strided_slice %get3A_163 {offsets = [64, 0], sizes = [320, 64], strides = [1, 1]} : vector<1024x64xf32> to vector<320x64xf32>
    %dot_general3A_171 = arith.constant dense<0.000000e+00> : vector<64x1024xf32>
    %dot_general3A_172 = tpu.matmul %slice3A_170, %concatenate3A_158, %dot_general3A_171 {dimension_numbers = #tpu.dot_dimension_numbers<[0], [0], [1], [1], [0, 1, 1, 1], [], []>, transpose_lhs_hint = false} : vector<320x64xf32>, vector<320x1024xf32>, vector<64x1024xf32> -> vector<64x1024xf32>
    %add3A_173 = arith.addf %dot_general3A_169, %dot_general3A_172 : vector<64x1024xf32>
    %slice3A_174 = vector.extract_strided_slice %get3A_163 {offsets = [384, 0], sizes = [320, 64], strides = [1, 1]} : vector<1024x64xf32> to vector<320x64xf32>
    %dot_general3A_175 = arith.constant dense<0.000000e+00> : vector<64x1024xf32>
    %dot_general3A_176 = tpu.matmul %slice3A_174, %concatenate3A_158, %dot_general3A_175 {dimension_numbers = #tpu.dot_dimension_numbers<[0], [0], [1], [1], [0, 1, 1, 1], [], []>, transpose_lhs_hint = false} : vector<320x64xf32>, vector<320x1024xf32>, vector<64x1024xf32> -> vector<64x1024xf32>
    %mul3A_177 = vector.broadcast %mul3A_12 : vector<1x1024xf32> to vector<64x1024xf32>
    %mul3A_178 = arith.mulf %mul3A_177, %dot_general3A_176 : vector<64x1024xf32>
    %add3A_179 = arith.addf %add3A_173, %mul3A_178 : vector<64x1024xf32>
    %slice3A_180 = vector.extract_strided_slice %get3A_163 {offsets = [704, 0], sizes = [320, 64], strides = [1, 1]} : vector<1024x64xf32> to vector<320x64xf32>
    %dot_general3A_181 = arith.constant dense<0.000000e+00> : vector<64x1024xf32>
    %dot_general3A_182 = tpu.matmul %slice3A_180, %concatenate3A_158, %dot_general3A_181 {dimension_numbers = #tpu.dot_dimension_numbers<[0], [0], [1], [1], [0, 1, 1, 1], [], []>, transpose_lhs_hint = false} : vector<320x64xf32>, vector<320x1024xf32>, vector<64x1024xf32> -> vector<64x1024xf32>
    %mul3A_183 = vector.broadcast %div3A_15 : vector<1x1024xf32> to vector<64x1024xf32>
    %mul3A_184 = arith.mulf %mul3A_183, %dot_general3A_182 : vector<64x1024xf32>
    %add3A_185 = arith.addf %add3A_179, %mul3A_184 : vector<64x1024xf32>
    %get3A_186 = arith.constant 2 : index
    %get3A_187 = arith.constant 0 : index
    %get3A_188 = vector.load %arg8[%get3A_186, %get3A_187] : memref<4x64xf32, #tpu.memory_space<vmem>>, vector<1x64xf32>
    %get3A_189 = vector.shape_cast %get3A_188 : vector<1x64xf32> to vector<64xf32>
    %broadcast_in_dim3A_190 = vector.shape_cast %get3A_189 : vector<64xf32> to vector<64x1xf32>
    %add3A_191 = vector.broadcast %broadcast_in_dim3A_190 : vector<64x1xf32> to vector<64x1024xf32>
    %add3A_192 = arith.addf %add3A_185, %add3A_191 : vector<64x1024xf32>
    %max3A_193 = arith.constant 0.000000e+00 : f32
    %max3A_194 = vector.broadcast %max3A_193 : f32 to vector<64x1024xf32>
    %max3A_195 = arith.maximumf %add3A_192, %max3A_194 : vector<64x1024xf32>
    %get3A_196 = arith.constant 2 : index
    %get3A_197 = arith.constant 0 : index
    %get3A_198 = arith.constant 0 : index
    %get3A_199 = vector.load %arg9[%get3A_196, %get3A_197, %get3A_198] : memref<4x64x64xf32, #tpu.memory_space<vmem>>, vector<1x64x64xf32>
    %get3A_200 = vector.shape_cast %get3A_199 : vector<1x64x64xf32> to vector<64x64xf32>
    %dot_general3A_201 = arith.constant dense<0.000000e+00> : vector<64x1024xf32>
    %dot_general3A_202 = tpu.matmul %get3A_200, %max3A_195, %dot_general3A_201 {dimension_numbers = #tpu.dot_dimension_numbers<[0], [0], [1], [1], [0, 1, 1, 1], [], []>, transpose_lhs_hint = false} : vector<64x64xf32>, vector<64x1024xf32>, vector<64x1024xf32> -> vector<64x1024xf32>
    %get3A_203 = arith.constant 2 : index
    %get3A_204 = arith.constant 0 : index
    %get3A_205 = vector.load %arg10[%get3A_203, %get3A_204] : memref<4x64xf32, #tpu.memory_space<vmem>>, vector<1x64xf32>
    %get3A_206 = vector.shape_cast %get3A_205 : vector<1x64xf32> to vector<64xf32>
    %broadcast_in_dim3A_207 = vector.shape_cast %get3A_206 : vector<64xf32> to vector<64x1xf32>
    %add3A_208 = vector.broadcast %broadcast_in_dim3A_207 : vector<64x1xf32> to vector<64x1024xf32>
    %add3A_209 = arith.addf %dot_general3A_202, %add3A_208 : vector<64x1024xf32>
    %slice3A_210 = vector.extract_strided_slice %get3A_18 {offsets = [192, 0], sizes = [64, 1024], strides = [1, 1]} : vector<256x1024xf32> to vector<64x1024xf32>
    %slice3A_211 = vector.extract_strided_slice %mul3A_20 {offsets = [192, 0], sizes = [64, 1024], strides = [1, 1]} : vector<256x1024xf32> to vector<64x1024xf32>
    %slice3A_212 = vector.extract_strided_slice %mul3A_25 {offsets = [192, 0], sizes = [64, 1024], strides = [1, 1]} : vector<256x1024xf32> to vector<64x1024xf32>
    %slice3A_213 = vector.extract_strided_slice %mul3A_30 {offsets = [192, 0], sizes = [64, 1024], strides = [1, 1]} : vector<256x1024xf32> to vector<64x1024xf32>
    %slice3A_214 = vector.extract_strided_slice %sqrt3A {offsets = [192, 0], sizes = [64, 1024], strides = [1, 1]} : vector<256x1024xf32> to vector<64x1024xf32>
    %concatenate3A_215 = tpu.concatenate %slice3A_210, %slice3A_211, %slice3A_212, %slice3A_213, %slice3A_214 in 0 : vector<64x1024xf32>, vector<64x1024xf32>, vector<64x1024xf32>, vector<64x1024xf32>, vector<64x1024xf32> -> vector<320x1024xf32>
    %get3A_216 = arith.constant 3 : index
    %get3A_217 = arith.constant 0 : index
    %get3A_218 = arith.constant 0 : index
    %get3A_219 = vector.load %arg7[%get3A_216, %get3A_217, %get3A_218] : memref<4x1024x64xf32, #tpu.memory_space<vmem>>, vector<1x1024x64xf32>
    %get3A_220 = vector.shape_cast %get3A_219 : vector<1x1024x64xf32> to vector<1024x64xf32>
    %slice3A_221 = vector.extract_strided_slice %get3A_220 {offsets = [0, 0], sizes = [64, 64], strides = [1, 1]} : vector<1024x64xf32> to vector<64x64xf32>
    %get3A_222 = arith.constant 0 : index
    %get3A_223 = arith.constant 192 : index
    %get3A_224 = vector.load %arg1[%get3A_222, %get3A_223] : memref<1024x256xf32, #tpu.memory_space<vmem>>, vector<1024x64xf32>
    %dot_general3A_225 = arith.constant dense<0.000000e+00> : vector<64x1024xf32>
    %dot_general3A_226 = tpu.matmul %slice3A_221, %get3A_224, %dot_general3A_225 {dimension_numbers = #tpu.dot_dimension_numbers<[0], [1], [1], [0], [0, 1, 1, 0], [], []>, transpose_lhs_hint = false} : vector<64x64xf32>, vector<1024x64xf32>, vector<64x1024xf32> -> vector<64x1024xf32>
    %slice3A_227 = vector.extract_strided_slice %get3A_220 {offsets = [64, 0], sizes = [320, 64], strides = [1, 1]} : vector<1024x64xf32> to vector<320x64xf32>
    %dot_general3A_228 = arith.constant dense<0.000000e+00> : vector<64x1024xf32>
    %dot_general3A_229 = tpu.matmul %slice3A_227, %concatenate3A_215, %dot_general3A_228 {dimension_numbers = #tpu.dot_dimension_numbers<[0], [0], [1], [1], [0, 1, 1, 1], [], []>, transpose_lhs_hint = false} : vector<320x64xf32>, vector<320x1024xf32>, vector<64x1024xf32> -> vector<64x1024xf32>
    %add3A_230 = arith.addf %dot_general3A_226, %dot_general3A_229 : vector<64x1024xf32>
    %slice3A_231 = vector.extract_strided_slice %get3A_220 {offsets = [384, 0], sizes = [320, 64], strides = [1, 1]} : vector<1024x64xf32> to vector<320x64xf32>
    %dot_general3A_232 = arith.constant dense<0.000000e+00> : vector<64x1024xf32>
    %dot_general3A_233 = tpu.matmul %slice3A_231, %concatenate3A_215, %dot_general3A_232 {dimension_numbers = #tpu.dot_dimension_numbers<[0], [0], [1], [1], [0, 1, 1, 1], [], []>, transpose_lhs_hint = false} : vector<320x64xf32>, vector<320x1024xf32>, vector<64x1024xf32> -> vector<64x1024xf32>
    %mul3A_234 = vector.broadcast %mul3A_12 : vector<1x1024xf32> to vector<64x1024xf32>
    %mul3A_235 = arith.mulf %mul3A_234, %dot_general3A_233 : vector<64x1024xf32>
    %add3A_236 = arith.addf %add3A_230, %mul3A_235 : vector<64x1024xf32>
    %slice3A_237 = vector.extract_strided_slice %get3A_220 {offsets = [704, 0], sizes = [320, 64], strides = [1, 1]} : vector<1024x64xf32> to vector<320x64xf32>
    %dot_general3A_238 = arith.constant dense<0.000000e+00> : vector<64x1024xf32>
    %dot_general3A_239 = tpu.matmul %slice3A_237, %concatenate3A_215, %dot_general3A_238 {dimension_numbers = #tpu.dot_dimension_numbers<[0], [0], [1], [1], [0, 1, 1, 1], [], []>, transpose_lhs_hint = false} : vector<320x64xf32>, vector<320x1024xf32>, vector<64x1024xf32> -> vector<64x1024xf32>
    %mul3A_240 = vector.broadcast %div3A_15 : vector<1x1024xf32> to vector<64x1024xf32>
    %mul3A_241 = arith.mulf %mul3A_240, %dot_general3A_239 : vector<64x1024xf32>
    %add3A_242 = arith.addf %add3A_236, %mul3A_241 : vector<64x1024xf32>
    %get3A_243 = arith.constant 3 : index
    %get3A_244 = arith.constant 0 : index
    %get3A_245 = vector.load %arg8[%get3A_243, %get3A_244] : memref<4x64xf32, #tpu.memory_space<vmem>>, vector<1x64xf32>
    %get3A_246 = vector.shape_cast %get3A_245 : vector<1x64xf32> to vector<64xf32>
    %broadcast_in_dim3A_247 = vector.shape_cast %get3A_246 : vector<64xf32> to vector<64x1xf32>
    %add3A_248 = vector.broadcast %broadcast_in_dim3A_247 : vector<64x1xf32> to vector<64x1024xf32>
    %add3A_249 = arith.addf %add3A_242, %add3A_248 : vector<64x1024xf32>
    %max3A_250 = arith.constant 0.000000e+00 : f32
    %max3A_251 = vector.broadcast %max3A_250 : f32 to vector<64x1024xf32>
    %max3A_252 = arith.maximumf %add3A_249, %max3A_251 : vector<64x1024xf32>
    %get3A_253 = arith.constant 3 : index
    %get3A_254 = arith.constant 0 : index
    %get3A_255 = arith.constant 0 : index
    %get3A_256 = vector.load %arg9[%get3A_253, %get3A_254, %get3A_255] : memref<4x64x64xf32, #tpu.memory_space<vmem>>, vector<1x64x64xf32>
    %get3A_257 = vector.shape_cast %get3A_256 : vector<1x64x64xf32> to vector<64x64xf32>
    %dot_general3A_258 = arith.constant dense<0.000000e+00> : vector<64x1024xf32>
    %dot_general3A_259 = tpu.matmul %get3A_257, %max3A_252, %dot_general3A_258 {dimension_numbers = #tpu.dot_dimension_numbers<[0], [0], [1], [1], [0, 1, 1, 1], [], []>, transpose_lhs_hint = false} : vector<64x64xf32>, vector<64x1024xf32>, vector<64x1024xf32> -> vector<64x1024xf32>
    %get3A_260 = arith.constant 3 : index
    %get3A_261 = arith.constant 0 : index
    %get3A_262 = vector.load %arg10[%get3A_260, %get3A_261] : memref<4x64xf32, #tpu.memory_space<vmem>>, vector<1x64xf32>
    %get3A_263 = vector.shape_cast %get3A_262 : vector<1x64xf32> to vector<64xf32>
    %broadcast_in_dim3A_264 = vector.shape_cast %get3A_263 : vector<64xf32> to vector<64x1xf32>
    %add3A_265 = vector.broadcast %broadcast_in_dim3A_264 : vector<64x1xf32> to vector<64x1024xf32>
    %add3A_266 = arith.addf %dot_general3A_259, %add3A_265 : vector<64x1024xf32>
    %concatenate3A_267 = tpu.concatenate %add3A_95, %add3A_152, %add3A_209, %add3A_266 in 0 : vector<64x1024xf32>, vector<64x1024xf32>, vector<64x1024xf32>, vector<64x1024xf32> -> vector<256x1024xf32>
    %get3A_268 = arith.constant 0 : index
    %get3A_269 = arith.constant 0 : index
    %get3A_270 = vector.load %arg11[%get3A_268, %get3A_269] : memref<256x256xf32, #tpu.memory_space<vmem>>, vector<256x256xf32>
    %dot_general3A_271 = arith.constant dense<0.000000e+00> : vector<1024x256xf32>
    %dot_general3A_272 = tpu.matmul %concatenate3A_267, %get3A_270, %dot_general3A_271 {dimension_numbers = #tpu.dot_dimension_numbers<[0], [0], [1], [1], [0, 1, 1, 1], [], []>, transpose_lhs_hint = false} : vector<256x1024xf32>, vector<256x256xf32>, vector<1024x256xf32> -> vector<1024x256xf32>
    %get3A_273 = arith.constant 0 : index
    %get3A_274 = arith.constant 0 : index
    %get3A_275 = vector.load %arg12[%get3A_273, %get3A_274] : memref<1x256xf32, #tpu.memory_space<vmem>>, vector<1x256xf32>
    %get3A_276 = vector.shape_cast %get3A_275 : vector<1x256xf32> to vector<256xf32>
    %broadcast_in_dim3A_277 = vector.shape_cast %get3A_276 : vector<256xf32> to vector<1x256xf32>
    %add3A_278 = vector.broadcast %broadcast_in_dim3A_277 : vector<1x256xf32> to vector<1024x256xf32>
    %add3A_279 = arith.addf %dot_general3A_272, %add3A_278 : vector<1024x256xf32>
    %reduce_sum3A = arith.constant dense<0.000000e+00> : vector<1024xf32>
    %reduce_sum3A_280 = vector.multi_reduction <add>, %add3A_279, %reduce_sum3A [1] : vector<1024x256xf32> to vector<1024xf32>
    %broadcast_in_dim3A_281 = vector.shape_cast %reduce_sum3A_280 : vector<1024xf32> to vector<1024x1xf32>
    %div3A_282 = arith.constant 2.560000e+02 : f32
    %div3A_283 = vector.broadcast %div3A_282 : f32 to vector<1024x1xf32>
    %div3A_284 = arith.divf %broadcast_in_dim3A_281, %div3A_283 : vector<1024x1xf32>
    %sub3A_285 = vector.broadcast %div3A_284 : vector<1024x1xf32> to vector<1024x256xf32>
    %sub3A_286 = arith.subf %add3A_279, %sub3A_285 : vector<1024x256xf32>
    %integer_pow3A = arith.mulf %sub3A_286, %sub3A_286 : vector<1024x256xf32>
    %reduce_sum3A_287 = arith.constant dense<0.000000e+00> : vector<1024xf32>
    %reduce_sum3A_288 = vector.multi_reduction <add>, %integer_pow3A, %reduce_sum3A_287 [1] : vector<1024x256xf32> to vector<1024xf32>
    %broadcast_in_dim3A_289 = vector.shape_cast %reduce_sum3A_288 : vector<1024xf32> to vector<1024x1xf32>
    %div3A_290 = arith.constant 2.560000e+02 : f32
    %div3A_291 = vector.broadcast %div3A_290 : f32 to vector<1024x1xf32>
    %div3A_292 = arith.divf %broadcast_in_dim3A_289, %div3A_291 : vector<1024x1xf32>
    %sub3A_293 = vector.broadcast %div3A_284 : vector<1024x1xf32> to vector<1024x256xf32>
    %sub3A_294 = arith.subf %add3A_279, %sub3A_293 : vector<1024x256xf32>
    %add3A_295 = arith.constant 9.99999974E-6 : f32
    %add3A_296 = vector.broadcast %add3A_295 : f32 to vector<1024x1xf32>
    %add3A_297 = arith.addf %div3A_292, %add3A_296 : vector<1024x1xf32>
    %rsqrt3A = math.rsqrt %add3A_297 : vector<1024x1xf32>
    %mul3A_298 = vector.broadcast %rsqrt3A : vector<1024x1xf32> to vector<1024x256xf32>
    %mul3A_299 = arith.mulf %sub3A_294, %mul3A_298 : vector<1024x256xf32>
    %get3A_300 = arith.constant 0 : index
    %get3A_301 = arith.constant 0 : index
    %get3A_302 = vector.load %arg13[%get3A_300, %get3A_301] : memref<1x256xf32, #tpu.memory_space<vmem>>, vector<1x256xf32>
    %get3A_303 = vector.shape_cast %get3A_302 : vector<1x256xf32> to vector<256xf32>
    %broadcast_in_dim3A_304 = vector.shape_cast %get3A_303 : vector<256xf32> to vector<1x256xf32>
    %mul3A_305 = vector.broadcast %broadcast_in_dim3A_304 : vector<1x256xf32> to vector<1024x256xf32>
    %mul3A_306 = arith.mulf %mul3A_299, %mul3A_305 : vector<1024x256xf32>
    %get3A_307 = arith.constant 0 : index
    %get3A_308 = arith.constant 0 : index
    %get3A_309 = vector.load %arg14[%get3A_307, %get3A_308] : memref<1x256xf32, #tpu.memory_space<vmem>>, vector<1x256xf32>
    %get3A_310 = vector.shape_cast %get3A_309 : vector<1x256xf32> to vector<256xf32>
    %broadcast_in_dim3A_311 = vector.shape_cast %get3A_310 : vector<256xf32> to vector<1x256xf32>
    %add3A_312 = vector.broadcast %broadcast_in_dim3A_311 : vector<1x256xf32> to vector<1024x256xf32>
    %add3A_313 = arith.addf %mul3A_306, %add3A_312 : vector<1024x256xf32>
    %get3A_314 = arith.constant 0 : index
    %get3A_315 = arith.constant 0 : index
    %get3A_316 = vector.load %arg1[%get3A_314, %get3A_315] : memref<1024x256xf32, #tpu.memory_space<vmem>>, vector<1024x256xf32>
    %max3A_317 = arith.constant 0.000000e+00 : f32
    %max3A_318 = vector.broadcast %max3A_317 : f32 to vector<1024x256xf32>
    %max3A_319 = arith.maximumf %add3A_313, %max3A_318 : vector<1024x256xf32>
    %add3A_320 = arith.addf %get3A_316, %max3A_319 : vector<1024x256xf32>
    %swap3A = arith.constant 0 : index
    %swap3A_321 = arith.constant 0 : index
    %swap3A_322 = vector.load %arg15[%swap3A, %swap3A_321] : memref<1024x256xf32, #tpu.memory_space<vmem>>, vector<1024x256xf32>
    tpu.vector_store %arg15[%swap3A, %swap3A_321], %add3A_320 {strides = array<i32>} : memref<1024x256xf32, #tpu.memory_space<vmem>>, vector<1024x256xf32>,
    return
  }
  func.func @transform_0(%arg0: i32) -> (i32, i32) {
    %c0_i32 = arith.constant 0 : i32
    %c0_i32_0 = arith.constant 0 : i32
    return %arg0, %c0_i32 : i32, i32
  }
  func.func @transform_1(%arg0: i32) -> (i32, i32) {
    %c0_i32 = arith.constant 0 : i32
    %c0_i32_0 = arith.constant 0 : i32
    return %c0_i32, %arg0 : i32, i32
  }
  func.func @transform_2(%arg0: i32) -> (i32, i32) {
    %c0_i32 = arith.constant 0 : i32
    %c0_i32_0 = arith.constant 0 : i32
    return %c0_i32, %arg0 : i32, i32
  }
  func.func @transform_3(%arg0: i32) -> (i32, i32) {
    %c0_i32 = arith.constant 0 : i32
    %c0_i32_0 = arith.constant 0 : i32
    return %c0_i32, %arg0 : i32, i32
  }
  func.func @transform_4(%arg0: i32) -> (i32, i32) {
    %c0_i32 = arith.constant 0 : i32
    %c0_i32_0 = arith.constant 0 : i32
    return %c0_i32, %arg0 : i32, i32
  }
  func.func @transform_5(%arg0: i32) -> (i32, i32) {
    %c0_i32 = arith.constant 0 : i32
    %c0_i32_0 = arith.constant 0 : i32
    return %c0_i32, %arg0 : i32, i32
  }
  func.func @transform_6(%arg0: i32) -> (i32, i32, i32) {
    %c0_i32 = arith.constant 0 : i32
    %c0_i32_0 = arith.constant 0 : i32
    %c0_i32_1 = arith.constant 0 : i32
    %c0_i32_2 = arith.constant 0 : i32
    return %c0_i32, %c0_i32_0, %c0_i32_1 : i32, i32, i32
  }
  func.func @transform_7(%arg0: i32) -> (i32, i32) {
    %c0_i32 = arith.constant 0 : i32
    %c0_i32_0 = arith.constant 0 : i32
    %c0_i32_1 = arith.constant 0 : i32
    return %c0_i32, %c0_i32_0 : i32, i32
  }
  func.func @transform_8(%arg0: i32) -> (i32, i32, i32) {
    %c0_i32 = arith.constant 0 : i32
    %c0_i32_0 = arith.constant 0 : i32
    %c0_i32_1 = arith.constant 0 : i32
    %c0_i32_2 = arith.constant 0 : i32
    return %c0_i32, %c0_i32_0, %c0_i32_1 : i32, i32, i32
  }
  func.func @transform_9(%arg0: i32) -> (i32, i32) {
    %c0_i32 = arith.constant 0 : i32
    %c0_i32_0 = arith.constant 0 : i32
    %c0_i32_1 = arith.constant 0 : i32
    return %c0_i32, %c0_i32_0 : i32, i32
  }
  func.func @transform_10(%arg0: i32) -> (i32, i32) {
    %c0_i32 = arith.constant 0 : i32
    %c0_i32_0 = arith.constant 0 : i32
    %c0_i32_1 = arith.constant 0 : i32
    return %c0_i32, %c0_i32_0 : i32, i32
  }
  func.func @transform_11(%arg0: i32) -> (i32, i32) {
    %c0_i32 = arith.constant 0 : i32
    %c0_i32_0 = arith.constant 0 : i32
    %c0_i32_1 = arith.constant 0 : i32
    return %c0_i32, %c0_i32_0 : i32, i32
  }
  func.func @transform_12(%arg0: i32) -> (i32, i32) {
    %c0_i32 = arith.constant 0 : i32
    %c0_i32_0 = arith.constant 0 : i32
    %c0_i32_1 = arith.constant 0 : i32
    return %c0_i32, %c0_i32_0 : i32, i32
  }
  func.func @transform_13(%arg0: i32) -> (i32, i32) {
    %c0_i32 = arith.constant 0 : i32
    %c0_i32_0 = arith.constant 0 : i32
    %c0_i32_1 = arith.constant 0 : i32
    return %c0_i32, %c0_i32_0 : i32, i32
  }
  func.func @transform_14(%arg0: i32) -> (i32, i32) {
    %c0_i32 = arith.constant 0 : i32
    %c0_i32_0 = arith.constant 0 : i32
    return %arg0, %c0_i32 : i32, i32
  }
}

</mosaic_0001>

<sc_bundles>
// kernel: kernel.11.cloned.1.call-start
scs
__scs_entry_jumppad:
0x0: {  	(pc) =	sbr.rel $0x88, $3  }
0x1: {  	(tag) =	ssettag $0x0;
	lr =	simm.s32 $0x1  }
0x2: {  	[smem:$0x3F90] =	sst lr;
	_ =	strace $0xD0000000  }
0x3: {  	_ = 	snop  }
0x4: {  	_ = 	snop  }
0x5: {  	_ = 	snop  }
0x6: {  	_ = 	snop  }
0x7: {  	_ = 	snop  }
__scs_overlays_trampoline_lowered:
0x8: {  	[smem:$0x3F9F] =	sst s0  }
0x9: {  	[smem:$0x3FA0] =	sst s1  }
0xa: {  	[smem:$0x3FA1] =	sst s2  }
0xb: {  	[smem:$0x3FA2] =	sst s3  }
0xc: {  	[smem:$0x3FA3] =	sst s4  }
0xd: {  	[smem:$0x3FA4] =	sst s5  }
0xe: {  	[smem:$0x3FA5] =	sst s6  }
0xf: {  	[smem:$0x3FA6] =	sst s7  }
0x10: {  	[smem:$0x3FA7] =	sst s8  }
0x11: {  	[smem:$0x3FA8] =	sst s9;
	s0 =	simm.s32 @!p0 $0x0  }
0x12: {  	s1 =	sld [smem:$0x3F8E];
	s0 =	simm.s32 @p0 $0x1  }
0x13: {  	[smem:$0x3FA9] =	sst s0;
	s0 =	simm.s32 @!p1 $0x0  }
0x14: {  	s2 =	sld [smem:$0x3F8D];
	s0 =	simm.s32 @p1 $0x1  }
0x15: {  	[smem:$0x3FAA] =	sst s0;
	s0 =	simm.s32 @!p2 $0x0  }
0x16: {  	s3 =	sld [smem:$0x3FDB];
	s0 =	simm.s32 @p2 $0x1  }
0x17: {  	s4 =	simm.s32 $0x1BF5;
	[smem:$0x3FAC] =	sst s0  }
0x18: {  	s0 =	sld [smem:$0x3F8F];
	_ =	swait.ge [sflag:s4], $0x0  }
0x19: {  	s7 =	sld [smem:$0x3F90]  }
0x1a: {  	s8 =	sadd.s32 $0xFFFFE003, lr  }
0x1b: {  	s9 =	sadd.s32 $0xFFFFFEF7, lr;
	s5 =	simm.s32 $0xFFFFFFFF;
	p2 =	slt.u32 s8, $0xFFFFF086  }
0x1c: {  	p1 =	slt.u32 s9, $0xF7A;
	s5 =	simm.s32 @!p2 $0x0  }
0x1d: {  	s5 =	simm.s32 @p1 $0x1;
	p0 =	seq.s32 s7, s2  }
0x1e: {  	s7 =	smul.u32 @!p0 $0xF7A, s2;
	p2 =	seq.s32 @!p0 s5, $0x0  }
0x1f: {  	s9 =	smul.u32 $0xF7A, s1;
	s8 =	simm.s32 @!p0 $0x1BF5;
	p2 =	por !p2, p0  }
0x20: {  	[sflag:s8] =	ssyncset.s32 @!p0 $0xFFFFF086;
	s6 =	sadd.s32 @!p0 s3, s7;
	s7 =	simm.s32 @!p0 $0x108  }
0x21: {  	s3 =	sadd.s32 s3, s9;
	s6 =	sadd.s32 @!p0 $0x88, s6;
	s7 =	simm.s32 @p2 $0x1082  }
0x22: {  	[simem:s7], [sflag:s8] =	dma.local @!p0 [hbm:s6], $0xF7A  }
0x23: {  	s9 =	sor.u32 $0xD0000000, s2;
	s6 =	simm.s32 $0x108;
	_ =	swait.ge @!p0 [sflag:s8], $0x0  }
0x24: {  	s3 =	sadd.s32 $0x88, s3;
	s6 =	simm.s32 @!p1 $0x1082;
	[sflag:s4] =	ssyncset.s32 $0xFFFFF086  }
0x25: {  	[simem:s6], [sflag:s4] =	dma.local [hbm:s3], $0xF7A  }
0x26: {  	[smem:$0x3F90] =	sst s1;
	(tag) =	ssettag s2;
	_ =	strace s9  }
0x27: {  	s1 =	sld [smem:$0x3FA0]  }
0x28: {  	s2 =	sld [smem:$0x3FA1]  }
0x29: {  	s4 =	sld [smem:$0x3FA3]  }
0x2a: {  	p0 =	seq.s32 s5, $0x0;
	s5 =	sld [smem:$0x3FA4]  }
0x2b: {  	s6 =	sld [smem:$0x3FA5]  }
0x2c: {  	s7 =	sld [smem:$0x3FA6]  }
0x2d: {  	s3 =	simm.s32 $0x108;
	s8 =	sld [smem:$0x3FA7]  }
0x2e: {  	s3 =	simm.s32 @!p0 $0x1082;
	s9 =	sld [smem:$0x3FA8]  }
0x2f: {  	lr =	sadd.s32 s0, s3;
	s0 =	sld [smem:$0x3F9F]  }
0x30: {  	s3 =	sld [smem:$0x3FA2]  }
0x31: {  	[smem:$0x3FAB] =	sst s10  }
0x32: {  	s10 =	sld [smem:$0x3FA9];
	_ =	sdelay $0x3  }
0x33: {  	p0 =	seq.s32 s10, $0x1;
	s10 =	sld [smem:$0x3FAB];
	_ =	sdelay $0x3  }
0x34: {  	[smem:$0x3FAB] =	sst s10  }
0x35: {  	s10 =	sld [smem:$0x3FAA];
	_ =	sdelay $0x3  }
0x36: {  	p1 =	seq.s32 s10, $0x1;
	s10 =	sld [smem:$0x3FAB];
	_ =	sdelay $0x3  }
0x37: {  	[smem:$0x3FAB] =	sst s10  }
0x38: {  	s10 =	sld [smem:$0x3FAC]  }
0x39: {  	_ = 	snop;
	(pc) =	sbr.ind lr, $3  }
0x3a: {  	_ = 	snop  }
0x3b: {  	_ = 	snop  }
0x3c: {  	p2 =	seq.s32 s10, $0x1;
	s10 =	sld [smem:$0x3FAB]  }
0x3d: {  	_ =	shalt  }
0x3e: {  	_ =	shalt  }
0x3f: {  	_ =	shalt  }
0x40: {  	_ =	shalt  }
0x41: {  	_ =	shalt  }
0x42: {  	_ =	shalt  }
0x43: {  	_ =	shalt  }
0x44: {  	_ =	shalt  }
0x45: {  	_ =	shalt  }
0x46: {  	_ =	shalt  }
0x47: {  	_ =	shalt  }
0x48: {  	_ =	shalt  }
0x49: {  	_ =	shalt  }
0x4a: {  	_ =	shalt  }
0x4b: {  	_ =	shalt  }
0x4c: {  	_ =	shalt  }
0x4d: {  	_ =	shalt  }
0x4e: {  	_ =	shalt  }
0x4f: {  	_ =	shalt  }
0x50: {  	_ =	shalt  }
0x51: {  	_ =	shalt  }
0x52: {  	_ =	shalt  }
0x53: {  	_ =	shalt  }
0x54: {  	_ =	shalt  }
0x55: {  	_ =	shalt  }
0x56: {  	_ =	shalt  }
0x57: {  	_ =	shalt  }
0x58: {  	_ =	shalt  }
0x59: {  	_ =	shalt  }
0x5a: {  	_ =	shalt  }
0x5b: {  	_ =	shalt  }
0x5c: {  	_ =	shalt  }
0x5d: {  	_ =	shalt  }
0x5e: {  	_ =	shalt  }
0x5f: {  	_ =	shalt  }
0x60: {  	_ =	shalt  }
0x61: {  	_ =	shalt  }
0x62: {  	_ =	shalt  }
0x63: {  	_ =	shalt  }
0x64: {  	_ =	shalt  }
0x65: {  	_ =	shalt  }
0x66: {  	_ =	shalt  }
0x67: {  	_ =	shalt  }
0x68: {  	_ =	shalt  }
0x69: {  	_ =	shalt  }
0x6a: {  	_ =	shalt  }
0x6b: {  	_ =	shalt  }
0x6c: {  	_ =	shalt  }
0x6d: {  	_ =	shalt  }
0x6e: {  	_ =	shalt  }
0x6f: {  	_ =	shalt  }
0x70: {  	_ =	shalt  }
0x71: {  	_ =	shalt  }
0x72: {  	_ =	shalt  }
0x73: {  	_ =	shalt  }
0x74: {  	_ =	shalt  }
0x75: {  	_ =	shalt  }
0x76: {  	_ =	shalt  }
0x77: {  	_ =	shalt  }
0x78: {  	_ =	shalt  }
0x79: {  	_ =	shalt  }
0x7a: {  	_ =	shalt  }
0x7b: {  	_ =	shalt  }
0x7c: {  	_ =	shalt  }
0x7d: {  	_ =	shalt  }
0x7e: {  	_ =	shalt  }
0x7f: {  	_ =	shalt  }
0x80: {  	_ =	shalt  }
0x81: {  	_ =	shalt  }
0x82: {  	_ =	shalt  }
0x83: {  	_ =	shalt  }
0x84: {  	_ =	shalt  }
0x85: {  	_ =	shalt  }
0x86: {  	_ =	shalt  }
0x87: {  	_ =	shalt  }
.Lfunc_end0:
.L_simem_size_0:
called_computation.1_lowered:
.L_overlay_start_0:
0x88: {  	s2 =	sld [smem:$0x3FD9]  }
0x89: {  	s3 =	sld [smem:$0x3FFE];
	_ =	sdelay $0x1  }
0x8a: {  	s1 =	srdreg.scid  }
0x8b: {  	s0 =	sand.u32 $0x1, s1  }
0x8c: {  	s17 =	sshll.u32 s0, $0xA;
	s2 =	sadd.s32 s3, s2  }
0x8d: {  	s2 =	sadd.s32 s2, s17  }
0x8e: {  	[smem:$0x3FB7] =	sst s2  }
0x8f: {  	_ = 	snop  }
0x90: {  	s2 =	sld [smem:$0x3FD0];
	(tm) =	ssettm $0x1  }
0x91: {  	s18 =	sld [smem:$0x3FFB];
	_ =	sdelay $0x3  }
0x92: {  	_ =	strace s18  }
0x93: {  	s3 =	sld [smem:$0x3FFC];
	_ =	sdelay $0x3  }
0x94: {  	_ =	strace s3  }
0x95: {  	s3 =	sld [smem:$0x3FFD];
	_ =	sdelay $0x3  }
0x96: {  	_ =	strace s3  }
0x97: {  	_ =	strace $0x8FFFFFFF  }
0x98: {  	s19 =	sld [smem:$0x3FDB];
	_ =	sdelay $0x1  }
0x99: {  	s4 =	simm.s32 $_scs_section_size  }
0x9a: {  	s5 =	simm.s32 $_size__tile_overlayer_lowered;
	s6 =	simm.s32 $_tile_overlayer_lowered  }
0x9b: {  	s22 =	simm.s32 $0x1BFF;
	s21 =	sshll.u32 s6, $0x1;
	s3 =	sadd.s32 s4, s19  }
0x9c: {  	s7 =	simm.s32 $0x0;
	s20 =	sshll.u32 s5, $0x1;
	s5 =	sadd.s32 s21, s3  }
0x9d: {  	[timem:s7], [sflag:s22] =	dma.local [hbm:s5], s20  }
0x9e: {  	_ =	swait.ge [sflag:s22], s20  }
0x9f: {  	s4 =	ssub.s32 $0x0, s20;
	[sflag:s22] =	ssyncset.done $0x0  }
0xa0: {  	[sflag:s22] =	ssyncadd.s32 s4;
	_ =	sdelay $0x1  }
0xa1: {  	s23 =	simm.s32 $0x1B8B  }
0xa2: {  	_ =	swait.ge [sflag:s23], $0x1  }
0xa3: {  	[sflag:s23] =	ssyncset.done $0x0  }
0xa4: {  	s25 =	simm.s32 $0x1B8E;
	s24 =	sld [smem:$0x3FFE];
	[sflag:s23] =	ssyncadd.s32 $0xFFFFFFFF  }
0xa5: {  	s26 =	simm.s32 $execute0_lowered;
	[smem:$0x3FD2] =	sst s25  }
0xa6: {  	s5 =	sshll.u32 s26, $0x1;
	_ =	strace $0x80000049;
	[dreg:$0x1] =	wrdreg $0xFFFFFFFF  }
0xa7: {  	s28 =	simm.s32 $_size_execute0_lowered;
	s3 =	sadd.s32 s3, s5;
	[dreg:$0x0] =	wrdreg $0x0  }
0xa8: {  	s5 =	sshll.u32 s28, $0x1;
	[dreg:$0x2] =	wrdreg s3  }
0xa9: {  	[dreg:$0x3] =	wrdreg s5  }
0xaa: {  	[dreg:$0x4] =	wrdreg $0xC0  }
0xab: {  	_ =	task [dreg:s7], $0x5FFFF  }
0xac: {  	[dreg:$0x1] =	wrdreg $0xFFFFFFFF  }
0xad: {  	[dreg:$0x0] =	wrdreg $0x60  }
0xae: {  	[dreg:$0x2] =	wrdreg s24  }
0xaf: {  	[dreg:$0x3] =	wrdreg s2  }
0xb0: {  	[dreg:$0x4] =	wrdreg $0x9  }
0xb1: {  	_ =	task.clear_ibuf [dreg:s7], $0x5FFFF;
	_ =	strace $0x90000049  }
0xb2: {  	s29 =	simm.s32 $0x9;
	_ =	strace $0x8000004B  }
0xb3: {  	_ =	swait.ge [sflag:s29], $0x1  }
0xb4: {  	[sflag:s29] =	ssyncadd.s32 $0xFFFFFFFF  }
0xb5: {  	_ =	strace $0x9000004B  }
0xb6: {  	_ =	sfence  }
0xb7: {  	s30 =	sld [smem:$0x0];
	_ =	sdelay $0x2  }
0xb8: {  	s31 =	sshll.u32 s1, $0xD;
	s1 =	sshrl.u32 s1, $0x2  }
0xb9: {  	s3 =	sand.u32 $0x4000, s31;
	s1 =	sadd.s32 s1, s30  }
0xba: {  	s0 =	sor.u32 s3, s0;
	s1 =	sshll.u32 s1, $0x11  }
0xbb: {  	s0 =	sor.u32 s1, s0  }
0xbc: {  	s0 =	sadd.s32 $0x8F2B, s0  }
0xbd: {  	[sflag:s0] =	ssyncadd.remote.s32 $0x1  }
0xbe: {  	_ =	sfence.sel $0xFFFF  }
0xbf: {  	[dreg:$0x0] =	wrdreg $0xFFFFFFFF;
	(pc) =	sbr.abs _section_cstart, $3  }
0xc0: {  	[dreg:$0x1] =	wrdreg $0xFFFFFFFF  }
0xc1: {  	_ =	task.clear_ibuf [dreg:s7], $0x2FFFF;
	_ =	strace $0x9FFFFFFF  }
0xc2: {  	(tm) =	ssettm $0x7FFFFFFF  }
0xc3: {  	_ =	shalt  }
tec
execute0_lowered:
.L_overlay_start_1:
0x0: {  	(tag) =	ssettag $0x1  }
0x1: {  	s2 =	srdreg.scid;
	s3 =	stileid.u32  }
0x2: {  	s2 =	sand.u32 $0x1, s2;
	s3 =	sshll.u32 s3, $0x1  }
0x3: {  	s0 =	rddreg [dreg:$0x0];
	s1 =	simm.s32 $0x0;
	s5 =	sor.u32 s2, s3  }
0x4: {  	[smem:$0x7FF] =	sst s1;
	s6 =	smul.u32 $0xA00, s5  }
0x5: {  	s4 =	sadd.s32 $0x4F1200, s0;
	s7 =	sadd.s32 $0x591200, s0  }
0x6: {  	s3 =	sadd.s32 $0x541200, s0;
	s9 =	smul.u32 $0x5000, s5;
	s11 =	sadd.s32 s4, s6  }
0x7: {  	s10 =	sadd.s32 $0x5E1200, s0;
	s16 =	sadd.s32 s3, s6;
	[dreg:$0x3] =	wrdreg s11  }
0x8: {  	s9 =	sshrl.u32 s9, $0x3;
	s17 =	sadd.s32 s7, s6;
	[dreg:$0x4] =	wrdreg s16  }
0x9: {  	s6 =	sadd.s32 s10, s6;
	[dreg:$0x5] =	wrdreg s17;
	s18 =	sadd.s32 $0x500, s9  }
0xa: {  	s15 =	sshll.u32 s5, $0x1;
	[dreg:$0x6] =	wrdreg s6;
	s19 =	sadd.s32 s4, s18  }
0xb: {  	s12 =	sor.u32 $0x40, s15;
	s13 =	sadd.s32 s3, s18;
	[dreg:$0x7] =	wrdreg s19  }
0xc: {  	s20 =	smul.u32 $0x500, s12;
	s21 =	sadd.s32 s7, s18;
	[dreg:$0x8] =	wrdreg s13  }
0xd: {  	s11 =	sadd.s32 s10, s18;
	[dreg:$0x9] =	wrdreg s21  }
0xe: {  	s28 =	simm.s32 $0x11800;
	s22 =	sadd.s32 s4, s20;
	[dreg:$0xa] =	wrdreg s11  }
0xf: {  	s29 =	simm.s32 $0x0;
	s23 =	sadd.s32 s3, s20;
	[dreg:$0xb] =	wrdreg s22  }
0x10: {  	s2 =	ssub.s32 $0x2, s2;
	s24 =	sadd.s32 s7, s20;
	[dreg:$0xc] =	wrdreg s23  }
0x11: {  	s25 =	sadd.s32 $0x14500, s9;
	s6 =	sadd.s32 s10, s20;
	[dreg:$0xd] =	wrdreg s24  }
0x12: {  	s8 =	sshrl.u32 s2, $0x1;
	s26 =	sadd.s32 s4, s25;
	[dreg:$0xe] =	wrdreg s6  }
0x13: {  	p0 =	sne.s32 s5, $0x0;
	s30 =	sadd.s32 s3, s25;
	[dreg:$0xf] =	wrdreg s26  }
0x14: {  	s2 =	ssub.s32 s2, s8;
	s14 =	sadd.s32 s7, s25;
	[dreg:$0x10] =	wrdreg s30  }
0x15: {  	s18 =	sadd.s32 $0x28500, s9;
	[dreg:$0x11] =	wrdreg s14;
	s6 =	sadd.s32 s10, s25  }
0x16: {  	s11 =	sor.u32 $0x80, s15;
	s19 =	sadd.s32 s4, s18;
	[dreg:$0x12] =	wrdreg s6  }
0x17: {  	s14 =	sor.u32 $0xC0, s15;
	s20 =	sadd.s32 s3, s18;
	[dreg:$0x17] =	wrdreg s19  }
0x18: {  	s21 =	sadd.s32 s7, s18;
	s26 =	sadd.s32 $0x3C500, s9;
	[dreg:$0x18] =	wrdreg s20  }
0x19: {  	s31 =	smul.u32 $0x500, s11;
	[dreg:$0x19] =	wrdreg s21;
	s6 =	sadd.s32 s10, s18  }
0x1a: {  	s30 =	sadd.s32 s7, s26;
	s9 =	smul.u32 $0x27100, s14;
	[dreg:$0x1a] =	wrdreg s6  }
0x1b: {  	s18 =	simm.s32 $0x1;
	[smem:$0x7FC] =	sst s30;
	s8 =	sadd.s32 s4, s31  }
0x1c: {  	s19 =	simm.s32 $0x1B300;
	s15 =	sadd.s32 s3, s31;
	[dreg:$0x13] =	wrdreg s8  }
0x1d: {  	s20 =	simm.s32 $0x5000;
	s16 =	sadd.s32 s7, s31;
	[dreg:$0x14] =	wrdreg s15  }
0x1e: {  	s21 =	simm.s32 $0xA000;
	s17 =	sadd.s32 s10, s31;
	[dreg:$0x15] =	wrdreg s16  }
0x1f: {  	s31 =	sadd.s32 s10, s26;
	[dreg:$0x16] =	wrdreg s17;
	s8 =	smul.u32 $0x500, s14  }
0x20: {  	s6 =	smul.u32 $0x27100, s11;
	s11 =	smax.u32 s2, $0x1;
	[smem:$0x7FD] =	sst s31  }
0x21: {  	s15 =	simm.s32 $0x19A00;
	s16 =	simm.s32 $0x16800;
	s22 =	sadd.s32 s4, s8  }
0x22: {  	s17 =	simm.s32 $0x18100;
	s23 =	sadd.s32 s3, s8;
	[dreg:$0x1b] =	wrdreg s22  }
0x23: {  	s24 =	sadd.s32 s7, s8;
	s25 =	sadd.s32 s10, s8;
	[dreg:$0x1c] =	wrdreg s23  }
0x24: {  	s4 =	sadd.s32 s4, s26;
	s3 =	sadd.s32 s3, s26;
	[dreg:$0x1d] =	wrdreg s24  }
0x25: {  	s7 =	sadd.s32 $0xF200, s0;
	[dreg:$0x1f] =	wrdreg s4;
	s4 =	smul.u32 $0x4E200, s5  }
.Ltmp0:
0x26: {  	s8 =	sadd.s32 $0xA200, s0;
	[dreg:$0x1e] =	wrdreg s25;
	(pc) =	sbr.rel .LBB2_1-.Ltmp0, $4  }
0x27: {  	s26 =	simm.s32 $0xC800;
	[smem:$0x7FB] =	sst s3;
	s5 =	smul.u32 $0x27100, s12  }
0x28: {  	s22 =	simm.s32 $0xF000;
	s24 =	simm.s32 $0x2800;
	_ =	strace $0x8000004A  }
0x29: {  	v1 =	vimm.f32 $3.000000010e+38;
	s25 =	simm.s32 $0x7800;
	s10 =	sadd.s32 $0x27100, s4;
	s12 =	sadd.s32 $0x9EB100, s4  }
0x2a: {  	v0 =	vimm.f32 $0.0e+00;
	v2 =	vimm.f32 $-3.000000010e+38;
	v3 =	vlaneseq.u32;
	s23 =	simm.s32 $0x2;
	s13 =	sadd.s32 $0x13AF100, s4;
	s14 =	sadd.s32 $0x1D73100, s4  }
.LBB2_101:
0x2b: {  	s0 =	rddreg [dreg:$0x1b]  }
0x2c: {  	[hbm4b:s0+s1] =	stream.linear.scatter [tilespmem:s1], [sflag:$0x2], $0x2800, $0x38;
	[tilespmem:$0x1DB00] =	vst v63  }
0x2d: {  	_ =	swait.ge [sflag:s23], $0x2800  }
0x2e: {  	[sflag:s23] =	ssyncset.done $0x0  }
0x2f: {  	s3 =	rddreg [dreg:$0x1c];
	[sflag:s23] =	ssyncadd.s32 $0xFFFFD800  }
0x30: {  	[hbm4b:s3+s1] =	stream.linear.scatter [tilespmem:s20], [sflag:$0x2], $0x2800, $0x38;
	[tilespmem:$0x1DB00] =	vst v63  }
0x31: {  	_ =	swait.ge [sflag:s23], $0x2800  }
0x32: {  	[sflag:s23] =	ssyncset.done $0x0  }
0x33: {  	s30 =	rddreg [dreg:$0x1d];
	[sflag:s23] =	ssyncadd.s32 $0xFFFFD800  }
0x34: {  	[hbm4b:s30+s1] =	stream.linear.scatter [tilespmem:s21], [sflag:$0x2], $0x2800, $0x38;
	[tilespmem:$0x1DB00] =	vst v63  }
0x35: {  	_ =	swait.ge [sflag:s23], $0x2800  }
0x36: {  	[sflag:s23] =	ssyncset.done $0x0  }
0x37: {  	s31 =	rddreg [dreg:$0x1e];
	[sflag:s23] =	ssyncadd.s32 $0xFFFFD800  }
0x38: {  	[hbm4b:s31+s1] =	stream.linear.scatter [tilespmem:s22], [sflag:$0x2], $0x2800, $0x38;
	[tilespmem:$0x1DB00] =	vst v63  }
0x39: {  	_ =	swait.ge [sflag:s23], $0x2800  }
0x3a: {  	[sflag:s23] =	ssyncset.done $0x0  }
0x3b: {  	s2 =	rddreg [dreg:$0x1f];
	[sflag:s23] =	ssyncadd.s32 $0xFFFFD800  }
0x3c: {  	[hbm4b:s2+s1] =	stream.linear.scatter [tilespmem:s24], [sflag:$0x2], $0x2800, $0x38;
	[tilespmem:$0x1DB00] =	vst v63  }
0x3d: {  	_ =	swait.ge [sflag:s23], $0x2800  }
0x3e: {  	s3 =	sld [smem:$0x7FB]  }
0x3f: {  	[sflag:s23] =	ssyncset.done $0x0  }
0x40: {  	[sflag:s23] =	ssyncadd.s32 $0xFFFFD800  }
0x41: {  	[hbm4b:s3+s1] =	stream.linear.scatter [tilespmem:s25], [sflag:$0x2], $0x2800, $0x38;
	[tilespmem:$0x1DB00] =	vst v63  }
0x42: {  	_ =	swait.ge [sflag:s23], $0x2800  }
0x43: {  	s30 =	sld [smem:$0x7FC]  }
0x44: {  	[sflag:s23] =	ssyncset.done $0x0  }
0x45: {  	[sflag:s23] =	ssyncadd.s32 $0xFFFFD800  }
0x46: {  	[hbm4b:s30+s1] =	stream.linear.scatter [tilespmem:s26], [sflag:$0x2], $0x2800, $0x38;
	[tilespmem:$0x1DB00] =	vst v63  }
0x47: {  	_ =	swait.ge [sflag:s23], $0x2800  }
0x48: {  	s29 =	sadd.s32 $0x1, s29;
	s31 =	sld [smem:$0x7FD]  }
0x49: {  	p1 =	sne.s32 s29, s11;
	[sflag:s23] =	ssyncset.done $0x0  }
.Ltmp1:
0x4a: {  	[sflag:s23] =	ssyncadd.s32 $0xFFFFD800;
	(pc) =	sbr.rel @!p1 .LBB2_102-.Ltmp1, $4  }
0x4b: {  	[hbm4b:s31+s1] =	stream.linear.scatter [tilespmem:s28], [sflag:$0x2], $0x2800, $0x38;
	[tilespmem:$0x1DB00] =	vst v63  }
0x4c: {  	_ =	swait.ge [sflag:s23], $0x2800  }
0x4d: {  	[sflag:s23] =	ssyncset.done $0x0  }
0x4e: {  	[sflag:s23] =	ssyncadd.s32 $0xFFFFD800  }
.LBB2_1:
0x4f: {  	s0 =	simm.s32 $0x40;
	s2 =	simm.s32 $0x0  }
.LBB2_2:
0x50: {  	p1 =	sne.s32 s0, $0x13FC0;
	[tilespmem:s2+$0x0] =	vst v0;
	s2 =	smov.u32 s0;
	s0 =	sadd.s32 $0x40, s0  }
.Ltmp2:
0x51: {  	(pc) =	sbr.rel @p1 .LBB2_2-.Ltmp2, $2  }
0x52: {  	_ =	sdelay $0x2  }
0x53: {  	s2 =	sshra.s32 s2, $0x2  }
0x54: {  	[tilespmem:s2+$0x0] =	vst v0;
	s0 =	simm.s32 $0x0;
	s2 =	simm.s32 $0x40;
	s30 =	simm.s32 $0x0  }
.LBB2_4:
0x55: {  	p1 =	sne.s32 s2, $0x13FC0;
	[tilespmem:s30+$0x5000] =	vst v0;
	s30 =	smov.u32 s2;
	s2 =	sadd.s32 $0x40, s2  }
.Ltmp3:
0x56: {  	(pc) =	sbr.rel @p1 .LBB2_4-.Ltmp3, $2  }
0x57: {  	_ =	sdelay $0x2  }
0x58: {  	s30 =	sshra.s32 s30, $0x2  }
0x59: {  	[tilespmem:s30+$0x5000] =	vst v0  }
.LBB2_6:
0x5a: {  	p1 =	sne.s32 s0, $0x13FC0  }
.Ltmp4:
0x5b: {  	_ = 	snop;
	(pc) =	sbr.rel @p1 .LBB2_6-.Ltmp4, $3  }
0x5c: {  	_ =	sdelay $0x1  }
0x5d: {  	s2 =	sshra.s32 s0, $0x2  }
0x5e: {  	s0 =	sadd.s32 $0x40, s0;
	[tilespmem:s2+$0xA000] =	vst v1  }
0x5f: {  	s0 =	simm.s32 $0x40;
	s2 =	simm.s32 $0x0  }
.LBB2_8:
0x60: {  	p1 =	sne.s32 s0, $0x13FC0;
	[tilespmem:s2+$0xF000] =	vst v2;
	s2 =	smov.u32 s0;
	s0 =	sadd.s32 $0x40, s0  }
.Ltmp5:
0x61: {  	(pc) =	sbr.rel @p1 .LBB2_8-.Ltmp5, $2  }
0x62: {  	_ =	sdelay $0x2  }
0x63: {  	s2 =	sshra.s32 s2, $0x2  }
.Ltmp6:
0x64: {  	(pc) =	sbr.rel @p0 .LBB2_13-.Ltmp6, $2  }
0x65: {  	_ =	sdelay $0x2  }
0x66: {  	[tilespmem:s2+$0xF000] =	vst v2  }
0x67: {  	s0 =	simm.s32 $0x40;
	s2 =	simm.s32 $0x0  }
.LBB2_11:
0x68: {  	p1 =	sne.s32 s0, $0x9FC0;
	[tilespmem:s2+$0x14000] =	vst v0;
	s2 =	smov.u32 s0;
	s0 =	sadd.s32 $0x40, s0  }
.Ltmp7:
0x69: {  	(pc) =	sbr.rel @p1 .LBB2_11-.Ltmp7, $2  }
0x6a: {  	_ =	sdelay $0x2  }
0x6b: {  	s2 =	sshra.s32 s2, $0x2  }
0x6c: {  	[tilespmem:s2+$0x14000] =	vst v0  }
.LBB2_13:
.Ltmp8:
0x6d: {  	(pc) =	sbr.rel .LBB2_14-.Ltmp8, $2  }
0x6e: {  	_ =	sdelay $0x2  }
0x6f: {  	s30 =	simm.s32 $0x0;
	s31 =	simm.s32 $0x0  }
.LBB2_28:
0x70: {  	s31 =	sadd.s32 $0x1, s31  }
0x71: {  	p1 =	sne.s32 s31, $0x19  }
.Ltmp9:
0x72: {  	_ = 	snop;
	(pc) =	sbr.rel @!p1 .LBB2_29-.Ltmp9, $1  }
0x73: {  	_ =	sdelay $0x3  }
.LBB2_14:
0x74: {  	s0 =	smul.u32 $0x1900, s31;
	_ =	sdelay $0x1  }
0x75: {  	s2 =	sshrl.u32 s0, $0x3  }
0x76: {  	s3 =	sadd.s32 s4, s0;
	s2 =	sadd.s32 s8, s2  }
0x77: {  	[tilespmem:s15], [sflag:$0x1] =	stream.linear.gather [hbm4b:s2+s30], $0x1900, $0x38;
	[tilespmem:$0x1DB00] =	vst v63  }
0x78: {  	s0 =	sadd.s32 s10, s0;
	s2 =	sshrl.u32 s3, $0x3  }
0x79: {  	s0 =	sshrl.u32 s0, $0x3;
	s2 =	sadd.s32 s7, s2  }
0x7a: {  	[tilespmem:s16], [sflag:$0x1] =	stream.linear.gather [hbm4b:s2+s30], $0x1900, $0x38;
	[tilespmem:$0x1DB00] =	vst v63  }
0x7b: {  	s0 =	sadd.s32 s7, s0  }
0x7c: {  	[tilespmem:s17], [sflag:$0x1] =	stream.linear.gather [hbm4b:s0+s30], $0x1900, $0x38;
	[tilespmem:$0x1DB00] =	vst v63  }
0x7d: {  	_ =	swait.ge [sflag:s18], $0x1900  }
0x7e: {  	[sflag:s18] =	ssyncset.done $0x0  }
0x7f: {  	[sflag:s18] =	ssyncadd.s32 $0xFFFFE700  }
0x80: {  	_ =	swait.ge [sflag:s18], $0x1900  }
.Ltmp10:
0x81: {  	[sflag:s18] =	ssyncset.done $0x0;
	(pc) =	sbr.rel .LBB2_15-.Ltmp10, $4  }
0x82: {  	[sflag:s18] =	ssyncadd.s32 $0xFFFFE700  }
0x83: {  	_ =	swait.ge [sflag:s18], $0x1900  }
0x84: {  	[sflag:s18] =	ssyncset.done $0x0  }
0x85: {  	s0 =	simm.s32 $0x0;
	[sflag:s18] =	ssyncadd.s32 $0xFFFFE700  }
.LBB2_22:
0x86: {  	_ =	sdelay $0x3  }
0x87: {  	v8 =	vld.idx.msk [tilespmem:v4+s21+$0x0], $0xffff;
	_ =	sdelay $0x4  }
0x88: {  	v8 =	vmin.f32 v8, v7  }
0x89: {  	[tilespmem:v4+s21+$0x0] =	vst.idx.msk $0xffff, v8  }
0x8a: {  	v8 =	vld.idx.msk [tilespmem:v4+s22+$0x0], $0xffff;
	_ =	sdelay $0x4  }
0x8b: {  	v7 =	vmax.f32 v8, v7  }
0x8c: {  	[tilespmem:v4+s22+$0x0] =	vst.idx.msk $0xffff, v7  }
0x8d: {  	v7 =	vld.idx.msk [tilespmem:v6+s21+$0x0], $0xffff;
	_ =	sdelay $0x4  }
0x8e: {  	v7 =	vmin.f32 v7, v5  }
0x8f: {  	[tilespmem:v6+s21+$0x0] =	vst.idx.msk $0xffff, v7  }
0x90: {  	v7 =	vld.idx.msk [tilespmem:v6+s22+$0x0], $0xffff;
	_ =	sdelay $0x4  }
0x91: {  	v5 =	vmax.f32 v7, v5  }
0x92: {  	[tilespmem:v6+s22+$0x0] =	vst.idx.msk $0xffff, v5  }
.LBB2_27:
0x93: {  	s0 =	sadd.s32 $0x1, s0  }
0x94: {  	p1 =	sne.s32 s0, $0xC8  }
.Ltmp11:
0x95: {  	_ = 	snop;
	(pc) =	sbr.rel @!p1 .LBB2_28-.Ltmp11, $3  }
0x96: {  	_ =	sdelay $0x1  }
0x97: {  	v5 =	vimm.f32 @!p0 $1.000000000e+00;
	s2 =	simm.s32 @!p0 $0x14000  }
0x98: {  	[tilespmem:v4+s2+$0x0] =	vst.idx.add.f32.msk @!p0 $0xffff, v5  }
.LBB2_15:
0x99: {  	s2 =	sshll.u32 s0, $0x5  }
0x9a: {  	v4 =	vld [tilespmem:s2+$0x19A00];
	_ =	sdelay $0x7  }
0x9b: {  	[tilespmem:v4+s19+$0x0] =	vst.idx.msk $0xffff, v3  }
0x9c: {  	v5 =	vld.idx.msk [tilespmem:v4+s19+$0x0], $0xffff;
	_ =	sdelay $0x4  }
0x9d: {  	vm0 =	veq.s32 v5, v3  }
0x9e: {  	v5 =	vsel vm0, $0x3F800000, v0  }
0x9f: {  	(xrf0) =	vmin.scan.msk.f32 $0xffff, v5;
	_ =	sdelay $0x5  }
0xa0: {  	v5, _, _ =	vpop (xrf0)  }
0xa1: {  	(v2sf) =	vpush v5, $0xF;
	_ =	sdelay $0xb  }
0xa2: {  	v7 =	vld [tilespmem:s2+$0x16800]  }
0xa3: {  	s3 =	sand.u32 $0x1FE0, s2  }
0xa4: {  	v5 =	vld [tilespmem:s3+$0x18100]  }
0xa5: {  	v6 =	vadd.s32 $0x2800, v4;
	s3 =	spop (v2sf)  }
0xa6: {  	p1 =	sgt.f32 s3, $0.0e+00  }
.Ltmp12:
0xa7: {  	v8 =	vmul.f32 v7, v7;
	(pc) =	sbr.rel @p1 .LBB2_16-.Ltmp12, $4  }
0xa8: {  	[tilespmem:v4+s1+$0x0] =	vst.idx.add.f32.msk $0xffff, v7  }
0xa9: {  	[tilespmem:v4+s20+$0x0] =	vst.idx.add.f32.msk $0xffff, v8;
	v8 =	vmul.f32 v5, v5  }
0xaa: {  	[tilespmem:v6+s1+$0x0] =	vst.idx.add.f32.msk $0xffff, v5  }
0xab: {  	[tilespmem:v6+s20+$0x0] =	vst.idx.add.f32.msk $0xffff, v8  }
.LBB2_17:
0xac: {  	v8 =	vld.idx.msk [tilespmem:v4+s21+$0x0], $0xffff;
	_ =	sdelay $0x4  }
0xad: {  	vm0 =	vlt.f32 v7, v8  }
0xae: {  	v8 =	vsel vm0, $0x3F800000, v0  }
0xaf: {  	(xrf0) =	vmax.scan.msk.f32 $0xffff, v8;
	_ =	sdelay $0x5  }
0xb0: {  	v8, _, _ =	vpop (xrf0)  }
0xb1: {  	(v2sf) =	vpush v8, $0xF;
	_ =	sdelay $0xe  }
0xb2: {  	s3 =	spop (v2sf)  }
0xb3: {  	p1 =	sgt.f32 s3, $0.0e+00  }
.Ltmp13:
0xb4: {  	_ = 	snop;
	(pc) =	sbr.rel @p1 .LBB2_17-.Ltmp13, $2  }
0xb5: {  	_ =	sdelay $0x2  }
0xb6: {  	[tilespmem:v4+s21+$0x0] =	vst.idx.msk vm0, v7  }
.LBB2_18:
0xb7: {  	v8 =	vld.idx.msk [tilespmem:v4+s22+$0x0], $0xffff;
	_ =	sdelay $0x4  }
0xb8: {  	vm0 =	vgt.f32 v7, v8  }
0xb9: {  	v8 =	vsel vm0, $0x3F800000, v0  }
0xba: {  	(xrf0) =	vmax.scan.msk.f32 $0xffff, v8;
	_ =	sdelay $0x5  }
0xbb: {  	v8, _, _ =	vpop (xrf0)  }
0xbc: {  	(v2sf) =	vpush v8, $0xF;
	_ =	sdelay $0xe  }
0xbd: {  	s3 =	spop (v2sf)  }
0xbe: {  	p1 =	sgt.f32 s3, $0.0e+00  }
.Ltmp14:
0xbf: {  	_ = 	snop;
	(pc) =	sbr.rel @p1 .LBB2_18-.Ltmp14, $2  }
0xc0: {  	_ =	sdelay $0x2  }
0xc1: {  	[tilespmem:v4+s22+$0x0] =	vst.idx.msk vm0, v7  }
.LBB2_19:
0xc2: {  	v7 =	vld.idx.msk [tilespmem:v6+s21+$0x0], $0xffff;
	_ =	sdelay $0x4  }
0xc3: {  	vm0 =	vlt.f32 v5, v7  }
0xc4: {  	v7 =	vsel vm0, $0x3F800000, v0  }
0xc5: {  	(xrf0) =	vmax.scan.msk.f32 $0xffff, v7;
	_ =	sdelay $0x5  }
0xc6: {  	v7, _, _ =	vpop (xrf0)  }
0xc7: {  	(v2sf) =	vpush v7, $0xF;
	_ =	sdelay $0xe  }
0xc8: {  	s3 =	spop (v2sf)  }
0xc9: {  	p1 =	sgt.f32 s3, $0.0e+00  }
.Ltmp15:
0xca: {  	_ = 	snop;
	(pc) =	sbr.rel @p1 .LBB2_19-.Ltmp15, $2  }
0xcb: {  	_ =	sdelay $0x2  }
0xcc: {  	[tilespmem:v6+s21+$0x0] =	vst.idx.msk vm0, v5  }
.LBB2_20:
0xcd: {  	v7 =	vld.idx.msk [tilespmem:v6+s22+$0x0], $0xffff;
	_ =	sdelay $0x4  }
0xce: {  	vm0 =	vgt.f32 v5, v7  }
0xcf: {  	v7 =	vsel vm0, $0x3F800000, v0  }
0xd0: {  	(xrf0) =	vmax.scan.msk.f32 $0xffff, v7;
	_ =	sdelay $0x5  }
0xd1: {  	v7, _, _ =	vpop (xrf0)  }
0xd2: {  	(v2sf) =	vpush v7, $0xF;
	_ =	sdelay $0xe  }
0xd3: {  	s3 =	spop (v2sf)  }
0xd4: {  	p1 =	sgt.f32 s3, $0.0e+00  }
.Ltmp16:
0xd5: {  	_ = 	snop;
	(pc) =	sbr.rel @p1 .LBB2_20-.Ltmp16, $2  }
0xd6: {  	_ =	sdelay $0x2  }
0xd7: {  	[tilespmem:v6+s22+$0x0] =	vst.idx.msk vm0, v5  }
.Ltmp17:
0xd8: {  	_ = 	snop;
	(pc) =	sbr.rel .LBB2_21-.Ltmp17, $1  }
0xd9: {  	_ =	sdelay $0x3  }
.LBB2_16:
0xda: {  	_ =	sdelay $0x3  }
0xdb: {  	v8 =	vld.idx.msk [tilespmem:v4+s21+$0x0], $0xffff;
	_ =	sdelay $0x4  }
0xdc: {  	v8 =	vmin.f32 v8, v7  }
0xdd: {  	[tilespmem:v4+s21+$0x0] =	vst.idx.msk $0xffff, v8  }
0xde: {  	v8 =	vld.idx.msk [tilespmem:v4+s22+$0x0], $0xffff;
	_ =	sdelay $0x4  }
0xdf: {  	v7 =	vmax.f32 v8, v7  }
0xe0: {  	[tilespmem:v4+s22+$0x0] =	vst.idx.msk $0xffff, v7  }
0xe1: {  	v7 =	vld.idx.msk [tilespmem:v6+s21+$0x0], $0xffff;
	_ =	sdelay $0x4  }
0xe2: {  	v7 =	vmin.f32 v7, v5  }
0xe3: {  	[tilespmem:v6+s21+$0x0] =	vst.idx.msk $0xffff, v7  }
0xe4: {  	v7 =	vld.idx.msk [tilespmem:v6+s22+$0x0], $0xffff;
	_ =	sdelay $0x4  }
0xe5: {  	v5 =	vmax.f32 v7, v5  }
0xe6: {  	[tilespmem:v6+s22+$0x0] =	vst.idx.msk $0xffff, v5  }
.LBB2_21:
0xe7: {  	_ =	sdelay $0x2  }
0xe8: {  	v5 =	vimm.f32 @!p0 $1.000000000e+00;
	s3 =	simm.s32 @!p0 $0x14000  }
0xe9: {  	[tilespmem:v4+s3+$0x0] =	vst.idx.add.f32.msk @!p0 $0xffff, v5  }
0xea: {  	v4 =	vld [tilespmem:s2+$0x19A10];
	_ =	sdelay $0x7  }
0xeb: {  	[tilespmem:v4+s19+$0x0] =	vst.idx.msk $0xffff, v3  }
0xec: {  	v5 =	vld.idx.msk [tilespmem:v4+s19+$0x0], $0xffff;
	_ =	sdelay $0x4  }
0xed: {  	vm0 =	veq.s32 v5, v3  }
0xee: {  	v5 =	vsel vm0, $0x3F800000, v0  }
0xef: {  	(xrf0) =	vmin.scan.msk.f32 $0xffff, v5;
	_ =	sdelay $0x5  }
0xf0: {  	v5, _, _ =	vpop (xrf0)  }
0xf1: {  	(v2sf) =	vpush v5, $0xF;
	_ =	sdelay $0xb  }
0xf2: {  	v7 =	vld [tilespmem:s2+$0x16810];
	_ =	sdelay $0x1  }
0xf3: {  	v5 =	vld [tilespmem:s2+$0x18110]  }
0xf4: {  	v6 =	vadd.s32 $0x2800, v4;
	s3 =	spop (v2sf)  }
0xf5: {  	p1 =	sgt.f32 s3, $0.0e+00  }
.Ltmp18:
0xf6: {  	v8 =	vmul.f32 v7, v7;
	(pc) =	sbr.rel @p1 .LBB2_22-.Ltmp18, $4  }
0xf7: {  	[tilespmem:v4+s1+$0x0] =	vst.idx.add.f32.msk $0xffff, v7  }
0xf8: {  	[tilespmem:v4+s20+$0x0] =	vst.idx.add.f32.msk $0xffff, v8;
	v8 =	vmul.f32 v5, v5  }
0xf9: {  	[tilespmem:v6+s1+$0x0] =	vst.idx.add.f32.msk $0xffff, v5  }
0xfa: {  	[tilespmem:v6+s20+$0x0] =	vst.idx.add.f32.msk $0xffff, v8  }
.LBB2_23:
0xfb: {  	v8 =	vld.idx.msk [tilespmem:v4+s21+$0x0], $0xffff;
	_ =	sdelay $0x4  }
0xfc: {  	vm0 =	vlt.f32 v7, v8  }
0xfd: {  	v8 =	vsel vm0, $0x3F800000, v0  }
0xfe: {  	(xrf0) =	vmax.scan.msk.f32 $0xffff, v8;
	_ =	sdelay $0x5  }
0xff: {  	v8, _, _ =	vpop (xrf0)  }
0x100: {  	(v2sf) =	vpush v8, $0xF;
	_ =	sdelay $0xe  }
0x101: {  	s2 =	spop (v2sf)  }
0x102: {  	p1 =	sgt.f32 s2, $0.0e+00  }
.Ltmp19:
0x103: {  	_ = 	snop;
	(pc) =	sbr.rel @p1 .LBB2_23-.Ltmp19, $2  }
0x104: {  	_ =	sdelay $0x2  }
0x105: {  	[tilespmem:v4+s21+$0x0] =	vst.idx.msk vm0, v7  }
.LBB2_24:
0x106: {  	v8 =	vld.idx.msk [tilespmem:v4+s22+$0x0], $0xffff;
	_ =	sdelay $0x4  }
0x107: {  	vm0 =	vgt.f32 v7, v8  }
0x108: {  	v8 =	vsel vm0, $0x3F800000, v0  }
0x109: {  	(xrf0) =	vmax.scan.msk.f32 $0xffff, v8;
	_ =	sdelay $0x5  }
0x10a: {  	v8, _, _ =	vpop (xrf0)  }
0x10b: {  	(v2sf) =	vpush v8, $0xF;
	_ =	sdelay $0xe  }
0x10c: {  	s2 =	spop (v2sf)  }
0x10d: {  	p1 =	sgt.f32 s2, $0.0e+00  }
.Ltmp20:
0x10e: {  	_ = 	snop;
	(pc) =	sbr.rel @p1 .LBB2_24-.Ltmp20, $2  }
0x10f: {  	_ =	sdelay $0x2  }
0x110: {  	[tilespmem:v4+s22+$0x0] =	vst.idx.msk vm0, v7  }
.LBB2_25:
0x111: {  	v7 =	vld.idx.msk [tilespmem:v6+s21+$0x0], $0xffff;
	_ =	sdelay $0x4  }
0x112: {  	vm0 =	vlt.f32 v5, v7  }
0x113: {  	v7 =	vsel vm0, $0x3F800000, v0  }
0x114: {  	(xrf0) =	vmax.scan.msk.f32 $0xffff, v7;
	_ =	sdelay $0x5  }
0x115: {  	v7, _, _ =	vpop (xrf0)  }
0x116: {  	(v2sf) =	vpush v7, $0xF;
	_ =	sdelay $0xe  }
0x117: {  	s2 =	spop (v2sf)  }
0x118: {  	p1 =	sgt.f32 s2, $0.0e+00  }
.Ltmp21:
0x119: {  	_ = 	snop;
	(pc) =	sbr.rel @p1 .LBB2_25-.Ltmp21, $2  }
0x11a: {  	_ =	sdelay $0x2  }
0x11b: {  	[tilespmem:v6+s21+$0x0] =	vst.idx.msk vm0, v5  }
.LBB2_26:
0x11c: {  	v7 =	vld.idx.msk [tilespmem:v6+s22+$0x0], $0xffff;
	_ =	sdelay $0x4  }
0x11d: {  	vm0 =	vgt.f32 v5, v7  }
0x11e: {  	v7 =	vsel vm0, $0x3F800000, v0  }
0x11f: {  	(xrf0) =	vmax.scan.msk.f32 $0xffff, v7;
	_ =	sdelay $0x5  }
0x120: {  	v7, _, _ =	vpop (xrf0)  }
0x121: {  	(v2sf) =	vpush v7, $0xF;
	_ =	sdelay $0xe  }
0x122: {  	s2 =	spop (v2sf)  }
0x123: {  	p1 =	sgt.f32 s2, $0.0e+00  }
.Ltmp22:
0x124: {  	_ = 	snop;
	(pc) =	sbr.rel @p1 .LBB2_26-.Ltmp22, $2  }
0x125: {  	_ =	sdelay $0x2  }
0x126: {  	[tilespmem:v6+s22+$0x0] =	vst.idx.msk vm0, v5  }
.Ltmp23:
0x127: {  	_ = 	snop;
	(pc) =	sbr.rel .LBB2_27-.Ltmp23, $1  }
0x128: {  	_ =	sdelay $0x3  }
.LBB2_29:
0x129: {  	s0 =	rddreg [dreg:$0x3]  }
0x12a: {  	[hbm4b:s0+s1] =	stream.linear.scatter [tilespmem:s1], [sflag:$0x2], $0x2800, $0x38;
	[tilespmem:$0x1DB00] =	vst v63  }
0x12b: {  	_ =	swait.ge [sflag:s23], $0x2800  }
0x12c: {  	[sflag:s23] =	ssyncset.done $0x0  }
0x12d: {  	s3 =	rddreg [dreg:$0x4];
	[sflag:s23] =	ssyncadd.s32 $0xFFFFD800  }
0x12e: {  	[hbm4b:s3+s1] =	stream.linear.scatter [tilespmem:s20], [sflag:$0x2], $0x2800, $0x38;
	[tilespmem:$0x1DB00] =	vst v63  }
0x12f: {  	_ =	swait.ge [sflag:s23], $0x2800  }
0x130: {  	[sflag:s23] =	ssyncset.done $0x0  }
0x131: {  	s30 =	rddreg [dreg:$0x5];
	[sflag:s23] =	ssyncadd.s32 $0xFFFFD800  }
0x132: {  	[hbm4b:s30+s1] =	stream.linear.scatter [tilespmem:s21], [sflag:$0x2], $0x2800, $0x38;
	[tilespmem:$0x1DB00] =	vst v63  }
0x133: {  	_ =	swait.ge [sflag:s23], $0x2800  }
0x134: {  	[sflag:s23] =	ssyncset.done $0x0  }
0x135: {  	s31 =	rddreg [dreg:$0x6];
	[sflag:s23] =	ssyncadd.s32 $0xFFFFD800  }
0x136: {  	[hbm4b:s31+s1] =	stream.linear.scatter [tilespmem:s22], [sflag:$0x2], $0x2800, $0x38;
	[tilespmem:$0x1DB00] =	vst v63  }
0x137: {  	_ =	swait.ge [sflag:s23], $0x2800  }
0x138: {  	[sflag:s23] =	ssyncset.done $0x0  }
0x139: {  	s2 =	rddreg [dreg:$0x7];
	[sflag:s23] =	ssyncadd.s32 $0xFFFFD800  }
0x13a: {  	[hbm4b:s2+s1] =	stream.linear.scatter [tilespmem:s24], [sflag:$0x2], $0x2800, $0x38;
	[tilespmem:$0x1DB00] =	vst v63  }
0x13b: {  	_ =	swait.ge [sflag:s23], $0x2800  }
0x13c: {  	[sflag:s23] =	ssyncset.done $0x0  }
0x13d: {  	s3 =	rddreg [dreg:$0x8];
	[sflag:s23] =	ssyncadd.s32 $0xFFFFD800  }
0x13e: {  	[hbm4b:s3+s1] =	stream.linear.scatter [tilespmem:s25], [sflag:$0x2], $0x2800, $0x38;
	[tilespmem:$0x1DB00] =	vst v63  }
0x13f: {  	_ =	swait.ge [sflag:s23], $0x2800  }
0x140: {  	[sflag:s23] =	ssyncset.done $0x0  }
0x141: {  	s30 =	rddreg [dreg:$0x9];
	[sflag:s23] =	ssyncadd.s32 $0xFFFFD800  }
0x142: {  	[hbm4b:s30+s1] =	stream.linear.scatter [tilespmem:s26], [sflag:$0x2], $0x2800, $0x38;
	[tilespmem:$0x1DB00] =	vst v63  }
0x143: {  	_ =	swait.ge [sflag:s23], $0x2800  }
0x144: {  	[sflag:s23] =	ssyncset.done $0x0  }
0x145: {  	s31 =	rddreg [dreg:$0xa];
	[sflag:s23] =	ssyncadd.s32 $0xFFFFD800  }
0x146: {  	[hbm4b:s31+s1] =	stream.linear.scatter [tilespmem:s28], [sflag:$0x2], $0x2800, $0x38;
	[tilespmem:$0x1DB00] =	vst v63  }
0x147: {  	_ =	swait.ge [sflag:s23], $0x2800  }
0x148: {  	[sflag:s23] =	ssyncset.done $0x0  }
0x149: {  	[sflag:s23] =	ssyncadd.s32 $0xFFFFD800  }
0x14a: {  	s0 =	simm.s32 @!p0 $0x0;
	s2 =	simm.s32 @!p0 $0x14000;
	s3 =	rddreg [dreg:$0x1]  }
0x14b: {  	[hbm4b:s3+s0] =	stream.linear.scatter @!p0 [tilespmem:s2], [sflag:$0x2], $0x2800, $0x38;
	[tilespmem:$0x1DB00] =	vst v63  }
0x14c: {  	s0 =	simm.s32 @!p0 $0x2  }
0x14d: {  	_ =	swait.ge @!p0 [sflag:s0], $0x2800  }
0x14e: {  	[sflag:s0] =	ssyncset.done @!p0 $0x0  }
0x14f: {  	s2 =	simm.s32 $0x0;
	[sflag:s0] =	ssyncadd.s32 @!p0 $0xFFFFD800;
	s0 =	simm.s32 $0x40  }
.LBB2_30:
0x150: {  	p1 =	sne.s32 s0, $0x13FC0;
	[tilespmem:s2+$0x0] =	vst v0;
	s2 =	smov.u32 s0;
	s0 =	sadd.s32 $0x40, s0  }
.Ltmp24:
0x151: {  	(pc) =	sbr.rel @p1 .LBB2_30-.Ltmp24, $2  }
0x152: {  	_ =	sdelay $0x2  }
0x153: {  	s2 =	sshra.s32 s2, $0x2  }
0x154: {  	[tilespmem:s2+$0x0] =	vst v0;
	s0 =	simm.s32 $0x40;
	s2 =	simm.s32 $0x0  }
.LBB2_32:
0x155: {  	p1 =	sne.s32 s0, $0x13FC0;
	[tilespmem:s2+$0x5000] =	vst v0;
	s2 =	smov.u32 s0;
	s0 =	sadd.s32 $0x40, s0  }
.Ltmp25:
0x156: {  	(pc) =	sbr.rel @p1 .LBB2_32-.Ltmp25, $2  }
0x157: {  	_ =	sdelay $0x2  }
0x158: {  	s2 =	sshra.s32 s2, $0x2  }
0x159: {  	[tilespmem:s2+$0x5000] =	vst v0;
	s0 =	simm.s32 $0x40;
	s2 =	simm.s32 $0x0  }
.LBB2_34:
0x15a: {  	p1 =	sne.s32 s0, $0x13FC0;
	[tilespmem:s2+$0xA000] =	vst v1;
	s2 =	smov.u32 s0;
	s0 =	sadd.s32 $0x40, s0  }
.Ltmp26:
0x15b: {  	(pc) =	sbr.rel @p1 .LBB2_34-.Ltmp26, $2  }
0x15c: {  	_ =	sdelay $0x2  }
0x15d: {  	s2 =	sshra.s32 s2, $0x2  }
0x15e: {  	[tilespmem:s2+$0xA000] =	vst v1;
	s0 =	simm.s32 $0x40;
	s2 =	simm.s32 $0x0  }
.LBB2_36:
0x15f: {  	p1 =	sne.s32 s0, $0x13FC0;
	[tilespmem:s2+$0xF000] =	vst v2;
	s2 =	smov.u32 s0;
	s0 =	sadd.s32 $0x40, s0  }
.Ltmp27:
0x160: {  	(pc) =	sbr.rel @p1 .LBB2_36-.Ltmp27, $2  }
0x161: {  	_ =	sdelay $0x2  }
0x162: {  	s2 =	sshra.s32 s2, $0x2  }
.Ltmp28:
0x163: {  	(pc) =	sbr.rel .LBB2_38-.Ltmp28, $2  }
0x164: {  	_ =	sdelay $0x2  }
0x165: {  	[tilespmem:s2+$0xF000] =	vst v2;
	s30 =	simm.s32 $0x0;
	s31 =	simm.s32 $0x0  }
.LBB2_52:
0x166: {  	s31 =	sadd.s32 $0x1, s31  }
0x167: {  	p1 =	sne.s32 s31, $0x19  }
.Ltmp29:
0x168: {  	_ = 	snop;
	(pc) =	sbr.rel @!p1 .LBB2_53-.Ltmp29, $1  }
0x169: {  	_ =	sdelay $0x3  }
.LBB2_38:
0x16a: {  	s0 =	smul.u32 $0x1900, s31;
	_ =	sdelay $0x1  }
0x16b: {  	s2 =	sshrl.u32 s0, $0x3  }
0x16c: {  	s3 =	sadd.s32 s5, s0;
	s2 =	sadd.s32 s8, s2  }
0x16d: {  	[tilespmem:s15], [sflag:$0x1] =	stream.linear.gather [hbm4b:s2+s30], $0x1900, $0x38;
	[tilespmem:$0x1DB00] =	vst v63  }
0x16e: {  	s0 =	sadd.s32 s0, s12;
	s2 =	sshrl.u32 s3, $0x3  }
0x16f: {  	s0 =	sshrl.u32 s0, $0x3;
	s2 =	sadd.s32 s7, s2  }
0x170: {  	[tilespmem:s16], [sflag:$0x1] =	stream.linear.gather [hbm4b:s2+s30], $0x1900, $0x38;
	[tilespmem:$0x1DB00] =	vst v63  }
0x171: {  	s0 =	sadd.s32 s7, s0  }
0x172: {  	[tilespmem:s17], [sflag:$0x1] =	stream.linear.gather [hbm4b:s0+s30], $0x1900, $0x38;
	[tilespmem:$0x1DB00] =	vst v63  }
0x173: {  	_ =	swait.ge [sflag:s18], $0x1900  }
0x174: {  	[sflag:s18] =	ssyncset.done $0x0  }
0x175: {  	[sflag:s18] =	ssyncadd.s32 $0xFFFFE700  }
0x176: {  	_ =	swait.ge [sflag:s18], $0x1900  }
.Ltmp30:
0x177: {  	[sflag:s18] =	ssyncset.done $0x0;
	(pc) =	sbr.rel .LBB2_39-.Ltmp30, $4  }
0x178: {  	[sflag:s18] =	ssyncadd.s32 $0xFFFFE700  }
0x179: {  	_ =	swait.ge [sflag:s18], $0x1900  }
0x17a: {  	[sflag:s18] =	ssyncset.done $0x0  }
0x17b: {  	s0 =	simm.s32 $0x0;
	[sflag:s18] =	ssyncadd.s32 $0xFFFFE700  }
.LBB2_46:
0x17c: {  	_ =	sdelay $0x3  }
0x17d: {  	v8 =	vld.idx.msk [tilespmem:v6+s21+$0x0], $0xffff;
	_ =	sdelay $0x4  }
0x17e: {  	v8 =	vmin.f32 v8, v7  }
0x17f: {  	[tilespmem:v6+s21+$0x0] =	vst.idx.msk $0xffff, v8  }
0x180: {  	v8 =	vld.idx.msk [tilespmem:v6+s22+$0x0], $0xffff;
	_ =	sdelay $0x4  }
0x181: {  	v63 =	vmax.f32 v8, v7  }
0x182: {  	[tilespmem:v6+s22+$0x0] =	vst.idx.msk $0xffff, v63  }
0x183: {  	v6 =	vld.idx.msk [tilespmem:v5+s21+$0x0], $0xffff;
	_ =	sdelay $0x4  }
0x184: {  	v6 =	vmin.f32 v6, v4  }
0x185: {  	[tilespmem:v5+s21+$0x0] =	vst.idx.msk $0xffff, v6  }
0x186: {  	v6 =	vld.idx.msk [tilespmem:v5+s22+$0x0], $0xffff;
	_ =	sdelay $0x4  }
0x187: {  	v4 =	vmax.f32 v6, v4  }
0x188: {  	[tilespmem:v5+s22+$0x0] =	vst.idx.msk $0xffff, v4  }
.LBB2_51:
0x189: {  	s0 =	sadd.s32 $0x1, s0  }
0x18a: {  	p1 =	sne.s32 s0, $0xC8  }
.Ltmp31:
0x18b: {  	_ = 	snop;
	(pc) =	sbr.rel @!p1 .LBB2_52-.Ltmp31, $1  }
0x18c: {  	_ =	sdelay $0x3  }
.LBB2_39:
0x18d: {  	s2 =	sshll.u32 s0, $0x5  }
0x18e: {  	v6 =	vld [tilespmem:s2+$0x19A00];
	_ =	sdelay $0x7  }
0x18f: {  	[tilespmem:v6+s19+$0x0] =	vst.idx.msk $0xffff, v3  }
0x190: {  	v4 =	vld.idx.msk [tilespmem:v6+s19+$0x0], $0xffff;
	_ =	sdelay $0x4  }
0x191: {  	vm0 =	veq.s32 v4, v3  }
0x192: {  	v4 =	vsel vm0, $0x3F800000, v0  }
0x193: {  	(xrf0) =	vmin.scan.msk.f32 $0xffff, v4;
	_ =	sdelay $0x5  }
0x194: {  	v4, _, _ =	vpop (xrf0)  }
0x195: {  	(v2sf) =	vpush v4, $0xF;
	_ =	sdelay $0xb  }
0x196: {  	v7 =	vld [tilespmem:s2+$0x16800]  }
0x197: {  	s3 =	sand.u32 $0x1FE0, s2  }
0x198: {  	v4 =	vld [tilespmem:s3+$0x18100]  }
0x199: {  	v5 =	vadd.s32 $0x2800, v6;
	s3 =	spop (v2sf)  }
0x19a: {  	p1 =	sgt.f32 s3, $0.0e+00  }
.Ltmp32:
0x19b: {  	v8 =	vmul.f32 v7, v7;
	(pc) =	sbr.rel @p1 .LBB2_40-.Ltmp32, $4  }
0x19c: {  	[tilespmem:v6+s1+$0x0] =	vst.idx.add.f32.msk $0xffff, v7  }
0x19d: {  	[tilespmem:v6+s20+$0x0] =	vst.idx.add.f32.msk $0xffff, v8;
	v8 =	vmul.f32 v4, v4  }
0x19e: {  	[tilespmem:v5+s1+$0x0] =	vst.idx.add.f32.msk $0xffff, v4  }
0x19f: {  	[tilespmem:v5+s20+$0x0] =	vst.idx.add.f32.msk $0xffff, v8  }
.LBB2_41:
0x1a0: {  	v8 =	vld.idx.msk [tilespmem:v6+s21+$0x0], $0xffff;
	_ =	sdelay $0x4  }
0x1a1: {  	vm0 =	vlt.f32 v7, v8  }
0x1a2: {  	v8 =	vsel vm0, $0x3F800000, v0  }
0x1a3: {  	(xrf0) =	vmax.scan.msk.f32 $0xffff, v8;
	_ =	sdelay $0x5  }
0x1a4: {  	v8, _, _ =	vpop (xrf0)  }
0x1a5: {  	(v2sf) =	vpush v8, $0xF;
	_ =	sdelay $0xe  }
0x1a6: {  	s3 =	spop (v2sf)  }
0x1a7: {  	p1 =	sgt.f32 s3, $0.0e+00  }
.Ltmp33:
0x1a8: {  	_ = 	snop;
	(pc) =	sbr.rel @p1 .LBB2_41-.Ltmp33, $2  }
0x1a9: {  	_ =	sdelay $0x2  }
0x1aa: {  	[tilespmem:v6+s21+$0x0] =	vst.idx.msk vm0, v7  }
.LBB2_42:
0x1ab: {  	v8 =	vld.idx.msk [tilespmem:v6+s22+$0x0], $0xffff;
	_ =	sdelay $0x4  }
0x1ac: {  	vm0 =	vgt.f32 v7, v8  }
0x1ad: {  	v8 =	vsel vm0, $0x3F800000, v0  }
0x1ae: {  	(xrf0) =	vmax.scan.msk.f32 $0xffff, v8;
	_ =	sdelay $0x5  }
0x1af: {  	v8, _, _ =	vpop (xrf0)  }
0x1b0: {  	(v2sf) =	vpush v8, $0xF;
	_ =	sdelay $0xe  }
0x1b1: {  	s3 =	spop (v2sf)  }
0x1b2: {  	p1 =	sgt.f32 s3, $0.0e+00  }
.Ltmp34:
0x1b3: {  	_ = 	snop;
	(pc) =	sbr.rel @p1 .LBB2_42-.Ltmp34, $2  }
0x1b4: {  	_ =	sdelay $0x2  }
0x1b5: {  	[tilespmem:v6+s22+$0x0] =	vst.idx.msk vm0, v7  }
.LBB2_43:
0x1b6: {  	v6 =	vld.idx.msk [tilespmem:v5+s21+$0x0], $0xffff;
	_ =	sdelay $0x4  }
0x1b7: {  	vm0 =	vlt.f32 v4, v6  }
0x1b8: {  	v6 =	vsel vm0, $0x3F800000, v0  }
0x1b9: {  	(xrf0) =	vmax.scan.msk.f32 $0xffff, v6;
	_ =	sdelay $0x5  }
0x1ba: {  	v6, _, _ =	vpop (xrf0)  }
0x1bb: {  	(v2sf) =	vpush v6, $0xF;
	_ =	sdelay $0xe  }
0x1bc: {  	s3 =	spop (v2sf)  }
0x1bd: {  	p1 =	sgt.f32 s3, $0.0e+00  }
.Ltmp35:
0x1be: {  	_ = 	snop;
	(pc) =	sbr.rel @p1 .LBB2_43-.Ltmp35, $2  }
0x1bf: {  	_ =	sdelay $0x2  }
0x1c0: {  	[tilespmem:v5+s21+$0x0] =	vst.idx.msk vm0, v4  }
.LBB2_44:
0x1c1: {  	v6 =	vld.idx.msk [tilespmem:v5+s22+$0x0], $0xffff;
	_ =	sdelay $0x4  }
0x1c2: {  	vm0 =	vgt.f32 v4, v6  }
0x1c3: {  	v6 =	vsel vm0, $0x3F800000, v0  }
0x1c4: {  	(xrf0) =	vmax.scan.msk.f32 $0xffff, v6;
	_ =	sdelay $0x5  }
0x1c5: {  	v6, _, _ =	vpop (xrf0)  }
0x1c6: {  	(v2sf) =	vpush v6, $0xF;
	_ =	sdelay $0xe  }
0x1c7: {  	s3 =	spop (v2sf)  }
0x1c8: {  	p1 =	sgt.f32 s3, $0.0e+00  }
.Ltmp36:
0x1c9: {  	_ = 	snop;
	(pc) =	sbr.rel @p1 .LBB2_44-.Ltmp36, $2  }
0x1ca: {  	_ =	sdelay $0x2  }
0x1cb: {  	[tilespmem:v5+s22+$0x0] =	vst.idx.msk vm0, v4  }
.Ltmp37:
0x1cc: {  	_ = 	snop;
	(pc) =	sbr.rel .LBB2_45-.Ltmp37, $1  }
0x1cd: {  	_ =	sdelay $0x3  }
.LBB2_40:
0x1ce: {  	_ =	sdelay $0x3  }
0x1cf: {  	v8 =	vld.idx.msk [tilespmem:v6+s21+$0x0], $0xffff;
	_ =	sdelay $0x4  }
0x1d0: {  	v8 =	vmin.f32 v8, v7  }
0x1d1: {  	[tilespmem:v6+s21+$0x0] =	vst.idx.msk $0xffff, v8  }
0x1d2: {  	v8 =	vld.idx.msk [tilespmem:v6+s22+$0x0], $0xffff;
	_ =	sdelay $0x4  }
0x1d3: {  	v63 =	vmax.f32 v8, v7  }
0x1d4: {  	[tilespmem:v6+s22+$0x0] =	vst.idx.msk $0xffff, v63  }
0x1d5: {  	v6 =	vld.idx.msk [tilespmem:v5+s21+$0x0], $0xffff;
	_ =	sdelay $0x4  }
0x1d6: {  	v6 =	vmin.f32 v6, v4  }
0x1d7: {  	[tilespmem:v5+s21+$0x0] =	vst.idx.msk $0xffff, v6  }
0x1d8: {  	v6 =	vld.idx.msk [tilespmem:v5+s22+$0x0], $0xffff;
	_ =	sdelay $0x4  }
0x1d9: {  	v4 =	vmax.f32 v6, v4  }
0x1da: {  	[tilespmem:v5+s22+$0x0] =	vst.idx.msk $0xffff, v4  }
.LBB2_45:
0x1db: {  	v6 =	vld [tilespmem:s2+$0x19A10];
	_ =	sdelay $0x7  }
0x1dc: {  	[tilespmem:v6+s19+$0x0] =	vst.idx.msk $0xffff, v3  }
0x1dd: {  	v4 =	vld.idx.msk [tilespmem:v6+s19+$0x0], $0xffff;
	_ =	sdelay $0x4  }
0x1de: {  	vm0 =	veq.s32 v4, v3  }
0x1df: {  	v4 =	vsel vm0, $0x3F800000, v0  }
0x1e0: {  	(xrf0) =	vmin.scan.msk.f32 $0xffff, v4;
	_ =	sdelay $0x5  }
0x1e1: {  	v4, _, _ =	vpop (xrf0)  }
0x1e2: {  	(v2sf) =	vpush v4, $0xF;
	_ =	sdelay $0xb  }
0x1e3: {  	v7 =	vld [tilespmem:s2+$0x16810];
	_ =	sdelay $0x1  }
0x1e4: {  	v4 =	vld [tilespmem:s2+$0x18110]  }
0x1e5: {  	v5 =	vadd.s32 $0x2800, v6;
	s3 =	spop (v2sf)  }
0x1e6: {  	p1 =	sgt.f32 s3, $0.0e+00  }
.Ltmp38:
0x1e7: {  	v8 =	vmul.f32 v7, v7;
	(pc) =	sbr.rel @p1 .LBB2_46-.Ltmp38, $4  }
0x1e8: {  	[tilespmem:v6+s1+$0x0] =	vst.idx.add.f32.msk $0xffff, v7  }
0x1e9: {  	[tilespmem:v6+s20+$0x0] =	vst.idx.add.f32.msk $0xffff, v8;
	v8 =	vmul.f32 v4, v4  }
0x1ea: {  	[tilespmem:v5+s1+$0x0] =	vst.idx.add.f32.msk $0xffff, v4  }
0x1eb: {  	[tilespmem:v5+s20+$0x0] =	vst.idx.add.f32.msk $0xffff, v8  }
.LBB2_47:
0x1ec: {  	v8 =	vld.idx.msk [tilespmem:v6+s21+$0x0], $0xffff;
	_ =	sdelay $0x4  }
0x1ed: {  	vm0 =	vlt.f32 v7, v8  }
0x1ee: {  	v8 =	vsel vm0, $0x3F800000, v0  }
0x1ef: {  	(xrf0) =	vmax.scan.msk.f32 $0xffff, v8;
	_ =	sdelay $0x5  }
0x1f0: {  	v8, _, _ =	vpop (xrf0)  }
0x1f1: {  	(v2sf) =	vpush v8, $0xF;
	_ =	sdelay $0xe  }
0x1f2: {  	s2 =	spop (v2sf)  }
0x1f3: {  	p1 =	sgt.f32 s2, $0.0e+00  }
.Ltmp39:
0x1f4: {  	_ = 	snop;
	(pc) =	sbr.rel @p1 .LBB2_47-.Ltmp39, $2  }
0x1f5: {  	_ =	sdelay $0x2  }
0x1f6: {  	[tilespmem:v6+s21+$0x0] =	vst.idx.msk vm0, v7  }
.LBB2_48:
0x1f7: {  	v8 =	vld.idx.msk [tilespmem:v6+s22+$0x0], $0xffff;
	_ =	sdelay $0x4  }
0x1f8: {  	vm0 =	vgt.f32 v7, v8  }
0x1f9: {  	v8 =	vsel vm0, $0x3F800000, v0  }
0x1fa: {  	(xrf0) =	vmax.scan.msk.f32 $0xffff, v8;
	_ =	sdelay $0x5  }
0x1fb: {  	v8, _, _ =	vpop (xrf0)  }
0x1fc: {  	(v2sf) =	vpush v8, $0xF;
	_ =	sdelay $0xe  }
0x1fd: {  	s2 =	spop (v2sf)  }
0x1fe: {  	p1 =	sgt.f32 s2, $0.0e+00  }
.Ltmp40:
0x1ff: {  	_ = 	snop;
	(pc) =	sbr.rel @p1 .LBB2_48-.Ltmp40, $2  }
0x200: {  	_ =	sdelay $0x2  }
0x201: {  	[tilespmem:v6+s22+$0x0] =	vst.idx.msk vm0, v7  }
.LBB2_49:
0x202: {  	v6 =	vld.idx.msk [tilespmem:v5+s21+$0x0], $0xffff;
	_ =	sdelay $0x4  }
0x203: {  	vm0 =	vlt.f32 v4, v6  }
0x204: {  	v6 =	vsel vm0, $0x3F800000, v0  }
0x205: {  	(xrf0) =	vmax.scan.msk.f32 $0xffff, v6;
	_ =	sdelay $0x5  }
0x206: {  	v6, _, _ =	vpop (xrf0)  }
0x207: {  	(v2sf) =	vpush v6, $0xF;
	_ =	sdelay $0xe  }
0x208: {  	s2 =	spop (v2sf)  }
0x209: {  	p1 =	sgt.f32 s2, $0.0e+00  }
.Ltmp41:
0x20a: {  	_ = 	snop;
	(pc) =	sbr.rel @p1 .LBB2_49-.Ltmp41, $2  }
0x20b: {  	_ =	sdelay $0x2  }
0x20c: {  	[tilespmem:v5+s21+$0x0] =	vst.idx.msk vm0, v4  }
.LBB2_50:
0x20d: {  	v6 =	vld.idx.msk [tilespmem:v5+s22+$0x0], $0xffff;
	_ =	sdelay $0x4  }
0x20e: {  	vm0 =	vgt.f32 v4, v6  }
0x20f: {  	v6 =	vsel vm0, $0x3F800000, v0  }
0x210: {  	(xrf0) =	vmax.scan.msk.f32 $0xffff, v6;
	_ =	sdelay $0x5  }
0x211: {  	v6, _, _ =	vpop (xrf0)  }
0x212: {  	(v2sf) =	vpush v6, $0xF;
	_ =	sdelay $0xe  }
0x213: {  	s2 =	spop (v2sf)  }
0x214: {  	p1 =	sgt.f32 s2, $0.0e+00  }
.Ltmp42:
0x215: {  	_ = 	snop;
	(pc) =	sbr.rel @p1 .LBB2_50-.Ltmp42, $2  }
0x216: {  	_ =	sdelay $0x2  }
0x217: {  	[tilespmem:v5+s22+$0x0] =	vst.idx.msk vm0, v4  }
.Ltmp43:
0x218: {  	_ = 	snop;
	(pc) =	sbr.rel .LBB2_51-.Ltmp43, $1  }
0x219: {  	_ =	sdelay $0x3  }
.LBB2_53:
0x21a: {  	s0 =	simm.s32 $0x0;
	s2 =	rddreg [dreg:$0xb]  }
0x21b: {  	[hbm4b:s2+s0] =	stream.linear.scatter [tilespmem:s0], [sflag:$0x2], $0x2800, $0x38;
	[tilespmem:$0x1DB00] =	vst v63  }
0x21c: {  	_ =	swait.ge [sflag:s23], $0x2800  }
0x21d: {  	[sflag:s23] =	ssyncset.done $0x0  }
0x21e: {  	s31 =	rddreg [dreg:$0xc];
	[sflag:s23] =	ssyncadd.s32 $0xFFFFD800  }
0x21f: {  	[hbm4b:s31+s0] =	stream.linear.scatter [tilespmem:s20], [sflag:$0x2], $0x2800, $0x38;
	[tilespmem:$0x1DB00] =	vst v63  }
0x220: {  	_ =	swait.ge [sflag:s23], $0x2800  }
0x221: {  	[sflag:s23] =	ssyncset.done $0x0  }
0x222: {  	s3 =	rddreg [dreg:$0xd];
	[sflag:s23] =	ssyncadd.s32 $0xFFFFD800  }
0x223: {  	[hbm4b:s3+s0] =	stream.linear.scatter [tilespmem:s21], [sflag:$0x2], $0x2800, $0x38;
	[tilespmem:$0x1DB00] =	vst v63  }
0x224: {  	_ =	swait.ge [sflag:s23], $0x2800  }
0x225: {  	[sflag:s23] =	ssyncset.done $0x0  }
0x226: {  	s30 =	rddreg [dreg:$0xe];
	[sflag:s23] =	ssyncadd.s32 $0xFFFFD800  }
0x227: {  	[hbm4b:s30+s0] =	stream.linear.scatter [tilespmem:s22], [sflag:$0x2], $0x2800, $0x38;
	[tilespmem:$0x1DB00] =	vst v63  }
0x228: {  	_ =	swait.ge [sflag:s23], $0x2800  }
0x229: {  	[sflag:s23] =	ssyncset.done $0x0  }
0x22a: {  	s31 =	rddreg [dreg:$0xf];
	[sflag:s23] =	ssyncadd.s32 $0xFFFFD800  }
0x22b: {  	[hbm4b:s31+s0] =	stream.linear.scatter [tilespmem:s24], [sflag:$0x2], $0x2800, $0x38;
	[tilespmem:$0x1DB00] =	vst v63  }
0x22c: {  	_ =	swait.ge [sflag:s23], $0x2800  }
0x22d: {  	[sflag:s23] =	ssyncset.done $0x0  }
0x22e: {  	s3 =	rddreg [dreg:$0x10];
	[sflag:s23] =	ssyncadd.s32 $0xFFFFD800  }
0x22f: {  	[hbm4b:s3+s0] =	stream.linear.scatter [tilespmem:s25], [sflag:$0x2], $0x2800, $0x38;
	[tilespmem:$0x1DB00] =	vst v63  }
0x230: {  	_ =	swait.ge [sflag:s23], $0x2800  }
0x231: {  	[sflag:s23] =	ssyncset.done $0x0  }
0x232: {  	s30 =	rddreg [dreg:$0x11];
	[sflag:s23] =	ssyncadd.s32 $0xFFFFD800  }
0x233: {  	[hbm4b:s30+s0] =	stream.linear.scatter [tilespmem:s26], [sflag:$0x2], $0x2800, $0x38;
	[tilespmem:$0x1DB00] =	vst v63  }
0x234: {  	_ =	swait.ge [sflag:s23], $0x2800  }
0x235: {  	[sflag:s23] =	ssyncset.done $0x0  }
0x236: {  	s31 =	rddreg [dreg:$0x12];
	[sflag:s23] =	ssyncadd.s32 $0xFFFFD800  }
0x237: {  	[hbm4b:s31+s0] =	stream.linear.scatter [tilespmem:s28], [sflag:$0x2], $0x2800, $0x38;
	[tilespmem:$0x1DB00] =	vst v63  }
0x238: {  	_ =	swait.ge [sflag:s23], $0x2800  }
0x239: {  	[sflag:s23] =	ssyncset.done $0x0  }
0x23a: {  	s2 =	simm.s32 $0x0;
	s0 =	simm.s32 $0x40;
	[sflag:s23] =	ssyncadd.s32 $0xFFFFD800  }
.LBB2_54:
0x23b: {  	p1 =	sne.s32 s0, $0x13FC0;
	[tilespmem:s2+$0x0] =	vst v0;
	s2 =	smov.u32 s0;
	s0 =	sadd.s32 $0x40, s0  }
.Ltmp44:
0x23c: {  	(pc) =	sbr.rel @p1 .LBB2_54-.Ltmp44, $2  }
0x23d: {  	_ =	sdelay $0x2  }
0x23e: {  	s2 =	sshra.s32 s2, $0x2  }
0x23f: {  	[tilespmem:s2+$0x0] =	vst v0;
	s0 =	simm.s32 $0x40;
	s2 =	simm.s32 $0x0  }
.LBB2_56:
0x240: {  	p1 =	sne.s32 s0, $0x13FC0;
	[tilespmem:s2+$0x5000] =	vst v0;
	s2 =	smov.u32 s0;
	s0 =	sadd.s32 $0x40, s0  }
.Ltmp45:
0x241: {  	(pc) =	sbr.rel @p1 .LBB2_56-.Ltmp45, $2  }
0x242: {  	_ =	sdelay $0x2  }
0x243: {  	s2 =	sshra.s32 s2, $0x2  }
0x244: {  	[tilespmem:s2+$0x5000] =	vst v0;
	s0 =	simm.s32 $0x40;
	s2 =	simm.s32 $0x0  }
.LBB2_58:
0x245: {  	p1 =	sne.s32 s0, $0x13FC0;
	[tilespmem:s2+$0xA000] =	vst v1;
	s2 =	smov.u32 s0;
	s0 =	sadd.s32 $0x40, s0  }
.Ltmp46:
0x246: {  	(pc) =	sbr.rel @p1 .LBB2_58-.Ltmp46, $2  }
0x247: {  	_ =	sdelay $0x2  }
0x248: {  	s2 =	sshra.s32 s2, $0x2  }
0x249: {  	[tilespmem:s2+$0xA000] =	vst v1;
	s0 =	simm.s32 $0x40;
	s2 =	simm.s32 $0x0  }
.LBB2_60:
0x24a: {  	p1 =	sne.s32 s0, $0x13FC0;
	[tilespmem:s2+$0xF000] =	vst v2;
	s2 =	smov.u32 s0;
	s0 =	sadd.s32 $0x40, s0  }
.Ltmp47:
0x24b: {  	(pc) =	sbr.rel @p1 .LBB2_60-.Ltmp47, $2  }
0x24c: {  	_ =	sdelay $0x2  }
0x24d: {  	s2 =	sshra.s32 s2, $0x2  }
.Ltmp48:
0x24e: {  	(pc) =	sbr.rel .LBB2_62-.Ltmp48, $2  }
0x24f: {  	_ =	sdelay $0x2  }
0x250: {  	[tilespmem:s2+$0xF000] =	vst v2;
	s30 =	simm.s32 $0x0;
	s31 =	simm.s32 $0x0  }
.LBB2_76:
0x251: {  	s31 =	sadd.s32 $0x1, s31  }
0x252: {  	p1 =	sne.s32 s31, $0x19  }
.Ltmp49:
0x253: {  	_ = 	snop;
	(pc) =	sbr.rel @!p1 .LBB2_77-.Ltmp49, $1  }
0x254: {  	_ =	sdelay $0x3  }
.LBB2_62:
0x255: {  	s0 =	smul.u32 $0x1900, s31;
	_ =	sdelay $0x1  }
0x256: {  	s2 =	sshrl.u32 s0, $0x3  }
0x257: {  	s3 =	sadd.s32 s6, s0;
	s2 =	sadd.s32 s8, s2  }
0x258: {  	[tilespmem:s15], [sflag:$0x1] =	stream.linear.gather [hbm4b:s2+s30], $0x1900, $0x38;
	[tilespmem:$0x1DB00] =	vst v63  }
0x259: {  	s0 =	sadd.s32 s0, s13;
	s2 =	sshrl.u32 s3, $0x3  }
0x25a: {  	s0 =	sshrl.u32 s0, $0x3;
	s2 =	sadd.s32 s7, s2  }
0x25b: {  	[tilespmem:s16], [sflag:$0x1] =	stream.linear.gather [hbm4b:s2+s30], $0x1900, $0x38;
	[tilespmem:$0x1DB00] =	vst v63  }
0x25c: {  	s0 =	sadd.s32 s7, s0  }
0x25d: {  	[tilespmem:s17], [sflag:$0x1] =	stream.linear.gather [hbm4b:s0+s30], $0x1900, $0x38;
	[tilespmem:$0x1DB00] =	vst v63  }
0x25e: {  	_ =	swait.ge [sflag:s18], $0x1900  }
0x25f: {  	[sflag:s18] =	ssyncset.done $0x0  }
0x260: {  	[sflag:s18] =	ssyncadd.s32 $0xFFFFE700  }
0x261: {  	_ =	swait.ge [sflag:s18], $0x1900  }
.Ltmp50:
0x262: {  	[sflag:s18] =	ssyncset.done $0x0;
	(pc) =	sbr.rel .LBB2_63-.Ltmp50, $4  }
0x263: {  	[sflag:s18] =	ssyncadd.s32 $0xFFFFE700  }
0x264: {  	_ =	swait.ge [sflag:s18], $0x1900  }
0x265: {  	[sflag:s18] =	ssyncset.done $0x0  }
0x266: {  	s0 =	simm.s32 $0x0;
	[sflag:s18] =	ssyncadd.s32 $0xFFFFE700  }
.LBB2_70:
0x267: {  	_ =	sdelay $0x3  }
0x268: {  	v8 =	vld.idx.msk [tilespmem:v6+s21+$0x0], $0xffff;
	_ =	sdelay $0x4  }
0x269: {  	v8 =	vmin.f32 v8, v7  }
0x26a: {  	[tilespmem:v6+s21+$0x0] =	vst.idx.msk $0xffff, v8  }
0x26b: {  	v8 =	vld.idx.msk [tilespmem:v6+s22+$0x0], $0xffff;
	_ =	sdelay $0x4  }
0x26c: {  	v63 =	vmax.f32 v8, v7  }
0x26d: {  	[tilespmem:v6+s22+$0x0] =	vst.idx.msk $0xffff, v63  }
0x26e: {  	v6 =	vld.idx.msk [tilespmem:v5+s21+$0x0], $0xffff;
	_ =	sdelay $0x4  }
0x26f: {  	v6 =	vmin.f32 v6, v4  }
0x270: {  	[tilespmem:v5+s21+$0x0] =	vst.idx.msk $0xffff, v6  }
0x271: {  	v6 =	vld.idx.msk [tilespmem:v5+s22+$0x0], $0xffff;
	_ =	sdelay $0x4  }
0x272: {  	v4 =	vmax.f32 v6, v4  }
0x273: {  	[tilespmem:v5+s22+$0x0] =	vst.idx.msk $0xffff, v4  }
.LBB2_75:
0x274: {  	s0 =	sadd.s32 $0x1, s0  }
0x275: {  	p1 =	sne.s32 s0, $0xC8  }
.Ltmp51:
0x276: {  	_ = 	snop;
	(pc) =	sbr.rel @!p1 .LBB2_76-.Ltmp51, $1  }
0x277: {  	_ =	sdelay $0x3  }
.LBB2_63:
0x278: {  	s2 =	sshll.u32 s0, $0x5  }
0x279: {  	v6 =	vld [tilespmem:s2+$0x19A00];
	_ =	sdelay $0x7  }
0x27a: {  	[tilespmem:v6+s19+$0x0] =	vst.idx.msk $0xffff, v3  }
0x27b: {  	v4 =	vld.idx.msk [tilespmem:v6+s19+$0x0], $0xffff;
	_ =	sdelay $0x4  }
0x27c: {  	vm0 =	veq.s32 v4, v3  }
0x27d: {  	v4 =	vsel vm0, $0x3F800000, v0  }
0x27e: {  	(xrf0) =	vmin.scan.msk.f32 $0xffff, v4;
	_ =	sdelay $0x5  }
0x27f: {  	v4, _, _ =	vpop (xrf0)  }
0x280: {  	(v2sf) =	vpush v4, $0xF;
	_ =	sdelay $0xb  }
0x281: {  	v7 =	vld [tilespmem:s2+$0x16800]  }
0x282: {  	s3 =	sand.u32 $0x1FE0, s2  }
0x283: {  	v4 =	vld [tilespmem:s3+$0x18100]  }
0x284: {  	v5 =	vadd.s32 $0x2800, v6;
	s3 =	spop (v2sf)  }
0x285: {  	p1 =	sgt.f32 s3, $0.0e+00  }
.Ltmp52:
0x286: {  	v8 =	vmul.f32 v7, v7;
	(pc) =	sbr.rel @p1 .LBB2_64-.Ltmp52, $4  }
0x287: {  	[tilespmem:v6+s1+$0x0] =	vst.idx.add.f32.msk $0xffff, v7  }
0x288: {  	[tilespmem:v6+s20+$0x0] =	vst.idx.add.f32.msk $0xffff, v8;
	v8 =	vmul.f32 v4, v4  }
0x289: {  	[tilespmem:v5+s1+$0x0] =	vst.idx.add.f32.msk $0xffff, v4  }
0x28a: {  	[tilespmem:v5+s20+$0x0] =	vst.idx.add.f32.msk $0xffff, v8  }
.LBB2_65:
0x28b: {  	v8 =	vld.idx.msk [tilespmem:v6+s21+$0x0], $0xffff;
	_ =	sdelay $0x4  }
0x28c: {  	vm0 =	vlt.f32 v7, v8  }
0x28d: {  	v8 =	vsel vm0, $0x3F800000, v0  }
0x28e: {  	(xrf0) =	vmax.scan.msk.f32 $0xffff, v8;
	_ =	sdelay $0x5  }
0x28f: {  	v8, _, _ =	vpop (xrf0)  }
0x290: {  	(v2sf) =	vpush v8, $0xF;
	_ =	sdelay $0xe  }
0x291: {  	s3 =	spop (v2sf)  }
0x292: {  	p1 =	sgt.f32 s3, $0.0e+00  }
.Ltmp53:
0x293: {  	_ = 	snop;
	(pc) =	sbr.rel @p1 .LBB2_65-.Ltmp53, $2  }
0x294: {  	_ =	sdelay $0x2  }
0x295: {  	[tilespmem:v6+s21+$0x0] =	vst.idx.msk vm0, v7  }
.LBB2_66:
0x296: {  	v8 =	vld.idx.msk [tilespmem:v6+s22+$0x0], $0xffff;
	_ =	sdelay $0x4  }
0x297: {  	vm0 =	vgt.f32 v7, v8  }
0x298: {  	v8 =	vsel vm0, $0x3F800000, v0  }
0x299: {  	(xrf0) =	vmax.scan.msk.f32 $0xffff, v8;
	_ =	sdelay $0x5  }
0x29a: {  	v8, _, _ =	vpop (xrf0)  }
0x29b: {  	(v2sf) =	vpush v8, $0xF;
	_ =	sdelay $0xe  }
0x29c: {  	s3 =	spop (v2sf)  }
0x29d: {  	p1 =	sgt.f32 s3, $0.0e+00  }
.Ltmp54:
0x29e: {  	_ = 	snop;
	(pc) =	sbr.rel @p1 .LBB2_66-.Ltmp54, $2  }
0x29f: {  	_ =	sdelay $0x2  }
0x2a0: {  	[tilespmem:v6+s22+$0x0] =	vst.idx.msk vm0, v7  }
.LBB2_67:
0x2a1: {  	v6 =	vld.idx.msk [tilespmem:v5+s21+$0x0], $0xffff;
	_ =	sdelay $0x4  }
0x2a2: {  	vm0 =	vlt.f32 v4, v6  }
0x2a3: {  	v6 =	vsel vm0, $0x3F800000, v0  }
0x2a4: {  	(xrf0) =	vmax.scan.msk.f32 $0xffff, v6;
	_ =	sdelay $0x5  }
0x2a5: {  	v6, _, _ =	vpop (xrf0)  }
0x2a6: {  	(v2sf) =	vpush v6, $0xF;
	_ =	sdelay $0xe  }
0x2a7: {  	s3 =	spop (v2sf)  }
0x2a8: {  	p1 =	sgt.f32 s3, $0.0e+00  }
.Ltmp55:
0x2a9: {  	_ = 	snop;
	(pc) =	sbr.rel @p1 .LBB2_67-.Ltmp55, $2  }
0x2aa: {  	_ =	sdelay $0x2  }
0x2ab: {  	[tilespmem:v5+s21+$0x0] =	vst.idx.msk vm0, v4  }
.LBB2_68:
0x2ac: {  	v6 =	vld.idx.msk [tilespmem:v5+s22+$0x0], $0xffff;
	_ =	sdelay $0x4  }
0x2ad: {  	vm0 =	vgt.f32 v4, v6  }
0x2ae: {  	v6 =	vsel vm0, $0x3F800000, v0  }
0x2af: {  	(xrf0) =	vmax.scan.msk.f32 $0xffff, v6;
	_ =	sdelay $0x5  }
0x2b0: {  	v6, _, _ =	vpop (xrf0)  }
0x2b1: {  	(v2sf) =	vpush v6, $0xF;
	_ =	sdelay $0xe  }
0x2b2: {  	s3 =	spop (v2sf)  }
0x2b3: {  	p1 =	sgt.f32 s3, $0.0e+00  }
.Ltmp56:
0x2b4: {  	_ = 	snop;
	(pc) =	sbr.rel @p1 .LBB2_68-.Ltmp56, $2  }
0x2b5: {  	_ =	sdelay $0x2  }
0x2b6: {  	[tilespmem:v5+s22+$0x0] =	vst.idx.msk vm0, v4  }
.Ltmp57:
0x2b7: {  	_ = 	snop;
	(pc) =	sbr.rel .LBB2_69-.Ltmp57, $1  }
0x2b8: {  	_ =	sdelay $0x3  }
.LBB2_64:
0x2b9: {  	_ =	sdelay $0x3  }
0x2ba: {  	v8 =	vld.idx.msk [tilespmem:v6+s21+$0x0], $0xffff;
	_ =	sdelay $0x4  }
0x2bb: {  	v8 =	vmin.f32 v8, v7  }
0x2bc: {  	[tilespmem:v6+s21+$0x0] =	vst.idx.msk $0xffff, v8  }
0x2bd: {  	v8 =	vld.idx.msk [tilespmem:v6+s22+$0x0], $0xffff;
	_ =	sdelay $0x4  }
0x2be: {  	v63 =	vmax.f32 v8, v7  }
0x2bf: {  	[tilespmem:v6+s22+$0x0] =	vst.idx.msk $0xffff, v63  }
0x2c0: {  	v6 =	vld.idx.msk [tilespmem:v5+s21+$0x0], $0xffff;
	_ =	sdelay $0x4  }
0x2c1: {  	v6 =	vmin.f32 v6, v4  }
0x2c2: {  	[tilespmem:v5+s21+$0x0] =	vst.idx.msk $0xffff, v6  }
0x2c3: {  	v6 =	vld.idx.msk [tilespmem:v5+s22+$0x0], $0xffff;
	_ =	sdelay $0x4  }
0x2c4: {  	v4 =	vmax.f32 v6, v4  }
0x2c5: {  	[tilespmem:v5+s22+$0x0] =	vst.idx.msk $0xffff, v4  }
.LBB2_69:
0x2c6: {  	v6 =	vld [tilespmem:s2+$0x19A10];
	_ =	sdelay $0x7  }
0x2c7: {  	[tilespmem:v6+s19+$0x0] =	vst.idx.msk $0xffff, v3  }
0x2c8: {  	v4 =	vld.idx.msk [tilespmem:v6+s19+$0x0], $0xffff;
	_ =	sdelay $0x4  }
0x2c9: {  	vm0 =	veq.s32 v4, v3  }
0x2ca: {  	v4 =	vsel vm0, $0x3F800000, v0  }
0x2cb: {  	(xrf0) =	vmin.scan.msk.f32 $0xffff, v4;
	_ =	sdelay $0x5  }
0x2cc: {  	v4, _, _ =	vpop (xrf0)  }
0x2cd: {  	(v2sf) =	vpush v4, $0xF;
	_ =	sdelay $0xb  }
0x2ce: {  	v7 =	vld [tilespmem:s2+$0x16810];
	_ =	sdelay $0x1  }
0x2cf: {  	v4 =	vld [tilespmem:s2+$0x18110]  }
0x2d0: {  	v5 =	vadd.s32 $0x2800, v6;
	s3 =	spop (v2sf)  }
0x2d1: {  	p1 =	sgt.f32 s3, $0.0e+00  }
.Ltmp58:
0x2d2: {  	v8 =	vmul.f32 v7, v7;
	(pc) =	sbr.rel @p1 .LBB2_70-.Ltmp58, $4  }
0x2d3: {  	[tilespmem:v6+s1+$0x0] =	vst.idx.add.f32.msk $0xffff, v7  }
0x2d4: {  	[tilespmem:v6+s20+$0x0] =	vst.idx.add.f32.msk $0xffff, v8;
	v8 =	vmul.f32 v4, v4  }
0x2d5: {  	[tilespmem:v5+s1+$0x0] =	vst.idx.add.f32.msk $0xffff, v4  }
0x2d6: {  	[tilespmem:v5+s20+$0x0] =	vst.idx.add.f32.msk $0xffff, v8  }
.LBB2_71:
0x2d7: {  	v8 =	vld.idx.msk [tilespmem:v6+s21+$0x0], $0xffff;
	_ =	sdelay $0x4  }
0x2d8: {  	vm0 =	vlt.f32 v7, v8  }
0x2d9: {  	v8 =	vsel vm0, $0x3F800000, v0  }
0x2da: {  	(xrf0) =	vmax.scan.msk.f32 $0xffff, v8;
	_ =	sdelay $0x5  }
0x2db: {  	v8, _, _ =	vpop (xrf0)  }
0x2dc: {  	(v2sf) =	vpush v8, $0xF;
	_ =	sdelay $0xe  }
0x2dd: {  	s2 =	spop (v2sf)  }
0x2de: {  	p1 =	sgt.f32 s2, $0.0e+00  }
.Ltmp59:
0x2df: {  	_ = 	snop;
	(pc) =	sbr.rel @p1 .LBB2_71-.Ltmp59, $2  }
0x2e0: {  	_ =	sdelay $0x2  }
0x2e1: {  	[tilespmem:v6+s21+$0x0] =	vst.idx.msk vm0, v7  }
.LBB2_72:
0x2e2: {  	v8 =	vld.idx.msk [tilespmem:v6+s22+$0x0], $0xffff;
	_ =	sdelay $0x4  }
0x2e3: {  	vm0 =	vgt.f32 v7, v8  }
0x2e4: {  	v8 =	vsel vm0, $0x3F800000, v0  }
0x2e5: {  	(xrf0) =	vmax.scan.msk.f32 $0xffff, v8;
	_ =	sdelay $0x5  }
0x2e6: {  	v8, _, _ =	vpop (xrf0)  }
0x2e7: {  	(v2sf) =	vpush v8, $0xF;
	_ =	sdelay $0xe  }
0x2e8: {  	s2 =	spop (v2sf)  }
0x2e9: {  	p1 =	sgt.f32 s2, $0.0e+00  }
.Ltmp60:
0x2ea: {  	_ = 	snop;
	(pc) =	sbr.rel @p1 .LBB2_72-.Ltmp60, $2  }
0x2eb: {  	_ =	sdelay $0x2  }
0x2ec: {  	[tilespmem:v6+s22+$0x0] =	vst.idx.msk vm0, v7  }
.LBB2_73:
0x2ed: {  	v6 =	vld.idx.msk [tilespmem:v5+s21+$0x0], $0xffff;
	_ =	sdelay $0x4  }
0x2ee: {  	vm0 =	vlt.f32 v4, v6  }
0x2ef: {  	v6 =	vsel vm0, $0x3F800000, v0  }
0x2f0: {  	(xrf0) =	vmax.scan.msk.f32 $0xffff, v6;
	_ =	sdelay $0x5  }
0x2f1: {  	v6, _, _ =	vpop (xrf0)  }
0x2f2: {  	(v2sf) =	vpush v6, $0xF;
	_ =	sdelay $0xe  }
0x2f3: {  	s2 =	spop (v2sf)  }
0x2f4: {  	p1 =	sgt.f32 s2, $0.0e+00  }
.Ltmp61:
0x2f5: {  	_ = 	snop;
	(pc) =	sbr.rel @p1 .LBB2_73-.Ltmp61, $2  }
0x2f6: {  	_ =	sdelay $0x2  }
0x2f7: {  	[tilespmem:v5+s21+$0x0] =	vst.idx.msk vm0, v4  }
.LBB2_74:
0x2f8: {  	v6 =	vld.idx.msk [tilespmem:v5+s22+$0x0], $0xffff;
	_ =	sdelay $0x4  }
0x2f9: {  	vm0 =	vgt.f32 v4, v6  }
0x2fa: {  	v6 =	vsel vm0, $0x3F800000, v0  }
0x2fb: {  	(xrf0) =	vmax.scan.msk.f32 $0xffff, v6;
	_ =	sdelay $0x5  }
0x2fc: {  	v6, _, _ =	vpop (xrf0)  }
0x2fd: {  	(v2sf) =	vpush v6, $0xF;
	_ =	sdelay $0xe  }
0x2fe: {  	s2 =	spop (v2sf)  }
0x2ff: {  	p1 =	sgt.f32 s2, $0.0e+00  }
.Ltmp62:
0x300: {  	_ = 	snop;
	(pc) =	sbr.rel @p1 .LBB2_74-.Ltmp62, $2  }
0x301: {  	_ =	sdelay $0x2  }
0x302: {  	[tilespmem:v5+s22+$0x0] =	vst.idx.msk vm0, v4  }
.Ltmp63:
0x303: {  	_ = 	snop;
	(pc) =	sbr.rel .LBB2_75-.Ltmp63, $1  }
0x304: {  	_ =	sdelay $0x3  }
.LBB2_77:
0x305: {  	s0 =	simm.s32 $0x0;
	s2 =	rddreg [dreg:$0x13]  }
0x306: {  	[hbm4b:s2+s0] =	stream.linear.scatter [tilespmem:s0], [sflag:$0x2], $0x2800, $0x38;
	[tilespmem:$0x1DB00] =	vst v63  }
0x307: {  	_ =	swait.ge [sflag:s23], $0x2800  }
0x308: {  	[sflag:s23] =	ssyncset.done $0x0  }
0x309: {  	s31 =	rddreg [dreg:$0x14];
	[sflag:s23] =	ssyncadd.s32 $0xFFFFD800  }
0x30a: {  	[hbm4b:s31+s0] =	stream.linear.scatter [tilespmem:s20], [sflag:$0x2], $0x2800, $0x38;
	[tilespmem:$0x1DB00] =	vst v63  }
0x30b: {  	_ =	swait.ge [sflag:s23], $0x2800  }
0x30c: {  	[sflag:s23] =	ssyncset.done $0x0  }
0x30d: {  	s3 =	rddreg [dreg:$0x15];
	[sflag:s23] =	ssyncadd.s32 $0xFFFFD800  }
0x30e: {  	[hbm4b:s3+s0] =	stream.linear.scatter [tilespmem:s21], [sflag:$0x2], $0x2800, $0x38;
	[tilespmem:$0x1DB00] =	vst v63  }
0x30f: {  	_ =	swait.ge [sflag:s23], $0x2800  }
0x310: {  	[sflag:s23] =	ssyncset.done $0x0  }
0x311: {  	s30 =	rddreg [dreg:$0x16];
	[sflag:s23] =	ssyncadd.s32 $0xFFFFD800  }
0x312: {  	[hbm4b:s30+s0] =	stream.linear.scatter [tilespmem:s22], [sflag:$0x2], $0x2800, $0x38;
	[tilespmem:$0x1DB00] =	vst v63  }
0x313: {  	_ =	swait.ge [sflag:s23], $0x2800  }
0x314: {  	[sflag:s23] =	ssyncset.done $0x0  }
0x315: {  	s31 =	rddreg [dreg:$0x17];
	[sflag:s23] =	ssyncadd.s32 $0xFFFFD800  }
0x316: {  	[hbm4b:s31+s0] =	stream.linear.scatter [tilespmem:s24], [sflag:$0x2], $0x2800, $0x38;
	[tilespmem:$0x1DB00] =	vst v63  }
0x317: {  	_ =	swait.ge [sflag:s23], $0x2800  }
0x318: {  	[sflag:s23] =	ssyncset.done $0x0  }
0x319: {  	s3 =	rddreg [dreg:$0x18];
	[sflag:s23] =	ssyncadd.s32 $0xFFFFD800  }
0x31a: {  	[hbm4b:s3+s0] =	stream.linear.scatter [tilespmem:s25], [sflag:$0x2], $0x2800, $0x38;
	[tilespmem:$0x1DB00] =	vst v63  }
0x31b: {  	_ =	swait.ge [sflag:s23], $0x2800  }
0x31c: {  	[sflag:s23] =	ssyncset.done $0x0  }
0x31d: {  	s30 =	rddreg [dreg:$0x19];
	[sflag:s23] =	ssyncadd.s32 $0xFFFFD800  }
0x31e: {  	[hbm4b:s30+s0] =	stream.linear.scatter [tilespmem:s26], [sflag:$0x2], $0x2800, $0x38;
	[tilespmem:$0x1DB00] =	vst v63  }
0x31f: {  	_ =	swait.ge [sflag:s23], $0x2800  }
0x320: {  	[sflag:s23] =	ssyncset.done $0x0  }
0x321: {  	s31 =	rddreg [dreg:$0x1a];
	[sflag:s23] =	ssyncadd.s32 $0xFFFFD800  }
0x322: {  	[hbm4b:s31+s0] =	stream.linear.scatter [tilespmem:s28], [sflag:$0x2], $0x2800, $0x38;
	[tilespmem:$0x1DB00] =	vst v63  }
0x323: {  	_ =	swait.ge [sflag:s23], $0x2800  }
0x324: {  	[sflag:s23] =	ssyncset.done $0x0  }
0x325: {  	s2 =	simm.s32 $0x0;
	s0 =	simm.s32 $0x40;
	[sflag:s23] =	ssyncadd.s32 $0xFFFFD800  }
.LBB2_78:
0x326: {  	p1 =	sne.s32 s0, $0x13FC0;
	[tilespmem:s2+$0x0] =	vst v0;
	s2 =	smov.u32 s0;
	s0 =	sadd.s32 $0x40, s0  }
.Ltmp64:
0x327: {  	(pc) =	sbr.rel @p1 .LBB2_78-.Ltmp64, $2  }
0x328: {  	_ =	sdelay $0x2  }
0x329: {  	s2 =	sshra.s32 s2, $0x2  }
0x32a: {  	[tilespmem:s2+$0x0] =	vst v0;
	s0 =	simm.s32 $0x40;
	s2 =	simm.s32 $0x0  }
.LBB2_80:
0x32b: {  	p1 =	sne.s32 s0, $0x13FC0;
	[tilespmem:s2+$0x5000] =	vst v0;
	s2 =	smov.u32 s0;
	s0 =	sadd.s32 $0x40, s0  }
.Ltmp65:
0x32c: {  	(pc) =	sbr.rel @p1 .LBB2_80-.Ltmp65, $2  }
0x32d: {  	_ =	sdelay $0x2  }
0x32e: {  	s2 =	sshra.s32 s2, $0x2  }
0x32f: {  	[tilespmem:s2+$0x5000] =	vst v0;
	s0 =	simm.s32 $0x40;
	s2 =	simm.s32 $0x0  }
.LBB2_82:
0x330: {  	p1 =	sne.s32 s0, $0x13FC0;
	[tilespmem:s2+$0xA000] =	vst v1;
	s2 =	smov.u32 s0;
	s0 =	sadd.s32 $0x40, s0  }
.Ltmp66:
0x331: {  	(pc) =	sbr.rel @p1 .LBB2_82-.Ltmp66, $2  }
0x332: {  	_ =	sdelay $0x2  }
0x333: {  	s2 =	sshra.s32 s2, $0x2  }
0x334: {  	[tilespmem:s2+$0xA000] =	vst v1;
	s0 =	simm.s32 $0x40;
	s2 =	simm.s32 $0x0  }
.LBB2_84:
0x335: {  	p1 =	sne.s32 s0, $0x13FC0;
	[tilespmem:s2+$0xF000] =	vst v2;
	s2 =	smov.u32 s0;
	s0 =	sadd.s32 $0x40, s0  }
.Ltmp67:
0x336: {  	(pc) =	sbr.rel @p1 .LBB2_84-.Ltmp67, $2  }
0x337: {  	_ =	sdelay $0x2  }
0x338: {  	s2 =	sshra.s32 s2, $0x2  }
.Ltmp68:
0x339: {  	(pc) =	sbr.rel .LBB2_86-.Ltmp68, $2  }
0x33a: {  	_ =	sdelay $0x2  }
0x33b: {  	[tilespmem:s2+$0xF000] =	vst v2;
	s30 =	simm.s32 $0x0;
	s31 =	simm.s32 $0x0  }
.LBB2_100:
0x33c: {  	s31 =	sadd.s32 $0x1, s31  }
0x33d: {  	p1 =	sne.s32 s31, $0x19  }
.Ltmp69:
0x33e: {  	_ = 	snop;
	(pc) =	sbr.rel @!p1 .LBB2_101-.Ltmp69, $1  }
0x33f: {  	_ =	sdelay $0x3  }
.LBB2_86:
0x340: {  	s0 =	smul.u32 $0x1900, s31;
	_ =	sdelay $0x1  }
0x341: {  	s2 =	sshrl.u32 s0, $0x3  }
0x342: {  	s3 =	sadd.s32 s9, s0;
	s2 =	sadd.s32 s8, s2  }
0x343: {  	[tilespmem:s15], [sflag:$0x1] =	stream.linear.gather [hbm4b:s2+s30], $0x1900, $0x38;
	[tilespmem:$0x1DB00] =	vst v63  }
0x344: {  	s0 =	sadd.s32 s0, s14;
	s2 =	sshrl.u32 s3, $0x3  }
0x345: {  	s0 =	sshrl.u32 s0, $0x3;
	s2 =	sadd.s32 s7, s2  }
0x346: {  	[tilespmem:s16], [sflag:$0x1] =	stream.linear.gather [hbm4b:s2+s30], $0x1900, $0x38;
	[tilespmem:$0x1DB00] =	vst v63  }
0x347: {  	s0 =	sadd.s32 s7, s0  }
0x348: {  	[tilespmem:s17], [sflag:$0x1] =	stream.linear.gather [hbm4b:s0+s30], $0x1900, $0x38;
	[tilespmem:$0x1DB00] =	vst v63  }
0x349: {  	_ =	swait.ge [sflag:s18], $0x1900  }
0x34a: {  	[sflag:s18] =	ssyncset.done $0x0  }
0x34b: {  	[sflag:s18] =	ssyncadd.s32 $0xFFFFE700  }
0x34c: {  	_ =	swait.ge [sflag:s18], $0x1900  }
.Ltmp70:
0x34d: {  	[sflag:s18] =	ssyncset.done $0x0;
	(pc) =	sbr.rel .LBB2_87-.Ltmp70, $4  }
0x34e: {  	[sflag:s18] =	ssyncadd.s32 $0xFFFFE700  }
0x34f: {  	_ =	swait.ge [sflag:s18], $0x1900  }
0x350: {  	[sflag:s18] =	ssyncset.done $0x0  }
0x351: {  	s0 =	simm.s32 $0x0;
	[sflag:s18] =	ssyncadd.s32 $0xFFFFE700  }
.LBB2_94:
0x352: {  	_ =	sdelay $0x3  }
0x353: {  	v8 =	vld.idx.msk [tilespmem:v6+s21+$0x0], $0xffff;
	_ =	sdelay $0x4  }
0x354: {  	v8 =	vmin.f32 v8, v7  }
0x355: {  	[tilespmem:v6+s21+$0x0] =	vst.idx.msk $0xffff, v8  }
0x356: {  	v8 =	vld.idx.msk [tilespmem:v6+s22+$0x0], $0xffff;
	_ =	sdelay $0x4  }
0x357: {  	v63 =	vmax.f32 v8, v7  }
0x358: {  	[tilespmem:v6+s22+$0x0] =	vst.idx.msk $0xffff, v63  }
0x359: {  	v6 =	vld.idx.msk [tilespmem:v5+s21+$0x0], $0xffff;
	_ =	sdelay $0x4  }
0x35a: {  	v6 =	vmin.f32 v6, v4  }
0x35b: {  	[tilespmem:v5+s21+$0x0] =	vst.idx.msk $0xffff, v6  }
0x35c: {  	v6 =	vld.idx.msk [tilespmem:v5+s22+$0x0], $0xffff;
	_ =	sdelay $0x4  }
0x35d: {  	v4 =	vmax.f32 v6, v4  }
0x35e: {  	[tilespmem:v5+s22+$0x0] =	vst.idx.msk $0xffff, v4  }
.LBB2_99:
0x35f: {  	s0 =	sadd.s32 $0x1, s0  }
0x360: {  	p1 =	sne.s32 s0, $0xC8  }
.Ltmp71:
0x361: {  	_ = 	snop;
	(pc) =	sbr.rel @!p1 .LBB2_100-.Ltmp71, $1  }
0x362: {  	_ =	sdelay $0x3  }
.LBB2_87:
0x363: {  	s2 =	sshll.u32 s0, $0x5  }
0x364: {  	v6 =	vld [tilespmem:s2+$0x19A00];
	_ =	sdelay $0x7  }
0x365: {  	[tilespmem:v6+s19+$0x0] =	vst.idx.msk $0xffff, v3  }
0x366: {  	v4 =	vld.idx.msk [tilespmem:v6+s19+$0x0], $0xffff;
	_ =	sdelay $0x4  }
0x367: {  	vm0 =	veq.s32 v4, v3  }
0x368: {  	v4 =	vsel vm0, $0x3F800000, v0  }
0x369: {  	(xrf0) =	vmin.scan.msk.f32 $0xffff, v4;
	_ =	sdelay $0x5  }
0x36a: {  	v4, _, _ =	vpop (xrf0)  }
0x36b: {  	(v2sf) =	vpush v4, $0xF;
	_ =	sdelay $0xb  }
0x36c: {  	v7 =	vld [tilespmem:s2+$0x16800]  }
0x36d: {  	s3 =	sand.u32 $0x1FE0, s2  }
0x36e: {  	v4 =	vld [tilespmem:s3+$0x18100]  }
0x36f: {  	v5 =	vadd.s32 $0x2800, v6;
	s3 =	spop (v2sf)  }
0x370: {  	p1 =	sgt.f32 s3, $0.0e+00  }
.Ltmp72:
0x371: {  	v8 =	vmul.f32 v7, v7;
	(pc) =	sbr.rel @p1 .LBB2_88-.Ltmp72, $4  }
0x372: {  	[tilespmem:v6+s1+$0x0] =	vst.idx.add.f32.msk $0xffff, v7  }
0x373: {  	[tilespmem:v6+s20+$0x0] =	vst.idx.add.f32.msk $0xffff, v8;
	v8 =	vmul.f32 v4, v4  }
0x374: {  	[tilespmem:v5+s1+$0x0] =	vst.idx.add.f32.msk $0xffff, v4  }
0x375: {  	[tilespmem:v5+s20+$0x0] =	vst.idx.add.f32.msk $0xffff, v8  }
.LBB2_89:
0x376: {  	v8 =	vld.idx.msk [tilespmem:v6+s21+$0x0], $0xffff;
	_ =	sdelay $0x4  }
0x377: {  	vm0 =	vlt.f32 v7, v8  }
0x378: {  	v8 =	vsel vm0, $0x3F800000, v0  }
0x379: {  	(xrf0) =	vmax.scan.msk.f32 $0xffff, v8;
	_ =	sdelay $0x5  }
0x37a: {  	v8, _, _ =	vpop (xrf0)  }
0x37b: {  	(v2sf) =	vpush v8, $0xF;
	_ =	sdelay $0xe  }
0x37c: {  	s3 =	spop (v2sf)  }
0x37d: {  	p1 =	sgt.f32 s3, $0.0e+00  }
.Ltmp73:
0x37e: {  	_ = 	snop;
	(pc) =	sbr.rel @p1 .LBB2_89-.Ltmp73, $2  }
0x37f: {  	_ =	sdelay $0x2  }
0x380: {  	[tilespmem:v6+s21+$0x0] =	vst.idx.msk vm0, v7  }
.LBB2_90:
0x381: {  	v8 =	vld.idx.msk [tilespmem:v6+s22+$0x0], $0xffff;
	_ =	sdelay $0x4  }
0x382: {  	vm0 =	vgt.f32 v7, v8  }
0x383: {  	v8 =	vsel vm0, $0x3F800000, v0  }
0x384: {  	(xrf0) =	vmax.scan.msk.f32 $0xffff, v8;
	_ =	sdelay $0x5  }
0x385: {  	v8, _, _ =	vpop (xrf0)  }
0x386: {  	(v2sf) =	vpush v8, $0xF;
	_ =	sdelay $0xe  }
0x387: {  	s3 =	spop (v2sf)  }
0x388: {  	p1 =	sgt.f32 s3, $0.0e+00  }
.Ltmp74:
0x389: {  	_ = 	snop;
	(pc) =	sbr.rel @p1 .LBB2_90-.Ltmp74, $2  }
0x38a: {  	_ =	sdelay $0x2  }
0x38b: {  	[tilespmem:v6+s22+$0x0] =	vst.idx.msk vm0, v7  }
.LBB2_91:
0x38c: {  	v6 =	vld.idx.msk [tilespmem:v5+s21+$0x0], $0xffff;
	_ =	sdelay $0x4  }
0x38d: {  	vm0 =	vlt.f32 v4, v6  }
0x38e: {  	v6 =	vsel vm0, $0x3F800000, v0  }
0x38f: {  	(xrf0) =	vmax.scan.msk.f32 $0xffff, v6;
	_ =	sdelay $0x5  }
0x390: {  	v6, _, _ =	vpop (xrf0)  }
0x391: {  	(v2sf) =	vpush v6, $0xF;
	_ =	sdelay $0xe  }
0x392: {  	s3 =	spop (v2sf)  }
0x393: {  	p1 =	sgt.f32 s3, $0.0e+00  }
.Ltmp75:
0x394: {  	_ = 	snop;
	(pc) =	sbr.rel @p1 .LBB2_91-.Ltmp75, $2  }
0x395: {  	_ =	sdelay $0x2  }
0x396: {  	[tilespmem:v5+s21+$0x0] =	vst.idx.msk vm0, v4  }
.LBB2_92:
0x397: {  	v6 =	vld.idx.msk [tilespmem:v5+s22+$0x0], $0xffff;
	_ =	sdelay $0x4  }
0x398: {  	vm0 =	vgt.f32 v4, v6  }
0x399: {  	v6 =	vsel vm0, $0x3F800000, v0  }
0x39a: {  	(xrf0) =	vmax.scan.msk.f32 $0xffff, v6;
	_ =	sdelay $0x5  }
0x39b: {  	v6, _, _ =	vpop (xrf0)  }
0x39c: {  	(v2sf) =	vpush v6, $0xF;
	_ =	sdelay $0xe  }
0x39d: {  	s3 =	spop (v2sf)  }
0x39e: {  	p1 =	sgt.f32 s3, $0.0e+00  }
.Ltmp76:
0x39f: {  	_ = 	snop;
	(pc) =	sbr.rel @p1 .LBB2_92-.Ltmp76, $2  }
0x3a0: {  	_ =	sdelay $0x2  }
0x3a1: {  	[tilespmem:v5+s22+$0x0] =	vst.idx.msk vm0, v4  }
.Ltmp77:
0x3a2: {  	_ = 	snop;
	(pc) =	sbr.rel .LBB2_93-.Ltmp77, $1  }
0x3a3: {  	_ =	sdelay $0x3  }
.LBB2_88:
0x3a4: {  	_ =	sdelay $0x3  }
0x3a5: {  	v8 =	vld.idx.msk [tilespmem:v6+s21+$0x0], $0xffff;
	_ =	sdelay $0x4  }
0x3a6: {  	v8 =	vmin.f32 v8, v7  }
0x3a7: {  	[tilespmem:v6+s21+$0x0] =	vst.idx.msk $0xffff, v8  }
0x3a8: {  	v8 =	vld.idx.msk [tilespmem:v6+s22+$0x0], $0xffff;
	_ =	sdelay $0x4  }
0x3a9: {  	v63 =	vmax.f32 v8, v7  }
0x3aa: {  	[tilespmem:v6+s22+$0x0] =	vst.idx.msk $0xffff, v63  }
0x3ab: {  	v6 =	vld.idx.msk [tilespmem:v5+s21+$0x0], $0xffff;
	_ =	sdelay $0x4  }
0x3ac: {  	v6 =	vmin.f32 v6, v4  }
0x3ad: {  	[tilespmem:v5+s21+$0x0] =	vst.idx.msk $0xffff, v6  }
0x3ae: {  	v6 =	vld.idx.msk [tilespmem:v5+s22+$0x0], $0xffff;
	_ =	sdelay $0x4  }
0x3af: {  	v4 =	vmax.f32 v6, v4  }
0x3b0: {  	[tilespmem:v5+s22+$0x0] =	vst.idx.msk $0xffff, v4  }
.LBB2_93:
0x3b1: {  	v6 =	vld [tilespmem:s2+$0x19A10];
	_ =	sdelay $0x7  }
0x3b2: {  	[tilespmem:v6+s19+$0x0] =	vst.idx.msk $0xffff, v3  }
0x3b3: {  	v4 =	vld.idx.msk [tilespmem:v6+s19+$0x0], $0xffff;
	_ =	sdelay $0x4  }
0x3b4: {  	vm0 =	veq.s32 v4, v3  }
0x3b5: {  	v4 =	vsel vm0, $0x3F800000, v0  }
0x3b6: {  	(xrf0) =	vmin.scan.msk.f32 $0xffff, v4;
	_ =	sdelay $0x5  }
0x3b7: {  	v4, _, _ =	vpop (xrf0)  }
0x3b8: {  	(v2sf) =	vpush v4, $0xF;
	_ =	sdelay $0xb  }
0x3b9: {  	v7 =	vld [tilespmem:s2+$0x16810];
	_ =	sdelay $0x1  }
0x3ba: {  	v4 =	vld [tilespmem:s2+$0x18110]  }
0x3bb: {  	v5 =	vadd.s32 $0x2800, v6;
	s3 =	spop (v2sf)  }
0x3bc: {  	p1 =	sgt.f32 s3, $0.0e+00  }
.Ltmp78:
0x3bd: {  	v8 =	vmul.f32 v7, v7;
	(pc) =	sbr.rel @p1 .LBB2_94-.Ltmp78, $4  }
0x3be: {  	[tilespmem:v6+s1+$0x0] =	vst.idx.add.f32.msk $0xffff, v7  }
0x3bf: {  	[tilespmem:v6+s20+$0x0] =	vst.idx.add.f32.msk $0xffff, v8;
	v8 =	vmul.f32 v4, v4  }
0x3c0: {  	[tilespmem:v5+s1+$0x0] =	vst.idx.add.f32.msk $0xffff, v4  }
0x3c1: {  	[tilespmem:v5+s20+$0x0] =	vst.idx.add.f32.msk $0xffff, v8  }
.LBB2_95:
0x3c2: {  	v8 =	vld.idx.msk [tilespmem:v6+s21+$0x0], $0xffff;
	_ =	sdelay $0x4  }
0x3c3: {  	vm0 =	vlt.f32 v7, v8  }
0x3c4: {  	v8 =	vsel vm0, $0x3F800000, v0  }
0x3c5: {  	(xrf0) =	vmax.scan.msk.f32 $0xffff, v8;
	_ =	sdelay $0x5  }
0x3c6: {  	v8, _, _ =	vpop (xrf0)  }
0x3c7: {  	(v2sf) =	vpush v8, $0xF;
	_ =	sdelay $0xe  }
0x3c8: {  	s2 =	spop (v2sf)  }
0x3c9: {  	p1 =	sgt.f32 s2, $0.0e+00  }
.Ltmp79:
0x3ca: {  	_ = 	snop;
	(pc) =	sbr.rel @p1 .LBB2_95-.Ltmp79, $2  }
0x3cb: {  	_ =	sdelay $0x2  }
0x3cc: {  	[tilespmem:v6+s21+$0x0] =	vst.idx.msk vm0, v7  }
.LBB2_96:
0x3cd: {  	v8 =	vld.idx.msk [tilespmem:v6+s22+$0x0], $0xffff;
	_ =	sdelay $0x4  }
0x3ce: {  	vm0 =	vgt.f32 v7, v8  }
0x3cf: {  	v8 =	vsel vm0, $0x3F800000, v0  }
0x3d0: {  	(xrf0) =	vmax.scan.msk.f32 $0xffff, v8;
	_ =	sdelay $0x5  }
0x3d1: {  	v8, _, _ =	vpop (xrf0)  }
0x3d2: {  	(v2sf) =	vpush v8, $0xF;
	_ =	sdelay $0xe  }
0x3d3: {  	s2 =	spop (v2sf)  }
0x3d4: {  	p1 =	sgt.f32 s2, $0.0e+00  }
.Ltmp80:
0x3d5: {  	_ = 	snop;
	(pc) =	sbr.rel @p1 .LBB2_96-.Ltmp80, $2  }
0x3d6: {  	_ =	sdelay $0x2  }
0x3d7: {  	[tilespmem:v6+s22+$0x0] =	vst.idx.msk vm0, v7  }
.LBB2_97:
0x3d8: {  	v6 =	vld.idx.msk [tilespmem:v5+s21+$0x0], $0xffff;
	_ =	sdelay $0x4  }
0x3d9: {  	vm0 =	vlt.f32 v4, v6  }
0x3da: {  	v6 =	vsel vm0, $0x3F800000, v0  }
0x3db: {  	(xrf0) =	vmax.scan.msk.f32 $0xffff, v6;
	_ =	sdelay $0x5  }
0x3dc: {  	v6, _, _ =	vpop (xrf0)  }
0x3dd: {  	(v2sf) =	vpush v6, $0xF;
	_ =	sdelay $0xe  }
0x3de: {  	s2 =	spop (v2sf)  }
0x3df: {  	p1 =	sgt.f32 s2, $0.0e+00  }
.Ltmp81:
0x3e0: {  	_ = 	snop;
	(pc) =	sbr.rel @p1 .LBB2_97-.Ltmp81, $2  }
0x3e1: {  	_ =	sdelay $0x2  }
0x3e2: {  	[tilespmem:v5+s21+$0x0] =	vst.idx.msk vm0, v4  }
.LBB2_98:
0x3e3: {  	v6 =	vld.idx.msk [tilespmem:v5+s22+$0x0], $0xffff;
	_ =	sdelay $0x4  }
0x3e4: {  	vm0 =	vgt.f32 v4, v6  }
0x3e5: {  	v6 =	vsel vm0, $0x3F800000, v0  }
0x3e6: {  	(xrf0) =	vmax.scan.msk.f32 $0xffff, v6;
	_ =	sdelay $0x5  }
0x3e7: {  	v6, _, _ =	vpop (xrf0)  }
0x3e8: {  	(v2sf) =	vpush v6, $0xF;
	_ =	sdelay $0xe  }
0x3e9: {  	s2 =	spop (v2sf)  }
0x3ea: {  	p1 =	sgt.f32 s2, $0.0e+00  }
.Ltmp82:
0x3eb: {  	_ = 	snop;
	(pc) =	sbr.rel @p1 .LBB2_98-.Ltmp82, $2  }
0x3ec: {  	_ =	sdelay $0x2  }
0x3ed: {  	[tilespmem:v5+s22+$0x0] =	vst.idx.msk vm0, v4  }
.Ltmp83:
0x3ee: {  	_ = 	snop;
	(pc) =	sbr.rel .LBB2_99-.Ltmp83, $1  }
0x3ef: {  	_ =	sdelay $0x3  }
.LBB2_102:
0x3f0: {  	_ =	sfence.sel $0x180000  }
0x3f1: {  	[bflag:$0x0] =	sbarrier.arrive $0xFFFF  }
0x3f2: {  	_ =	strace $0x9000004A  }
0x3f3: {  	s0 =	stileid.u32;
	[bflag:$0x2] =	sbarrier.arrive $0xFFFF  }
0x3f4: {  	p0 =	sne.s32 s0, $0x0;
	s0 =	rddreg [dreg:$0x2]  }
0x3f5: {  	s0 =	sadd.s32 @!p0 $0x100000, s0  }
0x3f6: {  	[sflag:s0] =	ssyncadd.tile.s32 @!p0 $0x1;
	_ =	shalt  }
.Lfunc_end2:
_tile_overlayer_lowered:
.L_overlay_start_2:
0x3f7: {  	(tag) =	ssettag $0x2  }
0x3f8: {  	s0 =	rddreg [dreg:$0x0];
	s2 =	stileid.u32  }
0x3f9: {  	s1 =	rddreg [dreg:$0x1];
	p0 =	sne.s32 s2, $0x0  }
0x3fa: {  	s3 =	rddreg [dreg:$0x2];
	[bflag:$0x3] =	sbarrier.arrive $0xFFFF;
	s2 =	simm.s32 @!p0 $0x1C02  }
0x3fb: {  	[timem:s3], [sflag:s2] =	dma.local @!p0 [hbm:s0], s1  }
0x3fc: {  	s0 =	simm.s32 @!p0 $0x2  }
0x3fd: {  	_ =	swait.ge @!p0 [sflag:s0], s1  }
0x3fe: {  	s1 =	ssub.s32 @!p0 $0x0, s1;
	[sflag:s0] =	ssyncset.done @!p0 $0x0  }
0x3ff: {  	[sflag:s0] =	ssyncadd.s32 @!p0 s1  }
0x400: {  	[bflag:$0x3] =	sbarrier.arrive $0xFFFF  }
0x401: {  	_ =	shalt  }

// kernel: kernel.8.cloned.1.call-start
scs
__scs_entry_jumppad:
0x0: {  	(pc) =	sbr.rel $0x88, $3  }
0x1: {  	(tag) =	ssettag $0x0;
	lr =	simm.s32 $0x1  }
0x2: {  	[smem:$0x3F90] =	sst lr;
	_ =	strace $0xD0000000  }
0x3: {  	_ = 	snop  }
0x4: {  	_ = 	snop  }
0x5: {  	_ = 	snop  }
0x6: {  	_ = 	snop  }
0x7: {  	_ = 	snop  }
__scs_overlays_trampoline_lowered:
0x8: {  	[smem:$0x3F9F] =	sst s0  }
0x9: {  	[smem:$0x3FA0] =	sst s1  }
0xa: {  	[smem:$0x3FA1] =	sst s2  }
0xb: {  	[smem:$0x3FA2] =	sst s3  }
0xc: {  	[smem:$0x3FA3] =	sst s4  }
0xd: {  	[smem:$0x3FA4] =	sst s5  }
0xe: {  	[smem:$0x3FA5] =	sst s6  }
0xf: {  	[smem:$0x3FA6] =	sst s7  }
0x10: {  	[smem:$0x3FA7] =	sst s8  }
0x11: {  	[smem:$0x3FA8] =	sst s9;
	s0 =	simm.s32 @!p0 $0x0  }
0x12: {  	s1 =	sld [smem:$0x3F8E];
	s0 =	simm.s32 @p0 $0x1  }
0x13: {  	[smem:$0x3FA9] =	sst s0;
	s0 =	simm.s32 @!p1 $0x0  }
0x14: {  	s2 =	sld [smem:$0x3F8D];
	s0 =	simm.s32 @p1 $0x1  }
0x15: {  	[smem:$0x3FAA] =	sst s0;
	s0 =	simm.s32 @!p2 $0x0  }
0x16: {  	s3 =	sld [smem:$0x3FDB];
	s0 =	simm.s32 @p2 $0x1  }
0x17: {  	s4 =	simm.s32 $0x1BF5;
	[smem:$0x3FAC] =	sst s0  }
0x18: {  	s0 =	sld [smem:$0x3F8F];
	_ =	swait.ge [sflag:s4], $0x0  }
0x19: {  	s7 =	sld [smem:$0x3F90]  }
0x1a: {  	s8 =	sadd.s32 $0xFFFFE003, lr  }
0x1b: {  	s9 =	sadd.s32 $0xFFFFFEF7, lr;
	s5 =	simm.s32 $0xFFFFFFFF;
	p2 =	slt.u32 s8, $0xFFFFF086  }
0x1c: {  	p1 =	slt.u32 s9, $0xF7A;
	s5 =	simm.s32 @!p2 $0x0  }
0x1d: {  	s5 =	simm.s32 @p1 $0x1;
	p0 =	seq.s32 s7, s2  }
0x1e: {  	s7 =	smul.u32 @!p0 $0xF7A, s2;
	p2 =	seq.s32 @!p0 s5, $0x0  }
0x1f: {  	s9 =	smul.u32 $0xF7A, s1;
	s8 =	simm.s32 @!p0 $0x1BF5;
	p2 =	por !p2, p0  }
0x20: {  	[sflag:s8] =	ssyncset.s32 @!p0 $0xFFFFF086;
	s6 =	sadd.s32 @!p0 s3, s7;
	s7 =	simm.s32 @!p0 $0x108  }
0x21: {  	s3 =	sadd.s32 s3, s9;
	s6 =	sadd.s32 @!p0 $0x88, s6;
	s7 =	simm.s32 @p2 $0x1082  }
0x22: {  	[simem:s7], [sflag:s8] =	dma.local @!p0 [hbm:s6], $0xF7A  }
0x23: {  	s9 =	sor.u32 $0xD0000000, s2;
	s6 =	simm.s32 $0x108;
	_ =	swait.ge @!p0 [sflag:s8], $0x0  }
0x24: {  	s3 =	sadd.s32 $0x88, s3;
	s6 =	simm.s32 @!p1 $0x1082;
	[sflag:s4] =	ssyncset.s32 $0xFFFFF086  }
0x25: {  	[simem:s6], [sflag:s4] =	dma.local [hbm:s3], $0xF7A  }
0x26: {  	[smem:$0x3F90] =	sst s1;
	(tag) =	ssettag s2;
	_ =	strace s9  }
0x27: {  	s1 =	sld [smem:$0x3FA0]  }
0x28: {  	s2 =	sld [smem:$0x3FA1]  }
0x29: {  	s4 =	sld [smem:$0x3FA3]  }
0x2a: {  	p0 =	seq.s32 s5, $0x0;
	s5 =	sld [smem:$0x3FA4]  }
0x2b: {  	s6 =	sld [smem:$0x3FA5]  }
0x2c: {  	s7 =	sld [smem:$0x3FA6]  }
0x2d: {  	s3 =	simm.s32 $0x108;
	s8 =	sld [smem:$0x3FA7]  }
0x2e: {  	s3 =	simm.s32 @!p0 $0x1082;
	s9 =	sld [smem:$0x3FA8]  }
0x2f: {  	lr =	sadd.s32 s0, s3;
	s0 =	sld [smem:$0x3F9F]  }
0x30: {  	s3 =	sld [smem:$0x3FA2]  }
0x31: {  	[smem:$0x3FAB] =	sst s10  }
0x32: {  	s10 =	sld [smem:$0x3FA9];
	_ =	sdelay $0x3  }
0x33: {  	p0 =	seq.s32 s10, $0x1;
	s10 =	sld [smem:$0x3FAB];
	_ =	sdelay $0x3  }
0x34: {  	[smem:$0x3FAB] =	sst s10  }
0x35: {  	s10 =	sld [smem:$0x3FAA];
	_ =	sdelay $0x3  }
0x36: {  	p1 =	seq.s32 s10, $0x1;
	s10 =	sld [smem:$0x3FAB];
	_ =	sdelay $0x3  }
0x37: {  	[smem:$0x3FAB] =	sst s10  }
0x38: {  	s10 =	sld [smem:$0x3FAC]  }
0x39: {  	_ = 	snop;
	(pc) =	sbr.ind lr, $3  }
0x3a: {  	_ = 	snop  }
0x3b: {  	_ = 	snop  }
0x3c: {  	p2 =	seq.s32 s10, $0x1;
	s10 =	sld [smem:$0x3FAB]  }
0x3d: {  	_ =	shalt  }
0x3e: {  	_ =	shalt  }
0x3f: {  	_ =	shalt  }
0x40: {  	_ =	shalt  }
0x41: {  	_ =	shalt  }
0x42: {  	_ =	shalt  }
0x43: {  	_ =	shalt  }
0x44: {  	_ =	shalt  }
0x45: {  	_ =	shalt  }
0x46: {  	_ =	shalt  }
0x47: {  	_ =	shalt  }
0x48: {  	_ =	shalt  }
0x49: {  	_ =	shalt  }
0x4a: {  	_ =	shalt  }
0x4b: {  	_ =	shalt  }
0x4c: {  	_ =	shalt  }
0x4d: {  	_ =	shalt  }
0x4e: {  	_ =	shalt  }
0x4f: {  	_ =	shalt  }
0x50: {  	_ =	shalt  }
0x51: {  	_ =	shalt  }
0x52: {  	_ =	shalt  }
0x53: {  	_ =	shalt  }
0x54: {  	_ =	shalt  }
0x55: {  	_ =	shalt  }
0x56: {  	_ =	shalt  }
0x57: {  	_ =	shalt  }
0x58: {  	_ =	shalt  }
0x59: {  	_ =	shalt  }
0x5a: {  	_ =	shalt  }
0x5b: {  	_ =	shalt  }
0x5c: {  	_ =	shalt  }
0x5d: {  	_ =	shalt  }
0x5e: {  	_ =	shalt  }
0x5f: {  	_ =	shalt  }
0x60: {  	_ =	shalt  }
0x61: {  	_ =	shalt  }
0x62: {  	_ =	shalt  }
0x63: {  	_ =	shalt  }
0x64: {  	_ =	shalt  }
0x65: {  	_ =	shalt  }
0x66: {  	_ =	shalt  }
0x67: {  	_ =	shalt  }
0x68: {  	_ =	shalt  }
0x69: {  	_ =	shalt  }
0x6a: {  	_ =	shalt  }
0x6b: {  	_ =	shalt  }
0x6c: {  	_ =	shalt  }
0x6d: {  	_ =	shalt  }
0x6e: {  	_ =	shalt  }
0x6f: {  	_ =	shalt  }
0x70: {  	_ =	shalt  }
0x71: {  	_ =	shalt  }
0x72: {  	_ =	shalt  }
0x73: {  	_ =	shalt  }
0x74: {  	_ =	shalt  }
0x75: {  	_ =	shalt  }
0x76: {  	_ =	shalt  }
0x77: {  	_ =	shalt  }
0x78: {  	_ =	shalt  }
0x79: {  	_ =	shalt  }
0x7a: {  	_ =	shalt  }
0x7b: {  	_ =	shalt  }
0x7c: {  	_ =	shalt  }
0x7d: {  	_ =	shalt  }
0x7e: {  	_ =	shalt  }
0x7f: {  	_ =	shalt  }
0x80: {  	_ =	shalt  }
0x81: {  	_ =	shalt  }
0x82: {  	_ =	shalt  }
0x83: {  	_ =	shalt  }
0x84: {  	_ =	shalt  }
0x85: {  	_ =	shalt  }
0x86: {  	_ =	shalt  }
0x87: {  	_ =	shalt  }
.Lfunc_end0:
.L_simem_size_0:
called_computation_lowered:
.L_overlay_start_0:
0x88: {  	s2 =	sld [smem:$0x3FD9]  }
0x89: {  	s3 =	sld [smem:$0x3FFE];
	_ =	sdelay $0x1  }
0x8a: {  	s1 =	srdreg.scid  }
0x8b: {  	s0 =	sand.u32 $0x1, s1  }
0x8c: {  	s17 =	sshll.u32 s0, $0xA;
	s2 =	sadd.s32 s3, s2  }
0x8d: {  	s2 =	sadd.s32 s2, s17  }
0x8e: {  	[smem:$0x3FB7] =	sst s2  }
0x8f: {  	_ = 	snop  }
0x90: {  	s2 =	sld [smem:$0x3FD0];
	(tm) =	ssettm $0x1  }
0x91: {  	s18 =	sld [smem:$0x3FFB];
	_ =	sdelay $0x3  }
0x92: {  	_ =	strace s18  }
0x93: {  	s3 =	sld [smem:$0x3FFC];
	_ =	sdelay $0x3  }
0x94: {  	_ =	strace s3  }
0x95: {  	s3 =	sld [smem:$0x3FFD];
	_ =	sdelay $0x3  }
0x96: {  	_ =	strace s3  }
0x97: {  	_ =	strace $0x8FFFFFFF  }
0x98: {  	s19 =	sld [smem:$0x3FDB];
	_ =	sdelay $0x1  }
0x99: {  	s4 =	simm.s32 $_scs_section_size  }
0x9a: {  	s5 =	simm.s32 $_size__tile_overlayer_lowered;
	s6 =	simm.s32 $_tile_overlayer_lowered  }
0x9b: {  	s22 =	simm.s32 $0x1BFF;
	s21 =	sshll.u32 s6, $0x1;
	s3 =	sadd.s32 s4, s19  }
0x9c: {  	s7 =	simm.s32 $0x0;
	s20 =	sshll.u32 s5, $0x1;
	s5 =	sadd.s32 s21, s3  }
0x9d: {  	[timem:s7], [sflag:s22] =	dma.local [hbm:s5], s20  }
0x9e: {  	_ =	swait.ge [sflag:s22], s20  }
0x9f: {  	s4 =	ssub.s32 $0x0, s20;
	[sflag:s22] =	ssyncset.done $0x0  }
0xa0: {  	[sflag:s22] =	ssyncadd.s32 s4;
	_ =	sdelay $0x1  }
0xa1: {  	s23 =	simm.s32 $0x1B8B  }
0xa2: {  	_ =	swait.ge [sflag:s23], $0x1  }
0xa3: {  	[sflag:s23] =	ssyncset.done $0x0  }
0xa4: {  	s25 =	simm.s32 $0x1B8E;
	s24 =	sld [smem:$0x3FFE];
	[sflag:s23] =	ssyncadd.s32 $0xFFFFFFFF  }
0xa5: {  	s26 =	simm.s32 $execute0_lowered;
	[smem:$0x3FD2] =	sst s25  }
0xa6: {  	s5 =	sshll.u32 s26, $0x1;
	_ =	strace $0x80000046;
	[dreg:$0x1] =	wrdreg $0xFFFFFFFF  }
0xa7: {  	s28 =	simm.s32 $_size_execute0_lowered;
	s3 =	sadd.s32 s3, s5;
	[dreg:$0x0] =	wrdreg $0x0  }
0xa8: {  	s5 =	sshll.u32 s28, $0x1;
	[dreg:$0x2] =	wrdreg s3  }
0xa9: {  	[dreg:$0x3] =	wrdreg s5  }
0xaa: {  	[dreg:$0x4] =	wrdreg $0xC0  }
0xab: {  	_ =	task [dreg:s7], $0x5FFFF  }
0xac: {  	[dreg:$0x1] =	wrdreg $0xFFFFFFFF  }
0xad: {  	[dreg:$0x0] =	wrdreg $0x60  }
0xae: {  	[dreg:$0x2] =	wrdreg s2  }
0xaf: {  	[dreg:$0x3] =	wrdreg s24  }
0xb0: {  	[dreg:$0x4] =	wrdreg $0x9  }
0xb1: {  	_ =	task.clear_ibuf [dreg:s7], $0x5FFFF;
	_ =	strace $0x90000046  }
0xb2: {  	s29 =	simm.s32 $0x9;
	_ =	strace $0x80000048  }
0xb3: {  	_ =	swait.ge [sflag:s29], $0x1  }
0xb4: {  	[sflag:s29] =	ssyncadd.s32 $0xFFFFFFFF  }
0xb5: {  	_ =	strace $0x90000048  }
0xb6: {  	_ =	sfence  }
0xb7: {  	s30 =	sld [smem:$0x0];
	_ =	sdelay $0x2  }
0xb8: {  	s31 =	sshll.u32 s1, $0xD;
	s1 =	sshrl.u32 s1, $0x2  }
0xb9: {  	s3 =	sand.u32 $0x4000, s31;
	s1 =	sadd.s32 s1, s30  }
0xba: {  	s0 =	sor.u32 s3, s0;
	s1 =	sshll.u32 s1, $0x11  }
0xbb: {  	s0 =	sor.u32 s1, s0  }
0xbc: {  	s0 =	sadd.s32 $0x8F2B, s0  }
0xbd: {  	[sflag:s0] =	ssyncadd.remote.s32 $0x1  }
0xbe: {  	_ =	sfence.sel $0xFFFF  }
0xbf: {  	[dreg:$0x0] =	wrdreg $0xFFFFFFFF;
	(pc) =	sbr.abs _section_cstart, $3  }
0xc0: {  	[dreg:$0x1] =	wrdreg $0xFFFFFFFF  }
0xc1: {  	_ =	task.clear_ibuf [dreg:s7], $0x2FFFF;
	_ =	strace $0x9FFFFFFF  }
0xc2: {  	(tm) =	ssettm $0x7FFFFFFF  }
0xc3: {  	_ =	shalt  }
tec
execute0_lowered:
.L_overlay_start_1:
0x0: {  	(tag) =	ssettag $0x1  }
0x1: {  	s1 =	rddreg [dreg:$0x0]  }
0x2: {  	s0 =	rddreg [dreg:$0x1];
	s3 =	simm.s32 $0x0;
	s2 =	srdreg.scid  }
0x3: {  	s7 =	stileid.u32;
	s20 =	simm.s32 $0x6000;
	s21 =	simm.s32 $0x6800  }
0x4: {  	s22 =	simm.s32 $0x7000;
	s23 =	simm.s32 $0x7800;
	s24 =	simm.s32 $0x8800  }
0x5: {  	s25 =	simm.s32 $0x9000;
	s26 =	simm.s32 $0x9800;
	s28 =	simm.s32 $0xA000  }
0x6: {  	s29 =	simm.s32 $0x1;
	[smem:$0x7FF] =	sst s3;
	s6 =	sadd.s32 $0xA200, s0  }
0x7: {  	s12 =	sadd.s32 $0x5200, s0;
	_ =	strace $0x80000047;
	[dreg:$0xa] =	wrdreg s6  }
0x8: {  	s30 =	simm.s32 $0x2;
	s8 =	sadd.s32 $0x5D400, s0;
	[dreg:$0xb] =	wrdreg s12  }
0x9: {  	s31 =	simm.s32 $0x3;
	s2 =	sand.u32 $0x1, s2;
	[dreg:$0xd] =	wrdreg s8  }
0xa: {  	s5 =	sshll.u32 s7, $0x1;
	s4 =	sadd.s32 $0xF200, s0;
	[dreg:$0x3] =	wrdreg s20  }
0xb: {  	s10 =	smul.u32 $0x4E200, s7;
	s15 =	sadd.s32 $0x53F400, s0;
	[dreg:$0x4] =	wrdreg s21  }
0xc: {  	s5 =	sor.u32 s2, s5;
	s13 =	ssub.s32 $0x2, s2;
	[dreg:$0x5] =	wrdreg s22  }
0xd: {  	s2 =	smul.u32 $0x27100, s2;
	s9 =	smov.u32 s15;
	[dreg:$0x6] =	wrdreg s23  }
0xe: {  	s20 =	simm.s32 $0x3000;
	s21 =	simm.s32 $0x3800;
	[dreg:$0x7] =	wrdreg s24  }
0xf: {  	s22 =	simm.s32 $0x4000;
	s23 =	simm.s32 $0x4800;
	[dreg:$0x8] =	wrdreg s25  }
0x10: {  	s24 =	simm.s32 $0x5000;
	[dreg:$0x9] =	wrdreg s26;
	s25 =	simm.s32 $0x5800  }
0x11: {  	s26 =	simm.s32 $0x8000;
	s5 =	smul.u32 $0x1388, s5;
	s14 =	sshrl.u32 s13, $0x1  }
0x12: {  	s17 =	sadd.s32 s10, s8;
	s18 =	sadd.s32 s10, s15;
	s15 =	simm.s32 $0x800  }
0x13: {  	s16 =	ssub.s32 s13, s14;
	s19 =	sadd.s32 s2, s18;
	s13 =	simm.s32 $0x5  }
0x14: {  	s18 =	simm.s32 $0x2000;
	[dreg:$0xc] =	wrdreg s5;
	s0 =	smax.u32 s16, $0x1  }
0x15: {  	v2 =	vlaneseq.u32;
	[dreg:$0x10] =	wrdreg s19;
	s16 =	simm.s32 $0x1000;
	s19 =	simm.s32 $0x2800  }
0x16: {  	vm0 =	vmmov $0xffff;
	v1 =	vshrl.u32 v2, $0x3;
	s5 =	simm.s32 $0x0;
	[dreg:$0xe] =	wrdreg s0;
	s0 =	sadd.s32 s2, s17  }
0x17: {  	v0 =	vand.u32 $0x7, v2;
	v2 =	vor.u32 $0x8, v2;
	v1 =	vmul.u32 $0x8, v1;
	s17 =	simm.s32 $0x1800;
	[dreg:$0xf] =	wrdreg s0;
	s0 =	simm.s32 $0x4  }
.LBB2_1:
0x18: {  	[dreg:$0x11] =	wrdreg s5  }
0x19: {  	s12 =	rddreg [dreg:$0x10]  }
0x1a: {  	s11 =	rddreg [dreg:$0xf];
	s10 =	simm.s32 $0x0  }
.LBB2_2:
0x1b: {  	s2 =	smul.u32 $0x3E8, s10  }
0x1c: {  	s5 =	rddreg [dreg:$0xc]  }
0x1d: {  	s2 =	sadd.s32 s5, s2  }
0x1e: {  	s6 =	rddreg [dreg:$0xa];
	s5 =	sshrl.u32 s2, $0x3  }
0x1f: {  	s14 =	simm.s32 $0x0;
	s6 =	sadd.s32 s6, s5  }
0x20: {  	[tilespmem:s14], [sflag:$0x5] =	stream.linear.gather [hbm4b:s6+s14], $0x3E8, $0x38;
	[tilespmem:$0xA800] =	vst v63  }
0x21: {  	_ =	swait.ge [sflag:s13], $0x3E8  }
0x22: {  	[sflag:s13] =	ssyncset.done $0x0;
	s7 =	rddreg [dreg:$0xb]  }
0x23: {  	s8 =	simm.s32 $0x400;
	[sflag:s13] =	ssyncadd.s32 $0xFFFFFC18;
	s5 =	sadd.s32 s7, s5  }
0x24: {  	[tilespmem:s8], [sflag:$0x5] =	stream.linear.gather [hbm4b:s5+s14], $0x3E8, $0x38;
	[tilespmem:$0xA800] =	vst v63  }
0x25: {  	_ =	swait.ge [sflag:s13], $0x3E8  }
0x26: {  	[sflag:s13] =	ssyncset.done $0x0  }
0x27: {  	s6 =	simm.s32 $0x428;
	s5 =	simm.s32 $0x28;
	[sflag:s13] =	ssyncadd.s32 $0xFFFFFC18  }
.LBB2_3:
0x28: {  	v3 =	vld [tilespmem:s5+$0xFFFFFFD8];
	_ =	sdelay $0x4  }
0x29: {  	v4 =	vshll.u32 v3, $0x1  }
0x2a: {  	v3 =	vand.u32 $0x7, v3;
	v4 =	vand.u32 $0xFFFFFFF0, v4  }
0x2b: {  	v3 =	vor.u32 v3, v4  }
0x2c: {  	v4 =	vperm.xlane v3, v0;
	_ =	sdelay $0x1  }
0x2d: {  	v3 =	vperm.xlane v3, v2;
	v4 =	vadd.s32 v1, v4;
	_ =	sdelay $0x1  }
0x2e: {  	v3 =	vadd.s32 v1, v3;
	_ =	sdelay $0x2  }
0x2f: {  	[tilespmem:s15], [sflag:$0x1] =	stream.indirect_vreg.gather [hbm4b:s1+s3], $0x80, v4, vm0, $0xb8;
	[tilespmem:$0xA800] =	vst v63  }
0x30: {  	_ = 	snop  }
0x31: {  	[tilespmem:s16], [sflag:$0x1] =	stream.indirect_vreg.gather [hbm4b:s1+s3], $0x80, v3, vm0, $0xb8;
	[tilespmem:$0xA800] =	vst v63  }
0x32: {  	v3 =	vld [tilespmem:s5+$0xFFFFFFE8];
	_ =	sdelay $0x4  }
0x33: {  	v53 =	vshll.u32 v3, $0x1  }
0x34: {  	v3 =	vand.u32 $0x7, v3;
	v4 =	vand.u32 $0xFFFFFFF0, v53  }
0x35: {  	v3 =	vor.u32 v3, v4  }
0x36: {  	v4 =	vperm.xlane v3, v0;
	_ =	sdelay $0x1  }
0x37: {  	v3 =	vperm.xlane v3, v2;
	v4 =	vadd.s32 v1, v4;
	_ =	sdelay $0x1  }
0x38: {  	v3 =	vadd.s32 v1, v3;
	_ =	sdelay $0x2  }
0x39: {  	[tilespmem:s17], [sflag:$0x1] =	stream.indirect_vreg.gather [hbm4b:s1+s3], $0x80, v4, vm0, $0xb8;
	[tilespmem:$0xA800] =	vst v63  }
0x3a: {  	_ = 	snop  }
0x3b: {  	[tilespmem:s18], [sflag:$0x1] =	stream.indirect_vreg.gather [hbm4b:s1+s3], $0x80, v3, vm0, $0xb8;
	[tilespmem:$0xA800] =	vst v63  }
0x3c: {  	v3 =	vld.msk [tilespmem:s5+$0xFFFFFFF8], $0xff;
	_ =	sdelay $0x4  }
0x3d: {  	v54 =	vshll.u32 v3, $0x1  }
0x3e: {  	v3 =	vand.u32 $0x7, v3;
	v4 =	vand.u32 $0xFFFFFFF0, v54  }
0x3f: {  	v3 =	vor.u32 v3, v4  }
0x40: {  	v3 =	vperm.xlane v3, v0;
	_ =	sdelay $0x1  }
0x41: {  	v3 =	vadd.s32 v1, v3;
	_ =	sdelay $0x4  }
0x42: {  	[tilespmem:s19], [sflag:$0x1] =	stream.indirect_vreg.gather [hbm4b:s1+s3], $0x80, v3, vm0, $0xb8;
	[tilespmem:$0xA800] =	vst v63  }
0x43: {  	v3 =	vld [tilespmem:s6+$0xFFFFFFD8];
	_ =	sdelay $0x4  }
0x44: {  	v55 =	vshll.u32 v3, $0x1  }
0x45: {  	v3 =	vand.u32 $0x7, v3;
	v4 =	vand.u32 $0xFFFFFFF0, v55  }
0x46: {  	v3 =	vor.u32 v3, v4  }
0x47: {  	v4 =	vperm.xlane v3, v0;
	_ =	sdelay $0x1  }
0x48: {  	v3 =	vperm.xlane v3, v2;
	v4 =	vadd.s32 v1, v4;
	_ =	sdelay $0x1  }
0x49: {  	v3 =	vadd.s32 v1, v3;
	_ =	sdelay $0x2  }
0x4a: {  	[tilespmem:s20], [sflag:$0x2] =	stream.indirect_vreg.gather [hbm4b:s4+s3], $0x80, v4, vm0, $0xb8;
	[tilespmem:$0xA800] =	vst v63  }
0x4b: {  	_ = 	snop  }
0x4c: {  	[tilespmem:s21], [sflag:$0x2] =	stream.indirect_vreg.gather [hbm4b:s4+s3], $0x80, v3, vm0, $0xb8;
	[tilespmem:$0xA800] =	vst v63  }
0x4d: {  	v3 =	vld [tilespmem:s6+$0xFFFFFFE8];
	_ =	sdelay $0x4  }
0x4e: {  	v56 =	vshll.u32 v3, $0x1  }
0x4f: {  	v3 =	vand.u32 $0x7, v3;
	v4 =	vand.u32 $0xFFFFFFF0, v56  }
0x50: {  	v3 =	vor.u32 v3, v4  }
0x51: {  	v4 =	vperm.xlane v3, v0;
	_ =	sdelay $0x1  }
0x52: {  	v3 =	vperm.xlane v3, v2;
	v4 =	vadd.s32 v1, v4;
	_ =	sdelay $0x1  }
0x53: {  	v3 =	vadd.s32 v1, v3;
	_ =	sdelay $0x2  }
0x54: {  	[tilespmem:s22], [sflag:$0x2] =	stream.indirect_vreg.gather [hbm4b:s4+s3], $0x80, v4, vm0, $0xb8;
	[tilespmem:$0xA800] =	vst v63  }
0x55: {  	_ = 	snop  }
0x56: {  	[tilespmem:s23], [sflag:$0x2] =	stream.indirect_vreg.gather [hbm4b:s4+s3], $0x80, v3, vm0, $0xb8;
	[tilespmem:$0xA800] =	vst v63  }
0x57: {  	v3 =	vld.msk [tilespmem:s6+$0xFFFFFFF8], $0xff;
	_ =	sdelay $0x4  }
0x58: {  	v57 =	vshll.u32 v3, $0x1  }
0x59: {  	v3 =	vand.u32 $0x7, v3;
	v4 =	vand.u32 $0xFFFFFFF0, v57  }
0x5a: {  	v3 =	vor.u32 v3, v4  }
0x5b: {  	v3 =	vperm.xlane v3, v0;
	_ =	sdelay $0x1  }
0x5c: {  	v3 =	vadd.s32 v1, v3;
	_ =	sdelay $0x4  }
0x5d: {  	[tilespmem:s24], [sflag:$0x2] =	stream.indirect_vreg.gather [hbm4b:s4+s3], $0x80, v3, vm0, $0xb8;
	[tilespmem:$0xA800] =	vst v63  }
0x5e: {  	v3 =	vld [tilespmem:s5+$0x0];
	_ =	sdelay $0x4  }
0x5f: {  	v58 =	vshll.u32 v3, $0x1  }
0x60: {  	v3 =	vand.u32 $0x7, v3;
	v4 =	vand.u32 $0xFFFFFFF0, v58  }
0x61: {  	v3 =	vor.u32 v3, v4  }
0x62: {  	v4 =	vperm.xlane v3, v0;
	_ =	sdelay $0x1  }
0x63: {  	v3 =	vperm.xlane v3, v2;
	v4 =	vadd.s32 v1, v4;
	_ =	sdelay $0x1  }
0x64: {  	v3 =	vadd.s32 v1, v3;
	_ =	sdelay $0x2  }
0x65: {  	[tilespmem:s25], [sflag:$0x3] =	stream.indirect_vreg.gather [hbm4b:s1+s3], $0x80, v4, vm0, $0xb8;
	[tilespmem:$0xA800] =	vst v63  }
0x66: {  	s7 =	rddreg [dreg:$0x3]  }
0x67: {  	[tilespmem:s7], [sflag:$0x3] =	stream.indirect_vreg.gather [hbm4b:s1+s3], $0x80, v3, vm0, $0xb8;
	[tilespmem:$0xA800] =	vst v63  }
0x68: {  	v3 =	vld [tilespmem:s5+$0x10];
	_ =	sdelay $0x4  }
0x69: {  	v59 =	vshll.u32 v3, $0x1  }
0x6a: {  	v3 =	vand.u32 $0x7, v3;
	v4 =	vand.u32 $0xFFFFFFF0, v59  }
0x6b: {  	v3 =	vor.u32 v3, v4  }
0x6c: {  	v4 =	vperm.xlane v3, v0;
	_ =	sdelay $0x1  }
0x6d: {  	v3 =	vperm.xlane v3, v2;
	v4 =	vadd.s32 v1, v4;
	_ =	sdelay $0x1  }
0x6e: {  	v3 =	vadd.s32 v1, v3;
	_ =	sdelay $0x1  }
0x6f: {  	s7 =	rddreg [dreg:$0x4]  }
0x70: {  	[tilespmem:s7], [sflag:$0x3] =	stream.indirect_vreg.gather [hbm4b:s1+s3], $0x80, v4, vm0, $0xb8;
	[tilespmem:$0xA800] =	vst v63  }
0x71: {  	s8 =	rddreg [dreg:$0x5]  }
0x72: {  	[tilespmem:s8], [sflag:$0x3] =	stream.indirect_vreg.gather [hbm4b:s1+s3], $0x80, v3, vm0, $0xb8;
	[tilespmem:$0xA800] =	vst v63  }
0x73: {  	v3 =	vld.msk [tilespmem:s5+$0x20], $0xff;
	_ =	sdelay $0x4  }
0x74: {  	v60 =	vshll.u32 v3, $0x1  }
0x75: {  	v3 =	vand.u32 $0x7, v3;
	v4 =	vand.u32 $0xFFFFFFF0, v60  }
0x76: {  	v3 =	vor.u32 v3, v4  }
0x77: {  	v3 =	vperm.xlane v3, v0;
	_ =	sdelay $0x1  }
0x78: {  	v3 =	vadd.s32 v1, v3;
	_ =	sdelay $0x3  }
0x79: {  	s8 =	rddreg [dreg:$0x6]  }
0x7a: {  	[tilespmem:s8], [sflag:$0x3] =	stream.indirect_vreg.gather [hbm4b:s1+s3], $0x80, v3, vm0, $0xb8;
	[tilespmem:$0xA800] =	vst v63  }
0x7b: {  	v3 =	vld [tilespmem:s6+$0x0];
	_ =	sdelay $0x4  }
0x7c: {  	v61 =	vshll.u32 v3, $0x1  }
0x7d: {  	v3 =	vand.u32 $0x7, v3;
	v4 =	vand.u32 $0xFFFFFFF0, v61  }
0x7e: {  	v3 =	vor.u32 v3, v4  }
0x7f: {  	v4 =	vperm.xlane v3, v0;
	_ =	sdelay $0x1  }
0x80: {  	v3 =	vperm.xlane v3, v2;
	v4 =	vadd.s32 v1, v4;
	_ =	sdelay $0x1  }
0x81: {  	v3 =	vadd.s32 v1, v3;
	_ =	sdelay $0x2  }
0x82: {  	[tilespmem:s26], [sflag:$0x4] =	stream.indirect_vreg.gather [hbm4b:s4+s3], $0x80, v4, vm0, $0xb8;
	[tilespmem:$0xA800] =	vst v63  }
0x83: {  	s8 =	rddreg [dreg:$0x7]  }
0x84: {  	[tilespmem:s8], [sflag:$0x4] =	stream.indirect_vreg.gather [hbm4b:s4+s3], $0x80, v3, vm0, $0xb8;
	[tilespmem:$0xA800] =	vst v63  }
0x85: {  	v3 =	vld [tilespmem:s6+$0x10];
	_ =	sdelay $0x4  }
0x86: {  	v62 =	vshll.u32 v3, $0x1  }
0x87: {  	v3 =	vand.u32 $0x7, v3;
	v4 =	vand.u32 $0xFFFFFFF0, v62  }
0x88: {  	v3 =	vor.u32 v3, v4  }
0x89: {  	v4 =	vperm.xlane v3, v0;
	_ =	sdelay $0x1  }
0x8a: {  	v3 =	vperm.xlane v3, v2;
	v4 =	vadd.s32 v1, v4;
	_ =	sdelay $0x1  }
0x8b: {  	v3 =	vadd.s32 v1, v3;
	_ =	sdelay $0x1  }
0x8c: {  	s7 =	rddreg [dreg:$0x8]  }
0x8d: {  	[tilespmem:s7], [sflag:$0x4] =	stream.indirect_vreg.gather [hbm4b:s4+s3], $0x80, v4, vm0, $0xb8;
	[tilespmem:$0xA800] =	vst v63  }
0x8e: {  	s8 =	rddreg [dreg:$0x9]  }
0x8f: {  	[tilespmem:s8], [sflag:$0x4] =	stream.indirect_vreg.gather [hbm4b:s4+s3], $0x80, v3, vm0, $0xb8;
	[tilespmem:$0xA800] =	vst v63  }
0x90: {  	v3 =	vld.msk [tilespmem:s6+$0x20], $0xff;
	_ =	sdelay $0x4  }
0x91: {  	v63 =	vshll.u32 v3, $0x1  }
0x92: {  	v3 =	vand.u32 $0x7, v3;
	v4 =	vand.u32 $0xFFFFFFF0, v63  }
0x93: {  	v3 =	vor.u32 v3, v4  }
0x94: {  	v3 =	vperm.xlane v3, v0;
	_ =	sdelay $0x1  }
0x95: {  	v3 =	vadd.s32 v1, v3;
	_ =	sdelay $0x4  }
0x96: {  	[tilespmem:s28], [sflag:$0x4] =	stream.indirect_vreg.gather [hbm4b:s4+s3], $0x80, v3, vm0, $0xb8;
	[tilespmem:$0xA800] =	vst v63  }
0x97: {  	_ =	swait.ge [sflag:s29], $0x2800  }
0x98: {  	[sflag:s29] =	ssyncset.done $0x0  }
0x99: {  	[sflag:s29] =	ssyncadd.s32 $0xFFFFD800  }
0x9a: {  	_ =	swait.ge [sflag:s30], $0x2800  }
0x9b: {  	[sflag:s30] =	ssyncset.done $0x0  }
0x9c: {  	s7 =	sadd.s32 s14, s11;
	[sflag:s30] =	ssyncadd.s32 $0xFFFFD800  }
0x9d: {  	[hbm4b:s7+s3] =	stream.linear.scatter [tilespmem:s15], [sflag:$0x1], $0x2800, $0x38;
	[tilespmem:$0xA800] =	vst v63  }
0x9e: {  	s8 =	sadd.s32 s14, s12  }
0x9f: {  	[hbm4b:s8+s3] =	stream.linear.scatter [tilespmem:s20], [sflag:$0x2], $0x2800, $0x38;
	[tilespmem:$0xA800] =	vst v63  }
0xa0: {  	_ =	swait.ge [sflag:s31], $0x2800  }
0xa1: {  	[sflag:s31] =	ssyncset.done $0x0  }
0xa2: {  	[sflag:s31] =	ssyncadd.s32 $0xFFFFD800  }
0xa3: {  	_ =	swait.ge [sflag:s0], $0x2800  }
0xa4: {  	[sflag:s0] =	ssyncset.done $0x0  }
0xa5: {  	s7 =	sadd.s32 $0x500, s7;
	[sflag:s0] =	ssyncadd.s32 $0xFFFFD800  }
0xa6: {  	[hbm4b:s7+s3] =	stream.linear.scatter [tilespmem:s25], [sflag:$0x3], $0x2800, $0x38;
	[tilespmem:$0xA800] =	vst v63  }
0xa7: {  	s8 =	sadd.s32 $0x500, s8  }
0xa8: {  	[hbm4b:s8+s3] =	stream.linear.scatter [tilespmem:s26], [sflag:$0x4], $0x2800, $0x38;
	[tilespmem:$0xA800] =	vst v63  }
0xa9: {  	_ =	swait.ge [sflag:s29], $0x2800  }
0xaa: {  	[sflag:s29] =	ssyncset.done $0x0  }
0xab: {  	[sflag:s29] =	ssyncadd.s32 $0xFFFFD800  }
0xac: {  	_ =	swait.ge [sflag:s30], $0x2800  }
0xad: {  	[sflag:s30] =	ssyncset.done $0x0  }
0xae: {  	[sflag:s30] =	ssyncadd.s32 $0xFFFFD800  }
0xaf: {  	p0 =	sne.s32 s14, $0x6E00;
	_ =	swait.ge [sflag:s31], $0x2800  }
.Ltmp0:
0xb0: {  	[sflag:s31] =	ssyncset.done $0x0;
	(pc) =	sbr.rel @p0 .LBB2_3-.Ltmp0, $4  }
0xb1: {  	[sflag:s31] =	ssyncadd.s32 $0xFFFFD800  }
0xb2: {  	_ =	swait.ge [sflag:s0], $0x2800  }
0xb3: {  	s5 =	sadd.s32 $0x50, s5;
	[sflag:s0] =	ssyncset.done $0x0  }
0xb4: {  	s14 =	sadd.s32 $0xA00, s14;
	s6 =	sadd.s32 $0x50, s6;
	[sflag:s0] =	ssyncadd.s32 $0xFFFFD800  }
0xb5: {  	v3 =	vld [tilespmem:$0x3C0];
	_ =	sdelay $0x4  }
0xb6: {  	v4 =	vshll.u32 v3, $0x1  }
0xb7: {  	v3 =	vand.u32 $0x7, v3;
	v4 =	vand.u32 $0xFFFFFFF0, v4  }
0xb8: {  	v3 =	vor.u32 v3, v4  }
0xb9: {  	v4 =	vperm.xlane v3, v0;
	_ =	sdelay $0x1  }
0xba: {  	v3 =	vperm.xlane v3, v2;
	v4 =	vadd.s32 v1, v4;
	_ =	sdelay $0x1  }
0xbb: {  	v3 =	vadd.s32 v1, v3;
	_ =	sdelay $0x2  }
0xbc: {  	[tilespmem:s15], [sflag:$0x1] =	stream.indirect_vreg.gather [hbm4b:s1+s3], $0x80, v4, vm0, $0xb8;
	[tilespmem:$0xA800] =	vst v63  }
0xbd: {  	_ = 	snop  }
0xbe: {  	[tilespmem:s16], [sflag:$0x1] =	stream.indirect_vreg.gather [hbm4b:s1+s3], $0x80, v3, vm0, $0xb8;
	[tilespmem:$0xA800] =	vst v63  }
0xbf: {  	v3 =	vld [tilespmem:$0x3D0];
	_ =	sdelay $0x4  }
0xc0: {  	v59 =	vshll.u32 v3, $0x1  }
0xc1: {  	v3 =	vand.u32 $0x7, v3;
	v4 =	vand.u32 $0xFFFFFFF0, v59  }
0xc2: {  	v3 =	vor.u32 v3, v4  }
0xc3: {  	v4 =	vperm.xlane v3, v0;
	_ =	sdelay $0x1  }
0xc4: {  	v3 =	vperm.xlane v3, v2;
	v4 =	vadd.s32 v1, v4;
	_ =	sdelay $0x1  }
0xc5: {  	v3 =	vadd.s32 v1, v3;
	_ =	sdelay $0x2  }
0xc6: {  	[tilespmem:s17], [sflag:$0x1] =	stream.indirect_vreg.gather [hbm4b:s1+s3], $0x80, v4, vm0, $0xb8;
	[tilespmem:$0xA800] =	vst v63  }
0xc7: {  	_ = 	snop  }
0xc8: {  	[tilespmem:s18], [sflag:$0x1] =	stream.indirect_vreg.gather [hbm4b:s1+s3], $0x80, v3, vm0, $0xb8;
	[tilespmem:$0xA800] =	vst v63  }
0xc9: {  	v3 =	vld.msk [tilespmem:$0x3E0], $0xff;
	_ =	sdelay $0x4  }
0xca: {  	v60 =	vshll.u32 v3, $0x1  }
0xcb: {  	v3 =	vand.u32 $0x7, v3;
	v4 =	vand.u32 $0xFFFFFFF0, v60  }
0xcc: {  	v3 =	vor.u32 v3, v4  }
0xcd: {  	v3 =	vperm.xlane v3, v0;
	_ =	sdelay $0x1  }
0xce: {  	v3 =	vadd.s32 v1, v3;
	_ =	sdelay $0x4  }
0xcf: {  	[tilespmem:s19], [sflag:$0x1] =	stream.indirect_vreg.gather [hbm4b:s1+s3], $0x80, v3, vm0, $0xb8;
	[tilespmem:$0xA800] =	vst v63  }
0xd0: {  	v3 =	vld [tilespmem:$0x7C0];
	_ =	sdelay $0x4  }
0xd1: {  	v61 =	vshll.u32 v3, $0x1  }
0xd2: {  	v3 =	vand.u32 $0x7, v3;
	v4 =	vand.u32 $0xFFFFFFF0, v61  }
0xd3: {  	v3 =	vor.u32 v3, v4  }
0xd4: {  	v4 =	vperm.xlane v3, v0;
	_ =	sdelay $0x1  }
0xd5: {  	v3 =	vperm.xlane v3, v2;
	v4 =	vadd.s32 v1, v4;
	_ =	sdelay $0x1  }
0xd6: {  	v3 =	vadd.s32 v1, v3;
	_ =	sdelay $0x2  }
0xd7: {  	[tilespmem:s20], [sflag:$0x2] =	stream.indirect_vreg.gather [hbm4b:s4+s3], $0x80, v4, vm0, $0xb8;
	[tilespmem:$0xA800] =	vst v63  }
0xd8: {  	_ = 	snop  }
0xd9: {  	[tilespmem:s21], [sflag:$0x2] =	stream.indirect_vreg.gather [hbm4b:s4+s3], $0x80, v3, vm0, $0xb8;
	[tilespmem:$0xA800] =	vst v63  }
0xda: {  	v3 =	vld [tilespmem:$0x7D0];
	_ =	sdelay $0x4  }
0xdb: {  	v62 =	vshll.u32 v3, $0x1  }
0xdc: {  	v3 =	vand.u32 $0x7, v3;
	v4 =	vand.u32 $0xFFFFFFF0, v62  }
0xdd: {  	v3 =	vor.u32 v3, v4  }
0xde: {  	v4 =	vperm.xlane v3, v0;
	_ =	sdelay $0x1  }
0xdf: {  	v3 =	vperm.xlane v3, v2;
	v4 =	vadd.s32 v1, v4;
	_ =	sdelay $0x1  }
0xe0: {  	v3 =	vadd.s32 v1, v3;
	_ =	sdelay $0x2  }
0xe1: {  	[tilespmem:s22], [sflag:$0x2] =	stream.indirect_vreg.gather [hbm4b:s4+s3], $0x80, v4, vm0, $0xb8;
	[tilespmem:$0xA800] =	vst v63  }
0xe2: {  	_ = 	snop  }
0xe3: {  	[tilespmem:s23], [sflag:$0x2] =	stream.indirect_vreg.gather [hbm4b:s4+s3], $0x80, v3, vm0, $0xb8;
	[tilespmem:$0xA800] =	vst v63  }
0xe4: {  	v3 =	vld.msk [tilespmem:$0x7E0], $0xff;
	_ =	sdelay $0x4  }
0xe5: {  	v63 =	vshll.u32 v3, $0x1  }
0xe6: {  	v3 =	vand.u32 $0x7, v3;
	v4 =	vand.u32 $0xFFFFFFF0, v63  }
0xe7: {  	v3 =	vor.u32 v3, v4  }
0xe8: {  	v3 =	vperm.xlane v3, v0;
	_ =	sdelay $0x1  }
0xe9: {  	v3 =	vadd.s32 v1, v3;
	_ =	sdelay $0x4  }
0xea: {  	[tilespmem:s24], [sflag:$0x2] =	stream.indirect_vreg.gather [hbm4b:s4+s3], $0x80, v3, vm0, $0xb8;
	[tilespmem:$0xA800] =	vst v63  }
0xeb: {  	_ =	swait.ge [sflag:s29], $0x2800  }
0xec: {  	[sflag:s29] =	ssyncset.done $0x0  }
0xed: {  	[sflag:s29] =	ssyncadd.s32 $0xFFFFD800  }
0xee: {  	s2 =	sshll.u32 s2, $0x5;
	_ =	swait.ge [sflag:s30], $0x2800  }
0xef: {  	s2 =	sadd.s32 $0x7800, s2;
	[sflag:s30] =	ssyncset.done $0x0;
	s5 =	rddreg [dreg:$0xd]  }
0xf0: {  	[sflag:s30] =	ssyncadd.s32 $0xFFFFD800;
	s5 =	sadd.s32 s5, s2  }
0xf1: {  	[hbm4b:s5+s3] =	stream.linear.scatter [tilespmem:s15], [sflag:$0x1], $0x2800, $0x38;
	[tilespmem:$0xA800] =	vst v63  }
0xf2: {  	s10 =	sadd.s32 $0x1, s10;
	s2 =	sadd.s32 s9, s2  }
0xf3: {  	[hbm4b:s2+s3] =	stream.linear.scatter [tilespmem:s20], [sflag:$0x2], $0x2800, $0x38;
	[tilespmem:$0xA800] =	vst v63  }
0xf4: {  	p0 =	sne.s32 s10, $0x5;
	_ =	swait.ge [sflag:s29], $0x2800  }
.Ltmp1:
0xf5: {  	[sflag:s29] =	ssyncset.done $0x0;
	(pc) =	sbr.rel @p0 .LBB2_2-.Ltmp1, $4  }
0xf6: {  	[sflag:s29] =	ssyncadd.s32 $0xFFFFD800  }
0xf7: {  	_ =	swait.ge [sflag:s30], $0x2800  }
0xf8: {  	[sflag:s30] =	ssyncset.done $0x0  }
0xf9: {  	s11 =	sadd.s32 $0x7D00, s11;
	s12 =	sadd.s32 $0x7D00, s12;
	[sflag:s30] =	ssyncadd.s32 $0xFFFFD800  }
0xfa: {  	s5 =	rddreg [dreg:$0x11]  }
0xfb: {  	s2 =	rddreg [dreg:$0xe];
	s5 =	sadd.s32 $0x1, s5  }
0xfc: {  	p0 =	sne.s32 s5, s2  }
.Ltmp2:
0xfd: {  	_ = 	snop;
	(pc) =	sbr.rel @p0 .LBB2_1-.Ltmp2, $1  }
0xfe: {  	_ =	sdelay $0x3  }
0xff: {  	_ =	sfence.sel $0x180000  }
0x100: {  	[bflag:$0x0] =	sbarrier.arrive $0xFFFF  }
0x101: {  	_ =	strace $0x90000047  }
0x102: {  	s0 =	stileid.u32;
	[bflag:$0x2] =	sbarrier.arrive $0xFFFF  }
0x103: {  	p0 =	sne.s32 s0, $0x0;
	s0 =	rddreg [dreg:$0x2]  }
0x104: {  	s0 =	sadd.s32 @!p0 $0x100000, s0  }
0x105: {  	[sflag:s0] =	ssyncadd.tile.s32 @!p0 $0x1;
	_ =	shalt  }
.Lfunc_end2:
_tile_overlayer_lowered:
.L_overlay_start_2:
0x106: {  	(tag) =	ssettag $0x2  }
0x107: {  	s0 =	rddreg [dreg:$0x0];
	s2 =	stileid.u32  }
0x108: {  	s1 =	rddreg [dreg:$0x1];
	p0 =	sne.s32 s2, $0x0  }
0x109: {  	s3 =	rddreg [dreg:$0x2];
	[bflag:$0x3] =	sbarrier.arrive $0xFFFF;
	s2 =	simm.s32 @!p0 $0x1C05  }
0x10a: {  	[timem:s3], [sflag:s2] =	dma.local @!p0 [hbm:s0], s1  }
0x10b: {  	s0 =	simm.s32 @!p0 $0x5  }
0x10c: {  	_ =	swait.ge @!p0 [sflag:s0], s1  }
0x10d: {  	s1 =	ssub.s32 @!p0 $0x0, s1;
	[sflag:s0] =	ssyncset.done @!p0 $0x0  }
0x10e: {  	[sflag:s0] =	ssyncadd.s32 @!p0 s1  }
0x10f: {  	[bflag:$0x3] =	sbarrier.arrive $0xFFFF  }
0x110: {  	_ =	shalt  }

</sc_bundles>
